<compile_context>
chip_gen: v7x
topology: tpu7x:2x2x1
jax: 0.10.2.dev20260603
libtpu: 0.0.44.dev20260713+nightly
codegen_flags: <defaults>
</compile_context>

<pallas_src>
import jax
import jax.numpy as jnp
from jax import lax
from jax.experimental import pallas as pl
from jax.experimental.pallas import tpu as pltpu
from jax.experimental.pallas import tpu_sc as plsc

NUM_TOKENS = 1000000
DIM = 32
BATCH = 16384
HIST = 50

_NW = 32
_BPW = BATCH // _NW
_NBUF = 2


def _emb_body(table, xT, out, idx_v, rows0, rows1, gs0, gs1, os0, os1):
    c = lax.axis_index("c")
    s = lax.axis_index("s")
    wid = s * 2 + c
    b0 = wid * _BPW
    pltpu.sync_copy(xT.at[:, pl.ds(b0, _BPW)], idx_v)

    rows = (rows0, rows1)
    gs = (gs0, gs1)
    os_ = (os0, os1)
    gh = [None, None]
    oh = [None, None]

    def start(h, b):
        gh[b] = pltpu.async_copy(table.at[idx_v.at[h]], rows[b], gs[b])

    start(0, 0)
    for h in range(HIST):
        b = h % 2
        nb = 1 - b
        if h >= 1:
            oh[nb].wait()
        if h + 1 < HIST:
            start(h + 1, nb)
        gh[b].wait()
        oh[b] = pltpu.async_copy(rows[b], out.at[h, pl.ds(b0, _BPW)],
                                 os_[b])
    oh[(HIST - 1) % 2].wait()


@jax.jit
def _emb(xT, table):
    mesh = plsc.VectorSubcoreMesh(core_axis_name="c", subcore_axis_name="s")
    f = pl.kernel(
        _emb_body,
        mesh=mesh,
        compiler_params=pltpu.CompilerParams(use_tc_tiling_on_sc=False),
        out_type=jax.ShapeDtypeStruct((HIST, BATCH, DIM), jnp.float32),
        scratch_types=(
            [pltpu.VMEM((HIST, _BPW), jnp.int32)]
            + [pltpu.VMEM((_BPW, DIM), jnp.float32)] * _NBUF
            + [pltpu.SemaphoreType.DMA] * (2 * _NBUF)
        ),
    )
    return f(table, xT)


def kernel(x, emb_weight):
    xT = x.astype(jnp.int32).T
    out5 = _emb(xT, emb_weight)
    return jnp.transpose(out5, (1, 0, 2))

# --- scband reference (transcript-rebuilt; emitter-appended) ---
"""Pipeline reference for scband-token-embedding-54382875902024 (READ-ONLY COPY).

The authoritative reference and input builder live on the scoring server;
editing this copy changes nothing except your own understanding.
"""

import jax, jax.numpy as jnp
import numpy as np

NUM_TOKENS = 1000000
DIM = 32
BATCH = 16384
HIST = 50

def setup_inputs(seed: int = 0) -> dict:
    key = jax.random.key(seed)
    k1, k2 = jax.random.split(key)
    x = jax.random.randint(k1, (BATCH, HIST), 0, NUM_TOKENS, dtype=jnp.int64 if jax.config.jax_enable_x64 else jnp.int32)
    emb_weight = jax.random.normal(k2, (NUM_TOKENS, DIM), dtype=jnp.float32)
    return {"x": x, "emb_weight": emb_weight}

def reference(x, emb_weight):
    # TokenEmbedding.forward: token_emb = self.emb(x.long())
    token_emb = jnp.take(emb_weight, x.astype(jnp.int32), axis=0)
    return token_emb

if __name__ == "__main__":
    import jax
    _d = setup_inputs()
    print(jax.jit(kernel)(*tuple(_d.values())))

</pallas_src>

<mosaic_0001>
#map = affine_map<(d0, d1) -> (0, 0)>
#map1 = affine_map<(d0, d1) -> (0, 0, 0)>
module attributes {stable_mosaic.version = 14 : i64} {
  func.func @_emb_body(%arg0: i32, %arg1: i32, %arg2: memref<1000000x32xf32, #tpu.memory_space<hbm>>, %arg3: memref<50x16384xi32, #tpu.memory_space<hbm>>, %arg4: memref<50x16384x32xf32, #tpu.memory_space<hbm>>, %arg5: memref<50x512xi32, #tpu.memory_space<vmem>>, %arg6: memref<512x32xf32, #tpu.memory_space<vmem>>, %arg7: memref<512x32xf32, #tpu.memory_space<vmem>>, %arg8: memref<!tpu.dma_semaphore, #tpu.memory_space<semaphore_mem>>, %arg9: memref<!tpu.dma_semaphore, #tpu.memory_space<semaphore_mem>>, %arg10: memref<!tpu.dma_semaphore, #tpu.memory_space<semaphore_mem>>, %arg11: memref<!tpu.dma_semaphore, #tpu.memory_space<semaphore_mem>>) attributes {dimension_semantics = [#tpu.dimension_semantics<core_parallel>, #tpu.dimension_semantics<subcore_parallel>], iteration_bounds = array<i64: 2, 16>, scalar_prefetch = 0 : i64, scratch_operands = 7 : i64, tpu.core_type = #tpu.core_type<sc_vector_subcore>, window_params = [{transform_indices = #map}, {transform_indices = #map}, {transform_indices = #map1}]} {
    %mul3A = arith.constant 2 : i32
    %mul3A_0 = arith.muli %arg1, %mul3A : i32
    %add3A = arith.addi %mul3A_0, %arg0 : i32
    %mul3A_1 = arith.constant 512 : i32
    %mul3A_2 = arith.muli %add3A, %mul3A_1 : i32
    "tpu.region"() ({
      %run_scoped3A = tpu.sem_alloc : memref<!tpu.dma_semaphore, #tpu.memory_space<semaphore_mem>>
      %dma_start3A_1401 = arith.constant 0 : i32
      %dma_start3A_1402 = tpu.memref_slice %arg3[%dma_start3A_1401, %mul3A_2] : memref<50x16384xi32, #tpu.memory_space<hbm>> -> memref<50x512xi32, #tpu.memory_space<hbm>>
      %dma_start3A_1403 = arith.constant 0 : i32
      %dma_start3A_1404 = tpu.memref_slice %arg3[%dma_start3A_1403, %mul3A_2] : memref<50x16384xi32, #tpu.memory_space<hbm>> -> memref<50x512xi32, #tpu.memory_space<hbm>>
      tpu.enqueue_dma source(%dma_start3A_1404 : memref<50x512xi32, #tpu.memory_space<hbm>>) target(%arg5 : memref<50x512xi32, #tpu.memory_space<vmem>>) target_semaphore(%run_scoped3A : memref<!tpu.dma_semaphore, #tpu.memory_space<semaphore_mem>>)
      %dma_wait3A_1405 = arith.constant 0 : i32
      %dma_wait3A_1406 = tpu.memref_slice %arg3[%dma_wait3A_1405, %mul3A_2] : memref<50x16384xi32, #tpu.memory_space<hbm>> -> memref<50x512xi32, #tpu.memory_space<hbm>>
      %dma_wait3A_1407 = arith.constant 0 : i32
      %dma_wait3A_1408 = tpu.memref_slice %arg3[%dma_wait3A_1407, %mul3A_2] : memref<50x16384xi32, #tpu.memory_space<hbm>> -> memref<50x512xi32, #tpu.memory_space<hbm>>
      tpu.wait_dma2 semaphore(%run_scoped3A : memref<!tpu.dma_semaphore, #tpu.memory_space<semaphore_mem>>) src(%dma_wait3A_1408 : memref<50x512xi32, #tpu.memory_space<hbm>>) dst(%arg5 : memref<50x512xi32, #tpu.memory_space<vmem>>)
      tpu.yield
    }) : () -> ()
    %dma_start3A = arith.constant 0 : i32
    %dma_start3A_3 = arith.constant 0 : i32
    %dma_start3A_4 = tpu.memref_slice %arg5[%dma_start3A, %dma_start3A_3] : memref<50x512xi32, #tpu.memory_space<vmem>> -> memref<1x512xi32, #tpu.memory_space<vmem>>
    %dma_start3A_5 = tpu.memref_squeeze %dma_start3A_4 : memref<1x512xi32, #tpu.memory_space<vmem>> -> memref<512xi32, #tpu.memory_space<vmem>>
    %dma_start3A_6 = arith.constant 0 : i32
    %dma_start3A_7 = arith.constant 0 : i32
    %dma_start3A_8 = tpu.memref_slice %arg2[%dma_start3A_6, %dma_start3A_7] : memref<1000000x32xf32, #tpu.memory_space<hbm>> -> memref<1000000x32xf32, #tpu.memory_space<hbm>>
    tpu.enqueue_indirect_dma source(%dma_start3A_8 : memref<1000000x32xf32, #tpu.memory_space<hbm>>) target(%arg6 : memref<512x32xf32, #tpu.memory_space<vmem>>) offsets(%dma_start3A_5 : memref<512xi32, #tpu.memory_space<vmem>>) semaphore(%arg8 : memref<!tpu.dma_semaphore, #tpu.memory_space<semaphore_mem>>)
    %dma_start3A_9 = arith.constant 1 : i32
    %dma_start3A_10 = arith.constant 0 : i32
    %dma_start3A_11 = tpu.memref_slice %arg5[%dma_start3A_9, %dma_start3A_10] : memref<50x512xi32, #tpu.memory_space<vmem>> -> memref<1x512xi32, #tpu.memory_space<vmem>>
    %dma_start3A_12 = tpu.memref_squeeze %dma_start3A_11 : memref<1x512xi32, #tpu.memory_space<vmem>> -> memref<512xi32, #tpu.memory_space<vmem>>
    %dma_start3A_13 = arith.constant 0 : i32
    %dma_start3A_14 = arith.constant 0 : i32
    %dma_start3A_15 = tpu.memref_slice %arg2[%dma_start3A_13, %dma_start3A_14] : memref<1000000x32xf32, #tpu.memory_space<hbm>> -> memref<1000000x32xf32, #tpu.memory_space<hbm>>
    tpu.enqueue_indirect_dma source(%dma_start3A_15 : memref<1000000x32xf32, #tpu.memory_space<hbm>>) target(%arg7 : memref<512x32xf32, #tpu.memory_space<vmem>>) offsets(%dma_start3A_12 : memref<512xi32, #tpu.memory_space<vmem>>) semaphore(%arg9 : memref<!tpu.dma_semaphore, #tpu.memory_space<semaphore_mem>>)
    %dma_wait3A = arith.constant 0 : i32
    %dma_wait3A_16 = arith.constant 0 : i32
    %dma_wait3A_17 = tpu.memref_slice %arg5[%dma_wait3A, %dma_wait3A_16] : memref<50x512xi32, #tpu.memory_space<vmem>> -> memref<1x512xi32, #tpu.memory_space<vmem>>
    %dma_wait3A_18 = tpu.memref_squeeze %dma_wait3A_17 : memref<1x512xi32, #tpu.memory_space<vmem>> -> memref<512xi32, #tpu.memory_space<vmem>>
    %dma_wait3A_19 = arith.constant 0 : i32
    %dma_wait3A_20 = arith.constant 0 : i32
    %dma_wait3A_21 = tpu.memref_slice %arg2[%dma_wait3A_19, %dma_wait3A_20] : memref<1000000x32xf32, #tpu.memory_space<hbm>> -> memref<1000000x32xf32, #tpu.memory_space<hbm>>
    tpu.wait_indirect_dma semaphore(%arg8 : memref<!tpu.dma_semaphore, #tpu.memory_space<semaphore_mem>>) src(%dma_wait3A_21 : memref<1000000x32xf32, #tpu.memory_space<hbm>>) dst(%arg6 : memref<512x32xf32, #tpu.memory_space<vmem>>)
    %dma_start3A_22 = arith.constant 0 : i32
    %dma_start3A_23 = arith.constant 0 : i32
    %dma_start3A_24 = tpu.memref_slice %arg4[%dma_start3A_22, %mul3A_2, %dma_start3A_23] : memref<50x16384x32xf32, #tpu.memory_space<hbm>> -> memref<1x512x32xf32, #tpu.memory_space<hbm>>
    %dma_start3A_25 = tpu.memref_squeeze %dma_start3A_24 : memref<1x512x32xf32, #tpu.memory_space<hbm>> -> memref<512x32xf32, #tpu.memory_space<hbm>>
    %dma_start3A_26 = arith.constant 0 : i32
    %dma_start3A_27 = tpu.memref_slice %arg4[%dma_start3A_22, %mul3A_2, %dma_start3A_26] : memref<50x16384x32xf32, #tpu.memory_space<hbm>> -> memref<1x512x32xf32, #tpu.memory_space<hbm>>
    %dma_start3A_28 = tpu.memref_squeeze %dma_start3A_27 : memref<1x512x32xf32, #tpu.memory_space<hbm>> -> memref<512x32xf32, #tpu.memory_space<hbm>>
    tpu.enqueue_dma source(%arg6 : memref<512x32xf32, #tpu.memory_space<vmem>>) target(%dma_start3A_28 : memref<512x32xf32, #tpu.memory_space<hbm>>) target_semaphore(%arg10 : memref<!tpu.dma_semaphore, #tpu.memory_space<semaphore_mem>>)
    %dma_wait3A_29 = arith.constant 0 : i32
    %dma_wait3A_30 = arith.constant 0 : i32
    %dma_wait3A_31 = tpu.memref_slice %arg4[%dma_wait3A_29, %mul3A_2, %dma_wait3A_30] : memref<50x16384x32xf32, #tpu.memory_space<hbm>> -> memref<1x512x32xf32, #tpu.memory_space<hbm>>
    %dma_wait3A_32 = tpu.memref_squeeze %dma_wait3A_31 : memref<1x512x32xf32, #tpu.memory_space<hbm>> -> memref<512x32xf32, #tpu.memory_space<hbm>>
    %dma_wait3A_33 = arith.constant 0 : i32
    %dma_wait3A_34 = tpu.memref_slice %arg4[%dma_wait3A_29, %mul3A_2, %dma_wait3A_33] : memref<50x16384x32xf32, #tpu.memory_space<hbm>> -> memref<1x512x32xf32, #tpu.memory_space<hbm>>
    %dma_wait3A_35 = tpu.memref_squeeze %dma_wait3A_34 : memref<1x512x32xf32, #tpu.memory_space<hbm>> -> memref<512x32xf32, #tpu.memory_space<hbm>>
    tpu.wait_dma2 semaphore(%arg10 : memref<!tpu.dma_semaphore, #tpu.memory_space<semaphore_mem>>) src(%arg6 : memref<512x32xf32, #tpu.memory_space<vmem>>) dst(%dma_wait3A_35 : memref<512x32xf32, #tpu.memory_space<hbm>>)
    %dma_start3A_36 = arith.constant 2 : i32
    %dma_start3A_37 = arith.constant 0 : i32
    %dma_start3A_38 = tpu.memref_slice %arg5[%dma_start3A_36, %dma_start3A_37] : memref<50x512xi32, #tpu.memory_space<vmem>> -> memref<1x512xi32, #tpu.memory_space<vmem>>
    %dma_start3A_39 = tpu.memref_squeeze %dma_start3A_38 : memref<1x512xi32, #tpu.memory_space<vmem>> -> memref<512xi32, #tpu.memory_space<vmem>>
    %dma_start3A_40 = arith.constant 0 : i32
    %dma_start3A_41 = arith.constant 0 : i32
    %dma_start3A_42 = tpu.memref_slice %arg2[%dma_start3A_40, %dma_start3A_41] : memref<1000000x32xf32, #tpu.memory_space<hbm>> -> memref<1000000x32xf32, #tpu.memory_space<hbm>>
    tpu.enqueue_indirect_dma source(%dma_start3A_42 : memref<1000000x32xf32, #tpu.memory_space<hbm>>) target(%arg6 : memref<512x32xf32, #tpu.memory_space<vmem>>) offsets(%dma_start3A_39 : memref<512xi32, #tpu.memory_space<vmem>>) semaphore(%arg8 : memref<!tpu.dma_semaphore, #tpu.memory_space<semaphore_mem>>)
    %dma_wait3A_43 = arith.constant 1 : i32
    %dma_wait3A_44 = arith.constant 0 : i32
    %dma_wait3A_45 = tpu.memref_slice %arg5[%dma_wait3A_43, %dma_wait3A_44] : memref<50x512xi32, #tpu.memory_space<vmem>> -> memref<1x512xi32, #tpu.memory_space<vmem>>
    %dma_wait3A_46 = tpu.memref_squeeze %dma_wait3A_45 : memref<1x512xi32, #tpu.memory_space<vmem>> -> memref<512xi32, #tpu.memory_space<vmem>>
    %dma_wait3A_47 = arith.constant 0 : i32
    %dma_wait3A_48 = arith.constant 0 : i32
    %dma_wait3A_49 = tpu.memref_slice %arg2[%dma_wait3A_47, %dma_wait3A_48] : memref<1000000x32xf32, #tpu.memory_space<hbm>> -> memref<1000000x32xf32, #tpu.memory_space<hbm>>
    tpu.wait_indirect_dma semaphore(%arg9 : memref<!tpu.dma_semaphore, #tpu.memory_space<semaphore_mem>>) src(%dma_wait3A_49 : memref<1000000x32xf32, #tpu.memory_space<hbm>>) dst(%arg7 : memref<512x32xf32, #tpu.memory_space<vmem>>)
    %dma_start3A_50 = arith.constant 1 : i32
    %dma_start3A_51 = arith.constant 0 : i32
    %dma_start3A_52 = tpu.memref_slice %arg4[%dma_start3A_50, %mul3A_2, %dma_start3A_51] : memref<50x16384x32xf32, #tpu.memory_space<hbm>> -> memref<1x512x32xf32, #tpu.memory_space<hbm>>
    %dma_start3A_53 = tpu.memref_squeeze %dma_start3A_52 : memref<1x512x32xf32, #tpu.memory_space<hbm>> -> memref<512x32xf32, #tpu.memory_space<hbm>>
    %dma_start3A_54 = arith.constant 0 : i32
    %dma_start3A_55 = tpu.memref_slice %arg4[%dma_start3A_50, %mul3A_2, %dma_start3A_54] : memref<50x16384x32xf32, #tpu.memory_space<hbm>> -> memref<1x512x32xf32, #tpu.memory_space<hbm>>
    %dma_start3A_56 = tpu.memref_squeeze %dma_start3A_55 : memref<1x512x32xf32, #tpu.memory_space<hbm>> -> memref<512x32xf32, #tpu.memory_space<hbm>>
    tpu.enqueue_dma source(%arg7 : memref<512x32xf32, #tpu.memory_space<vmem>>) target(%dma_start3A_56 : memref<512x32xf32, #tpu.memory_space<hbm>>) target_semaphore(%arg11 : memref<!tpu.dma_semaphore, #tpu.memory_space<semaphore_mem>>)
    %dma_wait3A_57 = arith.constant 1 : i32
    %dma_wait3A_58 = arith.constant 0 : i32
    %dma_wait3A_59 = tpu.memref_slice %arg4[%dma_wait3A_57, %mul3A_2, %dma_wait3A_58] : memref<50x16384x32xf32, #tpu.memory_space<hbm>> -> memref<1x512x32xf32, #tpu.memory_space<hbm>>
    %dma_wait3A_60 = tpu.memref_squeeze %dma_wait3A_59 : memref<1x512x32xf32, #tpu.memory_space<hbm>> -> memref<512x32xf32, #tpu.memory_space<hbm>>
    %dma_wait3A_61 = arith.constant 0 : i32
    %dma_wait3A_62 = tpu.memref_slice %arg4[%dma_wait3A_57, %mul3A_2, %dma_wait3A_61] : memref<50x16384x32xf32, #tpu.memory_space<hbm>> -> memref<1x512x32xf32, #tpu.memory_space<hbm>>
    %dma_wait3A_63 = tpu.memref_squeeze %dma_wait3A_62 : memref<1x512x32xf32, #tpu.memory_space<hbm>> -> memref<512x32xf32, #tpu.memory_space<hbm>>
    tpu.wait_dma2 semaphore(%arg11 : memref<!tpu.dma_semaphore, #tpu.memory_space<semaphore_mem>>) src(%arg7 : memref<512x32xf32, #tpu.memory_space<vmem>>) dst(%dma_wait3A_63 : memref<512x32xf32, #tpu.memory_space<hbm>>)
    %dma_start3A_64 = arith.constant 3 : i32
    %dma_start3A_65 = arith.constant 0 : i32
    %dma_start3A_66 = tpu.memref_slice %arg5[%dma_start3A_64, %dma_start3A_65] : memref<50x512xi32, #tpu.memory_space<vmem>> -> memref<1x512xi32, #tpu.memory_space<vmem>>
    %dma_start3A_67 = tpu.memref_squeeze %dma_start3A_66 : memref<1x512xi32, #tpu.memory_space<vmem>> -> memref<512xi32, #tpu.memory_space<vmem>>
    %dma_start3A_68 = arith.constant 0 : i32
    %dma_start3A_69 = arith.constant 0 : i32
    %dma_start3A_70 = tpu.memref_slice %arg2[%dma_start3A_68, %dma_start3A_69] : memref<1000000x32xf32, #tpu.memory_space<hbm>> -> memref<1000000x32xf32, #tpu.memory_space<hbm>>
    tpu.enqueue_indirect_dma source(%dma_start3A_70 : memref<1000000x32xf32, #tpu.memory_space<hbm>>) target(%arg7 : memref<512x32xf32, #tpu.memory_space<vmem>>) offsets(%dma_start3A_67 : memref<512xi32, #tpu.memory_space<vmem>>) semaphore(%arg9 : memref<!tpu.dma_semaphore, #tpu.memory_space<semaphore_mem>>)
    %dma_wait3A_71 = arith.constant 2 : i32
    %dma_wait3A_72 = arith.constant 0 : i32
    %dma_wait3A_73 = tpu.memref_slice %arg5[%dma_wait3A_71, %dma_wait3A_72] : memref<50x512xi32, #tpu.memory_space<vmem>> -> memref<1x512xi32, #tpu.memory_space<vmem>>
    %dma_wait3A_74 = tpu.memref_squeeze %dma_wait3A_73 : memref<1x512xi32, #tpu.memory_space<vmem>> -> memref<512xi32, #tpu.memory_space<vmem>>
    %dma_wait3A_75 = arith.constant 0 : i32
    %dma_wait3A_76 = arith.constant 0 : i32
    %dma_wait3A_77 = tpu.memref_slice %arg2[%dma_wait3A_75, %dma_wait3A_76] : memref<1000000x32xf32, #tpu.memory_space<hbm>> -> memref<1000000x32xf32, #tpu.memory_space<hbm>>
    tpu.wait_indirect_dma semaphore(%arg8 : memref<!tpu.dma_semaphore, #tpu.memory_space<semaphore_mem>>) src(%dma_wait3A_77 : memref<1000000x32xf32, #tpu.memory_space<hbm>>) dst(%arg6 : memref<512x32xf32, #tpu.memory_space<vmem>>)
    %dma_start3A_78 = arith.constant 2 : i32
    %dma_start3A_79 = arith.constant 0 : i32
    %dma_start3A_80 = tpu.memref_slice %arg4[%dma_start3A_78, %mul3A_2, %dma_start3A_79] : memref<50x16384x32xf32, #tpu.memory_space<hbm>> -> memref<1x512x32xf32, #tpu.memory_space<hbm>>
    %dma_start3A_81 = tpu.memref_squeeze %dma_start3A_80 : memref<1x512x32xf32, #tpu.memory_space<hbm>> -> memref<512x32xf32, #tpu.memory_space<hbm>>
    %dma_start3A_82 = arith.constant 0 : i32
    %dma_start3A_83 = tpu.memref_slice %arg4[%dma_start3A_78, %mul3A_2, %dma_start3A_82] : memref<50x16384x32xf32, #tpu.memory_space<hbm>> -> memref<1x512x32xf32, #tpu.memory_space<hbm>>
    %dma_start3A_84 = tpu.memref_squeeze %dma_start3A_83 : memref<1x512x32xf32, #tpu.memory_space<hbm>> -> memref<512x32xf32, #tpu.memory_space<hbm>>
    tpu.enqueue_dma source(%arg6 : memref<512x32xf32, #tpu.memory_space<vmem>>) target(%dma_start3A_84 : memref<512x32xf32, #tpu.memory_space<hbm>>) target_semaphore(%arg10 : memref<!tpu.dma_semaphore, #tpu.memory_space<semaphore_mem>>)
    %dma_wait3A_85 = arith.constant 2 : i32
    %dma_wait3A_86 = arith.constant 0 : i32
    %dma_wait3A_87 = tpu.memref_slice %arg4[%dma_wait3A_85, %mul3A_2, %dma_wait3A_86] : memref<50x16384x32xf32, #tpu.memory_space<hbm>> -> memref<1x512x32xf32, #tpu.memory_space<hbm>>
    %dma_wait3A_88 = tpu.memref_squeeze %dma_wait3A_87 : memref<1x512x32xf32, #tpu.memory_space<hbm>> -> memref<512x32xf32, #tpu.memory_space<hbm>>
    %dma_wait3A_89 = arith.constant 0 : i32
    %dma_wait3A_90 = tpu.memref_slice %arg4[%dma_wait3A_85, %mul3A_2, %dma_wait3A_89] : memref<50x16384x32xf32, #tpu.memory_space<hbm>> -> memref<1x512x32xf32, #tpu.memory_space<hbm>>
    %dma_wait3A_91 = tpu.memref_squeeze %dma_wait3A_90 : memref<1x512x32xf32, #tpu.memory_space<hbm>> -> memref<512x32xf32, #tpu.memory_space<hbm>>
    tpu.wait_dma2 semaphore(%arg10 : memref<!tpu.dma_semaphore, #tpu.memory_space<semaphore_mem>>) src(%arg6 : memref<512x32xf32, #tpu.memory_space<vmem>>) dst(%dma_wait3A_91 : memref<512x32xf32, #tpu.memory_space<hbm>>)
    %dma_start3A_92 = arith.constant 4 : i32
    %dma_start3A_93 = arith.constant 0 : i32
    %dma_start3A_94 = tpu.memref_slice %arg5[%dma_start3A_92, %dma_start3A_93] : memref<50x512xi32, #tpu.memory_space<vmem>> -> memref<1x512xi32, #tpu.memory_space<vmem>>
    %dma_start3A_95 = tpu.memref_squeeze %dma_start3A_94 : memref<1x512xi32, #tpu.memory_space<vmem>> -> memref<512xi32, #tpu.memory_space<vmem>>
    %dma_start3A_96 = arith.constant 0 : i32
    %dma_start3A_97 = arith.constant 0 : i32
    %dma_start3A_98 = tpu.memref_slice %arg2[%dma_start3A_96, %dma_start3A_97] : memref<1000000x32xf32, #tpu.memory_space<hbm>> -> memref<1000000x32xf32, #tpu.memory_space<hbm>>
    tpu.enqueue_indirect_dma source(%dma_start3A_98 : memref<1000000x32xf32, #tpu.memory_space<hbm>>) target(%arg6 : memref<512x32xf32, #tpu.memory_space<vmem>>) offsets(%dma_start3A_95 : memref<512xi32, #tpu.memory_space<vmem>>) semaphore(%arg8 : memref<!tpu.dma_semaphore, #tpu.memory_space<semaphore_mem>>)
    %dma_wait3A_99 = arith.constant 3 : i32
    %dma_wait3A_100 = arith.constant 0 : i32
    %dma_wait3A_101 = tpu.memref_slice %arg5[%dma_wait3A_99, %dma_wait3A_100] : memref<50x512xi32, #tpu.memory_space<vmem>> -> memref<1x512xi32, #tpu.memory_space<vmem>>
    %dma_wait3A_102 = tpu.memref_squeeze %dma_wait3A_101 : memref<1x512xi32, #tpu.memory_space<vmem>> -> memref<512xi32, #tpu.memory_space<vmem>>
    %dma_wait3A_103 = arith.constant 0 : i32
    %dma_wait3A_104 = arith.constant 0 : i32
    %dma_wait3A_105 = tpu.memref_slice %arg2[%dma_wait3A_103, %dma_wait3A_104] : memref<1000000x32xf32, #tpu.memory_space<hbm>> -> memref<1000000x32xf32, #tpu.memory_space<hbm>>
    tpu.wait_indirect_dma semaphore(%arg9 : memref<!tpu.dma_semaphore, #tpu.memory_space<semaphore_mem>>) src(%dma_wait3A_105 : memref<1000000x32xf32, #tpu.memory_space<hbm>>) dst(%arg7 : memref<512x32xf32, #tpu.memory_space<vmem>>)
    %dma_start3A_106 = arith.constant 3 : i32
    %dma_start3A_107 = arith.constant 0 : i32
    %dma_start3A_108 = tpu.memref_slice %arg4[%dma_start3A_106, %mul3A_2, %dma_start3A_107] : memref<50x16384x32xf32, #tpu.memory_space<hbm>> -> memref<1x512x32xf32, #tpu.memory_space<hbm>>
    %dma_start3A_109 = tpu.memref_squeeze %dma_start3A_108 : memref<1x512x32xf32, #tpu.memory_space<hbm>> -> memref<512x32xf32, #tpu.memory_space<hbm>>
    %dma_start3A_110 = arith.constant 0 : i32
    %dma_start3A_111 = tpu.memref_slice %arg4[%dma_start3A_106, %mul3A_2, %dma_start3A_110] : memref<50x16384x32xf32, #tpu.memory_space<hbm>> -> memref<1x512x32xf32, #tpu.memory_space<hbm>>
    %dma_start3A_112 = tpu.memref_squeeze %dma_start3A_111 : memref<1x512x32xf32, #tpu.memory_space<hbm>> -> memref<512x32xf32, #tpu.memory_space<hbm>>
    tpu.enqueue_dma source(%arg7 : memref<512x32xf32, #tpu.memory_space<vmem>>) target(%dma_start3A_112 : memref<512x32xf32, #tpu.memory_space<hbm>>) target_semaphore(%arg11 : memref<!tpu.dma_semaphore, #tpu.memory_space<semaphore_mem>>)
    %dma_wait3A_113 = arith.constant 3 : i32
    %dma_wait3A_114 = arith.constant 0 : i32
    %dma_wait3A_115 = tpu.memref_slice %arg4[%dma_wait3A_113, %mul3A_2, %dma_wait3A_114] : memref<50x16384x32xf32, #tpu.memory_space<hbm>> -> memref<1x512x32xf32, #tpu.memory_space<hbm>>
    %dma_wait3A_116 = tpu.memref_squeeze %dma_wait3A_115 : memref<1x512x32xf32, #tpu.memory_space<hbm>> -> memref<512x32xf32, #tpu.memory_space<hbm>>
    %dma_wait3A_117 = arith.constant 0 : i32
    %dma_wait3A_118 = tpu.memref_slice %arg4[%dma_wait3A_113, %mul3A_2, %dma_wait3A_117] : memref<50x16384x32xf32, #tpu.memory_space<hbm>> -> memref<1x512x32xf32, #tpu.memory_space<hbm>>
    %dma_wait3A_119 = tpu.memref_squeeze %dma_wait3A_118 : memref<1x512x32xf32, #tpu.memory_space<hbm>> -> memref<512x32xf32, #tpu.memory_space<hbm>>
    tpu.wait_dma2 semaphore(%arg11 : memref<!tpu.dma_semaphore, #tpu.memory_space<semaphore_mem>>) src(%arg7 : memref<512x32xf32, #tpu.memory_space<vmem>>) dst(%dma_wait3A_119 : memref<512x32xf32, #tpu.memory_space<hbm>>)
    %dma_start3A_120 = arith.constant 5 : i32
    %dma_start3A_121 = arith.constant 0 : i32
    %dma_start3A_122 = tpu.memref_slice %arg5[%dma_start3A_120, %dma_start3A_121] : memref<50x512xi32, #tpu.memory_space<vmem>> -> memref<1x512xi32, #tpu.memory_space<vmem>>
    %dma_start3A_123 = tpu.memref_squeeze %dma_start3A_122 : memref<1x512xi32, #tpu.memory_space<vmem>> -> memref<512xi32, #tpu.memory_space<vmem>>
    %dma_start3A_124 = arith.constant 0 : i32
    %dma_start3A_125 = arith.constant 0 : i32
    %dma_start3A_126 = tpu.memref_slice %arg2[%dma_start3A_124, %dma_start3A_125] : memref<1000000x32xf32, #tpu.memory_space<hbm>> -> memref<1000000x32xf32, #tpu.memory_space<hbm>>
    tpu.enqueue_indirect_dma source(%dma_start3A_126 : memref<1000000x32xf32, #tpu.memory_space<hbm>>) target(%arg7 : memref<512x32xf32, #tpu.memory_space<vmem>>) offsets(%dma_start3A_123 : memref<512xi32, #tpu.memory_space<vmem>>) semaphore(%arg9 : memref<!tpu.dma_semaphore, #tpu.memory_space<semaphore_mem>>)
    %dma_wait3A_127 = arith.constant 4 : i32
    %dma_wait3A_128 = arith.constant 0 : i32
    %dma_wait3A_129 = tpu.memref_slice %arg5[%dma_wait3A_127, %dma_wait3A_128] : memref<50x512xi32, #tpu.memory_space<vmem>> -> memref<1x512xi32, #tpu.memory_space<vmem>>
    %dma_wait3A_130 = tpu.memref_squeeze %dma_wait3A_129 : memref<1x512xi32, #tpu.memory_space<vmem>> -> memref<512xi32, #tpu.memory_space<vmem>>
    %dma_wait3A_131 = arith.constant 0 : i32
    %dma_wait3A_132 = arith.constant 0 : i32
    %dma_wait3A_133 = tpu.memref_slice %arg2[%dma_wait3A_131, %dma_wait3A_132] : memref<1000000x32xf32, #tpu.memory_space<hbm>> -> memref<1000000x32xf32, #tpu.memory_space<hbm>>
    tpu.wait_indirect_dma semaphore(%arg8 : memref<!tpu.dma_semaphore, #tpu.memory_space<semaphore_mem>>) src(%dma_wait3A_133 : memref<1000000x32xf32, #tpu.memory_space<hbm>>) dst(%arg6 : memref<512x32xf32, #tpu.memory_space<vmem>>)
    %dma_start3A_134 = arith.constant 4 : i32
    %dma_start3A_135 = arith.constant 0 : i32
    %dma_start3A_136 = tpu.memref_slice %arg4[%dma_start3A_134, %mul3A_2, %dma_start3A_135] : memref<50x16384x32xf32, #tpu.memory_space<hbm>> -> memref<1x512x32xf32, #tpu.memory_space<hbm>>
    %dma_start3A_137 = tpu.memref_squeeze %dma_start3A_136 : memref<1x512x32xf32, #tpu.memory_space<hbm>> -> memref<512x32xf32, #tpu.memory_space<hbm>>
    %dma_start3A_138 = arith.constant 0 : i32
    %dma_start3A_139 = tpu.memref_slice %arg4[%dma_start3A_134, %mul3A_2, %dma_start3A_138] : memref<50x16384x32xf32, #tpu.memory_space<hbm>> -> memref<1x512x32xf32, #tpu.memory_space<hbm>>
    %dma_start3A_140 = tpu.memref_squeeze %dma_start3A_139 : memref<1x512x32xf32, #tpu.memory_space<hbm>> -> memref<512x32xf32, #tpu.memory_space<hbm>>
    tpu.enqueue_dma source(%arg6 : memref<512x32xf32, #tpu.memory_space<vmem>>) target(%dma_start3A_140 : memref<512x32xf32, #tpu.memory_space<hbm>>) target_semaphore(%arg10 : memref<!tpu.dma_semaphore, #tpu.memory_space<semaphore_mem>>)
    %dma_wait3A_141 = arith.constant 4 : i32
    %dma_wait3A_142 = arith.constant 0 : i32
    %dma_wait3A_143 = tpu.memref_slice %arg4[%dma_wait3A_141, %mul3A_2, %dma_wait3A_142] : memref<50x16384x32xf32, #tpu.memory_space<hbm>> -> memref<1x512x32xf32, #tpu.memory_space<hbm>>
    %dma_wait3A_144 = tpu.memref_squeeze %dma_wait3A_143 : memref<1x512x32xf32, #tpu.memory_space<hbm>> -> memref<512x32xf32, #tpu.memory_space<hbm>>
    %dma_wait3A_145 = arith.constant 0 : i32
    %dma_wait3A_146 = tpu.memref_slice %arg4[%dma_wait3A_141, %mul3A_2, %dma_wait3A_145] : memref<50x16384x32xf32, #tpu.memory_space<hbm>> -> memref<1x512x32xf32, #tpu.memory_space<hbm>>
    %dma_wait3A_147 = tpu.memref_squeeze %dma_wait3A_146 : memref<1x512x32xf32, #tpu.memory_space<hbm>> -> memref<512x32xf32, #tpu.memory_space<hbm>>
    tpu.wait_dma2 semaphore(%arg10 : memref<!tpu.dma_semaphore, #tpu.memory_space<semaphore_mem>>) src(%arg6 : memref<512x32xf32, #tpu.memory_space<vmem>>) dst(%dma_wait3A_147 : memref<512x32xf32, #tpu.memory_space<hbm>>)
    %dma_start3A_148 = arith.constant 6 : i32
    %dma_start3A_149 = arith.constant 0 : i32
    %dma_start3A_150 = tpu.memref_slice %arg5[%dma_start3A_148, %dma_start3A_149] : memref<50x512xi32, #tpu.memory_space<vmem>> -> memref<1x512xi32, #tpu.memory_space<vmem>>
    %dma_start3A_151 = tpu.memref_squeeze %dma_start3A_150 : memref<1x512xi32, #tpu.memory_space<vmem>> -> memref<512xi32, #tpu.memory_space<vmem>>
    %dma_start3A_152 = arith.constant 0 : i32
    %dma_start3A_153 = arith.constant 0 : i32
    %dma_start3A_154 = tpu.memref_slice %arg2[%dma_start3A_152, %dma_start3A_153] : memref<1000000x32xf32, #tpu.memory_space<hbm>> -> memref<1000000x32xf32, #tpu.memory_space<hbm>>
    tpu.enqueue_indirect_dma source(%dma_start3A_154 : memref<1000000x32xf32, #tpu.memory_space<hbm>>) target(%arg6 : memref<512x32xf32, #tpu.memory_space<vmem>>) offsets(%dma_start3A_151 : memref<512xi32, #tpu.memory_space<vmem>>) semaphore(%arg8 : memref<!tpu.dma_semaphore, #tpu.memory_space<semaphore_mem>>)
    %dma_wait3A_155 = arith.constant 5 : i32
    %dma_wait3A_156 = arith.constant 0 : i32
    %dma_wait3A_157 = tpu.memref_slice %arg5[%dma_wait3A_155, %dma_wait3A_156] : memref<50x512xi32, #tpu.memory_space<vmem>> -> memref<1x512xi32, #tpu.memory_space<vmem>>
    %dma_wait3A_158 = tpu.memref_squeeze %dma_wait3A_157 : memref<1x512xi32, #tpu.memory_space<vmem>> -> memref<512xi32, #tpu.memory_space<vmem>>
    %dma_wait3A_159 = arith.constant 0 : i32
    %dma_wait3A_160 = arith.constant 0 : i32
    %dma_wait3A_161 = tpu.memref_slice %arg2[%dma_wait3A_159, %dma_wait3A_160] : memref<1000000x32xf32, #tpu.memory_space<hbm>> -> memref<1000000x32xf32, #tpu.memory_space<hbm>>
    tpu.wait_indirect_dma semaphore(%arg9 : memref<!tpu.dma_semaphore, #tpu.memory_space<semaphore_mem>>) src(%dma_wait3A_161 : memref<1000000x32xf32, #tpu.memory_space<hbm>>) dst(%arg7 : memref<512x32xf32, #tpu.memory_space<vmem>>)
    %dma_start3A_162 = arith.constant 5 : i32
    %dma_start3A_163 = arith.constant 0 : i32
    %dma_start3A_164 = tpu.memref_slice %arg4[%dma_start3A_162, %mul3A_2, %dma_start3A_163] : memref<50x16384x32xf32, #tpu.memory_space<hbm>> -> memref<1x512x32xf32, #tpu.memory_space<hbm>>
    %dma_start3A_165 = tpu.memref_squeeze %dma_start3A_164 : memref<1x512x32xf32, #tpu.memory_space<hbm>> -> memref<512x32xf32, #tpu.memory_space<hbm>>
    %dma_start3A_166 = arith.constant 0 : i32
    %dma_start3A_167 = tpu.memref_slice %arg4[%dma_start3A_162, %mul3A_2, %dma_start3A_166] : memref<50x16384x32xf32, #tpu.memory_space<hbm>> -> memref<1x512x32xf32, #tpu.memory_space<hbm>>
    %dma_start3A_168 = tpu.memref_squeeze %dma_start3A_167 : memref<1x512x32xf32, #tpu.memory_space<hbm>> -> memref<512x32xf32, #tpu.memory_space<hbm>>
    tpu.enqueue_dma source(%arg7 : memref<512x32xf32, #tpu.memory_space<vmem>>) target(%dma_start3A_168 : memref<512x32xf32, #tpu.memory_space<hbm>>) target_semaphore(%arg11 : memref<!tpu.dma_semaphore, #tpu.memory_space<semaphore_mem>>)
    %dma_wait3A_169 = arith.constant 5 : i32
    %dma_wait3A_170 = arith.constant 0 : i32
    %dma_wait3A_171 = tpu.memref_slice %arg4[%dma_wait3A_169, %mul3A_2, %dma_wait3A_170] : memref<50x16384x32xf32, #tpu.memory_space<hbm>> -> memref<1x512x32xf32, #tpu.memory_space<hbm>>
    %dma_wait3A_172 = tpu.memref_squeeze %dma_wait3A_171 : memref<1x512x32xf32, #tpu.memory_space<hbm>> -> memref<512x32xf32, #tpu.memory_space<hbm>>
    %dma_wait3A_173 = arith.constant 0 : i32
    %dma_wait3A_174 = tpu.memref_slice %arg4[%dma_wait3A_169, %mul3A_2, %dma_wait3A_173] : memref<50x16384x32xf32, #tpu.memory_space<hbm>> -> memref<1x512x32xf32, #tpu.memory_space<hbm>>
    %dma_wait3A_175 = tpu.memref_squeeze %dma_wait3A_174 : memref<1x512x32xf32, #tpu.memory_space<hbm>> -> memref<512x32xf32, #tpu.memory_space<hbm>>
    tpu.wait_dma2 semaphore(%arg11 : memref<!tpu.dma_semaphore, #tpu.memory_space<semaphore_mem>>) src(%arg7 : memref<512x32xf32, #tpu.memory_space<vmem>>) dst(%dma_wait3A_175 : memref<512x32xf32, #tpu.memory_space<hbm>>)
    %dma_start3A_176 = arith.constant 7 : i32
    %dma_start3A_177 = arith.constant 0 : i32
    %dma_start3A_178 = tpu.memref_slice %arg5[%dma_start3A_176, %dma_start3A_177] : memref<50x512xi32, #tpu.memory_space<vmem>> -> memref<1x512xi32, #tpu.memory_space<vmem>>
    %dma_start3A_179 = tpu.memref_squeeze %dma_start3A_178 : memref<1x512xi32, #tpu.memory_space<vmem>> -> memref<512xi32, #tpu.memory_space<vmem>>
    %dma_start3A_180 = arith.constant 0 : i32
    %dma_start3A_181 = arith.constant 0 : i32
    %dma_start3A_182 = tpu.memref_slice %arg2[%dma_start3A_180, %dma_start3A_181] : memref<1000000x32xf32, #tpu.memory_space<hbm>> -> memref<1000000x32xf32, #tpu.memory_space<hbm>>
    tpu.enqueue_indirect_dma source(%dma_start3A_182 : memref<1000000x32xf32, #tpu.memory_space<hbm>>) target(%arg7 : memref<512x32xf32, #tpu.memory_space<vmem>>) offsets(%dma_start3A_179 : memref<512xi32, #tpu.memory_space<vmem>>) semaphore(%arg9 : memref<!tpu.dma_semaphore, #tpu.memory_space<semaphore_mem>>)
    %dma_wait3A_183 = arith.constant 6 : i32
    %dma_wait3A_184 = arith.constant 0 : i32
    %dma_wait3A_185 = tpu.memref_slice %arg5[%dma_wait3A_183, %dma_wait3A_184] : memref<50x512xi32, #tpu.memory_space<vmem>> -> memref<1x512xi32, #tpu.memory_space<vmem>>
    %dma_wait3A_186 = tpu.memref_squeeze %dma_wait3A_185 : memref<1x512xi32, #tpu.memory_space<vmem>> -> memref<512xi32, #tpu.memory_space<vmem>>
    %dma_wait3A_187 = arith.constant 0 : i32
    %dma_wait3A_188 = arith.constant 0 : i32
    %dma_wait3A_189 = tpu.memref_slice %arg2[%dma_wait3A_187, %dma_wait3A_188] : memref<1000000x32xf32, #tpu.memory_space<hbm>> -> memref<1000000x32xf32, #tpu.memory_space<hbm>>
    tpu.wait_indirect_dma semaphore(%arg8 : memref<!tpu.dma_semaphore, #tpu.memory_space<semaphore_mem>>) src(%dma_wait3A_189 : memref<1000000x32xf32, #tpu.memory_space<hbm>>) dst(%arg6 : memref<512x32xf32, #tpu.memory_space<vmem>>)
    %dma_start3A_190 = arith.constant 6 : i32
    %dma_start3A_191 = arith.constant 0 : i32
    %dma_start3A_192 = tpu.memref_slice %arg4[%dma_start3A_190, %mul3A_2, %dma_start3A_191] : memref<50x16384x32xf32, #tpu.memory_space<hbm>> -> memref<1x512x32xf32, #tpu.memory_space<hbm>>
    %dma_start3A_193 = tpu.memref_squeeze %dma_start3A_192 : memref<1x512x32xf32, #tpu.memory_space<hbm>> -> memref<512x32xf32, #tpu.memory_space<hbm>>
    %dma_start3A_194 = arith.constant 0 : i32
    %dma_start3A_195 = tpu.memref_slice %arg4[%dma_start3A_190, %mul3A_2, %dma_start3A_194] : memref<50x16384x32xf32, #tpu.memory_space<hbm>> -> memref<1x512x32xf32, #tpu.memory_space<hbm>>
    %dma_start3A_196 = tpu.memref_squeeze %dma_start3A_195 : memref<1x512x32xf32, #tpu.memory_space<hbm>> -> memref<512x32xf32, #tpu.memory_space<hbm>>
    tpu.enqueue_dma source(%arg6 : memref<512x32xf32, #tpu.memory_space<vmem>>) target(%dma_start3A_196 : memref<512x32xf32, #tpu.memory_space<hbm>>) target_semaphore(%arg10 : memref<!tpu.dma_semaphore, #tpu.memory_space<semaphore_mem>>)
    %dma_wait3A_197 = arith.constant 6 : i32
    %dma_wait3A_198 = arith.constant 0 : i32
    %dma_wait3A_199 = tpu.memref_slice %arg4[%dma_wait3A_197, %mul3A_2, %dma_wait3A_198] : memref<50x16384x32xf32, #tpu.memory_space<hbm>> -> memref<1x512x32xf32, #tpu.memory_space<hbm>>
    %dma_wait3A_200 = tpu.memref_squeeze %dma_wait3A_199 : memref<1x512x32xf32, #tpu.memory_space<hbm>> -> memref<512x32xf32, #tpu.memory_space<hbm>>
    %dma_wait3A_201 = arith.constant 0 : i32
    %dma_wait3A_202 = tpu.memref_slice %arg4[%dma_wait3A_197, %mul3A_2, %dma_wait3A_201] : memref<50x16384x32xf32, #tpu.memory_space<hbm>> -> memref<1x512x32xf32, #tpu.memory_space<hbm>>
    %dma_wait3A_203 = tpu.memref_squeeze %dma_wait3A_202 : memref<1x512x32xf32, #tpu.memory_space<hbm>> -> memref<512x32xf32, #tpu.memory_space<hbm>>
    tpu.wait_dma2 semaphore(%arg10 : memref<!tpu.dma_semaphore, #tpu.memory_space<semaphore_mem>>) src(%arg6 : memref<512x32xf32, #tpu.memory_space<vmem>>) dst(%dma_wait3A_203 : memref<512x32xf32, #tpu.memory_space<hbm>>)
    %dma_start3A_204 = arith.constant 8 : i32
    %dma_start3A_205 = arith.constant 0 : i32
    %dma_start3A_206 = tpu.memref_slice %arg5[%dma_start3A_204, %dma_start3A_205] : memref<50x512xi32, #tpu.memory_space<vmem>> -> memref<1x512xi32, #tpu.memory_space<vmem>>
    %dma_start3A_207 = tpu.memref_squeeze %dma_start3A_206 : memref<1x512xi32, #tpu.memory_space<vmem>> -> memref<512xi32, #tpu.memory_space<vmem>>
    %dma_start3A_208 = arith.constant 0 : i32
    %dma_start3A_209 = arith.constant 0 : i32
    %dma_start3A_210 = tpu.memref_slice %arg2[%dma_start3A_208, %dma_start3A_209] : memref<1000000x32xf32, #tpu.memory_space<hbm>> -> memref<1000000x32xf32, #tpu.memory_space<hbm>>
    tpu.enqueue_indirect_dma source(%dma_start3A_210 : memref<1000000x32xf32, #tpu.memory_space<hbm>>) target(%arg6 : memref<512x32xf32, #tpu.memory_space<vmem>>) offsets(%dma_start3A_207 : memref<512xi32, #tpu.memory_space<vmem>>) semaphore(%arg8 : memref<!tpu.dma_semaphore, #tpu.memory_space<semaphore_mem>>)
    %dma_wait3A_211 = arith.constant 7 : i32
    %dma_wait3A_212 = arith.constant 0 : i32
    %dma_wait3A_213 = tpu.memref_slice %arg5[%dma_wait3A_211, %dma_wait3A_212] : memref<50x512xi32, #tpu.memory_space<vmem>> -> memref<1x512xi32, #tpu.memory_space<vmem>>
    %dma_wait3A_214 = tpu.memref_squeeze %dma_wait3A_213 : memref<1x512xi32, #tpu.memory_space<vmem>> -> memref<512xi32, #tpu.memory_space<vmem>>
    %dma_wait3A_215 = arith.constant 0 : i32
    %dma_wait3A_216 = arith.constant 0 : i32
    %dma_wait3A_217 = tpu.memref_slice %arg2[%dma_wait3A_215, %dma_wait3A_216] : memref<1000000x32xf32, #tpu.memory_space<hbm>> -> memref<1000000x32xf32, #tpu.memory_space<hbm>>
    tpu.wait_indirect_dma semaphore(%arg9 : memref<!tpu.dma_semaphore, #tpu.memory_space<semaphore_mem>>) src(%dma_wait3A_217 : memref<1000000x32xf32, #tpu.memory_space<hbm>>) dst(%arg7 : memref<512x32xf32, #tpu.memory_space<vmem>>)
    %dma_start3A_218 = arith.constant 7 : i32
    %dma_start3A_219 = arith.constant 0 : i32
    %dma_start3A_220 = tpu.memref_slice %arg4[%dma_start3A_218, %mul3A_2, %dma_start3A_219] : memref<50x16384x32xf32, #tpu.memory_space<hbm>> -> memref<1x512x32xf32, #tpu.memory_space<hbm>>
    %dma_start3A_221 = tpu.memref_squeeze %dma_start3A_220 : memref<1x512x32xf32, #tpu.memory_space<hbm>> -> memref<512x32xf32, #tpu.memory_space<hbm>>
    %dma_start3A_222 = arith.constant 0 : i32
    %dma_start3A_223 = tpu.memref_slice %arg4[%dma_start3A_218, %mul3A_2, %dma_start3A_222] : memref<50x16384x32xf32, #tpu.memory_space<hbm>> -> memref<1x512x32xf32, #tpu.memory_space<hbm>>
    %dma_start3A_224 = tpu.memref_squeeze %dma_start3A_223 : memref<1x512x32xf32, #tpu.memory_space<hbm>> -> memref<512x32xf32, #tpu.memory_space<hbm>>
    tpu.enqueue_dma source(%arg7 : memref<512x32xf32, #tpu.memory_space<vmem>>) target(%dma_start3A_224 : memref<512x32xf32, #tpu.memory_space<hbm>>) target_semaphore(%arg11 : memref<!tpu.dma_semaphore, #tpu.memory_space<semaphore_mem>>)
    %dma_wait3A_225 = arith.constant 7 : i32
    %dma_wait3A_226 = arith.constant 0 : i32
    %dma_wait3A_227 = tpu.memref_slice %arg4[%dma_wait3A_225, %mul3A_2, %dma_wait3A_226] : memref<50x16384x32xf32, #tpu.memory_space<hbm>> -> memref<1x512x32xf32, #tpu.memory_space<hbm>>
    %dma_wait3A_228 = tpu.memref_squeeze %dma_wait3A_227 : memref<1x512x32xf32, #tpu.memory_space<hbm>> -> memref<512x32xf32, #tpu.memory_space<hbm>>
    %dma_wait3A_229 = arith.constant 0 : i32
    %dma_wait3A_230 = tpu.memref_slice %arg4[%dma_wait3A_225, %mul3A_2, %dma_wait3A_229] : memref<50x16384x32xf32, #tpu.memory_space<hbm>> -> memref<1x512x32xf32, #tpu.memory_space<hbm>>
    %dma_wait3A_231 = tpu.memref_squeeze %dma_wait3A_230 : memref<1x512x32xf32, #tpu.memory_space<hbm>> -> memref<512x32xf32, #tpu.memory_space<hbm>>
    tpu.wait_dma2 semaphore(%arg11 : memref<!tpu.dma_semaphore, #tpu.memory_space<semaphore_mem>>) src(%arg7 : memref<512x32xf32, #tpu.memory_space<vmem>>) dst(%dma_wait3A_231 : memref<512x32xf32, #tpu.memory_space<hbm>>)
    %dma_start3A_232 = arith.constant 9 : i32
    %dma_start3A_233 = arith.constant 0 : i32
    %dma_start3A_234 = tpu.memref_slice %arg5[%dma_start3A_232, %dma_start3A_233] : memref<50x512xi32, #tpu.memory_space<vmem>> -> memref<1x512xi32, #tpu.memory_space<vmem>>
    %dma_start3A_235 = tpu.memref_squeeze %dma_start3A_234 : memref<1x512xi32, #tpu.memory_space<vmem>> -> memref<512xi32, #tpu.memory_space<vmem>>
    %dma_start3A_236 = arith.constant 0 : i32
    %dma_start3A_237 = arith.constant 0 : i32
    %dma_start3A_238 = tpu.memref_slice %arg2[%dma_start3A_236, %dma_start3A_237] : memref<1000000x32xf32, #tpu.memory_space<hbm>> -> memref<1000000x32xf32, #tpu.memory_space<hbm>>
    tpu.enqueue_indirect_dma source(%dma_start3A_238 : memref<1000000x32xf32, #tpu.memory_space<hbm>>) target(%arg7 : memref<512x32xf32, #tpu.memory_space<vmem>>) offsets(%dma_start3A_235 : memref<512xi32, #tpu.memory_space<vmem>>) semaphore(%arg9 : memref<!tpu.dma_semaphore, #tpu.memory_space<semaphore_mem>>)
    %dma_wait3A_239 = arith.constant 8 : i32
    %dma_wait3A_240 = arith.constant 0 : i32
    %dma_wait3A_241 = tpu.memref_slice %arg5[%dma_wait3A_239, %dma_wait3A_240] : memref<50x512xi32, #tpu.memory_space<vmem>> -> memref<1x512xi32, #tpu.memory_space<vmem>>
    %dma_wait3A_242 = tpu.memref_squeeze %dma_wait3A_241 : memref<1x512xi32, #tpu.memory_space<vmem>> -> memref<512xi32, #tpu.memory_space<vmem>>
    %dma_wait3A_243 = arith.constant 0 : i32
    %dma_wait3A_244 = arith.constant 0 : i32
    %dma_wait3A_245 = tpu.memref_slice %arg2[%dma_wait3A_243, %dma_wait3A_244] : memref<1000000x32xf32, #tpu.memory_space<hbm>> -> memref<1000000x32xf32, #tpu.memory_space<hbm>>
    tpu.wait_indirect_dma semaphore(%arg8 : memref<!tpu.dma_semaphore, #tpu.memory_space<semaphore_mem>>) src(%dma_wait3A_245 : memref<1000000x32xf32, #tpu.memory_space<hbm>>) dst(%arg6 : memref<512x32xf32, #tpu.memory_space<vmem>>)
    %dma_start3A_246 = arith.constant 8 : i32
    %dma_start3A_247 = arith.constant 0 : i32
    %dma_start3A_248 = tpu.memref_slice %arg4[%dma_start3A_246, %mul3A_2, %dma_start3A_247] : memref<50x16384x32xf32, #tpu.memory_space<hbm>> -> memref<1x512x32xf32, #tpu.memory_space<hbm>>
    %dma_start3A_249 = tpu.memref_squeeze %dma_start3A_248 : memref<1x512x32xf32, #tpu.memory_space<hbm>> -> memref<512x32xf32, #tpu.memory_space<hbm>>
    %dma_start3A_250 = arith.constant 0 : i32
    %dma_start3A_251 = tpu.memref_slice %arg4[%dma_start3A_246, %mul3A_2, %dma_start3A_250] : memref<50x16384x32xf32, #tpu.memory_space<hbm>> -> memref<1x512x32xf32, #tpu.memory_space<hbm>>
    %dma_start3A_252 = tpu.memref_squeeze %dma_start3A_251 : memref<1x512x32xf32, #tpu.memory_space<hbm>> -> memref<512x32xf32, #tpu.memory_space<hbm>>
    tpu.enqueue_dma source(%arg6 : memref<512x32xf32, #tpu.memory_space<vmem>>) target(%dma_start3A_252 : memref<512x32xf32, #tpu.memory_space<hbm>>) target_semaphore(%arg10 : memref<!tpu.dma_semaphore, #tpu.memory_space<semaphore_mem>>)
    %dma_wait3A_253 = arith.constant 8 : i32
    %dma_wait3A_254 = arith.constant 0 : i32
    %dma_wait3A_255 = tpu.memref_slice %arg4[%dma_wait3A_253, %mul3A_2, %dma_wait3A_254] : memref<50x16384x32xf32, #tpu.memory_space<hbm>> -> memref<1x512x32xf32, #tpu.memory_space<hbm>>
    %dma_wait3A_256 = tpu.memref_squeeze %dma_wait3A_255 : memref<1x512x32xf32, #tpu.memory_space<hbm>> -> memref<512x32xf32, #tpu.memory_space<hbm>>
    %dma_wait3A_257 = arith.constant 0 : i32
    %dma_wait3A_258 = tpu.memref_slice %arg4[%dma_wait3A_253, %mul3A_2, %dma_wait3A_257] : memref<50x16384x32xf32, #tpu.memory_space<hbm>> -> memref<1x512x32xf32, #tpu.memory_space<hbm>>
    %dma_wait3A_259 = tpu.memref_squeeze %dma_wait3A_258 : memref<1x512x32xf32, #tpu.memory_space<hbm>> -> memref<512x32xf32, #tpu.memory_space<hbm>>
    tpu.wait_dma2 semaphore(%arg10 : memref<!tpu.dma_semaphore, #tpu.memory_space<semaphore_mem>>) src(%arg6 : memref<512x32xf32, #tpu.memory_space<vmem>>) dst(%dma_wait3A_259 : memref<512x32xf32, #tpu.memory_space<hbm>>)
    %dma_start3A_260 = arith.constant 10 : i32
    %dma_start3A_261 = arith.constant 0 : i32
    %dma_start3A_262 = tpu.memref_slice %arg5[%dma_start3A_260, %dma_start3A_261] : memref<50x512xi32, #tpu.memory_space<vmem>> -> memref<1x512xi32, #tpu.memory_space<vmem>>
    %dma_start3A_263 = tpu.memref_squeeze %dma_start3A_262 : memref<1x512xi32, #tpu.memory_space<vmem>> -> memref<512xi32, #tpu.memory_space<vmem>>
    %dma_start3A_264 = arith.constant 0 : i32
    %dma_start3A_265 = arith.constant 0 : i32
    %dma_start3A_266 = tpu.memref_slice %arg2[%dma_start3A_264, %dma_start3A_265] : memref<1000000x32xf32, #tpu.memory_space<hbm>> -> memref<1000000x32xf32, #tpu.memory_space<hbm>>
    tpu.enqueue_indirect_dma source(%dma_start3A_266 : memref<1000000x32xf32, #tpu.memory_space<hbm>>) target(%arg6 : memref<512x32xf32, #tpu.memory_space<vmem>>) offsets(%dma_start3A_263 : memref<512xi32, #tpu.memory_space<vmem>>) semaphore(%arg8 : memref<!tpu.dma_semaphore, #tpu.memory_space<semaphore_mem>>)
    %dma_wait3A_267 = arith.constant 9 : i32
    %dma_wait3A_268 = arith.constant 0 : i32
    %dma_wait3A_269 = tpu.memref_slice %arg5[%dma_wait3A_267, %dma_wait3A_268] : memref<50x512xi32, #tpu.memory_space<vmem>> -> memref<1x512xi32, #tpu.memory_space<vmem>>
    %dma_wait3A_270 = tpu.memref_squeeze %dma_wait3A_269 : memref<1x512xi32, #tpu.memory_space<vmem>> -> memref<512xi32, #tpu.memory_space<vmem>>
    %dma_wait3A_271 = arith.constant 0 : i32
    %dma_wait3A_272 = arith.constant 0 : i32
    %dma_wait3A_273 = tpu.memref_slice %arg2[%dma_wait3A_271, %dma_wait3A_272] : memref<1000000x32xf32, #tpu.memory_space<hbm>> -> memref<1000000x32xf32, #tpu.memory_space<hbm>>
    tpu.wait_indirect_dma semaphore(%arg9 : memref<!tpu.dma_semaphore, #tpu.memory_space<semaphore_mem>>) src(%dma_wait3A_273 : memref<1000000x32xf32, #tpu.memory_space<hbm>>) dst(%arg7 : memref<512x32xf32, #tpu.memory_space<vmem>>)
    %dma_start3A_274 = arith.constant 9 : i32
    %dma_start3A_275 = arith.constant 0 : i32
    %dma_start3A_276 = tpu.memref_slice %arg4[%dma_start3A_274, %mul3A_2, %dma_start3A_275] : memref<50x16384x32xf32, #tpu.memory_space<hbm>> -> memref<1x512x32xf32, #tpu.memory_space<hbm>>
    %dma_start3A_277 = tpu.memref_squeeze %dma_start3A_276 : memref<1x512x32xf32, #tpu.memory_space<hbm>> -> memref<512x32xf32, #tpu.memory_space<hbm>>
    %dma_start3A_278 = arith.constant 0 : i32
    %dma_start3A_279 = tpu.memref_slice %arg4[%dma_start3A_274, %mul3A_2, %dma_start3A_278] : memref<50x16384x32xf32, #tpu.memory_space<hbm>> -> memref<1x512x32xf32, #tpu.memory_space<hbm>>
    %dma_start3A_280 = tpu.memref_squeeze %dma_start3A_279 : memref<1x512x32xf32, #tpu.memory_space<hbm>> -> memref<512x32xf32, #tpu.memory_space<hbm>>
    tpu.enqueue_dma source(%arg7 : memref<512x32xf32, #tpu.memory_space<vmem>>) target(%dma_start3A_280 : memref<512x32xf32, #tpu.memory_space<hbm>>) target_semaphore(%arg11 : memref<!tpu.dma_semaphore, #tpu.memory_space<semaphore_mem>>)
    %dma_wait3A_281 = arith.constant 9 : i32
    %dma_wait3A_282 = arith.constant 0 : i32
    %dma_wait3A_283 = tpu.memref_slice %arg4[%dma_wait3A_281, %mul3A_2, %dma_wait3A_282] : memref<50x16384x32xf32, #tpu.memory_space<hbm>> -> memref<1x512x32xf32, #tpu.memory_space<hbm>>
    %dma_wait3A_284 = tpu.memref_squeeze %dma_wait3A_283 : memref<1x512x32xf32, #tpu.memory_space<hbm>> -> memref<512x32xf32, #tpu.memory_space<hbm>>
    %dma_wait3A_285 = arith.constant 0 : i32
    %dma_wait3A_286 = tpu.memref_slice %arg4[%dma_wait3A_281, %mul3A_2, %dma_wait3A_285] : memref<50x16384x32xf32, #tpu.memory_space<hbm>> -> memref<1x512x32xf32, #tpu.memory_space<hbm>>
    %dma_wait3A_287 = tpu.memref_squeeze %dma_wait3A_286 : memref<1x512x32xf32, #tpu.memory_space<hbm>> -> memref<512x32xf32, #tpu.memory_space<hbm>>
    tpu.wait_dma2 semaphore(%arg11 : memref<!tpu.dma_semaphore, #tpu.memory_space<semaphore_mem>>) src(%arg7 : memref<512x32xf32, #tpu.memory_space<vmem>>) dst(%dma_wait3A_287 : memref<512x32xf32, #tpu.memory_space<hbm>>)
    %dma_start3A_288 = arith.constant 11 : i32
    %dma_start3A_289 = arith.constant 0 : i32
    %dma_start3A_290 = tpu.memref_slice %arg5[%dma_start3A_288, %dma_start3A_289] : memref<50x512xi32, #tpu.memory_space<vmem>> -> memref<1x512xi32, #tpu.memory_space<vmem>>
    %dma_start3A_291 = tpu.memref_squeeze %dma_start3A_290 : memref<1x512xi32, #tpu.memory_space<vmem>> -> memref<512xi32, #tpu.memory_space<vmem>>
    %dma_start3A_292 = arith.constant 0 : i32
    %dma_start3A_293 = arith.constant 0 : i32
    %dma_start3A_294 = tpu.memref_slice %arg2[%dma_start3A_292, %dma_start3A_293] : memref<1000000x32xf32, #tpu.memory_space<hbm>> -> memref<1000000x32xf32, #tpu.memory_space<hbm>>
    tpu.enqueue_indirect_dma source(%dma_start3A_294 : memref<1000000x32xf32, #tpu.memory_space<hbm>>) target(%arg7 : memref<512x32xf32, #tpu.memory_space<vmem>>) offsets(%dma_start3A_291 : memref<512xi32, #tpu.memory_space<vmem>>) semaphore(%arg9 : memref<!tpu.dma_semaphore, #tpu.memory_space<semaphore_mem>>)
    %dma_wait3A_295 = arith.constant 10 : i32
    %dma_wait3A_296 = arith.constant 0 : i32
    %dma_wait3A_297 = tpu.memref_slice %arg5[%dma_wait3A_295, %dma_wait3A_296] : memref<50x512xi32, #tpu.memory_space<vmem>> -> memref<1x512xi32, #tpu.memory_space<vmem>>
    %dma_wait3A_298 = tpu.memref_squeeze %dma_wait3A_297 : memref<1x512xi32, #tpu.memory_space<vmem>> -> memref<512xi32, #tpu.memory_space<vmem>>
    %dma_wait3A_299 = arith.constant 0 : i32
    %dma_wait3A_300 = arith.constant 0 : i32
    %dma_wait3A_301 = tpu.memref_slice %arg2[%dma_wait3A_299, %dma_wait3A_300] : memref<1000000x32xf32, #tpu.memory_space<hbm>> -> memref<1000000x32xf32, #tpu.memory_space<hbm>>
    tpu.wait_indirect_dma semaphore(%arg8 : memref<!tpu.dma_semaphore, #tpu.memory_space<semaphore_mem>>) src(%dma_wait3A_301 : memref<1000000x32xf32, #tpu.memory_space<hbm>>) dst(%arg6 : memref<512x32xf32, #tpu.memory_space<vmem>>)
    %dma_start3A_302 = arith.constant 10 : i32
    %dma_start3A_303 = arith.constant 0 : i32
    %dma_start3A_304 = tpu.memref_slice %arg4[%dma_start3A_302, %mul3A_2, %dma_start3A_303] : memref<50x16384x32xf32, #tpu.memory_space<hbm>> -> memref<1x512x32xf32, #tpu.memory_space<hbm>>
    %dma_start3A_305 = tpu.memref_squeeze %dma_start3A_304 : memref<1x512x32xf32, #tpu.memory_space<hbm>> -> memref<512x32xf32, #tpu.memory_space<hbm>>
    %dma_start3A_306 = arith.constant 0 : i32
    %dma_start3A_307 = tpu.memref_slice %arg4[%dma_start3A_302, %mul3A_2, %dma_start3A_306] : memref<50x16384x32xf32, #tpu.memory_space<hbm>> -> memref<1x512x32xf32, #tpu.memory_space<hbm>>
    %dma_start3A_308 = tpu.memref_squeeze %dma_start3A_307 : memref<1x512x32xf32, #tpu.memory_space<hbm>> -> memref<512x32xf32, #tpu.memory_space<hbm>>
    tpu.enqueue_dma source(%arg6 : memref<512x32xf32, #tpu.memory_space<vmem>>) target(%dma_start3A_308 : memref<512x32xf32, #tpu.memory_space<hbm>>) target_semaphore(%arg10 : memref<!tpu.dma_semaphore, #tpu.memory_space<semaphore_mem>>)
    %dma_wait3A_309 = arith.constant 10 : i32
    %dma_wait3A_310 = arith.constant 0 : i32
    %dma_wait3A_311 = tpu.memref_slice %arg4[%dma_wait3A_309, %mul3A_2, %dma_wait3A_310] : memref<50x16384x32xf32, #tpu.memory_space<hbm>> -> memref<1x512x32xf32, #tpu.memory_space<hbm>>
    %dma_wait3A_312 = tpu.memref_squeeze %dma_wait3A_311 : memref<1x512x32xf32, #tpu.memory_space<hbm>> -> memref<512x32xf32, #tpu.memory_space<hbm>>
    %dma_wait3A_313 = arith.constant 0 : i32
    %dma_wait3A_314 = tpu.memref_slice %arg4[%dma_wait3A_309, %mul3A_2, %dma_wait3A_313] : memref<50x16384x32xf32, #tpu.memory_space<hbm>> -> memref<1x512x32xf32, #tpu.memory_space<hbm>>
    %dma_wait3A_315 = tpu.memref_squeeze %dma_wait3A_314 : memref<1x512x32xf32, #tpu.memory_space<hbm>> -> memref<512x32xf32, #tpu.memory_space<hbm>>
    tpu.wait_dma2 semaphore(%arg10 : memref<!tpu.dma_semaphore, #tpu.memory_space<semaphore_mem>>) src(%arg6 : memref<512x32xf32, #tpu.memory_space<vmem>>) dst(%dma_wait3A_315 : memref<512x32xf32, #tpu.memory_space<hbm>>)
    %dma_start3A_316 = arith.constant 12 : i32
    %dma_start3A_317 = arith.constant 0 : i32
    %dma_start3A_318 = tpu.memref_slice %arg5[%dma_start3A_316, %dma_start3A_317] : memref<50x512xi32, #tpu.memory_space<vmem>> -> memref<1x512xi32, #tpu.memory_space<vmem>>
    %dma_start3A_319 = tpu.memref_squeeze %dma_start3A_318 : memref<1x512xi32, #tpu.memory_space<vmem>> -> memref<512xi32, #tpu.memory_space<vmem>>
    %dma_start3A_320 = arith.constant 0 : i32
    %dma_start3A_321 = arith.constant 0 : i32
    %dma_start3A_322 = tpu.memref_slice %arg2[%dma_start3A_320, %dma_start3A_321] : memref<1000000x32xf32, #tpu.memory_space<hbm>> -> memref<1000000x32xf32, #tpu.memory_space<hbm>>
    tpu.enqueue_indirect_dma source(%dma_start3A_322 : memref<1000000x32xf32, #tpu.memory_space<hbm>>) target(%arg6 : memref<512x32xf32, #tpu.memory_space<vmem>>) offsets(%dma_start3A_319 : memref<512xi32, #tpu.memory_space<vmem>>) semaphore(%arg8 : memref<!tpu.dma_semaphore, #tpu.memory_space<semaphore_mem>>)
    %dma_wait3A_323 = arith.constant 11 : i32
    %dma_wait3A_324 = arith.constant 0 : i32
    %dma_wait3A_325 = tpu.memref_slice %arg5[%dma_wait3A_323, %dma_wait3A_324] : memref<50x512xi32, #tpu.memory_space<vmem>> -> memref<1x512xi32, #tpu.memory_space<vmem>>
    %dma_wait3A_326 = tpu.memref_squeeze %dma_wait3A_325 : memref<1x512xi32, #tpu.memory_space<vmem>> -> memref<512xi32, #tpu.memory_space<vmem>>
    %dma_wait3A_327 = arith.constant 0 : i32
    %dma_wait3A_328 = arith.constant 0 : i32
    %dma_wait3A_329 = tpu.memref_slice %arg2[%dma_wait3A_327, %dma_wait3A_328] : memref<1000000x32xf32, #tpu.memory_space<hbm>> -> memref<1000000x32xf32, #tpu.memory_space<hbm>>
    tpu.wait_indirect_dma semaphore(%arg9 : memref<!tpu.dma_semaphore, #tpu.memory_space<semaphore_mem>>) src(%dma_wait3A_329 : memref<1000000x32xf32, #tpu.memory_space<hbm>>) dst(%arg7 : memref<512x32xf32, #tpu.memory_space<vmem>>)
    %dma_start3A_330 = arith.constant 11 : i32
    %dma_start3A_331 = arith.constant 0 : i32
    %dma_start3A_332 = tpu.memref_slice %arg4[%dma_start3A_330, %mul3A_2, %dma_start3A_331] : memref<50x16384x32xf32, #tpu.memory_space<hbm>> -> memref<1x512x32xf32, #tpu.memory_space<hbm>>
    %dma_start3A_333 = tpu.memref_squeeze %dma_start3A_332 : memref<1x512x32xf32, #tpu.memory_space<hbm>> -> memref<512x32xf32, #tpu.memory_space<hbm>>
    %dma_start3A_334 = arith.constant 0 : i32
    %dma_start3A_335 = tpu.memref_slice %arg4[%dma_start3A_330, %mul3A_2, %dma_start3A_334] : memref<50x16384x32xf32, #tpu.memory_space<hbm>> -> memref<1x512x32xf32, #tpu.memory_space<hbm>>
    %dma_start3A_336 = tpu.memref_squeeze %dma_start3A_335 : memref<1x512x32xf32, #tpu.memory_space<hbm>> -> memref<512x32xf32, #tpu.memory_space<hbm>>
    tpu.enqueue_dma source(%arg7 : memref<512x32xf32, #tpu.memory_space<vmem>>) target(%dma_start3A_336 : memref<512x32xf32, #tpu.memory_space<hbm>>) target_semaphore(%arg11 : memref<!tpu.dma_semaphore, #tpu.memory_space<semaphore_mem>>)
    %dma_wait3A_337 = arith.constant 11 : i32
    %dma_wait3A_338 = arith.constant 0 : i32
    %dma_wait3A_339 = tpu.memref_slice %arg4[%dma_wait3A_337, %mul3A_2, %dma_wait3A_338] : memref<50x16384x32xf32, #tpu.memory_space<hbm>> -> memref<1x512x32xf32, #tpu.memory_space<hbm>>
    %dma_wait3A_340 = tpu.memref_squeeze %dma_wait3A_339 : memref<1x512x32xf32, #tpu.memory_space<hbm>> -> memref<512x32xf32, #tpu.memory_space<hbm>>
    %dma_wait3A_341 = arith.constant 0 : i32
    %dma_wait3A_342 = tpu.memref_slice %arg4[%dma_wait3A_337, %mul3A_2, %dma_wait3A_341] : memref<50x16384x32xf32, #tpu.memory_space<hbm>> -> memref<1x512x32xf32, #tpu.memory_space<hbm>>
    %dma_wait3A_343 = tpu.memref_squeeze %dma_wait3A_342 : memref<1x512x32xf32, #tpu.memory_space<hbm>> -> memref<512x32xf32, #tpu.memory_space<hbm>>
    tpu.wait_dma2 semaphore(%arg11 : memref<!tpu.dma_semaphore, #tpu.memory_space<semaphore_mem>>) src(%arg7 : memref<512x32xf32, #tpu.memory_space<vmem>>) dst(%dma_wait3A_343 : memref<512x32xf32, #tpu.memory_space<hbm>>)
    %dma_start3A_344 = arith.constant 13 : i32
    %dma_start3A_345 = arith.constant 0 : i32
    %dma_start3A_346 = tpu.memref_slice %arg5[%dma_start3A_344, %dma_start3A_345] : memref<50x512xi32, #tpu.memory_space<vmem>> -> memref<1x512xi32, #tpu.memory_space<vmem>>
    %dma_start3A_347 = tpu.memref_squeeze %dma_start3A_346 : memref<1x512xi32, #tpu.memory_space<vmem>> -> memref<512xi32, #tpu.memory_space<vmem>>
    %dma_start3A_348 = arith.constant 0 : i32
    %dma_start3A_349 = arith.constant 0 : i32
    %dma_start3A_350 = tpu.memref_slice %arg2[%dma_start3A_348, %dma_start3A_349] : memref<1000000x32xf32, #tpu.memory_space<hbm>> -> memref<1000000x32xf32, #tpu.memory_space<hbm>>
    tpu.enqueue_indirect_dma source(%dma_start3A_350 : memref<1000000x32xf32, #tpu.memory_space<hbm>>) target(%arg7 : memref<512x32xf32, #tpu.memory_space<vmem>>) offsets(%dma_start3A_347 : memref<512xi32, #tpu.memory_space<vmem>>) semaphore(%arg9 : memref<!tpu.dma_semaphore, #tpu.memory_space<semaphore_mem>>)
    %dma_wait3A_351 = arith.constant 12 : i32
    %dma_wait3A_352 = arith.constant 0 : i32
    %dma_wait3A_353 = tpu.memref_slice %arg5[%dma_wait3A_351, %dma_wait3A_352] : memref<50x512xi32, #tpu.memory_space<vmem>> -> memref<1x512xi32, #tpu.memory_space<vmem>>
    %dma_wait3A_354 = tpu.memref_squeeze %dma_wait3A_353 : memref<1x512xi32, #tpu.memory_space<vmem>> -> memref<512xi32, #tpu.memory_space<vmem>>
    %dma_wait3A_355 = arith.constant 0 : i32
    %dma_wait3A_356 = arith.constant 0 : i32
    %dma_wait3A_357 = tpu.memref_slice %arg2[%dma_wait3A_355, %dma_wait3A_356] : memref<1000000x32xf32, #tpu.memory_space<hbm>> -> memref<1000000x32xf32, #tpu.memory_space<hbm>>
    tpu.wait_indirect_dma semaphore(%arg8 : memref<!tpu.dma_semaphore, #tpu.memory_space<semaphore_mem>>) src(%dma_wait3A_357 : memref<1000000x32xf32, #tpu.memory_space<hbm>>) dst(%arg6 : memref<512x32xf32, #tpu.memory_space<vmem>>)
    %dma_start3A_358 = arith.constant 12 : i32
    %dma_start3A_359 = arith.constant 0 : i32
    %dma_start3A_360 = tpu.memref_slice %arg4[%dma_start3A_358, %mul3A_2, %dma_start3A_359] : memref<50x16384x32xf32, #tpu.memory_space<hbm>> -> memref<1x512x32xf32, #tpu.memory_space<hbm>>
    %dma_start3A_361 = tpu.memref_squeeze %dma_start3A_360 : memref<1x512x32xf32, #tpu.memory_space<hbm>> -> memref<512x32xf32, #tpu.memory_space<hbm>>
    %dma_start3A_362 = arith.constant 0 : i32
    %dma_start3A_363 = tpu.memref_slice %arg4[%dma_start3A_358, %mul3A_2, %dma_start3A_362] : memref<50x16384x32xf32, #tpu.memory_space<hbm>> -> memref<1x512x32xf32, #tpu.memory_space<hbm>>
    %dma_start3A_364 = tpu.memref_squeeze %dma_start3A_363 : memref<1x512x32xf32, #tpu.memory_space<hbm>> -> memref<512x32xf32, #tpu.memory_space<hbm>>
    tpu.enqueue_dma source(%arg6 : memref<512x32xf32, #tpu.memory_space<vmem>>) target(%dma_start3A_364 : memref<512x32xf32, #tpu.memory_space<hbm>>) target_semaphore(%arg10 : memref<!tpu.dma_semaphore, #tpu.memory_space<semaphore_mem>>)
    %dma_wait3A_365 = arith.constant 12 : i32
    %dma_wait3A_366 = arith.constant 0 : i32
    %dma_wait3A_367 = tpu.memref_slice %arg4[%dma_wait3A_365, %mul3A_2, %dma_wait3A_366] : memref<50x16384x32xf32, #tpu.memory_space<hbm>> -> memref<1x512x32xf32, #tpu.memory_space<hbm>>
    %dma_wait3A_368 = tpu.memref_squeeze %dma_wait3A_367 : memref<1x512x32xf32, #tpu.memory_space<hbm>> -> memref<512x32xf32, #tpu.memory_space<hbm>>
    %dma_wait3A_369 = arith.constant 0 : i32
    %dma_wait3A_370 = tpu.memref_slice %arg4[%dma_wait3A_365, %mul3A_2, %dma_wait3A_369] : memref<50x16384x32xf32, #tpu.memory_space<hbm>> -> memref<1x512x32xf32, #tpu.memory_space<hbm>>
    %dma_wait3A_371 = tpu.memref_squeeze %dma_wait3A_370 : memref<1x512x32xf32, #tpu.memory_space<hbm>> -> memref<512x32xf32, #tpu.memory_space<hbm>>
    tpu.wait_dma2 semaphore(%arg10 : memref<!tpu.dma_semaphore, #tpu.memory_space<semaphore_mem>>) src(%arg6 : memref<512x32xf32, #tpu.memory_space<vmem>>) dst(%dma_wait3A_371 : memref<512x32xf32, #tpu.memory_space<hbm>>)
    %dma_start3A_372 = arith.constant 14 : i32
    %dma_start3A_373 = arith.constant 0 : i32
    %dma_start3A_374 = tpu.memref_slice %arg5[%dma_start3A_372, %dma_start3A_373] : memref<50x512xi32, #tpu.memory_space<vmem>> -> memref<1x512xi32, #tpu.memory_space<vmem>>
    %dma_start3A_375 = tpu.memref_squeeze %dma_start3A_374 : memref<1x512xi32, #tpu.memory_space<vmem>> -> memref<512xi32, #tpu.memory_space<vmem>>
    %dma_start3A_376 = arith.constant 0 : i32
    %dma_start3A_377 = arith.constant 0 : i32
    %dma_start3A_378 = tpu.memref_slice %arg2[%dma_start3A_376, %dma_start3A_377] : memref<1000000x32xf32, #tpu.memory_space<hbm>> -> memref<1000000x32xf32, #tpu.memory_space<hbm>>
    tpu.enqueue_indirect_dma source(%dma_start3A_378 : memref<1000000x32xf32, #tpu.memory_space<hbm>>) target(%arg6 : memref<512x32xf32, #tpu.memory_space<vmem>>) offsets(%dma_start3A_375 : memref<512xi32, #tpu.memory_space<vmem>>) semaphore(%arg8 : memref<!tpu.dma_semaphore, #tpu.memory_space<semaphore_mem>>)
    %dma_wait3A_379 = arith.constant 13 : i32
    %dma_wait3A_380 = arith.constant 0 : i32
    %dma_wait3A_381 = tpu.memref_slice %arg5[%dma_wait3A_379, %dma_wait3A_380] : memref<50x512xi32, #tpu.memory_space<vmem>> -> memref<1x512xi32, #tpu.memory_space<vmem>>
    %dma_wait3A_382 = tpu.memref_squeeze %dma_wait3A_381 : memref<1x512xi32, #tpu.memory_space<vmem>> -> memref<512xi32, #tpu.memory_space<vmem>>
    %dma_wait3A_383 = arith.constant 0 : i32
    %dma_wait3A_384 = arith.constant 0 : i32
    %dma_wait3A_385 = tpu.memref_slice %arg2[%dma_wait3A_383, %dma_wait3A_384] : memref<1000000x32xf32, #tpu.memory_space<hbm>> -> memref<1000000x32xf32, #tpu.memory_space<hbm>>
    tpu.wait_indirect_dma semaphore(%arg9 : memref<!tpu.dma_semaphore, #tpu.memory_space<semaphore_mem>>) src(%dma_wait3A_385 : memref<1000000x32xf32, #tpu.memory_space<hbm>>) dst(%arg7 : memref<512x32xf32, #tpu.memory_space<vmem>>)
    %dma_start3A_386 = arith.constant 13 : i32
    %dma_start3A_387 = arith.constant 0 : i32
    %dma_start3A_388 = tpu.memref_slice %arg4[%dma_start3A_386, %mul3A_2, %dma_start3A_387] : memref<50x16384x32xf32, #tpu.memory_space<hbm>> -> memref<1x512x32xf32, #tpu.memory_space<hbm>>
    %dma_start3A_389 = tpu.memref_squeeze %dma_start3A_388 : memref<1x512x32xf32, #tpu.memory_space<hbm>> -> memref<512x32xf32, #tpu.memory_space<hbm>>
    %dma_start3A_390 = arith.constant 0 : i32
    %dma_start3A_391 = tpu.memref_slice %arg4[%dma_start3A_386, %mul3A_2, %dma_start3A_390] : memref<50x16384x32xf32, #tpu.memory_space<hbm>> -> memref<1x512x32xf32, #tpu.memory_space<hbm>>
    %dma_start3A_392 = tpu.memref_squeeze %dma_start3A_391 : memref<1x512x32xf32, #tpu.memory_space<hbm>> -> memref<512x32xf32, #tpu.memory_space<hbm>>
    tpu.enqueue_dma source(%arg7 : memref<512x32xf32, #tpu.memory_space<vmem>>) target(%dma_start3A_392 : memref<512x32xf32, #tpu.memory_space<hbm>>) target_semaphore(%arg11 : memref<!tpu.dma_semaphore, #tpu.memory_space<semaphore_mem>>)
    %dma_wait3A_393 = arith.constant 13 : i32
    %dma_wait3A_394 = arith.constant 0 : i32
    %dma_wait3A_395 = tpu.memref_slice %arg4[%dma_wait3A_393, %mul3A_2, %dma_wait3A_394] : memref<50x16384x32xf32, #tpu.memory_space<hbm>> -> memref<1x512x32xf32, #tpu.memory_space<hbm>>
    %dma_wait3A_396 = tpu.memref_squeeze %dma_wait3A_395 : memref<1x512x32xf32, #tpu.memory_space<hbm>> -> memref<512x32xf32, #tpu.memory_space<hbm>>
    %dma_wait3A_397 = arith.constant 0 : i32
    %dma_wait3A_398 = tpu.memref_slice %arg4[%dma_wait3A_393, %mul3A_2, %dma_wait3A_397] : memref<50x16384x32xf32, #tpu.memory_space<hbm>> -> memref<1x512x32xf32, #tpu.memory_space<hbm>>
    %dma_wait3A_399 = tpu.memref_squeeze %dma_wait3A_398 : memref<1x512x32xf32, #tpu.memory_space<hbm>> -> memref<512x32xf32, #tpu.memory_space<hbm>>
    tpu.wait_dma2 semaphore(%arg11 : memref<!tpu.dma_semaphore, #tpu.memory_space<semaphore_mem>>) src(%arg7 : memref<512x32xf32, #tpu.memory_space<vmem>>) dst(%dma_wait3A_399 : memref<512x32xf32, #tpu.memory_space<hbm>>)
    %dma_start3A_400 = arith.constant 15 : i32
    %dma_start3A_401 = arith.constant 0 : i32
    %dma_start3A_402 = tpu.memref_slice %arg5[%dma_start3A_400, %dma_start3A_401] : memref<50x512xi32, #tpu.memory_space<vmem>> -> memref<1x512xi32, #tpu.memory_space<vmem>>
    %dma_start3A_403 = tpu.memref_squeeze %dma_start3A_402 : memref<1x512xi32, #tpu.memory_space<vmem>> -> memref<512xi32, #tpu.memory_space<vmem>>
    %dma_start3A_404 = arith.constant 0 : i32
    %dma_start3A_405 = arith.constant 0 : i32
    %dma_start3A_406 = tpu.memref_slice %arg2[%dma_start3A_404, %dma_start3A_405] : memref<1000000x32xf32, #tpu.memory_space<hbm>> -> memref<1000000x32xf32, #tpu.memory_space<hbm>>
    tpu.enqueue_indirect_dma source(%dma_start3A_406 : memref<1000000x32xf32, #tpu.memory_space<hbm>>) target(%arg7 : memref<512x32xf32, #tpu.memory_space<vmem>>) offsets(%dma_start3A_403 : memref<512xi32, #tpu.memory_space<vmem>>) semaphore(%arg9 : memref<!tpu.dma_semaphore, #tpu.memory_space<semaphore_mem>>)
    %dma_wait3A_407 = arith.constant 14 : i32
    %dma_wait3A_408 = arith.constant 0 : i32
    %dma_wait3A_409 = tpu.memref_slice %arg5[%dma_wait3A_407, %dma_wait3A_408] : memref<50x512xi32, #tpu.memory_space<vmem>> -> memref<1x512xi32, #tpu.memory_space<vmem>>
    %dma_wait3A_410 = tpu.memref_squeeze %dma_wait3A_409 : memref<1x512xi32, #tpu.memory_space<vmem>> -> memref<512xi32, #tpu.memory_space<vmem>>
    %dma_wait3A_411 = arith.constant 0 : i32
    %dma_wait3A_412 = arith.constant 0 : i32
    %dma_wait3A_413 = tpu.memref_slice %arg2[%dma_wait3A_411, %dma_wait3A_412] : memref<1000000x32xf32, #tpu.memory_space<hbm>> -> memref<1000000x32xf32, #tpu.memory_space<hbm>>
    tpu.wait_indirect_dma semaphore(%arg8 : memref<!tpu.dma_semaphore, #tpu.memory_space<semaphore_mem>>) src(%dma_wait3A_413 : memref<1000000x32xf32, #tpu.memory_space<hbm>>) dst(%arg6 : memref<512x32xf32, #tpu.memory_space<vmem>>)
    %dma_start3A_414 = arith.constant 14 : i32
    %dma_start3A_415 = arith.constant 0 : i32
    %dma_start3A_416 = tpu.memref_slice %arg4[%dma_start3A_414, %mul3A_2, %dma_start3A_415] : memref<50x16384x32xf32, #tpu.memory_space<hbm>> -> memref<1x512x32xf32, #tpu.memory_space<hbm>>
    %dma_start3A_417 = tpu.memref_squeeze %dma_start3A_416 : memref<1x512x32xf32, #tpu.memory_space<hbm>> -> memref<512x32xf32, #tpu.memory_space<hbm>>
    %dma_start3A_418 = arith.constant 0 : i32
    %dma_start3A_419 = tpu.memref_slice %arg4[%dma_start3A_414, %mul3A_2, %dma_start3A_418] : memref<50x16384x32xf32, #tpu.memory_space<hbm>> -> memref<1x512x32xf32, #tpu.memory_space<hbm>>
    %dma_start3A_420 = tpu.memref_squeeze %dma_start3A_419 : memref<1x512x32xf32, #tpu.memory_space<hbm>> -> memref<512x32xf32, #tpu.memory_space<hbm>>
    tpu.enqueue_dma source(%arg6 : memref<512x32xf32, #tpu.memory_space<vmem>>) target(%dma_start3A_420 : memref<512x32xf32, #tpu.memory_space<hbm>>) target_semaphore(%arg10 : memref<!tpu.dma_semaphore, #tpu.memory_space<semaphore_mem>>)
    %dma_wait3A_421 = arith.constant 14 : i32
    %dma_wait3A_422 = arith.constant 0 : i32
    %dma_wait3A_423 = tpu.memref_slice %arg4[%dma_wait3A_421, %mul3A_2, %dma_wait3A_422] : memref<50x16384x32xf32, #tpu.memory_space<hbm>> -> memref<1x512x32xf32, #tpu.memory_space<hbm>>
    %dma_wait3A_424 = tpu.memref_squeeze %dma_wait3A_423 : memref<1x512x32xf32, #tpu.memory_space<hbm>> -> memref<512x32xf32, #tpu.memory_space<hbm>>
    %dma_wait3A_425 = arith.constant 0 : i32
    %dma_wait3A_426 = tpu.memref_slice %arg4[%dma_wait3A_421, %mul3A_2, %dma_wait3A_425] : memref<50x16384x32xf32, #tpu.memory_space<hbm>> -> memref<1x512x32xf32, #tpu.memory_space<hbm>>
    %dma_wait3A_427 = tpu.memref_squeeze %dma_wait3A_426 : memref<1x512x32xf32, #tpu.memory_space<hbm>> -> memref<512x32xf32, #tpu.memory_space<hbm>>
    tpu.wait_dma2 semaphore(%arg10 : memref<!tpu.dma_semaphore, #tpu.memory_space<semaphore_mem>>) src(%arg6 : memref<512x32xf32, #tpu.memory_space<vmem>>) dst(%dma_wait3A_427 : memref<512x32xf32, #tpu.memory_space<hbm>>)
    %dma_start3A_428 = arith.constant 16 : i32
    %dma_start3A_429 = arith.constant 0 : i32
    %dma_start3A_430 = tpu.memref_slice %arg5[%dma_start3A_428, %dma_start3A_429] : memref<50x512xi32, #tpu.memory_space<vmem>> -> memref<1x512xi32, #tpu.memory_space<vmem>>
    %dma_start3A_431 = tpu.memref_squeeze %dma_start3A_430 : memref<1x512xi32, #tpu.memory_space<vmem>> -> memref<512xi32, #tpu.memory_space<vmem>>
    %dma_start3A_432 = arith.constant 0 : i32
    %dma_start3A_433 = arith.constant 0 : i32
    %dma_start3A_434 = tpu.memref_slice %arg2[%dma_start3A_432, %dma_start3A_433] : memref<1000000x32xf32, #tpu.memory_space<hbm>> -> memref<1000000x32xf32, #tpu.memory_space<hbm>>
    tpu.enqueue_indirect_dma source(%dma_start3A_434 : memref<1000000x32xf32, #tpu.memory_space<hbm>>) target(%arg6 : memref<512x32xf32, #tpu.memory_space<vmem>>) offsets(%dma_start3A_431 : memref<512xi32, #tpu.memory_space<vmem>>) semaphore(%arg8 : memref<!tpu.dma_semaphore, #tpu.memory_space<semaphore_mem>>)
    %dma_wait3A_435 = arith.constant 15 : i32
    %dma_wait3A_436 = arith.constant 0 : i32
    %dma_wait3A_437 = tpu.memref_slice %arg5[%dma_wait3A_435, %dma_wait3A_436] : memref<50x512xi32, #tpu.memory_space<vmem>> -> memref<1x512xi32, #tpu.memory_space<vmem>>
    %dma_wait3A_438 = tpu.memref_squeeze %dma_wait3A_437 : memref<1x512xi32, #tpu.memory_space<vmem>> -> memref<512xi32, #tpu.memory_space<vmem>>
    %dma_wait3A_439 = arith.constant 0 : i32
    %dma_wait3A_440 = arith.constant 0 : i32
    %dma_wait3A_441 = tpu.memref_slice %arg2[%dma_wait3A_439, %dma_wait3A_440] : memref<1000000x32xf32, #tpu.memory_space<hbm>> -> memref<1000000x32xf32, #tpu.memory_space<hbm>>
    tpu.wait_indirect_dma semaphore(%arg9 : memref<!tpu.dma_semaphore, #tpu.memory_space<semaphore_mem>>) src(%dma_wait3A_441 : memref<1000000x32xf32, #tpu.memory_space<hbm>>) dst(%arg7 : memref<512x32xf32, #tpu.memory_space<vmem>>)
    %dma_start3A_442 = arith.constant 15 : i32
    %dma_start3A_443 = arith.constant 0 : i32
    %dma_start3A_444 = tpu.memref_slice %arg4[%dma_start3A_442, %mul3A_2, %dma_start3A_443] : memref<50x16384x32xf32, #tpu.memory_space<hbm>> -> memref<1x512x32xf32, #tpu.memory_space<hbm>>
    %dma_start3A_445 = tpu.memref_squeeze %dma_start3A_444 : memref<1x512x32xf32, #tpu.memory_space<hbm>> -> memref<512x32xf32, #tpu.memory_space<hbm>>
    %dma_start3A_446 = arith.constant 0 : i32
    %dma_start3A_447 = tpu.memref_slice %arg4[%dma_start3A_442, %mul3A_2, %dma_start3A_446] : memref<50x16384x32xf32, #tpu.memory_space<hbm>> -> memref<1x512x32xf32, #tpu.memory_space<hbm>>
    %dma_start3A_448 = tpu.memref_squeeze %dma_start3A_447 : memref<1x512x32xf32, #tpu.memory_space<hbm>> -> memref<512x32xf32, #tpu.memory_space<hbm>>
    tpu.enqueue_dma source(%arg7 : memref<512x32xf32, #tpu.memory_space<vmem>>) target(%dma_start3A_448 : memref<512x32xf32, #tpu.memory_space<hbm>>) target_semaphore(%arg11 : memref<!tpu.dma_semaphore, #tpu.memory_space<semaphore_mem>>)
    %dma_wait3A_449 = arith.constant 15 : i32
    %dma_wait3A_450 = arith.constant 0 : i32
    %dma_wait3A_451 = tpu.memref_slice %arg4[%dma_wait3A_449, %mul3A_2, %dma_wait3A_450] : memref<50x16384x32xf32, #tpu.memory_space<hbm>> -> memref<1x512x32xf32, #tpu.memory_space<hbm>>
    %dma_wait3A_452 = tpu.memref_squeeze %dma_wait3A_451 : memref<1x512x32xf32, #tpu.memory_space<hbm>> -> memref<512x32xf32, #tpu.memory_space<hbm>>
    %dma_wait3A_453 = arith.constant 0 : i32
    %dma_wait3A_454 = tpu.memref_slice %arg4[%dma_wait3A_449, %mul3A_2, %dma_wait3A_453] : memref<50x16384x32xf32, #tpu.memory_space<hbm>> -> memref<1x512x32xf32, #tpu.memory_space<hbm>>
    %dma_wait3A_455 = tpu.memref_squeeze %dma_wait3A_454 : memref<1x512x32xf32, #tpu.memory_space<hbm>> -> memref<512x32xf32, #tpu.memory_space<hbm>>
    tpu.wait_dma2 semaphore(%arg11 : memref<!tpu.dma_semaphore, #tpu.memory_space<semaphore_mem>>) src(%arg7 : memref<512x32xf32, #tpu.memory_space<vmem>>) dst(%dma_wait3A_455 : memref<512x32xf32, #tpu.memory_space<hbm>>)
    %dma_start3A_456 = arith.constant 17 : i32
    %dma_start3A_457 = arith.constant 0 : i32
    %dma_start3A_458 = tpu.memref_slice %arg5[%dma_start3A_456, %dma_start3A_457] : memref<50x512xi32, #tpu.memory_space<vmem>> -> memref<1x512xi32, #tpu.memory_space<vmem>>
    %dma_start3A_459 = tpu.memref_squeeze %dma_start3A_458 : memref<1x512xi32, #tpu.memory_space<vmem>> -> memref<512xi32, #tpu.memory_space<vmem>>
    %dma_start3A_460 = arith.constant 0 : i32
    %dma_start3A_461 = arith.constant 0 : i32
    %dma_start3A_462 = tpu.memref_slice %arg2[%dma_start3A_460, %dma_start3A_461] : memref<1000000x32xf32, #tpu.memory_space<hbm>> -> memref<1000000x32xf32, #tpu.memory_space<hbm>>
    tpu.enqueue_indirect_dma source(%dma_start3A_462 : memref<1000000x32xf32, #tpu.memory_space<hbm>>) target(%arg7 : memref<512x32xf32, #tpu.memory_space<vmem>>) offsets(%dma_start3A_459 : memref<512xi32, #tpu.memory_space<vmem>>) semaphore(%arg9 : memref<!tpu.dma_semaphore, #tpu.memory_space<semaphore_mem>>)
    %dma_wait3A_463 = arith.constant 16 : i32
    %dma_wait3A_464 = arith.constant 0 : i32
    %dma_wait3A_465 = tpu.memref_slice %arg5[%dma_wait3A_463, %dma_wait3A_464] : memref<50x512xi32, #tpu.memory_space<vmem>> -> memref<1x512xi32, #tpu.memory_space<vmem>>
    %dma_wait3A_466 = tpu.memref_squeeze %dma_wait3A_465 : memref<1x512xi32, #tpu.memory_space<vmem>> -> memref<512xi32, #tpu.memory_space<vmem>>
    %dma_wait3A_467 = arith.constant 0 : i32
    %dma_wait3A_468 = arith.constant 0 : i32
    %dma_wait3A_469 = tpu.memref_slice %arg2[%dma_wait3A_467, %dma_wait3A_468] : memref<1000000x32xf32, #tpu.memory_space<hbm>> -> memref<1000000x32xf32, #tpu.memory_space<hbm>>
    tpu.wait_indirect_dma semaphore(%arg8 : memref<!tpu.dma_semaphore, #tpu.memory_space<semaphore_mem>>) src(%dma_wait3A_469 : memref<1000000x32xf32, #tpu.memory_space<hbm>>) dst(%arg6 : memref<512x32xf32, #tpu.memory_space<vmem>>)
    %dma_start3A_470 = arith.constant 16 : i32
    %dma_start3A_471 = arith.constant 0 : i32
    %dma_start3A_472 = tpu.memref_slice %arg4[%dma_start3A_470, %mul3A_2, %dma_start3A_471] : memref<50x16384x32xf32, #tpu.memory_space<hbm>> -> memref<1x512x32xf32, #tpu.memory_space<hbm>>
    %dma_start3A_473 = tpu.memref_squeeze %dma_start3A_472 : memref<1x512x32xf32, #tpu.memory_space<hbm>> -> memref<512x32xf32, #tpu.memory_space<hbm>>
    %dma_start3A_474 = arith.constant 0 : i32
    %dma_start3A_475 = tpu.memref_slice %arg4[%dma_start3A_470, %mul3A_2, %dma_start3A_474] : memref<50x16384x32xf32, #tpu.memory_space<hbm>> -> memref<1x512x32xf32, #tpu.memory_space<hbm>>
    %dma_start3A_476 = tpu.memref_squeeze %dma_start3A_475 : memref<1x512x32xf32, #tpu.memory_space<hbm>> -> memref<512x32xf32, #tpu.memory_space<hbm>>
    tpu.enqueue_dma source(%arg6 : memref<512x32xf32, #tpu.memory_space<vmem>>) target(%dma_start3A_476 : memref<512x32xf32, #tpu.memory_space<hbm>>) target_semaphore(%arg10 : memref<!tpu.dma_semaphore, #tpu.memory_space<semaphore_mem>>)
    %dma_wait3A_477 = arith.constant 16 : i32
    %dma_wait3A_478 = arith.constant 0 : i32
    %dma_wait3A_479 = tpu.memref_slice %arg4[%dma_wait3A_477, %mul3A_2, %dma_wait3A_478] : memref<50x16384x32xf32, #tpu.memory_space<hbm>> -> memref<1x512x32xf32, #tpu.memory_space<hbm>>
    %dma_wait3A_480 = tpu.memref_squeeze %dma_wait3A_479 : memref<1x512x32xf32, #tpu.memory_space<hbm>> -> memref<512x32xf32, #tpu.memory_space<hbm>>
    %dma_wait3A_481 = arith.constant 0 : i32
    %dma_wait3A_482 = tpu.memref_slice %arg4[%dma_wait3A_477, %mul3A_2, %dma_wait3A_481] : memref<50x16384x32xf32, #tpu.memory_space<hbm>> -> memref<1x512x32xf32, #tpu.memory_space<hbm>>
    %dma_wait3A_483 = tpu.memref_squeeze %dma_wait3A_482 : memref<1x512x32xf32, #tpu.memory_space<hbm>> -> memref<512x32xf32, #tpu.memory_space<hbm>>
    tpu.wait_dma2 semaphore(%arg10 : memref<!tpu.dma_semaphore, #tpu.memory_space<semaphore_mem>>) src(%arg6 : memref<512x32xf32, #tpu.memory_space<vmem>>) dst(%dma_wait3A_483 : memref<512x32xf32, #tpu.memory_space<hbm>>)
    %dma_start3A_484 = arith.constant 18 : i32
    %dma_start3A_485 = arith.constant 0 : i32
    %dma_start3A_486 = tpu.memref_slice %arg5[%dma_start3A_484, %dma_start3A_485] : memref<50x512xi32, #tpu.memory_space<vmem>> -> memref<1x512xi32, #tpu.memory_space<vmem>>
    %dma_start3A_487 = tpu.memref_squeeze %dma_start3A_486 : memref<1x512xi32, #tpu.memory_space<vmem>> -> memref<512xi32, #tpu.memory_space<vmem>>
    %dma_start3A_488 = arith.constant 0 : i32
    %dma_start3A_489 = arith.constant 0 : i32
    %dma_start3A_490 = tpu.memref_slice %arg2[%dma_start3A_488, %dma_start3A_489] : memref<1000000x32xf32, #tpu.memory_space<hbm>> -> memref<1000000x32xf32, #tpu.memory_space<hbm>>
    tpu.enqueue_indirect_dma source(%dma_start3A_490 : memref<1000000x32xf32, #tpu.memory_space<hbm>>) target(%arg6 : memref<512x32xf32, #tpu.memory_space<vmem>>) offsets(%dma_start3A_487 : memref<512xi32, #tpu.memory_space<vmem>>) semaphore(%arg8 : memref<!tpu.dma_semaphore, #tpu.memory_space<semaphore_mem>>)
    %dma_wait3A_491 = arith.constant 17 : i32
    %dma_wait3A_492 = arith.constant 0 : i32
    %dma_wait3A_493 = tpu.memref_slice %arg5[%dma_wait3A_491, %dma_wait3A_492] : memref<50x512xi32, #tpu.memory_space<vmem>> -> memref<1x512xi32, #tpu.memory_space<vmem>>
    %dma_wait3A_494 = tpu.memref_squeeze %dma_wait3A_493 : memref<1x512xi32, #tpu.memory_space<vmem>> -> memref<512xi32, #tpu.memory_space<vmem>>
    %dma_wait3A_495 = arith.constant 0 : i32
    %dma_wait3A_496 = arith.constant 0 : i32
    %dma_wait3A_497 = tpu.memref_slice %arg2[%dma_wait3A_495, %dma_wait3A_496] : memref<1000000x32xf32, #tpu.memory_space<hbm>> -> memref<1000000x32xf32, #tpu.memory_space<hbm>>
    tpu.wait_indirect_dma semaphore(%arg9 : memref<!tpu.dma_semaphore, #tpu.memory_space<semaphore_mem>>) src(%dma_wait3A_497 : memref<1000000x32xf32, #tpu.memory_space<hbm>>) dst(%arg7 : memref<512x32xf32, #tpu.memory_space<vmem>>)
    %dma_start3A_498 = arith.constant 17 : i32
    %dma_start3A_499 = arith.constant 0 : i32
    %dma_start3A_500 = tpu.memref_slice %arg4[%dma_start3A_498, %mul3A_2, %dma_start3A_499] : memref<50x16384x32xf32, #tpu.memory_space<hbm>> -> memref<1x512x32xf32, #tpu.memory_space<hbm>>
    %dma_start3A_501 = tpu.memref_squeeze %dma_start3A_500 : memref<1x512x32xf32, #tpu.memory_space<hbm>> -> memref<512x32xf32, #tpu.memory_space<hbm>>
    %dma_start3A_502 = arith.constant 0 : i32
    %dma_start3A_503 = tpu.memref_slice %arg4[%dma_start3A_498, %mul3A_2, %dma_start3A_502] : memref<50x16384x32xf32, #tpu.memory_space<hbm>> -> memref<1x512x32xf32, #tpu.memory_space<hbm>>
    %dma_start3A_504 = tpu.memref_squeeze %dma_start3A_503 : memref<1x512x32xf32, #tpu.memory_space<hbm>> -> memref<512x32xf32, #tpu.memory_space<hbm>>
    tpu.enqueue_dma source(%arg7 : memref<512x32xf32, #tpu.memory_space<vmem>>) target(%dma_start3A_504 : memref<512x32xf32, #tpu.memory_space<hbm>>) target_semaphore(%arg11 : memref<!tpu.dma_semaphore, #tpu.memory_space<semaphore_mem>>)
    %dma_wait3A_505 = arith.constant 17 : i32
    %dma_wait3A_506 = arith.constant 0 : i32
    %dma_wait3A_507 = tpu.memref_slice %arg4[%dma_wait3A_505, %mul3A_2, %dma_wait3A_506] : memref<50x16384x32xf32, #tpu.memory_space<hbm>> -> memref<1x512x32xf32, #tpu.memory_space<hbm>>
    %dma_wait3A_508 = tpu.memref_squeeze %dma_wait3A_507 : memref<1x512x32xf32, #tpu.memory_space<hbm>> -> memref<512x32xf32, #tpu.memory_space<hbm>>
    %dma_wait3A_509 = arith.constant 0 : i32
    %dma_wait3A_510 = tpu.memref_slice %arg4[%dma_wait3A_505, %mul3A_2, %dma_wait3A_509] : memref<50x16384x32xf32, #tpu.memory_space<hbm>> -> memref<1x512x32xf32, #tpu.memory_space<hbm>>
    %dma_wait3A_511 = tpu.memref_squeeze %dma_wait3A_510 : memref<1x512x32xf32, #tpu.memory_space<hbm>> -> memref<512x32xf32, #tpu.memory_space<hbm>>
    tpu.wait_dma2 semaphore(%arg11 : memref<!tpu.dma_semaphore, #tpu.memory_space<semaphore_mem>>) src(%arg7 : memref<512x32xf32, #tpu.memory_space<vmem>>) dst(%dma_wait3A_511 : memref<512x32xf32, #tpu.memory_space<hbm>>)
    %dma_start3A_512 = arith.constant 19 : i32
    %dma_start3A_513 = arith.constant 0 : i32
    %dma_start3A_514 = tpu.memref_slice %arg5[%dma_start3A_512, %dma_start3A_513] : memref<50x512xi32, #tpu.memory_space<vmem>> -> memref<1x512xi32, #tpu.memory_space<vmem>>
    %dma_start3A_515 = tpu.memref_squeeze %dma_start3A_514 : memref<1x512xi32, #tpu.memory_space<vmem>> -> memref<512xi32, #tpu.memory_space<vmem>>
    %dma_start3A_516 = arith.constant 0 : i32
    %dma_start3A_517 = arith.constant 0 : i32
    %dma_start3A_518 = tpu.memref_slice %arg2[%dma_start3A_516, %dma_start3A_517] : memref<1000000x32xf32, #tpu.memory_space<hbm>> -> memref<1000000x32xf32, #tpu.memory_space<hbm>>
    tpu.enqueue_indirect_dma source(%dma_start3A_518 : memref<1000000x32xf32, #tpu.memory_space<hbm>>) target(%arg7 : memref<512x32xf32, #tpu.memory_space<vmem>>) offsets(%dma_start3A_515 : memref<512xi32, #tpu.memory_space<vmem>>) semaphore(%arg9 : memref<!tpu.dma_semaphore, #tpu.memory_space<semaphore_mem>>)
    %dma_wait3A_519 = arith.constant 18 : i32
    %dma_wait3A_520 = arith.constant 0 : i32
    %dma_wait3A_521 = tpu.memref_slice %arg5[%dma_wait3A_519, %dma_wait3A_520] : memref<50x512xi32, #tpu.memory_space<vmem>> -> memref<1x512xi32, #tpu.memory_space<vmem>>
    %dma_wait3A_522 = tpu.memref_squeeze %dma_wait3A_521 : memref<1x512xi32, #tpu.memory_space<vmem>> -> memref<512xi32, #tpu.memory_space<vmem>>
    %dma_wait3A_523 = arith.constant 0 : i32
    %dma_wait3A_524 = arith.constant 0 : i32
    %dma_wait3A_525 = tpu.memref_slice %arg2[%dma_wait3A_523, %dma_wait3A_524] : memref<1000000x32xf32, #tpu.memory_space<hbm>> -> memref<1000000x32xf32, #tpu.memory_space<hbm>>
    tpu.wait_indirect_dma semaphore(%arg8 : memref<!tpu.dma_semaphore, #tpu.memory_space<semaphore_mem>>) src(%dma_wait3A_525 : memref<1000000x32xf32, #tpu.memory_space<hbm>>) dst(%arg6 : memref<512x32xf32, #tpu.memory_space<vmem>>)
    %dma_start3A_526 = arith.constant 18 : i32
    %dma_start3A_527 = arith.constant 0 : i32
    %dma_start3A_528 = tpu.memref_slice %arg4[%dma_start3A_526, %mul3A_2, %dma_start3A_527] : memref<50x16384x32xf32, #tpu.memory_space<hbm>> -> memref<1x512x32xf32, #tpu.memory_space<hbm>>
    %dma_start3A_529 = tpu.memref_squeeze %dma_start3A_528 : memref<1x512x32xf32, #tpu.memory_space<hbm>> -> memref<512x32xf32, #tpu.memory_space<hbm>>
    %dma_start3A_530 = arith.constant 0 : i32
    %dma_start3A_531 = tpu.memref_slice %arg4[%dma_start3A_526, %mul3A_2, %dma_start3A_530] : memref<50x16384x32xf32, #tpu.memory_space<hbm>> -> memref<1x512x32xf32, #tpu.memory_space<hbm>>
    %dma_start3A_532 = tpu.memref_squeeze %dma_start3A_531 : memref<1x512x32xf32, #tpu.memory_space<hbm>> -> memref<512x32xf32, #tpu.memory_space<hbm>>
    tpu.enqueue_dma source(%arg6 : memref<512x32xf32, #tpu.memory_space<vmem>>) target(%dma_start3A_532 : memref<512x32xf32, #tpu.memory_space<hbm>>) target_semaphore(%arg10 : memref<!tpu.dma_semaphore, #tpu.memory_space<semaphore_mem>>)
    %dma_wait3A_533 = arith.constant 18 : i32
    %dma_wait3A_534 = arith.constant 0 : i32
    %dma_wait3A_535 = tpu.memref_slice %arg4[%dma_wait3A_533, %mul3A_2, %dma_wait3A_534] : memref<50x16384x32xf32, #tpu.memory_space<hbm>> -> memref<1x512x32xf32, #tpu.memory_space<hbm>>
    %dma_wait3A_536 = tpu.memref_squeeze %dma_wait3A_535 : memref<1x512x32xf32, #tpu.memory_space<hbm>> -> memref<512x32xf32, #tpu.memory_space<hbm>>
    %dma_wait3A_537 = arith.constant 0 : i32
    %dma_wait3A_538 = tpu.memref_slice %arg4[%dma_wait3A_533, %mul3A_2, %dma_wait3A_537] : memref<50x16384x32xf32, #tpu.memory_space<hbm>> -> memref<1x512x32xf32, #tpu.memory_space<hbm>>
    %dma_wait3A_539 = tpu.memref_squeeze %dma_wait3A_538 : memref<1x512x32xf32, #tpu.memory_space<hbm>> -> memref<512x32xf32, #tpu.memory_space<hbm>>
    tpu.wait_dma2 semaphore(%arg10 : memref<!tpu.dma_semaphore, #tpu.memory_space<semaphore_mem>>) src(%arg6 : memref<512x32xf32, #tpu.memory_space<vmem>>) dst(%dma_wait3A_539 : memref<512x32xf32, #tpu.memory_space<hbm>>)
    %dma_start3A_540 = arith.constant 20 : i32
    %dma_start3A_541 = arith.constant 0 : i32
    %dma_start3A_542 = tpu.memref_slice %arg5[%dma_start3A_540, %dma_start3A_541] : memref<50x512xi32, #tpu.memory_space<vmem>> -> memref<1x512xi32, #tpu.memory_space<vmem>>
    %dma_start3A_543 = tpu.memref_squeeze %dma_start3A_542 : memref<1x512xi32, #tpu.memory_space<vmem>> -> memref<512xi32, #tpu.memory_space<vmem>>
    %dma_start3A_544 = arith.constant 0 : i32
    %dma_start3A_545 = arith.constant 0 : i32
    %dma_start3A_546 = tpu.memref_slice %arg2[%dma_start3A_544, %dma_start3A_545] : memref<1000000x32xf32, #tpu.memory_space<hbm>> -> memref<1000000x32xf32, #tpu.memory_space<hbm>>
    tpu.enqueue_indirect_dma source(%dma_start3A_546 : memref<1000000x32xf32, #tpu.memory_space<hbm>>) target(%arg6 : memref<512x32xf32, #tpu.memory_space<vmem>>) offsets(%dma_start3A_543 : memref<512xi32, #tpu.memory_space<vmem>>) semaphore(%arg8 : memref<!tpu.dma_semaphore, #tpu.memory_space<semaphore_mem>>)
    %dma_wait3A_547 = arith.constant 19 : i32
    %dma_wait3A_548 = arith.constant 0 : i32
    %dma_wait3A_549 = tpu.memref_slice %arg5[%dma_wait3A_547, %dma_wait3A_548] : memref<50x512xi32, #tpu.memory_space<vmem>> -> memref<1x512xi32, #tpu.memory_space<vmem>>
    %dma_wait3A_550 = tpu.memref_squeeze %dma_wait3A_549 : memref<1x512xi32, #tpu.memory_space<vmem>> -> memref<512xi32, #tpu.memory_space<vmem>>
    %dma_wait3A_551 = arith.constant 0 : i32
    %dma_wait3A_552 = arith.constant 0 : i32
    %dma_wait3A_553 = tpu.memref_slice %arg2[%dma_wait3A_551, %dma_wait3A_552] : memref<1000000x32xf32, #tpu.memory_space<hbm>> -> memref<1000000x32xf32, #tpu.memory_space<hbm>>
    tpu.wait_indirect_dma semaphore(%arg9 : memref<!tpu.dma_semaphore, #tpu.memory_space<semaphore_mem>>) src(%dma_wait3A_553 : memref<1000000x32xf32, #tpu.memory_space<hbm>>) dst(%arg7 : memref<512x32xf32, #tpu.memory_space<vmem>>)
    %dma_start3A_554 = arith.constant 19 : i32
    %dma_start3A_555 = arith.constant 0 : i32
    %dma_start3A_556 = tpu.memref_slice %arg4[%dma_start3A_554, %mul3A_2, %dma_start3A_555] : memref<50x16384x32xf32, #tpu.memory_space<hbm>> -> memref<1x512x32xf32, #tpu.memory_space<hbm>>
    %dma_start3A_557 = tpu.memref_squeeze %dma_start3A_556 : memref<1x512x32xf32, #tpu.memory_space<hbm>> -> memref<512x32xf32, #tpu.memory_space<hbm>>
    %dma_start3A_558 = arith.constant 0 : i32
    %dma_start3A_559 = tpu.memref_slice %arg4[%dma_start3A_554, %mul3A_2, %dma_start3A_558] : memref<50x16384x32xf32, #tpu.memory_space<hbm>> -> memref<1x512x32xf32, #tpu.memory_space<hbm>>
    %dma_start3A_560 = tpu.memref_squeeze %dma_start3A_559 : memref<1x512x32xf32, #tpu.memory_space<hbm>> -> memref<512x32xf32, #tpu.memory_space<hbm>>
    tpu.enqueue_dma source(%arg7 : memref<512x32xf32, #tpu.memory_space<vmem>>) target(%dma_start3A_560 : memref<512x32xf32, #tpu.memory_space<hbm>>) target_semaphore(%arg11 : memref<!tpu.dma_semaphore, #tpu.memory_space<semaphore_mem>>)
    %dma_wait3A_561 = arith.constant 19 : i32
    %dma_wait3A_562 = arith.constant 0 : i32
    %dma_wait3A_563 = tpu.memref_slice %arg4[%dma_wait3A_561, %mul3A_2, %dma_wait3A_562] : memref<50x16384x32xf32, #tpu.memory_space<hbm>> -> memref<1x512x32xf32, #tpu.memory_space<hbm>>
    %dma_wait3A_564 = tpu.memref_squeeze %dma_wait3A_563 : memref<1x512x32xf32, #tpu.memory_space<hbm>> -> memref<512x32xf32, #tpu.memory_space<hbm>>
    %dma_wait3A_565 = arith.constant 0 : i32
    %dma_wait3A_566 = tpu.memref_slice %arg4[%dma_wait3A_561, %mul3A_2, %dma_wait3A_565] : memref<50x16384x32xf32, #tpu.memory_space<hbm>> -> memref<1x512x32xf32, #tpu.memory_space<hbm>>
    %dma_wait3A_567 = tpu.memref_squeeze %dma_wait3A_566 : memref<1x512x32xf32, #tpu.memory_space<hbm>> -> memref<512x32xf32, #tpu.memory_space<hbm>>
    tpu.wait_dma2 semaphore(%arg11 : memref<!tpu.dma_semaphore, #tpu.memory_space<semaphore_mem>>) src(%arg7 : memref<512x32xf32, #tpu.memory_space<vmem>>) dst(%dma_wait3A_567 : memref<512x32xf32, #tpu.memory_space<hbm>>)
    %dma_start3A_568 = arith.constant 21 : i32
    %dma_start3A_569 = arith.constant 0 : i32
    %dma_start3A_570 = tpu.memref_slice %arg5[%dma_start3A_568, %dma_start3A_569] : memref<50x512xi32, #tpu.memory_space<vmem>> -> memref<1x512xi32, #tpu.memory_space<vmem>>
    %dma_start3A_571 = tpu.memref_squeeze %dma_start3A_570 : memref<1x512xi32, #tpu.memory_space<vmem>> -> memref<512xi32, #tpu.memory_space<vmem>>
    %dma_start3A_572 = arith.constant 0 : i32
    %dma_start3A_573 = arith.constant 0 : i32
    %dma_start3A_574 = tpu.memref_slice %arg2[%dma_start3A_572, %dma_start3A_573] : memref<1000000x32xf32, #tpu.memory_space<hbm>> -> memref<1000000x32xf32, #tpu.memory_space<hbm>>
    tpu.enqueue_indirect_dma source(%dma_start3A_574 : memref<1000000x32xf32, #tpu.memory_space<hbm>>) target(%arg7 : memref<512x32xf32, #tpu.memory_space<vmem>>) offsets(%dma_start3A_571 : memref<512xi32, #tpu.memory_space<vmem>>) semaphore(%arg9 : memref<!tpu.dma_semaphore, #tpu.memory_space<semaphore_mem>>)
    %dma_wait3A_575 = arith.constant 20 : i32
    %dma_wait3A_576 = arith.constant 0 : i32
    %dma_wait3A_577 = tpu.memref_slice %arg5[%dma_wait3A_575, %dma_wait3A_576] : memref<50x512xi32, #tpu.memory_space<vmem>> -> memref<1x512xi32, #tpu.memory_space<vmem>>
    %dma_wait3A_578 = tpu.memref_squeeze %dma_wait3A_577 : memref<1x512xi32, #tpu.memory_space<vmem>> -> memref<512xi32, #tpu.memory_space<vmem>>
    %dma_wait3A_579 = arith.constant 0 : i32
    %dma_wait3A_580 = arith.constant 0 : i32
    %dma_wait3A_581 = tpu.memref_slice %arg2[%dma_wait3A_579, %dma_wait3A_580] : memref<1000000x32xf32, #tpu.memory_space<hbm>> -> memref<1000000x32xf32, #tpu.memory_space<hbm>>
    tpu.wait_indirect_dma semaphore(%arg8 : memref<!tpu.dma_semaphore, #tpu.memory_space<semaphore_mem>>) src(%dma_wait3A_581 : memref<1000000x32xf32, #tpu.memory_space<hbm>>) dst(%arg6 : memref<512x32xf32, #tpu.memory_space<vmem>>)
    %dma_start3A_582 = arith.constant 20 : i32
    %dma_start3A_583 = arith.constant 0 : i32
    %dma_start3A_584 = tpu.memref_slice %arg4[%dma_start3A_582, %mul3A_2, %dma_start3A_583] : memref<50x16384x32xf32, #tpu.memory_space<hbm>> -> memref<1x512x32xf32, #tpu.memory_space<hbm>>
    %dma_start3A_585 = tpu.memref_squeeze %dma_start3A_584 : memref<1x512x32xf32, #tpu.memory_space<hbm>> -> memref<512x32xf32, #tpu.memory_space<hbm>>
    %dma_start3A_586 = arith.constant 0 : i32
    %dma_start3A_587 = tpu.memref_slice %arg4[%dma_start3A_582, %mul3A_2, %dma_start3A_586] : memref<50x16384x32xf32, #tpu.memory_space<hbm>> -> memref<1x512x32xf32, #tpu.memory_space<hbm>>
    %dma_start3A_588 = tpu.memref_squeeze %dma_start3A_587 : memref<1x512x32xf32, #tpu.memory_space<hbm>> -> memref<512x32xf32, #tpu.memory_space<hbm>>
    tpu.enqueue_dma source(%arg6 : memref<512x32xf32, #tpu.memory_space<vmem>>) target(%dma_start3A_588 : memref<512x32xf32, #tpu.memory_space<hbm>>) target_semaphore(%arg10 : memref<!tpu.dma_semaphore, #tpu.memory_space<semaphore_mem>>)
    %dma_wait3A_589 = arith.constant 20 : i32
    %dma_wait3A_590 = arith.constant 0 : i32
    %dma_wait3A_591 = tpu.memref_slice %arg4[%dma_wait3A_589, %mul3A_2, %dma_wait3A_590] : memref<50x16384x32xf32, #tpu.memory_space<hbm>> -> memref<1x512x32xf32, #tpu.memory_space<hbm>>
    %dma_wait3A_592 = tpu.memref_squeeze %dma_wait3A_591 : memref<1x512x32xf32, #tpu.memory_space<hbm>> -> memref<512x32xf32, #tpu.memory_space<hbm>>
    %dma_wait3A_593 = arith.constant 0 : i32
    %dma_wait3A_594 = tpu.memref_slice %arg4[%dma_wait3A_589, %mul3A_2, %dma_wait3A_593] : memref<50x16384x32xf32, #tpu.memory_space<hbm>> -> memref<1x512x32xf32, #tpu.memory_space<hbm>>
    %dma_wait3A_595 = tpu.memref_squeeze %dma_wait3A_594 : memref<1x512x32xf32, #tpu.memory_space<hbm>> -> memref<512x32xf32, #tpu.memory_space<hbm>>
    tpu.wait_dma2 semaphore(%arg10 : memref<!tpu.dma_semaphore, #tpu.memory_space<semaphore_mem>>) src(%arg6 : memref<512x32xf32, #tpu.memory_space<vmem>>) dst(%dma_wait3A_595 : memref<512x32xf32, #tpu.memory_space<hbm>>)
    %dma_start3A_596 = arith.constant 22 : i32
    %dma_start3A_597 = arith.constant 0 : i32
    %dma_start3A_598 = tpu.memref_slice %arg5[%dma_start3A_596, %dma_start3A_597] : memref<50x512xi32, #tpu.memory_space<vmem>> -> memref<1x512xi32, #tpu.memory_space<vmem>>
    %dma_start3A_599 = tpu.memref_squeeze %dma_start3A_598 : memref<1x512xi32, #tpu.memory_space<vmem>> -> memref<512xi32, #tpu.memory_space<vmem>>
    %dma_start3A_600 = arith.constant 0 : i32
    %dma_start3A_601 = arith.constant 0 : i32
    %dma_start3A_602 = tpu.memref_slice %arg2[%dma_start3A_600, %dma_start3A_601] : memref<1000000x32xf32, #tpu.memory_space<hbm>> -> memref<1000000x32xf32, #tpu.memory_space<hbm>>
    tpu.enqueue_indirect_dma source(%dma_start3A_602 : memref<1000000x32xf32, #tpu.memory_space<hbm>>) target(%arg6 : memref<512x32xf32, #tpu.memory_space<vmem>>) offsets(%dma_start3A_599 : memref<512xi32, #tpu.memory_space<vmem>>) semaphore(%arg8 : memref<!tpu.dma_semaphore, #tpu.memory_space<semaphore_mem>>)
    %dma_wait3A_603 = arith.constant 21 : i32
    %dma_wait3A_604 = arith.constant 0 : i32
    %dma_wait3A_605 = tpu.memref_slice %arg5[%dma_wait3A_603, %dma_wait3A_604] : memref<50x512xi32, #tpu.memory_space<vmem>> -> memref<1x512xi32, #tpu.memory_space<vmem>>
    %dma_wait3A_606 = tpu.memref_squeeze %dma_wait3A_605 : memref<1x512xi32, #tpu.memory_space<vmem>> -> memref<512xi32, #tpu.memory_space<vmem>>
    %dma_wait3A_607 = arith.constant 0 : i32
    %dma_wait3A_608 = arith.constant 0 : i32
    %dma_wait3A_609 = tpu.memref_slice %arg2[%dma_wait3A_607, %dma_wait3A_608] : memref<1000000x32xf32, #tpu.memory_space<hbm>> -> memref<1000000x32xf32, #tpu.memory_space<hbm>>
    tpu.wait_indirect_dma semaphore(%arg9 : memref<!tpu.dma_semaphore, #tpu.memory_space<semaphore_mem>>) src(%dma_wait3A_609 : memref<1000000x32xf32, #tpu.memory_space<hbm>>) dst(%arg7 : memref<512x32xf32, #tpu.memory_space<vmem>>)
    %dma_start3A_610 = arith.constant 21 : i32
    %dma_start3A_611 = arith.constant 0 : i32
    %dma_start3A_612 = tpu.memref_slice %arg4[%dma_start3A_610, %mul3A_2, %dma_start3A_611] : memref<50x16384x32xf32, #tpu.memory_space<hbm>> -> memref<1x512x32xf32, #tpu.memory_space<hbm>>
    %dma_start3A_613 = tpu.memref_squeeze %dma_start3A_612 : memref<1x512x32xf32, #tpu.memory_space<hbm>> -> memref<512x32xf32, #tpu.memory_space<hbm>>
    %dma_start3A_614 = arith.constant 0 : i32
    %dma_start3A_615 = tpu.memref_slice %arg4[%dma_start3A_610, %mul3A_2, %dma_start3A_614] : memref<50x16384x32xf32, #tpu.memory_space<hbm>> -> memref<1x512x32xf32, #tpu.memory_space<hbm>>
    %dma_start3A_616 = tpu.memref_squeeze %dma_start3A_615 : memref<1x512x32xf32, #tpu.memory_space<hbm>> -> memref<512x32xf32, #tpu.memory_space<hbm>>
    tpu.enqueue_dma source(%arg7 : memref<512x32xf32, #tpu.memory_space<vmem>>) target(%dma_start3A_616 : memref<512x32xf32, #tpu.memory_space<hbm>>) target_semaphore(%arg11 : memref<!tpu.dma_semaphore, #tpu.memory_space<semaphore_mem>>)
    %dma_wait3A_617 = arith.constant 21 : i32
    %dma_wait3A_618 = arith.constant 0 : i32
    %dma_wait3A_619 = tpu.memref_slice %arg4[%dma_wait3A_617, %mul3A_2, %dma_wait3A_618] : memref<50x16384x32xf32, #tpu.memory_space<hbm>> -> memref<1x512x32xf32, #tpu.memory_space<hbm>>
    %dma_wait3A_620 = tpu.memref_squeeze %dma_wait3A_619 : memref<1x512x32xf32, #tpu.memory_space<hbm>> -> memref<512x32xf32, #tpu.memory_space<hbm>>
    %dma_wait3A_621 = arith.constant 0 : i32
    %dma_wait3A_622 = tpu.memref_slice %arg4[%dma_wait3A_617, %mul3A_2, %dma_wait3A_621] : memref<50x16384x32xf32, #tpu.memory_space<hbm>> -> memref<1x512x32xf32, #tpu.memory_space<hbm>>
    %dma_wait3A_623 = tpu.memref_squeeze %dma_wait3A_622 : memref<1x512x32xf32, #tpu.memory_space<hbm>> -> memref<512x32xf32, #tpu.memory_space<hbm>>
    tpu.wait_dma2 semaphore(%arg11 : memref<!tpu.dma_semaphore, #tpu.memory_space<semaphore_mem>>) src(%arg7 : memref<512x32xf32, #tpu.memory_space<vmem>>) dst(%dma_wait3A_623 : memref<512x32xf32, #tpu.memory_space<hbm>>)
    %dma_start3A_624 = arith.constant 23 : i32
    %dma_start3A_625 = arith.constant 0 : i32
    %dma_start3A_626 = tpu.memref_slice %arg5[%dma_start3A_624, %dma_start3A_625] : memref<50x512xi32, #tpu.memory_space<vmem>> -> memref<1x512xi32, #tpu.memory_space<vmem>>
    %dma_start3A_627 = tpu.memref_squeeze %dma_start3A_626 : memref<1x512xi32, #tpu.memory_space<vmem>> -> memref<512xi32, #tpu.memory_space<vmem>>
    %dma_start3A_628 = arith.constant 0 : i32
    %dma_start3A_629 = arith.constant 0 : i32
    %dma_start3A_630 = tpu.memref_slice %arg2[%dma_start3A_628, %dma_start3A_629] : memref<1000000x32xf32, #tpu.memory_space<hbm>> -> memref<1000000x32xf32, #tpu.memory_space<hbm>>
    tpu.enqueue_indirect_dma source(%dma_start3A_630 : memref<1000000x32xf32, #tpu.memory_space<hbm>>) target(%arg7 : memref<512x32xf32, #tpu.memory_space<vmem>>) offsets(%dma_start3A_627 : memref<512xi32, #tpu.memory_space<vmem>>) semaphore(%arg9 : memref<!tpu.dma_semaphore, #tpu.memory_space<semaphore_mem>>)
    %dma_wait3A_631 = arith.constant 22 : i32
    %dma_wait3A_632 = arith.constant 0 : i32
    %dma_wait3A_633 = tpu.memref_slice %arg5[%dma_wait3A_631, %dma_wait3A_632] : memref<50x512xi32, #tpu.memory_space<vmem>> -> memref<1x512xi32, #tpu.memory_space<vmem>>
    %dma_wait3A_634 = tpu.memref_squeeze %dma_wait3A_633 : memref<1x512xi32, #tpu.memory_space<vmem>> -> memref<512xi32, #tpu.memory_space<vmem>>
    %dma_wait3A_635 = arith.constant 0 : i32
    %dma_wait3A_636 = arith.constant 0 : i32
    %dma_wait3A_637 = tpu.memref_slice %arg2[%dma_wait3A_635, %dma_wait3A_636] : memref<1000000x32xf32, #tpu.memory_space<hbm>> -> memref<1000000x32xf32, #tpu.memory_space<hbm>>
    tpu.wait_indirect_dma semaphore(%arg8 : memref<!tpu.dma_semaphore, #tpu.memory_space<semaphore_mem>>) src(%dma_wait3A_637 : memref<1000000x32xf32, #tpu.memory_space<hbm>>) dst(%arg6 : memref<512x32xf32, #tpu.memory_space<vmem>>)
    %dma_start3A_638 = arith.constant 22 : i32
    %dma_start3A_639 = arith.constant 0 : i32
    %dma_start3A_640 = tpu.memref_slice %arg4[%dma_start3A_638, %mul3A_2, %dma_start3A_639] : memref<50x16384x32xf32, #tpu.memory_space<hbm>> -> memref<1x512x32xf32, #tpu.memory_space<hbm>>
    %dma_start3A_641 = tpu.memref_squeeze %dma_start3A_640 : memref<1x512x32xf32, #tpu.memory_space<hbm>> -> memref<512x32xf32, #tpu.memory_space<hbm>>
    %dma_start3A_642 = arith.constant 0 : i32
    %dma_start3A_643 = tpu.memref_slice %arg4[%dma_start3A_638, %mul3A_2, %dma_start3A_642] : memref<50x16384x32xf32, #tpu.memory_space<hbm>> -> memref<1x512x32xf32, #tpu.memory_space<hbm>>
    %dma_start3A_644 = tpu.memref_squeeze %dma_start3A_643 : memref<1x512x32xf32, #tpu.memory_space<hbm>> -> memref<512x32xf32, #tpu.memory_space<hbm>>
    tpu.enqueue_dma source(%arg6 : memref<512x32xf32, #tpu.memory_space<vmem>>) target(%dma_start3A_644 : memref<512x32xf32, #tpu.memory_space<hbm>>) target_semaphore(%arg10 : memref<!tpu.dma_semaphore, #tpu.memory_space<semaphore_mem>>)
    %dma_wait3A_645 = arith.constant 22 : i32
    %dma_wait3A_646 = arith.constant 0 : i32
    %dma_wait3A_647 = tpu.memref_slice %arg4[%dma_wait3A_645, %mul3A_2, %dma_wait3A_646] : memref<50x16384x32xf32, #tpu.memory_space<hbm>> -> memref<1x512x32xf32, #tpu.memory_space<hbm>>
    %dma_wait3A_648 = tpu.memref_squeeze %dma_wait3A_647 : memref<1x512x32xf32, #tpu.memory_space<hbm>> -> memref<512x32xf32, #tpu.memory_space<hbm>>
    %dma_wait3A_649 = arith.constant 0 : i32
    %dma_wait3A_650 = tpu.memref_slice %arg4[%dma_wait3A_645, %mul3A_2, %dma_wait3A_649] : memref<50x16384x32xf32, #tpu.memory_space<hbm>> -> memref<1x512x32xf32, #tpu.memory_space<hbm>>
    %dma_wait3A_651 = tpu.memref_squeeze %dma_wait3A_650 : memref<1x512x32xf32, #tpu.memory_space<hbm>> -> memref<512x32xf32, #tpu.memory_space<hbm>>
    tpu.wait_dma2 semaphore(%arg10 : memref<!tpu.dma_semaphore, #tpu.memory_space<semaphore_mem>>) src(%arg6 : memref<512x32xf32, #tpu.memory_space<vmem>>) dst(%dma_wait3A_651 : memref<512x32xf32, #tpu.memory_space<hbm>>)
    %dma_start3A_652 = arith.constant 24 : i32
    %dma_start3A_653 = arith.constant 0 : i32
    %dma_start3A_654 = tpu.memref_slice %arg5[%dma_start3A_652, %dma_start3A_653] : memref<50x512xi32, #tpu.memory_space<vmem>> -> memref<1x512xi32, #tpu.memory_space<vmem>>
    %dma_start3A_655 = tpu.memref_squeeze %dma_start3A_654 : memref<1x512xi32, #tpu.memory_space<vmem>> -> memref<512xi32, #tpu.memory_space<vmem>>
    %dma_start3A_656 = arith.constant 0 : i32
    %dma_start3A_657 = arith.constant 0 : i32
    %dma_start3A_658 = tpu.memref_slice %arg2[%dma_start3A_656, %dma_start3A_657] : memref<1000000x32xf32, #tpu.memory_space<hbm>> -> memref<1000000x32xf32, #tpu.memory_space<hbm>>
    tpu.enqueue_indirect_dma source(%dma_start3A_658 : memref<1000000x32xf32, #tpu.memory_space<hbm>>) target(%arg6 : memref<512x32xf32, #tpu.memory_space<vmem>>) offsets(%dma_start3A_655 : memref<512xi32, #tpu.memory_space<vmem>>) semaphore(%arg8 : memref<!tpu.dma_semaphore, #tpu.memory_space<semaphore_mem>>)
    %dma_wait3A_659 = arith.constant 23 : i32
    %dma_wait3A_660 = arith.constant 0 : i32
    %dma_wait3A_661 = tpu.memref_slice %arg5[%dma_wait3A_659, %dma_wait3A_660] : memref<50x512xi32, #tpu.memory_space<vmem>> -> memref<1x512xi32, #tpu.memory_space<vmem>>
    %dma_wait3A_662 = tpu.memref_squeeze %dma_wait3A_661 : memref<1x512xi32, #tpu.memory_space<vmem>> -> memref<512xi32, #tpu.memory_space<vmem>>
    %dma_wait3A_663 = arith.constant 0 : i32
    %dma_wait3A_664 = arith.constant 0 : i32
    %dma_wait3A_665 = tpu.memref_slice %arg2[%dma_wait3A_663, %dma_wait3A_664] : memref<1000000x32xf32, #tpu.memory_space<hbm>> -> memref<1000000x32xf32, #tpu.memory_space<hbm>>
    tpu.wait_indirect_dma semaphore(%arg9 : memref<!tpu.dma_semaphore, #tpu.memory_space<semaphore_mem>>) src(%dma_wait3A_665 : memref<1000000x32xf32, #tpu.memory_space<hbm>>) dst(%arg7 : memref<512x32xf32, #tpu.memory_space<vmem>>)
    %dma_start3A_666 = arith.constant 23 : i32
    %dma_start3A_667 = arith.constant 0 : i32
    %dma_start3A_668 = tpu.memref_slice %arg4[%dma_start3A_666, %mul3A_2, %dma_start3A_667] : memref<50x16384x32xf32, #tpu.memory_space<hbm>> -> memref<1x512x32xf32, #tpu.memory_space<hbm>>
    %dma_start3A_669 = tpu.memref_squeeze %dma_start3A_668 : memref<1x512x32xf32, #tpu.memory_space<hbm>> -> memref<512x32xf32, #tpu.memory_space<hbm>>
    %dma_start3A_670 = arith.constant 0 : i32
    %dma_start3A_671 = tpu.memref_slice %arg4[%dma_start3A_666, %mul3A_2, %dma_start3A_670] : memref<50x16384x32xf32, #tpu.memory_space<hbm>> -> memref<1x512x32xf32, #tpu.memory_space<hbm>>
    %dma_start3A_672 = tpu.memref_squeeze %dma_start3A_671 : memref<1x512x32xf32, #tpu.memory_space<hbm>> -> memref<512x32xf32, #tpu.memory_space<hbm>>
    tpu.enqueue_dma source(%arg7 : memref<512x32xf32, #tpu.memory_space<vmem>>) target(%dma_start3A_672 : memref<512x32xf32, #tpu.memory_space<hbm>>) target_semaphore(%arg11 : memref<!tpu.dma_semaphore, #tpu.memory_space<semaphore_mem>>)
    %dma_wait3A_673 = arith.constant 23 : i32
    %dma_wait3A_674 = arith.constant 0 : i32
    %dma_wait3A_675 = tpu.memref_slice %arg4[%dma_wait3A_673, %mul3A_2, %dma_wait3A_674] : memref<50x16384x32xf32, #tpu.memory_space<hbm>> -> memref<1x512x32xf32, #tpu.memory_space<hbm>>
    %dma_wait3A_676 = tpu.memref_squeeze %dma_wait3A_675 : memref<1x512x32xf32, #tpu.memory_space<hbm>> -> memref<512x32xf32, #tpu.memory_space<hbm>>
    %dma_wait3A_677 = arith.constant 0 : i32
    %dma_wait3A_678 = tpu.memref_slice %arg4[%dma_wait3A_673, %mul3A_2, %dma_wait3A_677] : memref<50x16384x32xf32, #tpu.memory_space<hbm>> -> memref<1x512x32xf32, #tpu.memory_space<hbm>>
    %dma_wait3A_679 = tpu.memref_squeeze %dma_wait3A_678 : memref<1x512x32xf32, #tpu.memory_space<hbm>> -> memref<512x32xf32, #tpu.memory_space<hbm>>
    tpu.wait_dma2 semaphore(%arg11 : memref<!tpu.dma_semaphore, #tpu.memory_space<semaphore_mem>>) src(%arg7 : memref<512x32xf32, #tpu.memory_space<vmem>>) dst(%dma_wait3A_679 : memref<512x32xf32, #tpu.memory_space<hbm>>)
    %dma_start3A_680 = arith.constant 25 : i32
    %dma_start3A_681 = arith.constant 0 : i32
    %dma_start3A_682 = tpu.memref_slice %arg5[%dma_start3A_680, %dma_start3A_681] : memref<50x512xi32, #tpu.memory_space<vmem>> -> memref<1x512xi32, #tpu.memory_space<vmem>>
    %dma_start3A_683 = tpu.memref_squeeze %dma_start3A_682 : memref<1x512xi32, #tpu.memory_space<vmem>> -> memref<512xi32, #tpu.memory_space<vmem>>
    %dma_start3A_684 = arith.constant 0 : i32
    %dma_start3A_685 = arith.constant 0 : i32
    %dma_start3A_686 = tpu.memref_slice %arg2[%dma_start3A_684, %dma_start3A_685] : memref<1000000x32xf32, #tpu.memory_space<hbm>> -> memref<1000000x32xf32, #tpu.memory_space<hbm>>
    tpu.enqueue_indirect_dma source(%dma_start3A_686 : memref<1000000x32xf32, #tpu.memory_space<hbm>>) target(%arg7 : memref<512x32xf32, #tpu.memory_space<vmem>>) offsets(%dma_start3A_683 : memref<512xi32, #tpu.memory_space<vmem>>) semaphore(%arg9 : memref<!tpu.dma_semaphore, #tpu.memory_space<semaphore_mem>>)
    %dma_wait3A_687 = arith.constant 24 : i32
    %dma_wait3A_688 = arith.constant 0 : i32
    %dma_wait3A_689 = tpu.memref_slice %arg5[%dma_wait3A_687, %dma_wait3A_688] : memref<50x512xi32, #tpu.memory_space<vmem>> -> memref<1x512xi32, #tpu.memory_space<vmem>>
    %dma_wait3A_690 = tpu.memref_squeeze %dma_wait3A_689 : memref<1x512xi32, #tpu.memory_space<vmem>> -> memref<512xi32, #tpu.memory_space<vmem>>
    %dma_wait3A_691 = arith.constant 0 : i32
    %dma_wait3A_692 = arith.constant 0 : i32
    %dma_wait3A_693 = tpu.memref_slice %arg2[%dma_wait3A_691, %dma_wait3A_692] : memref<1000000x32xf32, #tpu.memory_space<hbm>> -> memref<1000000x32xf32, #tpu.memory_space<hbm>>
    tpu.wait_indirect_dma semaphore(%arg8 : memref<!tpu.dma_semaphore, #tpu.memory_space<semaphore_mem>>) src(%dma_wait3A_693 : memref<1000000x32xf32, #tpu.memory_space<hbm>>) dst(%arg6 : memref<512x32xf32, #tpu.memory_space<vmem>>)
    %dma_start3A_694 = arith.constant 24 : i32
    %dma_start3A_695 = arith.constant 0 : i32
    %dma_start3A_696 = tpu.memref_slice %arg4[%dma_start3A_694, %mul3A_2, %dma_start3A_695] : memref<50x16384x32xf32, #tpu.memory_space<hbm>> -> memref<1x512x32xf32, #tpu.memory_space<hbm>>
    %dma_start3A_697 = tpu.memref_squeeze %dma_start3A_696 : memref<1x512x32xf32, #tpu.memory_space<hbm>> -> memref<512x32xf32, #tpu.memory_space<hbm>>
    %dma_start3A_698 = arith.constant 0 : i32
    %dma_start3A_699 = tpu.memref_slice %arg4[%dma_start3A_694, %mul3A_2, %dma_start3A_698] : memref<50x16384x32xf32, #tpu.memory_space<hbm>> -> memref<1x512x32xf32, #tpu.memory_space<hbm>>
    %dma_start3A_700 = tpu.memref_squeeze %dma_start3A_699 : memref<1x512x32xf32, #tpu.memory_space<hbm>> -> memref<512x32xf32, #tpu.memory_space<hbm>>
    tpu.enqueue_dma source(%arg6 : memref<512x32xf32, #tpu.memory_space<vmem>>) target(%dma_start3A_700 : memref<512x32xf32, #tpu.memory_space<hbm>>) target_semaphore(%arg10 : memref<!tpu.dma_semaphore, #tpu.memory_space<semaphore_mem>>)
    %dma_wait3A_701 = arith.constant 24 : i32
    %dma_wait3A_702 = arith.constant 0 : i32
    %dma_wait3A_703 = tpu.memref_slice %arg4[%dma_wait3A_701, %mul3A_2, %dma_wait3A_702] : memref<50x16384x32xf32, #tpu.memory_space<hbm>> -> memref<1x512x32xf32, #tpu.memory_space<hbm>>
    %dma_wait3A_704 = tpu.memref_squeeze %dma_wait3A_703 : memref<1x512x32xf32, #tpu.memory_space<hbm>> -> memref<512x32xf32, #tpu.memory_space<hbm>>
    %dma_wait3A_705 = arith.constant 0 : i32
    %dma_wait3A_706 = tpu.memref_slice %arg4[%dma_wait3A_701, %mul3A_2, %dma_wait3A_705] : memref<50x16384x32xf32, #tpu.memory_space<hbm>> -> memref<1x512x32xf32, #tpu.memory_space<hbm>>
    %dma_wait3A_707 = tpu.memref_squeeze %dma_wait3A_706 : memref<1x512x32xf32, #tpu.memory_space<hbm>> -> memref<512x32xf32, #tpu.memory_space<hbm>>
    tpu.wait_dma2 semaphore(%arg10 : memref<!tpu.dma_semaphore, #tpu.memory_space<semaphore_mem>>) src(%arg6 : memref<512x32xf32, #tpu.memory_space<vmem>>) dst(%dma_wait3A_707 : memref<512x32xf32, #tpu.memory_space<hbm>>)
    %dma_start3A_708 = arith.constant 26 : i32
    %dma_start3A_709 = arith.constant 0 : i32
    %dma_start3A_710 = tpu.memref_slice %arg5[%dma_start3A_708, %dma_start3A_709] : memref<50x512xi32, #tpu.memory_space<vmem>> -> memref<1x512xi32, #tpu.memory_space<vmem>>
    %dma_start3A_711 = tpu.memref_squeeze %dma_start3A_710 : memref<1x512xi32, #tpu.memory_space<vmem>> -> memref<512xi32, #tpu.memory_space<vmem>>
    %dma_start3A_712 = arith.constant 0 : i32
    %dma_start3A_713 = arith.constant 0 : i32
    %dma_start3A_714 = tpu.memref_slice %arg2[%dma_start3A_712, %dma_start3A_713] : memref<1000000x32xf32, #tpu.memory_space<hbm>> -> memref<1000000x32xf32, #tpu.memory_space<hbm>>
    tpu.enqueue_indirect_dma source(%dma_start3A_714 : memref<1000000x32xf32, #tpu.memory_space<hbm>>) target(%arg6 : memref<512x32xf32, #tpu.memory_space<vmem>>) offsets(%dma_start3A_711 : memref<512xi32, #tpu.memory_space<vmem>>) semaphore(%arg8 : memref<!tpu.dma_semaphore, #tpu.memory_space<semaphore_mem>>)
    %dma_wait3A_715 = arith.constant 25 : i32
    %dma_wait3A_716 = arith.constant 0 : i32
    %dma_wait3A_717 = tpu.memref_slice %arg5[%dma_wait3A_715, %dma_wait3A_716] : memref<50x512xi32, #tpu.memory_space<vmem>> -> memref<1x512xi32, #tpu.memory_space<vmem>>
    %dma_wait3A_718 = tpu.memref_squeeze %dma_wait3A_717 : memref<1x512xi32, #tpu.memory_space<vmem>> -> memref<512xi32, #tpu.memory_space<vmem>>
    %dma_wait3A_719 = arith.constant 0 : i32
    %dma_wait3A_720 = arith.constant 0 : i32
    %dma_wait3A_721 = tpu.memref_slice %arg2[%dma_wait3A_719, %dma_wait3A_720] : memref<1000000x32xf32, #tpu.memory_space<hbm>> -> memref<1000000x32xf32, #tpu.memory_space<hbm>>
    tpu.wait_indirect_dma semaphore(%arg9 : memref<!tpu.dma_semaphore, #tpu.memory_space<semaphore_mem>>) src(%dma_wait3A_721 : memref<1000000x32xf32, #tpu.memory_space<hbm>>) dst(%arg7 : memref<512x32xf32, #tpu.memory_space<vmem>>)
    %dma_start3A_722 = arith.constant 25 : i32
    %dma_start3A_723 = arith.constant 0 : i32
    %dma_start3A_724 = tpu.memref_slice %arg4[%dma_start3A_722, %mul3A_2, %dma_start3A_723] : memref<50x16384x32xf32, #tpu.memory_space<hbm>> -> memref<1x512x32xf32, #tpu.memory_space<hbm>>
    %dma_start3A_725 = tpu.memref_squeeze %dma_start3A_724 : memref<1x512x32xf32, #tpu.memory_space<hbm>> -> memref<512x32xf32, #tpu.memory_space<hbm>>
    %dma_start3A_726 = arith.constant 0 : i32
    %dma_start3A_727 = tpu.memref_slice %arg4[%dma_start3A_722, %mul3A_2, %dma_start3A_726] : memref<50x16384x32xf32, #tpu.memory_space<hbm>> -> memref<1x512x32xf32, #tpu.memory_space<hbm>>
    %dma_start3A_728 = tpu.memref_squeeze %dma_start3A_727 : memref<1x512x32xf32, #tpu.memory_space<hbm>> -> memref<512x32xf32, #tpu.memory_space<hbm>>
    tpu.enqueue_dma source(%arg7 : memref<512x32xf32, #tpu.memory_space<vmem>>) target(%dma_start3A_728 : memref<512x32xf32, #tpu.memory_space<hbm>>) target_semaphore(%arg11 : memref<!tpu.dma_semaphore, #tpu.memory_space<semaphore_mem>>)
    %dma_wait3A_729 = arith.constant 25 : i32
    %dma_wait3A_730 = arith.constant 0 : i32
    %dma_wait3A_731 = tpu.memref_slice %arg4[%dma_wait3A_729, %mul3A_2, %dma_wait3A_730] : memref<50x16384x32xf32, #tpu.memory_space<hbm>> -> memref<1x512x32xf32, #tpu.memory_space<hbm>>
    %dma_wait3A_732 = tpu.memref_squeeze %dma_wait3A_731 : memref<1x512x32xf32, #tpu.memory_space<hbm>> -> memref<512x32xf32, #tpu.memory_space<hbm>>
    %dma_wait3A_733 = arith.constant 0 : i32
    %dma_wait3A_734 = tpu.memref_slice %arg4[%dma_wait3A_729, %mul3A_2, %dma_wait3A_733] : memref<50x16384x32xf32, #tpu.memory_space<hbm>> -> memref<1x512x32xf32, #tpu.memory_space<hbm>>
    %dma_wait3A_735 = tpu.memref_squeeze %dma_wait3A_734 : memref<1x512x32xf32, #tpu.memory_space<hbm>> -> memref<512x32xf32, #tpu.memory_space<hbm>>
    tpu.wait_dma2 semaphore(%arg11 : memref<!tpu.dma_semaphore, #tpu.memory_space<semaphore_mem>>) src(%arg7 : memref<512x32xf32, #tpu.memory_space<vmem>>) dst(%dma_wait3A_735 : memref<512x32xf32, #tpu.memory_space<hbm>>)
    %dma_start3A_736 = arith.constant 27 : i32
    %dma_start3A_737 = arith.constant 0 : i32
    %dma_start3A_738 = tpu.memref_slice %arg5[%dma_start3A_736, %dma_start3A_737] : memref<50x512xi32, #tpu.memory_space<vmem>> -> memref<1x512xi32, #tpu.memory_space<vmem>>
    %dma_start3A_739 = tpu.memref_squeeze %dma_start3A_738 : memref<1x512xi32, #tpu.memory_space<vmem>> -> memref<512xi32, #tpu.memory_space<vmem>>
    %dma_start3A_740 = arith.constant 0 : i32
    %dma_start3A_741 = arith.constant 0 : i32
    %dma_start3A_742 = tpu.memref_slice %arg2[%dma_start3A_740, %dma_start3A_741] : memref<1000000x32xf32, #tpu.memory_space<hbm>> -> memref<1000000x32xf32, #tpu.memory_space<hbm>>
    tpu.enqueue_indirect_dma source(%dma_start3A_742 : memref<1000000x32xf32, #tpu.memory_space<hbm>>) target(%arg7 : memref<512x32xf32, #tpu.memory_space<vmem>>) offsets(%dma_start3A_739 : memref<512xi32, #tpu.memory_space<vmem>>) semaphore(%arg9 : memref<!tpu.dma_semaphore, #tpu.memory_space<semaphore_mem>>)
    %dma_wait3A_743 = arith.constant 26 : i32
    %dma_wait3A_744 = arith.constant 0 : i32
    %dma_wait3A_745 = tpu.memref_slice %arg5[%dma_wait3A_743, %dma_wait3A_744] : memref<50x512xi32, #tpu.memory_space<vmem>> -> memref<1x512xi32, #tpu.memory_space<vmem>>
    %dma_wait3A_746 = tpu.memref_squeeze %dma_wait3A_745 : memref<1x512xi32, #tpu.memory_space<vmem>> -> memref<512xi32, #tpu.memory_space<vmem>>
    %dma_wait3A_747 = arith.constant 0 : i32
    %dma_wait3A_748 = arith.constant 0 : i32
    %dma_wait3A_749 = tpu.memref_slice %arg2[%dma_wait3A_747, %dma_wait3A_748] : memref<1000000x32xf32, #tpu.memory_space<hbm>> -> memref<1000000x32xf32, #tpu.memory_space<hbm>>
    tpu.wait_indirect_dma semaphore(%arg8 : memref<!tpu.dma_semaphore, #tpu.memory_space<semaphore_mem>>) src(%dma_wait3A_749 : memref<1000000x32xf32, #tpu.memory_space<hbm>>) dst(%arg6 : memref<512x32xf32, #tpu.memory_space<vmem>>)
    %dma_start3A_750 = arith.constant 26 : i32
    %dma_start3A_751 = arith.constant 0 : i32
    %dma_start3A_752 = tpu.memref_slice %arg4[%dma_start3A_750, %mul3A_2, %dma_start3A_751] : memref<50x16384x32xf32, #tpu.memory_space<hbm>> -> memref<1x512x32xf32, #tpu.memory_space<hbm>>
    %dma_start3A_753 = tpu.memref_squeeze %dma_start3A_752 : memref<1x512x32xf32, #tpu.memory_space<hbm>> -> memref<512x32xf32, #tpu.memory_space<hbm>>
    %dma_start3A_754 = arith.constant 0 : i32
    %dma_start3A_755 = tpu.memref_slice %arg4[%dma_start3A_750, %mul3A_2, %dma_start3A_754] : memref<50x16384x32xf32, #tpu.memory_space<hbm>> -> memref<1x512x32xf32, #tpu.memory_space<hbm>>
    %dma_start3A_756 = tpu.memref_squeeze %dma_start3A_755 : memref<1x512x32xf32, #tpu.memory_space<hbm>> -> memref<512x32xf32, #tpu.memory_space<hbm>>
    tpu.enqueue_dma source(%arg6 : memref<512x32xf32, #tpu.memory_space<vmem>>) target(%dma_start3A_756 : memref<512x32xf32, #tpu.memory_space<hbm>>) target_semaphore(%arg10 : memref<!tpu.dma_semaphore, #tpu.memory_space<semaphore_mem>>)
    %dma_wait3A_757 = arith.constant 26 : i32
    %dma_wait3A_758 = arith.constant 0 : i32
    %dma_wait3A_759 = tpu.memref_slice %arg4[%dma_wait3A_757, %mul3A_2, %dma_wait3A_758] : memref<50x16384x32xf32, #tpu.memory_space<hbm>> -> memref<1x512x32xf32, #tpu.memory_space<hbm>>
    %dma_wait3A_760 = tpu.memref_squeeze %dma_wait3A_759 : memref<1x512x32xf32, #tpu.memory_space<hbm>> -> memref<512x32xf32, #tpu.memory_space<hbm>>
    %dma_wait3A_761 = arith.constant 0 : i32
    %dma_wait3A_762 = tpu.memref_slice %arg4[%dma_wait3A_757, %mul3A_2, %dma_wait3A_761] : memref<50x16384x32xf32, #tpu.memory_space<hbm>> -> memref<1x512x32xf32, #tpu.memory_space<hbm>>
    %dma_wait3A_763 = tpu.memref_squeeze %dma_wait3A_762 : memref<1x512x32xf32, #tpu.memory_space<hbm>> -> memref<512x32xf32, #tpu.memory_space<hbm>>
    tpu.wait_dma2 semaphore(%arg10 : memref<!tpu.dma_semaphore, #tpu.memory_space<semaphore_mem>>) src(%arg6 : memref<512x32xf32, #tpu.memory_space<vmem>>) dst(%dma_wait3A_763 : memref<512x32xf32, #tpu.memory_space<hbm>>)
    %dma_start3A_764 = arith.constant 28 : i32
    %dma_start3A_765 = arith.constant 0 : i32
    %dma_start3A_766 = tpu.memref_slice %arg5[%dma_start3A_764, %dma_start3A_765] : memref<50x512xi32, #tpu.memory_space<vmem>> -> memref<1x512xi32, #tpu.memory_space<vmem>>
    %dma_start3A_767 = tpu.memref_squeeze %dma_start3A_766 : memref<1x512xi32, #tpu.memory_space<vmem>> -> memref<512xi32, #tpu.memory_space<vmem>>
    %dma_start3A_768 = arith.constant 0 : i32
    %dma_start3A_769 = arith.constant 0 : i32
    %dma_start3A_770 = tpu.memref_slice %arg2[%dma_start3A_768, %dma_start3A_769] : memref<1000000x32xf32, #tpu.memory_space<hbm>> -> memref<1000000x32xf32, #tpu.memory_space<hbm>>
    tpu.enqueue_indirect_dma source(%dma_start3A_770 : memref<1000000x32xf32, #tpu.memory_space<hbm>>) target(%arg6 : memref<512x32xf32, #tpu.memory_space<vmem>>) offsets(%dma_start3A_767 : memref<512xi32, #tpu.memory_space<vmem>>) semaphore(%arg8 : memref<!tpu.dma_semaphore, #tpu.memory_space<semaphore_mem>>)
    %dma_wait3A_771 = arith.constant 27 : i32
    %dma_wait3A_772 = arith.constant 0 : i32
    %dma_wait3A_773 = tpu.memref_slice %arg5[%dma_wait3A_771, %dma_wait3A_772] : memref<50x512xi32, #tpu.memory_space<vmem>> -> memref<1x512xi32, #tpu.memory_space<vmem>>
    %dma_wait3A_774 = tpu.memref_squeeze %dma_wait3A_773 : memref<1x512xi32, #tpu.memory_space<vmem>> -> memref<512xi32, #tpu.memory_space<vmem>>
    %dma_wait3A_775 = arith.constant 0 : i32
    %dma_wait3A_776 = arith.constant 0 : i32
    %dma_wait3A_777 = tpu.memref_slice %arg2[%dma_wait3A_775, %dma_wait3A_776] : memref<1000000x32xf32, #tpu.memory_space<hbm>> -> memref<1000000x32xf32, #tpu.memory_space<hbm>>
    tpu.wait_indirect_dma semaphore(%arg9 : memref<!tpu.dma_semaphore, #tpu.memory_space<semaphore_mem>>) src(%dma_wait3A_777 : memref<1000000x32xf32, #tpu.memory_space<hbm>>) dst(%arg7 : memref<512x32xf32, #tpu.memory_space<vmem>>)
    %dma_start3A_778 = arith.constant 27 : i32
    %dma_start3A_779 = arith.constant 0 : i32
    %dma_start3A_780 = tpu.memref_slice %arg4[%dma_start3A_778, %mul3A_2, %dma_start3A_779] : memref<50x16384x32xf32, #tpu.memory_space<hbm>> -> memref<1x512x32xf32, #tpu.memory_space<hbm>>
    %dma_start3A_781 = tpu.memref_squeeze %dma_start3A_780 : memref<1x512x32xf32, #tpu.memory_space<hbm>> -> memref<512x32xf32, #tpu.memory_space<hbm>>
    %dma_start3A_782 = arith.constant 0 : i32
    %dma_start3A_783 = tpu.memref_slice %arg4[%dma_start3A_778, %mul3A_2, %dma_start3A_782] : memref<50x16384x32xf32, #tpu.memory_space<hbm>> -> memref<1x512x32xf32, #tpu.memory_space<hbm>>
    %dma_start3A_784 = tpu.memref_squeeze %dma_start3A_783 : memref<1x512x32xf32, #tpu.memory_space<hbm>> -> memref<512x32xf32, #tpu.memory_space<hbm>>
    tpu.enqueue_dma source(%arg7 : memref<512x32xf32, #tpu.memory_space<vmem>>) target(%dma_start3A_784 : memref<512x32xf32, #tpu.memory_space<hbm>>) target_semaphore(%arg11 : memref<!tpu.dma_semaphore, #tpu.memory_space<semaphore_mem>>)
    %dma_wait3A_785 = arith.constant 27 : i32
    %dma_wait3A_786 = arith.constant 0 : i32
    %dma_wait3A_787 = tpu.memref_slice %arg4[%dma_wait3A_785, %mul3A_2, %dma_wait3A_786] : memref<50x16384x32xf32, #tpu.memory_space<hbm>> -> memref<1x512x32xf32, #tpu.memory_space<hbm>>
    %dma_wait3A_788 = tpu.memref_squeeze %dma_wait3A_787 : memref<1x512x32xf32, #tpu.memory_space<hbm>> -> memref<512x32xf32, #tpu.memory_space<hbm>>
    %dma_wait3A_789 = arith.constant 0 : i32
    %dma_wait3A_790 = tpu.memref_slice %arg4[%dma_wait3A_785, %mul3A_2, %dma_wait3A_789] : memref<50x16384x32xf32, #tpu.memory_space<hbm>> -> memref<1x512x32xf32, #tpu.memory_space<hbm>>
    %dma_wait3A_791 = tpu.memref_squeeze %dma_wait3A_790 : memref<1x512x32xf32, #tpu.memory_space<hbm>> -> memref<512x32xf32, #tpu.memory_space<hbm>>
    tpu.wait_dma2 semaphore(%arg11 : memref<!tpu.dma_semaphore, #tpu.memory_space<semaphore_mem>>) src(%arg7 : memref<512x32xf32, #tpu.memory_space<vmem>>) dst(%dma_wait3A_791 : memref<512x32xf32, #tpu.memory_space<hbm>>)
    %dma_start3A_792 = arith.constant 29 : i32
    %dma_start3A_793 = arith.constant 0 : i32
    %dma_start3A_794 = tpu.memref_slice %arg5[%dma_start3A_792, %dma_start3A_793] : memref<50x512xi32, #tpu.memory_space<vmem>> -> memref<1x512xi32, #tpu.memory_space<vmem>>
    %dma_start3A_795 = tpu.memref_squeeze %dma_start3A_794 : memref<1x512xi32, #tpu.memory_space<vmem>> -> memref<512xi32, #tpu.memory_space<vmem>>
    %dma_start3A_796 = arith.constant 0 : i32
    %dma_start3A_797 = arith.constant 0 : i32
    %dma_start3A_798 = tpu.memref_slice %arg2[%dma_start3A_796, %dma_start3A_797] : memref<1000000x32xf32, #tpu.memory_space<hbm>> -> memref<1000000x32xf32, #tpu.memory_space<hbm>>
    tpu.enqueue_indirect_dma source(%dma_start3A_798 : memref<1000000x32xf32, #tpu.memory_space<hbm>>) target(%arg7 : memref<512x32xf32, #tpu.memory_space<vmem>>) offsets(%dma_start3A_795 : memref<512xi32, #tpu.memory_space<vmem>>) semaphore(%arg9 : memref<!tpu.dma_semaphore, #tpu.memory_space<semaphore_mem>>)
    %dma_wait3A_799 = arith.constant 28 : i32
    %dma_wait3A_800 = arith.constant 0 : i32
    %dma_wait3A_801 = tpu.memref_slice %arg5[%dma_wait3A_799, %dma_wait3A_800] : memref<50x512xi32, #tpu.memory_space<vmem>> -> memref<1x512xi32, #tpu.memory_space<vmem>>
    %dma_wait3A_802 = tpu.memref_squeeze %dma_wait3A_801 : memref<1x512xi32, #tpu.memory_space<vmem>> -> memref<512xi32, #tpu.memory_space<vmem>>
    %dma_wait3A_803 = arith.constant 0 : i32
    %dma_wait3A_804 = arith.constant 0 : i32
    %dma_wait3A_805 = tpu.memref_slice %arg2[%dma_wait3A_803, %dma_wait3A_804] : memref<1000000x32xf32, #tpu.memory_space<hbm>> -> memref<1000000x32xf32, #tpu.memory_space<hbm>>
    tpu.wait_indirect_dma semaphore(%arg8 : memref<!tpu.dma_semaphore, #tpu.memory_space<semaphore_mem>>) src(%dma_wait3A_805 : memref<1000000x32xf32, #tpu.memory_space<hbm>>) dst(%arg6 : memref<512x32xf32, #tpu.memory_space<vmem>>)
    %dma_start3A_806 = arith.constant 28 : i32
    %dma_start3A_807 = arith.constant 0 : i32
    %dma_start3A_808 = tpu.memref_slice %arg4[%dma_start3A_806, %mul3A_2, %dma_start3A_807] : memref<50x16384x32xf32, #tpu.memory_space<hbm>> -> memref<1x512x32xf32, #tpu.memory_space<hbm>>
    %dma_start3A_809 = tpu.memref_squeeze %dma_start3A_808 : memref<1x512x32xf32, #tpu.memory_space<hbm>> -> memref<512x32xf32, #tpu.memory_space<hbm>>
    %dma_start3A_810 = arith.constant 0 : i32
    %dma_start3A_811 = tpu.memref_slice %arg4[%dma_start3A_806, %mul3A_2, %dma_start3A_810] : memref<50x16384x32xf32, #tpu.memory_space<hbm>> -> memref<1x512x32xf32, #tpu.memory_space<hbm>>
    %dma_start3A_812 = tpu.memref_squeeze %dma_start3A_811 : memref<1x512x32xf32, #tpu.memory_space<hbm>> -> memref<512x32xf32, #tpu.memory_space<hbm>>
    tpu.enqueue_dma source(%arg6 : memref<512x32xf32, #tpu.memory_space<vmem>>) target(%dma_start3A_812 : memref<512x32xf32, #tpu.memory_space<hbm>>) target_semaphore(%arg10 : memref<!tpu.dma_semaphore, #tpu.memory_space<semaphore_mem>>)
    %dma_wait3A_813 = arith.constant 28 : i32
    %dma_wait3A_814 = arith.constant 0 : i32
    %dma_wait3A_815 = tpu.memref_slice %arg4[%dma_wait3A_813, %mul3A_2, %dma_wait3A_814] : memref<50x16384x32xf32, #tpu.memory_space<hbm>> -> memref<1x512x32xf32, #tpu.memory_space<hbm>>
    %dma_wait3A_816 = tpu.memref_squeeze %dma_wait3A_815 : memref<1x512x32xf32, #tpu.memory_space<hbm>> -> memref<512x32xf32, #tpu.memory_space<hbm>>
    %dma_wait3A_817 = arith.constant 0 : i32
    %dma_wait3A_818 = tpu.memref_slice %arg4[%dma_wait3A_813, %mul3A_2, %dma_wait3A_817] : memref<50x16384x32xf32, #tpu.memory_space<hbm>> -> memref<1x512x32xf32, #tpu.memory_space<hbm>>
    %dma_wait3A_819 = tpu.memref_squeeze %dma_wait3A_818 : memref<1x512x32xf32, #tpu.memory_space<hbm>> -> memref<512x32xf32, #tpu.memory_space<hbm>>
    tpu.wait_dma2 semaphore(%arg10 : memref<!tpu.dma_semaphore, #tpu.memory_space<semaphore_mem>>) src(%arg6 : memref<512x32xf32, #tpu.memory_space<vmem>>) dst(%dma_wait3A_819 : memref<512x32xf32, #tpu.memory_space<hbm>>)
    %dma_start3A_820 = arith.constant 30 : i32
    %dma_start3A_821 = arith.constant 0 : i32
    %dma_start3A_822 = tpu.memref_slice %arg5[%dma_start3A_820, %dma_start3A_821] : memref<50x512xi32, #tpu.memory_space<vmem>> -> memref<1x512xi32, #tpu.memory_space<vmem>>
    %dma_start3A_823 = tpu.memref_squeeze %dma_start3A_822 : memref<1x512xi32, #tpu.memory_space<vmem>> -> memref<512xi32, #tpu.memory_space<vmem>>
    %dma_start3A_824 = arith.constant 0 : i32
    %dma_start3A_825 = arith.constant 0 : i32
    %dma_start3A_826 = tpu.memref_slice %arg2[%dma_start3A_824, %dma_start3A_825] : memref<1000000x32xf32, #tpu.memory_space<hbm>> -> memref<1000000x32xf32, #tpu.memory_space<hbm>>
    tpu.enqueue_indirect_dma source(%dma_start3A_826 : memref<1000000x32xf32, #tpu.memory_space<hbm>>) target(%arg6 : memref<512x32xf32, #tpu.memory_space<vmem>>) offsets(%dma_start3A_823 : memref<512xi32, #tpu.memory_space<vmem>>) semaphore(%arg8 : memref<!tpu.dma_semaphore, #tpu.memory_space<semaphore_mem>>)
    %dma_wait3A_827 = arith.constant 29 : i32
    %dma_wait3A_828 = arith.constant 0 : i32
    %dma_wait3A_829 = tpu.memref_slice %arg5[%dma_wait3A_827, %dma_wait3A_828] : memref<50x512xi32, #tpu.memory_space<vmem>> -> memref<1x512xi32, #tpu.memory_space<vmem>>
    %dma_wait3A_830 = tpu.memref_squeeze %dma_wait3A_829 : memref<1x512xi32, #tpu.memory_space<vmem>> -> memref<512xi32, #tpu.memory_space<vmem>>
    %dma_wait3A_831 = arith.constant 0 : i32
    %dma_wait3A_832 = arith.constant 0 : i32
    %dma_wait3A_833 = tpu.memref_slice %arg2[%dma_wait3A_831, %dma_wait3A_832] : memref<1000000x32xf32, #tpu.memory_space<hbm>> -> memref<1000000x32xf32, #tpu.memory_space<hbm>>
    tpu.wait_indirect_dma semaphore(%arg9 : memref<!tpu.dma_semaphore, #tpu.memory_space<semaphore_mem>>) src(%dma_wait3A_833 : memref<1000000x32xf32, #tpu.memory_space<hbm>>) dst(%arg7 : memref<512x32xf32, #tpu.memory_space<vmem>>)
    %dma_start3A_834 = arith.constant 29 : i32
    %dma_start3A_835 = arith.constant 0 : i32
    %dma_start3A_836 = tpu.memref_slice %arg4[%dma_start3A_834, %mul3A_2, %dma_start3A_835] : memref<50x16384x32xf32, #tpu.memory_space<hbm>> -> memref<1x512x32xf32, #tpu.memory_space<hbm>>
    %dma_start3A_837 = tpu.memref_squeeze %dma_start3A_836 : memref<1x512x32xf32, #tpu.memory_space<hbm>> -> memref<512x32xf32, #tpu.memory_space<hbm>>
    %dma_start3A_838 = arith.constant 0 : i32
    %dma_start3A_839 = tpu.memref_slice %arg4[%dma_start3A_834, %mul3A_2, %dma_start3A_838] : memref<50x16384x32xf32, #tpu.memory_space<hbm>> -> memref<1x512x32xf32, #tpu.memory_space<hbm>>
    %dma_start3A_840 = tpu.memref_squeeze %dma_start3A_839 : memref<1x512x32xf32, #tpu.memory_space<hbm>> -> memref<512x32xf32, #tpu.memory_space<hbm>>
    tpu.enqueue_dma source(%arg7 : memref<512x32xf32, #tpu.memory_space<vmem>>) target(%dma_start3A_840 : memref<512x32xf32, #tpu.memory_space<hbm>>) target_semaphore(%arg11 : memref<!tpu.dma_semaphore, #tpu.memory_space<semaphore_mem>>)
    %dma_wait3A_841 = arith.constant 29 : i32
    %dma_wait3A_842 = arith.constant 0 : i32
    %dma_wait3A_843 = tpu.memref_slice %arg4[%dma_wait3A_841, %mul3A_2, %dma_wait3A_842] : memref<50x16384x32xf32, #tpu.memory_space<hbm>> -> memref<1x512x32xf32, #tpu.memory_space<hbm>>
    %dma_wait3A_844 = tpu.memref_squeeze %dma_wait3A_843 : memref<1x512x32xf32, #tpu.memory_space<hbm>> -> memref<512x32xf32, #tpu.memory_space<hbm>>
    %dma_wait3A_845 = arith.constant 0 : i32
    %dma_wait3A_846 = tpu.memref_slice %arg4[%dma_wait3A_841, %mul3A_2, %dma_wait3A_845] : memref<50x16384x32xf32, #tpu.memory_space<hbm>> -> memref<1x512x32xf32, #tpu.memory_space<hbm>>
    %dma_wait3A_847 = tpu.memref_squeeze %dma_wait3A_846 : memref<1x512x32xf32, #tpu.memory_space<hbm>> -> memref<512x32xf32, #tpu.memory_space<hbm>>
    tpu.wait_dma2 semaphore(%arg11 : memref<!tpu.dma_semaphore, #tpu.memory_space<semaphore_mem>>) src(%arg7 : memref<512x32xf32, #tpu.memory_space<vmem>>) dst(%dma_wait3A_847 : memref<512x32xf32, #tpu.memory_space<hbm>>)
    %dma_start3A_848 = arith.constant 31 : i32
    %dma_start3A_849 = arith.constant 0 : i32
    %dma_start3A_850 = tpu.memref_slice %arg5[%dma_start3A_848, %dma_start3A_849] : memref<50x512xi32, #tpu.memory_space<vmem>> -> memref<1x512xi32, #tpu.memory_space<vmem>>
    %dma_start3A_851 = tpu.memref_squeeze %dma_start3A_850 : memref<1x512xi32, #tpu.memory_space<vmem>> -> memref<512xi32, #tpu.memory_space<vmem>>
    %dma_start3A_852 = arith.constant 0 : i32
    %dma_start3A_853 = arith.constant 0 : i32
    %dma_start3A_854 = tpu.memref_slice %arg2[%dma_start3A_852, %dma_start3A_853] : memref<1000000x32xf32, #tpu.memory_space<hbm>> -> memref<1000000x32xf32, #tpu.memory_space<hbm>>
    tpu.enqueue_indirect_dma source(%dma_start3A_854 : memref<1000000x32xf32, #tpu.memory_space<hbm>>) target(%arg7 : memref<512x32xf32, #tpu.memory_space<vmem>>) offsets(%dma_start3A_851 : memref<512xi32, #tpu.memory_space<vmem>>) semaphore(%arg9 : memref<!tpu.dma_semaphore, #tpu.memory_space<semaphore_mem>>)
    %dma_wait3A_855 = arith.constant 30 : i32
    %dma_wait3A_856 = arith.constant 0 : i32
    %dma_wait3A_857 = tpu.memref_slice %arg5[%dma_wait3A_855, %dma_wait3A_856] : memref<50x512xi32, #tpu.memory_space<vmem>> -> memref<1x512xi32, #tpu.memory_space<vmem>>
    %dma_wait3A_858 = tpu.memref_squeeze %dma_wait3A_857 : memref<1x512xi32, #tpu.memory_space<vmem>> -> memref<512xi32, #tpu.memory_space<vmem>>
    %dma_wait3A_859 = arith.constant 0 : i32
    %dma_wait3A_860 = arith.constant 0 : i32
    %dma_wait3A_861 = tpu.memref_slice %arg2[%dma_wait3A_859, %dma_wait3A_860] : memref<1000000x32xf32, #tpu.memory_space<hbm>> -> memref<1000000x32xf32, #tpu.memory_space<hbm>>
    tpu.wait_indirect_dma semaphore(%arg8 : memref<!tpu.dma_semaphore, #tpu.memory_space<semaphore_mem>>) src(%dma_wait3A_861 : memref<1000000x32xf32, #tpu.memory_space<hbm>>) dst(%arg6 : memref<512x32xf32, #tpu.memory_space<vmem>>)
    %dma_start3A_862 = arith.constant 30 : i32
    %dma_start3A_863 = arith.constant 0 : i32
    %dma_start3A_864 = tpu.memref_slice %arg4[%dma_start3A_862, %mul3A_2, %dma_start3A_863] : memref<50x16384x32xf32, #tpu.memory_space<hbm>> -> memref<1x512x32xf32, #tpu.memory_space<hbm>>
    %dma_start3A_865 = tpu.memref_squeeze %dma_start3A_864 : memref<1x512x32xf32, #tpu.memory_space<hbm>> -> memref<512x32xf32, #tpu.memory_space<hbm>>
    %dma_start3A_866 = arith.constant 0 : i32
    %dma_start3A_867 = tpu.memref_slice %arg4[%dma_start3A_862, %mul3A_2, %dma_start3A_866] : memref<50x16384x32xf32, #tpu.memory_space<hbm>> -> memref<1x512x32xf32, #tpu.memory_space<hbm>>
    %dma_start3A_868 = tpu.memref_squeeze %dma_start3A_867 : memref<1x512x32xf32, #tpu.memory_space<hbm>> -> memref<512x32xf32, #tpu.memory_space<hbm>>
    tpu.enqueue_dma source(%arg6 : memref<512x32xf32, #tpu.memory_space<vmem>>) target(%dma_start3A_868 : memref<512x32xf32, #tpu.memory_space<hbm>>) target_semaphore(%arg10 : memref<!tpu.dma_semaphore, #tpu.memory_space<semaphore_mem>>)
    %dma_wait3A_869 = arith.constant 30 : i32
    %dma_wait3A_870 = arith.constant 0 : i32
    %dma_wait3A_871 = tpu.memref_slice %arg4[%dma_wait3A_869, %mul3A_2, %dma_wait3A_870] : memref<50x16384x32xf32, #tpu.memory_space<hbm>> -> memref<1x512x32xf32, #tpu.memory_space<hbm>>
    %dma_wait3A_872 = tpu.memref_squeeze %dma_wait3A_871 : memref<1x512x32xf32, #tpu.memory_space<hbm>> -> memref<512x32xf32, #tpu.memory_space<hbm>>
    %dma_wait3A_873 = arith.constant 0 : i32
    %dma_wait3A_874 = tpu.memref_slice %arg4[%dma_wait3A_869, %mul3A_2, %dma_wait3A_873] : memref<50x16384x32xf32, #tpu.memory_space<hbm>> -> memref<1x512x32xf32, #tpu.memory_space<hbm>>
    %dma_wait3A_875 = tpu.memref_squeeze %dma_wait3A_874 : memref<1x512x32xf32, #tpu.memory_space<hbm>> -> memref<512x32xf32, #tpu.memory_space<hbm>>
    tpu.wait_dma2 semaphore(%arg10 : memref<!tpu.dma_semaphore, #tpu.memory_space<semaphore_mem>>) src(%arg6 : memref<512x32xf32, #tpu.memory_space<vmem>>) dst(%dma_wait3A_875 : memref<512x32xf32, #tpu.memory_space<hbm>>)
    %dma_start3A_876 = arith.constant 32 : i32
    %dma_start3A_877 = arith.constant 0 : i32
    %dma_start3A_878 = tpu.memref_slice %arg5[%dma_start3A_876, %dma_start3A_877] : memref<50x512xi32, #tpu.memory_space<vmem>> -> memref<1x512xi32, #tpu.memory_space<vmem>>
    %dma_start3A_879 = tpu.memref_squeeze %dma_start3A_878 : memref<1x512xi32, #tpu.memory_space<vmem>> -> memref<512xi32, #tpu.memory_space<vmem>>
    %dma_start3A_880 = arith.constant 0 : i32
    %dma_start3A_881 = arith.constant 0 : i32
    %dma_start3A_882 = tpu.memref_slice %arg2[%dma_start3A_880, %dma_start3A_881] : memref<1000000x32xf32, #tpu.memory_space<hbm>> -> memref<1000000x32xf32, #tpu.memory_space<hbm>>
    tpu.enqueue_indirect_dma source(%dma_start3A_882 : memref<1000000x32xf32, #tpu.memory_space<hbm>>) target(%arg6 : memref<512x32xf32, #tpu.memory_space<vmem>>) offsets(%dma_start3A_879 : memref<512xi32, #tpu.memory_space<vmem>>) semaphore(%arg8 : memref<!tpu.dma_semaphore, #tpu.memory_space<semaphore_mem>>)
    %dma_wait3A_883 = arith.constant 31 : i32
    %dma_wait3A_884 = arith.constant 0 : i32
    %dma_wait3A_885 = tpu.memref_slice %arg5[%dma_wait3A_883, %dma_wait3A_884] : memref<50x512xi32, #tpu.memory_space<vmem>> -> memref<1x512xi32, #tpu.memory_space<vmem>>
    %dma_wait3A_886 = tpu.memref_squeeze %dma_wait3A_885 : memref<1x512xi32, #tpu.memory_space<vmem>> -> memref<512xi32, #tpu.memory_space<vmem>>
    %dma_wait3A_887 = arith.constant 0 : i32
    %dma_wait3A_888 = arith.constant 0 : i32
    %dma_wait3A_889 = tpu.memref_slice %arg2[%dma_wait3A_887, %dma_wait3A_888] : memref<1000000x32xf32, #tpu.memory_space<hbm>> -> memref<1000000x32xf32, #tpu.memory_space<hbm>>
    tpu.wait_indirect_dma semaphore(%arg9 : memref<!tpu.dma_semaphore, #tpu.memory_space<semaphore_mem>>) src(%dma_wait3A_889 : memref<1000000x32xf32, #tpu.memory_space<hbm>>) dst(%arg7 : memref<512x32xf32, #tpu.memory_space<vmem>>)
    %dma_start3A_890 = arith.constant 31 : i32
    %dma_start3A_891 = arith.constant 0 : i32
    %dma_start3A_892 = tpu.memref_slice %arg4[%dma_start3A_890, %mul3A_2, %dma_start3A_891] : memref<50x16384x32xf32, #tpu.memory_space<hbm>> -> memref<1x512x32xf32, #tpu.memory_space<hbm>>
    %dma_start3A_893 = tpu.memref_squeeze %dma_start3A_892 : memref<1x512x32xf32, #tpu.memory_space<hbm>> -> memref<512x32xf32, #tpu.memory_space<hbm>>
    %dma_start3A_894 = arith.constant 0 : i32
    %dma_start3A_895 = tpu.memref_slice %arg4[%dma_start3A_890, %mul3A_2, %dma_start3A_894] : memref<50x16384x32xf32, #tpu.memory_space<hbm>> -> memref<1x512x32xf32, #tpu.memory_space<hbm>>
    %dma_start3A_896 = tpu.memref_squeeze %dma_start3A_895 : memref<1x512x32xf32, #tpu.memory_space<hbm>> -> memref<512x32xf32, #tpu.memory_space<hbm>>
    tpu.enqueue_dma source(%arg7 : memref<512x32xf32, #tpu.memory_space<vmem>>) target(%dma_start3A_896 : memref<512x32xf32, #tpu.memory_space<hbm>>) target_semaphore(%arg11 : memref<!tpu.dma_semaphore, #tpu.memory_space<semaphore_mem>>)
    %dma_wait3A_897 = arith.constant 31 : i32
    %dma_wait3A_898 = arith.constant 0 : i32
    %dma_wait3A_899 = tpu.memref_slice %arg4[%dma_wait3A_897, %mul3A_2, %dma_wait3A_898] : memref<50x16384x32xf32, #tpu.memory_space<hbm>> -> memref<1x512x32xf32, #tpu.memory_space<hbm>>
    %dma_wait3A_900 = tpu.memref_squeeze %dma_wait3A_899 : memref<1x512x32xf32, #tpu.memory_space<hbm>> -> memref<512x32xf32, #tpu.memory_space<hbm>>
    %dma_wait3A_901 = arith.constant 0 : i32
    %dma_wait3A_902 = tpu.memref_slice %arg4[%dma_wait3A_897, %mul3A_2, %dma_wait3A_901] : memref<50x16384x32xf32, #tpu.memory_space<hbm>> -> memref<1x512x32xf32, #tpu.memory_space<hbm>>
    %dma_wait3A_903 = tpu.memref_squeeze %dma_wait3A_902 : memref<1x512x32xf32, #tpu.memory_space<hbm>> -> memref<512x32xf32, #tpu.memory_space<hbm>>
    tpu.wait_dma2 semaphore(%arg11 : memref<!tpu.dma_semaphore, #tpu.memory_space<semaphore_mem>>) src(%arg7 : memref<512x32xf32, #tpu.memory_space<vmem>>) dst(%dma_wait3A_903 : memref<512x32xf32, #tpu.memory_space<hbm>>)
    %dma_start3A_904 = arith.constant 33 : i32
    %dma_start3A_905 = arith.constant 0 : i32
    %dma_start3A_906 = tpu.memref_slice %arg5[%dma_start3A_904, %dma_start3A_905] : memref<50x512xi32, #tpu.memory_space<vmem>> -> memref<1x512xi32, #tpu.memory_space<vmem>>
    %dma_start3A_907 = tpu.memref_squeeze %dma_start3A_906 : memref<1x512xi32, #tpu.memory_space<vmem>> -> memref<512xi32, #tpu.memory_space<vmem>>
    %dma_start3A_908 = arith.constant 0 : i32
    %dma_start3A_909 = arith.constant 0 : i32
    %dma_start3A_910 = tpu.memref_slice %arg2[%dma_start3A_908, %dma_start3A_909] : memref<1000000x32xf32, #tpu.memory_space<hbm>> -> memref<1000000x32xf32, #tpu.memory_space<hbm>>
    tpu.enqueue_indirect_dma source(%dma_start3A_910 : memref<1000000x32xf32, #tpu.memory_space<hbm>>) target(%arg7 : memref<512x32xf32, #tpu.memory_space<vmem>>) offsets(%dma_start3A_907 : memref<512xi32, #tpu.memory_space<vmem>>) semaphore(%arg9 : memref<!tpu.dma_semaphore, #tpu.memory_space<semaphore_mem>>)
    %dma_wait3A_911 = arith.constant 32 : i32
    %dma_wait3A_912 = arith.constant 0 : i32
    %dma_wait3A_913 = tpu.memref_slice %arg5[%dma_wait3A_911, %dma_wait3A_912] : memref<50x512xi32, #tpu.memory_space<vmem>> -> memref<1x512xi32, #tpu.memory_space<vmem>>
    %dma_wait3A_914 = tpu.memref_squeeze %dma_wait3A_913 : memref<1x512xi32, #tpu.memory_space<vmem>> -> memref<512xi32, #tpu.memory_space<vmem>>
    %dma_wait3A_915 = arith.constant 0 : i32
    %dma_wait3A_916 = arith.constant 0 : i32
    %dma_wait3A_917 = tpu.memref_slice %arg2[%dma_wait3A_915, %dma_wait3A_916] : memref<1000000x32xf32, #tpu.memory_space<hbm>> -> memref<1000000x32xf32, #tpu.memory_space<hbm>>
    tpu.wait_indirect_dma semaphore(%arg8 : memref<!tpu.dma_semaphore, #tpu.memory_space<semaphore_mem>>) src(%dma_wait3A_917 : memref<1000000x32xf32, #tpu.memory_space<hbm>>) dst(%arg6 : memref<512x32xf32, #tpu.memory_space<vmem>>)
    %dma_start3A_918 = arith.constant 32 : i32
    %dma_start3A_919 = arith.constant 0 : i32
    %dma_start3A_920 = tpu.memref_slice %arg4[%dma_start3A_918, %mul3A_2, %dma_start3A_919] : memref<50x16384x32xf32, #tpu.memory_space<hbm>> -> memref<1x512x32xf32, #tpu.memory_space<hbm>>
    %dma_start3A_921 = tpu.memref_squeeze %dma_start3A_920 : memref<1x512x32xf32, #tpu.memory_space<hbm>> -> memref<512x32xf32, #tpu.memory_space<hbm>>
    %dma_start3A_922 = arith.constant 0 : i32
    %dma_start3A_923 = tpu.memref_slice %arg4[%dma_start3A_918, %mul3A_2, %dma_start3A_922] : memref<50x16384x32xf32, #tpu.memory_space<hbm>> -> memref<1x512x32xf32, #tpu.memory_space<hbm>>
    %dma_start3A_924 = tpu.memref_squeeze %dma_start3A_923 : memref<1x512x32xf32, #tpu.memory_space<hbm>> -> memref<512x32xf32, #tpu.memory_space<hbm>>
    tpu.enqueue_dma source(%arg6 : memref<512x32xf32, #tpu.memory_space<vmem>>) target(%dma_start3A_924 : memref<512x32xf32, #tpu.memory_space<hbm>>) target_semaphore(%arg10 : memref<!tpu.dma_semaphore, #tpu.memory_space<semaphore_mem>>)
    %dma_wait3A_925 = arith.constant 32 : i32
    %dma_wait3A_926 = arith.constant 0 : i32
    %dma_wait3A_927 = tpu.memref_slice %arg4[%dma_wait3A_925, %mul3A_2, %dma_wait3A_926] : memref<50x16384x32xf32, #tpu.memory_space<hbm>> -> memref<1x512x32xf32, #tpu.memory_space<hbm>>
    %dma_wait3A_928 = tpu.memref_squeeze %dma_wait3A_927 : memref<1x512x32xf32, #tpu.memory_space<hbm>> -> memref<512x32xf32, #tpu.memory_space<hbm>>
    %dma_wait3A_929 = arith.constant 0 : i32
    %dma_wait3A_930 = tpu.memref_slice %arg4[%dma_wait3A_925, %mul3A_2, %dma_wait3A_929] : memref<50x16384x32xf32, #tpu.memory_space<hbm>> -> memref<1x512x32xf32, #tpu.memory_space<hbm>>
    %dma_wait3A_931 = tpu.memref_squeeze %dma_wait3A_930 : memref<1x512x32xf32, #tpu.memory_space<hbm>> -> memref<512x32xf32, #tpu.memory_space<hbm>>
    tpu.wait_dma2 semaphore(%arg10 : memref<!tpu.dma_semaphore, #tpu.memory_space<semaphore_mem>>) src(%arg6 : memref<512x32xf32, #tpu.memory_space<vmem>>) dst(%dma_wait3A_931 : memref<512x32xf32, #tpu.memory_space<hbm>>)
    %dma_start3A_932 = arith.constant 34 : i32
    %dma_start3A_933 = arith.constant 0 : i32
    %dma_start3A_934 = tpu.memref_slice %arg5[%dma_start3A_932, %dma_start3A_933] : memref<50x512xi32, #tpu.memory_space<vmem>> -> memref<1x512xi32, #tpu.memory_space<vmem>>
    %dma_start3A_935 = tpu.memref_squeeze %dma_start3A_934 : memref<1x512xi32, #tpu.memory_space<vmem>> -> memref<512xi32, #tpu.memory_space<vmem>>
    %dma_start3A_936 = arith.constant 0 : i32
    %dma_start3A_937 = arith.constant 0 : i32
    %dma_start3A_938 = tpu.memref_slice %arg2[%dma_start3A_936, %dma_start3A_937] : memref<1000000x32xf32, #tpu.memory_space<hbm>> -> memref<1000000x32xf32, #tpu.memory_space<hbm>>
    tpu.enqueue_indirect_dma source(%dma_start3A_938 : memref<1000000x32xf32, #tpu.memory_space<hbm>>) target(%arg6 : memref<512x32xf32, #tpu.memory_space<vmem>>) offsets(%dma_start3A_935 : memref<512xi32, #tpu.memory_space<vmem>>) semaphore(%arg8 : memref<!tpu.dma_semaphore, #tpu.memory_space<semaphore_mem>>)
    %dma_wait3A_939 = arith.constant 33 : i32
    %dma_wait3A_940 = arith.constant 0 : i32
    %dma_wait3A_941 = tpu.memref_slice %arg5[%dma_wait3A_939, %dma_wait3A_940] : memref<50x512xi32, #tpu.memory_space<vmem>> -> memref<1x512xi32, #tpu.memory_space<vmem>>
    %dma_wait3A_942 = tpu.memref_squeeze %dma_wait3A_941 : memref<1x512xi32, #tpu.memory_space<vmem>> -> memref<512xi32, #tpu.memory_space<vmem>>
    %dma_wait3A_943 = arith.constant 0 : i32
    %dma_wait3A_944 = arith.constant 0 : i32
    %dma_wait3A_945 = tpu.memref_slice %arg2[%dma_wait3A_943, %dma_wait3A_944] : memref<1000000x32xf32, #tpu.memory_space<hbm>> -> memref<1000000x32xf32, #tpu.memory_space<hbm>>
    tpu.wait_indirect_dma semaphore(%arg9 : memref<!tpu.dma_semaphore, #tpu.memory_space<semaphore_mem>>) src(%dma_wait3A_945 : memref<1000000x32xf32, #tpu.memory_space<hbm>>) dst(%arg7 : memref<512x32xf32, #tpu.memory_space<vmem>>)
    %dma_start3A_946 = arith.constant 33 : i32
    %dma_start3A_947 = arith.constant 0 : i32
    %dma_start3A_948 = tpu.memref_slice %arg4[%dma_start3A_946, %mul3A_2, %dma_start3A_947] : memref<50x16384x32xf32, #tpu.memory_space<hbm>> -> memref<1x512x32xf32, #tpu.memory_space<hbm>>
    %dma_start3A_949 = tpu.memref_squeeze %dma_start3A_948 : memref<1x512x32xf32, #tpu.memory_space<hbm>> -> memref<512x32xf32, #tpu.memory_space<hbm>>
    %dma_start3A_950 = arith.constant 0 : i32
    %dma_start3A_951 = tpu.memref_slice %arg4[%dma_start3A_946, %mul3A_2, %dma_start3A_950] : memref<50x16384x32xf32, #tpu.memory_space<hbm>> -> memref<1x512x32xf32, #tpu.memory_space<hbm>>
    %dma_start3A_952 = tpu.memref_squeeze %dma_start3A_951 : memref<1x512x32xf32, #tpu.memory_space<hbm>> -> memref<512x32xf32, #tpu.memory_space<hbm>>
    tpu.enqueue_dma source(%arg7 : memref<512x32xf32, #tpu.memory_space<vmem>>) target(%dma_start3A_952 : memref<512x32xf32, #tpu.memory_space<hbm>>) target_semaphore(%arg11 : memref<!tpu.dma_semaphore, #tpu.memory_space<semaphore_mem>>)
    %dma_wait3A_953 = arith.constant 33 : i32
    %dma_wait3A_954 = arith.constant 0 : i32
    %dma_wait3A_955 = tpu.memref_slice %arg4[%dma_wait3A_953, %mul3A_2, %dma_wait3A_954] : memref<50x16384x32xf32, #tpu.memory_space<hbm>> -> memref<1x512x32xf32, #tpu.memory_space<hbm>>
    %dma_wait3A_956 = tpu.memref_squeeze %dma_wait3A_955 : memref<1x512x32xf32, #tpu.memory_space<hbm>> -> memref<512x32xf32, #tpu.memory_space<hbm>>
    %dma_wait3A_957 = arith.constant 0 : i32
    %dma_wait3A_958 = tpu.memref_slice %arg4[%dma_wait3A_953, %mul3A_2, %dma_wait3A_957] : memref<50x16384x32xf32, #tpu.memory_space<hbm>> -> memref<1x512x32xf32, #tpu.memory_space<hbm>>
    %dma_wait3A_959 = tpu.memref_squeeze %dma_wait3A_958 : memref<1x512x32xf32, #tpu.memory_space<hbm>> -> memref<512x32xf32, #tpu.memory_space<hbm>>
    tpu.wait_dma2 semaphore(%arg11 : memref<!tpu.dma_semaphore, #tpu.memory_space<semaphore_mem>>) src(%arg7 : memref<512x32xf32, #tpu.memory_space<vmem>>) dst(%dma_wait3A_959 : memref<512x32xf32, #tpu.memory_space<hbm>>)
    %dma_start3A_960 = arith.constant 35 : i32
    %dma_start3A_961 = arith.constant 0 : i32
    %dma_start3A_962 = tpu.memref_slice %arg5[%dma_start3A_960, %dma_start3A_961] : memref<50x512xi32, #tpu.memory_space<vmem>> -> memref<1x512xi32, #tpu.memory_space<vmem>>
    %dma_start3A_963 = tpu.memref_squeeze %dma_start3A_962 : memref<1x512xi32, #tpu.memory_space<vmem>> -> memref<512xi32, #tpu.memory_space<vmem>>
    %dma_start3A_964 = arith.constant 0 : i32
    %dma_start3A_965 = arith.constant 0 : i32
    %dma_start3A_966 = tpu.memref_slice %arg2[%dma_start3A_964, %dma_start3A_965] : memref<1000000x32xf32, #tpu.memory_space<hbm>> -> memref<1000000x32xf32, #tpu.memory_space<hbm>>
    tpu.enqueue_indirect_dma source(%dma_start3A_966 : memref<1000000x32xf32, #tpu.memory_space<hbm>>) target(%arg7 : memref<512x32xf32, #tpu.memory_space<vmem>>) offsets(%dma_start3A_963 : memref<512xi32, #tpu.memory_space<vmem>>) semaphore(%arg9 : memref<!tpu.dma_semaphore, #tpu.memory_space<semaphore_mem>>)
    %dma_wait3A_967 = arith.constant 34 : i32
    %dma_wait3A_968 = arith.constant 0 : i32
    %dma_wait3A_969 = tpu.memref_slice %arg5[%dma_wait3A_967, %dma_wait3A_968] : memref<50x512xi32, #tpu.memory_space<vmem>> -> memref<1x512xi32, #tpu.memory_space<vmem>>
    %dma_wait3A_970 = tpu.memref_squeeze %dma_wait3A_969 : memref<1x512xi32, #tpu.memory_space<vmem>> -> memref<512xi32, #tpu.memory_space<vmem>>
    %dma_wait3A_971 = arith.constant 0 : i32
    %dma_wait3A_972 = arith.constant 0 : i32
    %dma_wait3A_973 = tpu.memref_slice %arg2[%dma_wait3A_971, %dma_wait3A_972] : memref<1000000x32xf32, #tpu.memory_space<hbm>> -> memref<1000000x32xf32, #tpu.memory_space<hbm>>
    tpu.wait_indirect_dma semaphore(%arg8 : memref<!tpu.dma_semaphore, #tpu.memory_space<semaphore_mem>>) src(%dma_wait3A_973 : memref<1000000x32xf32, #tpu.memory_space<hbm>>) dst(%arg6 : memref<512x32xf32, #tpu.memory_space<vmem>>)
    %dma_start3A_974 = arith.constant 34 : i32
    %dma_start3A_975 = arith.constant 0 : i32
    %dma_start3A_976 = tpu.memref_slice %arg4[%dma_start3A_974, %mul3A_2, %dma_start3A_975] : memref<50x16384x32xf32, #tpu.memory_space<hbm>> -> memref<1x512x32xf32, #tpu.memory_space<hbm>>
    %dma_start3A_977 = tpu.memref_squeeze %dma_start3A_976 : memref<1x512x32xf32, #tpu.memory_space<hbm>> -> memref<512x32xf32, #tpu.memory_space<hbm>>
    %dma_start3A_978 = arith.constant 0 : i32
    %dma_start3A_979 = tpu.memref_slice %arg4[%dma_start3A_974, %mul3A_2, %dma_start3A_978] : memref<50x16384x32xf32, #tpu.memory_space<hbm>> -> memref<1x512x32xf32, #tpu.memory_space<hbm>>
    %dma_start3A_980 = tpu.memref_squeeze %dma_start3A_979 : memref<1x512x32xf32, #tpu.memory_space<hbm>> -> memref<512x32xf32, #tpu.memory_space<hbm>>
    tpu.enqueue_dma source(%arg6 : memref<512x32xf32, #tpu.memory_space<vmem>>) target(%dma_start3A_980 : memref<512x32xf32, #tpu.memory_space<hbm>>) target_semaphore(%arg10 : memref<!tpu.dma_semaphore, #tpu.memory_space<semaphore_mem>>)
    %dma_wait3A_981 = arith.constant 34 : i32
    %dma_wait3A_982 = arith.constant 0 : i32
    %dma_wait3A_983 = tpu.memref_slice %arg4[%dma_wait3A_981, %mul3A_2, %dma_wait3A_982] : memref<50x16384x32xf32, #tpu.memory_space<hbm>> -> memref<1x512x32xf32, #tpu.memory_space<hbm>>
    %dma_wait3A_984 = tpu.memref_squeeze %dma_wait3A_983 : memref<1x512x32xf32, #tpu.memory_space<hbm>> -> memref<512x32xf32, #tpu.memory_space<hbm>>
    %dma_wait3A_985 = arith.constant 0 : i32
    %dma_wait3A_986 = tpu.memref_slice %arg4[%dma_wait3A_981, %mul3A_2, %dma_wait3A_985] : memref<50x16384x32xf32, #tpu.memory_space<hbm>> -> memref<1x512x32xf32, #tpu.memory_space<hbm>>
    %dma_wait3A_987 = tpu.memref_squeeze %dma_wait3A_986 : memref<1x512x32xf32, #tpu.memory_space<hbm>> -> memref<512x32xf32, #tpu.memory_space<hbm>>
    tpu.wait_dma2 semaphore(%arg10 : memref<!tpu.dma_semaphore, #tpu.memory_space<semaphore_mem>>) src(%arg6 : memref<512x32xf32, #tpu.memory_space<vmem>>) dst(%dma_wait3A_987 : memref<512x32xf32, #tpu.memory_space<hbm>>)
    %dma_start3A_988 = arith.constant 36 : i32
    %dma_start3A_989 = arith.constant 0 : i32
    %dma_start3A_990 = tpu.memref_slice %arg5[%dma_start3A_988, %dma_start3A_989] : memref<50x512xi32, #tpu.memory_space<vmem>> -> memref<1x512xi32, #tpu.memory_space<vmem>>
    %dma_start3A_991 = tpu.memref_squeeze %dma_start3A_990 : memref<1x512xi32, #tpu.memory_space<vmem>> -> memref<512xi32, #tpu.memory_space<vmem>>
    %dma_start3A_992 = arith.constant 0 : i32
    %dma_start3A_993 = arith.constant 0 : i32
    %dma_start3A_994 = tpu.memref_slice %arg2[%dma_start3A_992, %dma_start3A_993] : memref<1000000x32xf32, #tpu.memory_space<hbm>> -> memref<1000000x32xf32, #tpu.memory_space<hbm>>
    tpu.enqueue_indirect_dma source(%dma_start3A_994 : memref<1000000x32xf32, #tpu.memory_space<hbm>>) target(%arg6 : memref<512x32xf32, #tpu.memory_space<vmem>>) offsets(%dma_start3A_991 : memref<512xi32, #tpu.memory_space<vmem>>) semaphore(%arg8 : memref<!tpu.dma_semaphore, #tpu.memory_space<semaphore_mem>>)
    %dma_wait3A_995 = arith.constant 35 : i32
    %dma_wait3A_996 = arith.constant 0 : i32
    %dma_wait3A_997 = tpu.memref_slice %arg5[%dma_wait3A_995, %dma_wait3A_996] : memref<50x512xi32, #tpu.memory_space<vmem>> -> memref<1x512xi32, #tpu.memory_space<vmem>>
    %dma_wait3A_998 = tpu.memref_squeeze %dma_wait3A_997 : memref<1x512xi32, #tpu.memory_space<vmem>> -> memref<512xi32, #tpu.memory_space<vmem>>
    %dma_wait3A_999 = arith.constant 0 : i32
    %dma_wait3A_1000 = arith.constant 0 : i32
    %dma_wait3A_1001 = tpu.memref_slice %arg2[%dma_wait3A_999, %dma_wait3A_1000] : memref<1000000x32xf32, #tpu.memory_space<hbm>> -> memref<1000000x32xf32, #tpu.memory_space<hbm>>
    tpu.wait_indirect_dma semaphore(%arg9 : memref<!tpu.dma_semaphore, #tpu.memory_space<semaphore_mem>>) src(%dma_wait3A_1001 : memref<1000000x32xf32, #tpu.memory_space<hbm>>) dst(%arg7 : memref<512x32xf32, #tpu.memory_space<vmem>>)
    %dma_start3A_1002 = arith.constant 35 : i32
    %dma_start3A_1003 = arith.constant 0 : i32
    %dma_start3A_1004 = tpu.memref_slice %arg4[%dma_start3A_1002, %mul3A_2, %dma_start3A_1003] : memref<50x16384x32xf32, #tpu.memory_space<hbm>> -> memref<1x512x32xf32, #tpu.memory_space<hbm>>
    %dma_start3A_1005 = tpu.memref_squeeze %dma_start3A_1004 : memref<1x512x32xf32, #tpu.memory_space<hbm>> -> memref<512x32xf32, #tpu.memory_space<hbm>>
    %dma_start3A_1006 = arith.constant 0 : i32
    %dma_start3A_1007 = tpu.memref_slice %arg4[%dma_start3A_1002, %mul3A_2, %dma_start3A_1006] : memref<50x16384x32xf32, #tpu.memory_space<hbm>> -> memref<1x512x32xf32, #tpu.memory_space<hbm>>
    %dma_start3A_1008 = tpu.memref_squeeze %dma_start3A_1007 : memref<1x512x32xf32, #tpu.memory_space<hbm>> -> memref<512x32xf32, #tpu.memory_space<hbm>>
    tpu.enqueue_dma source(%arg7 : memref<512x32xf32, #tpu.memory_space<vmem>>) target(%dma_start3A_1008 : memref<512x32xf32, #tpu.memory_space<hbm>>) target_semaphore(%arg11 : memref<!tpu.dma_semaphore, #tpu.memory_space<semaphore_mem>>)
    %dma_wait3A_1009 = arith.constant 35 : i32
    %dma_wait3A_1010 = arith.constant 0 : i32
    %dma_wait3A_1011 = tpu.memref_slice %arg4[%dma_wait3A_1009, %mul3A_2, %dma_wait3A_1010] : memref<50x16384x32xf32, #tpu.memory_space<hbm>> -> memref<1x512x32xf32, #tpu.memory_space<hbm>>
    %dma_wait3A_1012 = tpu.memref_squeeze %dma_wait3A_1011 : memref<1x512x32xf32, #tpu.memory_space<hbm>> -> memref<512x32xf32, #tpu.memory_space<hbm>>
    %dma_wait3A_1013 = arith.constant 0 : i32
    %dma_wait3A_1014 = tpu.memref_slice %arg4[%dma_wait3A_1009, %mul3A_2, %dma_wait3A_1013] : memref<50x16384x32xf32, #tpu.memory_space<hbm>> -> memref<1x512x32xf32, #tpu.memory_space<hbm>>
    %dma_wait3A_1015 = tpu.memref_squeeze %dma_wait3A_1014 : memref<1x512x32xf32, #tpu.memory_space<hbm>> -> memref<512x32xf32, #tpu.memory_space<hbm>>
    tpu.wait_dma2 semaphore(%arg11 : memref<!tpu.dma_semaphore, #tpu.memory_space<semaphore_mem>>) src(%arg7 : memref<512x32xf32, #tpu.memory_space<vmem>>) dst(%dma_wait3A_1015 : memref<512x32xf32, #tpu.memory_space<hbm>>)
    %dma_start3A_1016 = arith.constant 37 : i32
    %dma_start3A_1017 = arith.constant 0 : i32
    %dma_start3A_1018 = tpu.memref_slice %arg5[%dma_start3A_1016, %dma_start3A_1017] : memref<50x512xi32, #tpu.memory_space<vmem>> -> memref<1x512xi32, #tpu.memory_space<vmem>>
    %dma_start3A_1019 = tpu.memref_squeeze %dma_start3A_1018 : memref<1x512xi32, #tpu.memory_space<vmem>> -> memref<512xi32, #tpu.memory_space<vmem>>
    %dma_start3A_1020 = arith.constant 0 : i32
    %dma_start3A_1021 = arith.constant 0 : i32
    %dma_start3A_1022 = tpu.memref_slice %arg2[%dma_start3A_1020, %dma_start3A_1021] : memref<1000000x32xf32, #tpu.memory_space<hbm>> -> memref<1000000x32xf32, #tpu.memory_space<hbm>>
    tpu.enqueue_indirect_dma source(%dma_start3A_1022 : memref<1000000x32xf32, #tpu.memory_space<hbm>>) target(%arg7 : memref<512x32xf32, #tpu.memory_space<vmem>>) offsets(%dma_start3A_1019 : memref<512xi32, #tpu.memory_space<vmem>>) semaphore(%arg9 : memref<!tpu.dma_semaphore, #tpu.memory_space<semaphore_mem>>)
    %dma_wait3A_1023 = arith.constant 36 : i32
    %dma_wait3A_1024 = arith.constant 0 : i32
    %dma_wait3A_1025 = tpu.memref_slice %arg5[%dma_wait3A_1023, %dma_wait3A_1024] : memref<50x512xi32, #tpu.memory_space<vmem>> -> memref<1x512xi32, #tpu.memory_space<vmem>>
    %dma_wait3A_1026 = tpu.memref_squeeze %dma_wait3A_1025 : memref<1x512xi32, #tpu.memory_space<vmem>> -> memref<512xi32, #tpu.memory_space<vmem>>
    %dma_wait3A_1027 = arith.constant 0 : i32
    %dma_wait3A_1028 = arith.constant 0 : i32
    %dma_wait3A_1029 = tpu.memref_slice %arg2[%dma_wait3A_1027, %dma_wait3A_1028] : memref<1000000x32xf32, #tpu.memory_space<hbm>> -> memref<1000000x32xf32, #tpu.memory_space<hbm>>
    tpu.wait_indirect_dma semaphore(%arg8 : memref<!tpu.dma_semaphore, #tpu.memory_space<semaphore_mem>>) src(%dma_wait3A_1029 : memref<1000000x32xf32, #tpu.memory_space<hbm>>) dst(%arg6 : memref<512x32xf32, #tpu.memory_space<vmem>>)
    %dma_start3A_1030 = arith.constant 36 : i32
    %dma_start3A_1031 = arith.constant 0 : i32
    %dma_start3A_1032 = tpu.memref_slice %arg4[%dma_start3A_1030, %mul3A_2, %dma_start3A_1031] : memref<50x16384x32xf32, #tpu.memory_space<hbm>> -> memref<1x512x32xf32, #tpu.memory_space<hbm>>
    %dma_start3A_1033 = tpu.memref_squeeze %dma_start3A_1032 : memref<1x512x32xf32, #tpu.memory_space<hbm>> -> memref<512x32xf32, #tpu.memory_space<hbm>>
    %dma_start3A_1034 = arith.constant 0 : i32
    %dma_start3A_1035 = tpu.memref_slice %arg4[%dma_start3A_1030, %mul3A_2, %dma_start3A_1034] : memref<50x16384x32xf32, #tpu.memory_space<hbm>> -> memref<1x512x32xf32, #tpu.memory_space<hbm>>
    %dma_start3A_1036 = tpu.memref_squeeze %dma_start3A_1035 : memref<1x512x32xf32, #tpu.memory_space<hbm>> -> memref<512x32xf32, #tpu.memory_space<hbm>>
    tpu.enqueue_dma source(%arg6 : memref<512x32xf32, #tpu.memory_space<vmem>>) target(%dma_start3A_1036 : memref<512x32xf32, #tpu.memory_space<hbm>>) target_semaphore(%arg10 : memref<!tpu.dma_semaphore, #tpu.memory_space<semaphore_mem>>)
    %dma_wait3A_1037 = arith.constant 36 : i32
    %dma_wait3A_1038 = arith.constant 0 : i32
    %dma_wait3A_1039 = tpu.memref_slice %arg4[%dma_wait3A_1037, %mul3A_2, %dma_wait3A_1038] : memref<50x16384x32xf32, #tpu.memory_space<hbm>> -> memref<1x512x32xf32, #tpu.memory_space<hbm>>
    %dma_wait3A_1040 = tpu.memref_squeeze %dma_wait3A_1039 : memref<1x512x32xf32, #tpu.memory_space<hbm>> -> memref<512x32xf32, #tpu.memory_space<hbm>>
    %dma_wait3A_1041 = arith.constant 0 : i32
    %dma_wait3A_1042 = tpu.memref_slice %arg4[%dma_wait3A_1037, %mul3A_2, %dma_wait3A_1041] : memref<50x16384x32xf32, #tpu.memory_space<hbm>> -> memref<1x512x32xf32, #tpu.memory_space<hbm>>
    %dma_wait3A_1043 = tpu.memref_squeeze %dma_wait3A_1042 : memref<1x512x32xf32, #tpu.memory_space<hbm>> -> memref<512x32xf32, #tpu.memory_space<hbm>>
    tpu.wait_dma2 semaphore(%arg10 : memref<!tpu.dma_semaphore, #tpu.memory_space<semaphore_mem>>) src(%arg6 : memref<512x32xf32, #tpu.memory_space<vmem>>) dst(%dma_wait3A_1043 : memref<512x32xf32, #tpu.memory_space<hbm>>)
    %dma_start3A_1044 = arith.constant 38 : i32
    %dma_start3A_1045 = arith.constant 0 : i32
    %dma_start3A_1046 = tpu.memref_slice %arg5[%dma_start3A_1044, %dma_start3A_1045] : memref<50x512xi32, #tpu.memory_space<vmem>> -> memref<1x512xi32, #tpu.memory_space<vmem>>
    %dma_start3A_1047 = tpu.memref_squeeze %dma_start3A_1046 : memref<1x512xi32, #tpu.memory_space<vmem>> -> memref<512xi32, #tpu.memory_space<vmem>>
    %dma_start3A_1048 = arith.constant 0 : i32
    %dma_start3A_1049 = arith.constant 0 : i32
    %dma_start3A_1050 = tpu.memref_slice %arg2[%dma_start3A_1048, %dma_start3A_1049] : memref<1000000x32xf32, #tpu.memory_space<hbm>> -> memref<1000000x32xf32, #tpu.memory_space<hbm>>
    tpu.enqueue_indirect_dma source(%dma_start3A_1050 : memref<1000000x32xf32, #tpu.memory_space<hbm>>) target(%arg6 : memref<512x32xf32, #tpu.memory_space<vmem>>) offsets(%dma_start3A_1047 : memref<512xi32, #tpu.memory_space<vmem>>) semaphore(%arg8 : memref<!tpu.dma_semaphore, #tpu.memory_space<semaphore_mem>>)
    %dma_wait3A_1051 = arith.constant 37 : i32
    %dma_wait3A_1052 = arith.constant 0 : i32
    %dma_wait3A_1053 = tpu.memref_slice %arg5[%dma_wait3A_1051, %dma_wait3A_1052] : memref<50x512xi32, #tpu.memory_space<vmem>> -> memref<1x512xi32, #tpu.memory_space<vmem>>
    %dma_wait3A_1054 = tpu.memref_squeeze %dma_wait3A_1053 : memref<1x512xi32, #tpu.memory_space<vmem>> -> memref<512xi32, #tpu.memory_space<vmem>>
    %dma_wait3A_1055 = arith.constant 0 : i32
    %dma_wait3A_1056 = arith.constant 0 : i32
    %dma_wait3A_1057 = tpu.memref_slice %arg2[%dma_wait3A_1055, %dma_wait3A_1056] : memref<1000000x32xf32, #tpu.memory_space<hbm>> -> memref<1000000x32xf32, #tpu.memory_space<hbm>>
    tpu.wait_indirect_dma semaphore(%arg9 : memref<!tpu.dma_semaphore, #tpu.memory_space<semaphore_mem>>) src(%dma_wait3A_1057 : memref<1000000x32xf32, #tpu.memory_space<hbm>>) dst(%arg7 : memref<512x32xf32, #tpu.memory_space<vmem>>)
    %dma_start3A_1058 = arith.constant 37 : i32
    %dma_start3A_1059 = arith.constant 0 : i32
    %dma_start3A_1060 = tpu.memref_slice %arg4[%dma_start3A_1058, %mul3A_2, %dma_start3A_1059] : memref<50x16384x32xf32, #tpu.memory_space<hbm>> -> memref<1x512x32xf32, #tpu.memory_space<hbm>>
    %dma_start3A_1061 = tpu.memref_squeeze %dma_start3A_1060 : memref<1x512x32xf32, #tpu.memory_space<hbm>> -> memref<512x32xf32, #tpu.memory_space<hbm>>
    %dma_start3A_1062 = arith.constant 0 : i32
    %dma_start3A_1063 = tpu.memref_slice %arg4[%dma_start3A_1058, %mul3A_2, %dma_start3A_1062] : memref<50x16384x32xf32, #tpu.memory_space<hbm>> -> memref<1x512x32xf32, #tpu.memory_space<hbm>>
    %dma_start3A_1064 = tpu.memref_squeeze %dma_start3A_1063 : memref<1x512x32xf32, #tpu.memory_space<hbm>> -> memref<512x32xf32, #tpu.memory_space<hbm>>
    tpu.enqueue_dma source(%arg7 : memref<512x32xf32, #tpu.memory_space<vmem>>) target(%dma_start3A_1064 : memref<512x32xf32, #tpu.memory_space<hbm>>) target_semaphore(%arg11 : memref<!tpu.dma_semaphore, #tpu.memory_space<semaphore_mem>>)
    %dma_wait3A_1065 = arith.constant 37 : i32
    %dma_wait3A_1066 = arith.constant 0 : i32
    %dma_wait3A_1067 = tpu.memref_slice %arg4[%dma_wait3A_1065, %mul3A_2, %dma_wait3A_1066] : memref<50x16384x32xf32, #tpu.memory_space<hbm>> -> memref<1x512x32xf32, #tpu.memory_space<hbm>>
    %dma_wait3A_1068 = tpu.memref_squeeze %dma_wait3A_1067 : memref<1x512x32xf32, #tpu.memory_space<hbm>> -> memref<512x32xf32, #tpu.memory_space<hbm>>
    %dma_wait3A_1069 = arith.constant 0 : i32
    %dma_wait3A_1070 = tpu.memref_slice %arg4[%dma_wait3A_1065, %mul3A_2, %dma_wait3A_1069] : memref<50x16384x32xf32, #tpu.memory_space<hbm>> -> memref<1x512x32xf32, #tpu.memory_space<hbm>>
    %dma_wait3A_1071 = tpu.memref_squeeze %dma_wait3A_1070 : memref<1x512x32xf32, #tpu.memory_space<hbm>> -> memref<512x32xf32, #tpu.memory_space<hbm>>
    tpu.wait_dma2 semaphore(%arg11 : memref<!tpu.dma_semaphore, #tpu.memory_space<semaphore_mem>>) src(%arg7 : memref<512x32xf32, #tpu.memory_space<vmem>>) dst(%dma_wait3A_1071 : memref<512x32xf32, #tpu.memory_space<hbm>>)
    %dma_start3A_1072 = arith.constant 39 : i32
    %dma_start3A_1073 = arith.constant 0 : i32
    %dma_start3A_1074 = tpu.memref_slice %arg5[%dma_start3A_1072, %dma_start3A_1073] : memref<50x512xi32, #tpu.memory_space<vmem>> -> memref<1x512xi32, #tpu.memory_space<vmem>>
    %dma_start3A_1075 = tpu.memref_squeeze %dma_start3A_1074 : memref<1x512xi32, #tpu.memory_space<vmem>> -> memref<512xi32, #tpu.memory_space<vmem>>
    %dma_start3A_1076 = arith.constant 0 : i32
    %dma_start3A_1077 = arith.constant 0 : i32
    %dma_start3A_1078 = tpu.memref_slice %arg2[%dma_start3A_1076, %dma_start3A_1077] : memref<1000000x32xf32, #tpu.memory_space<hbm>> -> memref<1000000x32xf32, #tpu.memory_space<hbm>>
    tpu.enqueue_indirect_dma source(%dma_start3A_1078 : memref<1000000x32xf32, #tpu.memory_space<hbm>>) target(%arg7 : memref<512x32xf32, #tpu.memory_space<vmem>>) offsets(%dma_start3A_1075 : memref<512xi32, #tpu.memory_space<vmem>>) semaphore(%arg9 : memref<!tpu.dma_semaphore, #tpu.memory_space<semaphore_mem>>)
    %dma_wait3A_1079 = arith.constant 38 : i32
    %dma_wait3A_1080 = arith.constant 0 : i32
    %dma_wait3A_1081 = tpu.memref_slice %arg5[%dma_wait3A_1079, %dma_wait3A_1080] : memref<50x512xi32, #tpu.memory_space<vmem>> -> memref<1x512xi32, #tpu.memory_space<vmem>>
    %dma_wait3A_1082 = tpu.memref_squeeze %dma_wait3A_1081 : memref<1x512xi32, #tpu.memory_space<vmem>> -> memref<512xi32, #tpu.memory_space<vmem>>
    %dma_wait3A_1083 = arith.constant 0 : i32
    %dma_wait3A_1084 = arith.constant 0 : i32
    %dma_wait3A_1085 = tpu.memref_slice %arg2[%dma_wait3A_1083, %dma_wait3A_1084] : memref<1000000x32xf32, #tpu.memory_space<hbm>> -> memref<1000000x32xf32, #tpu.memory_space<hbm>>
    tpu.wait_indirect_dma semaphore(%arg8 : memref<!tpu.dma_semaphore, #tpu.memory_space<semaphore_mem>>) src(%dma_wait3A_1085 : memref<1000000x32xf32, #tpu.memory_space<hbm>>) dst(%arg6 : memref<512x32xf32, #tpu.memory_space<vmem>>)
    %dma_start3A_1086 = arith.constant 38 : i32
    %dma_start3A_1087 = arith.constant 0 : i32
    %dma_start3A_1088 = tpu.memref_slice %arg4[%dma_start3A_1086, %mul3A_2, %dma_start3A_1087] : memref<50x16384x32xf32, #tpu.memory_space<hbm>> -> memref<1x512x32xf32, #tpu.memory_space<hbm>>
    %dma_start3A_1089 = tpu.memref_squeeze %dma_start3A_1088 : memref<1x512x32xf32, #tpu.memory_space<hbm>> -> memref<512x32xf32, #tpu.memory_space<hbm>>
    %dma_start3A_1090 = arith.constant 0 : i32
    %dma_start3A_1091 = tpu.memref_slice %arg4[%dma_start3A_1086, %mul3A_2, %dma_start3A_1090] : memref<50x16384x32xf32, #tpu.memory_space<hbm>> -> memref<1x512x32xf32, #tpu.memory_space<hbm>>
    %dma_start3A_1092 = tpu.memref_squeeze %dma_start3A_1091 : memref<1x512x32xf32, #tpu.memory_space<hbm>> -> memref<512x32xf32, #tpu.memory_space<hbm>>
    tpu.enqueue_dma source(%arg6 : memref<512x32xf32, #tpu.memory_space<vmem>>) target(%dma_start3A_1092 : memref<512x32xf32, #tpu.memory_space<hbm>>) target_semaphore(%arg10 : memref<!tpu.dma_semaphore, #tpu.memory_space<semaphore_mem>>)
    %dma_wait3A_1093 = arith.constant 38 : i32
    %dma_wait3A_1094 = arith.constant 0 : i32
    %dma_wait3A_1095 = tpu.memref_slice %arg4[%dma_wait3A_1093, %mul3A_2, %dma_wait3A_1094] : memref<50x16384x32xf32, #tpu.memory_space<hbm>> -> memref<1x512x32xf32, #tpu.memory_space<hbm>>
    %dma_wait3A_1096 = tpu.memref_squeeze %dma_wait3A_1095 : memref<1x512x32xf32, #tpu.memory_space<hbm>> -> memref<512x32xf32, #tpu.memory_space<hbm>>
    %dma_wait3A_1097 = arith.constant 0 : i32
    %dma_wait3A_1098 = tpu.memref_slice %arg4[%dma_wait3A_1093, %mul3A_2, %dma_wait3A_1097] : memref<50x16384x32xf32, #tpu.memory_space<hbm>> -> memref<1x512x32xf32, #tpu.memory_space<hbm>>
    %dma_wait3A_1099 = tpu.memref_squeeze %dma_wait3A_1098 : memref<1x512x32xf32, #tpu.memory_space<hbm>> -> memref<512x32xf32, #tpu.memory_space<hbm>>
    tpu.wait_dma2 semaphore(%arg10 : memref<!tpu.dma_semaphore, #tpu.memory_space<semaphore_mem>>) src(%arg6 : memref<512x32xf32, #tpu.memory_space<vmem>>) dst(%dma_wait3A_1099 : memref<512x32xf32, #tpu.memory_space<hbm>>)
    %dma_start3A_1100 = arith.constant 40 : i32
    %dma_start3A_1101 = arith.constant 0 : i32
    %dma_start3A_1102 = tpu.memref_slice %arg5[%dma_start3A_1100, %dma_start3A_1101] : memref<50x512xi32, #tpu.memory_space<vmem>> -> memref<1x512xi32, #tpu.memory_space<vmem>>
    %dma_start3A_1103 = tpu.memref_squeeze %dma_start3A_1102 : memref<1x512xi32, #tpu.memory_space<vmem>> -> memref<512xi32, #tpu.memory_space<vmem>>
    %dma_start3A_1104 = arith.constant 0 : i32
    %dma_start3A_1105 = arith.constant 0 : i32
    %dma_start3A_1106 = tpu.memref_slice %arg2[%dma_start3A_1104, %dma_start3A_1105] : memref<1000000x32xf32, #tpu.memory_space<hbm>> -> memref<1000000x32xf32, #tpu.memory_space<hbm>>
    tpu.enqueue_indirect_dma source(%dma_start3A_1106 : memref<1000000x32xf32, #tpu.memory_space<hbm>>) target(%arg6 : memref<512x32xf32, #tpu.memory_space<vmem>>) offsets(%dma_start3A_1103 : memref<512xi32, #tpu.memory_space<vmem>>) semaphore(%arg8 : memref<!tpu.dma_semaphore, #tpu.memory_space<semaphore_mem>>)
    %dma_wait3A_1107 = arith.constant 39 : i32
    %dma_wait3A_1108 = arith.constant 0 : i32
    %dma_wait3A_1109 = tpu.memref_slice %arg5[%dma_wait3A_1107, %dma_wait3A_1108] : memref<50x512xi32, #tpu.memory_space<vmem>> -> memref<1x512xi32, #tpu.memory_space<vmem>>
    %dma_wait3A_1110 = tpu.memref_squeeze %dma_wait3A_1109 : memref<1x512xi32, #tpu.memory_space<vmem>> -> memref<512xi32, #tpu.memory_space<vmem>>
    %dma_wait3A_1111 = arith.constant 0 : i32
    %dma_wait3A_1112 = arith.constant 0 : i32
    %dma_wait3A_1113 = tpu.memref_slice %arg2[%dma_wait3A_1111, %dma_wait3A_1112] : memref<1000000x32xf32, #tpu.memory_space<hbm>> -> memref<1000000x32xf32, #tpu.memory_space<hbm>>
    tpu.wait_indirect_dma semaphore(%arg9 : memref<!tpu.dma_semaphore, #tpu.memory_space<semaphore_mem>>) src(%dma_wait3A_1113 : memref<1000000x32xf32, #tpu.memory_space<hbm>>) dst(%arg7 : memref<512x32xf32, #tpu.memory_space<vmem>>)
    %dma_start3A_1114 = arith.constant 39 : i32
    %dma_start3A_1115 = arith.constant 0 : i32
    %dma_start3A_1116 = tpu.memref_slice %arg4[%dma_start3A_1114, %mul3A_2, %dma_start3A_1115] : memref<50x16384x32xf32, #tpu.memory_space<hbm>> -> memref<1x512x32xf32, #tpu.memory_space<hbm>>
    %dma_start3A_1117 = tpu.memref_squeeze %dma_start3A_1116 : memref<1x512x32xf32, #tpu.memory_space<hbm>> -> memref<512x32xf32, #tpu.memory_space<hbm>>
    %dma_start3A_1118 = arith.constant 0 : i32
    %dma_start3A_1119 = tpu.memref_slice %arg4[%dma_start3A_1114, %mul3A_2, %dma_start3A_1118] : memref<50x16384x32xf32, #tpu.memory_space<hbm>> -> memref<1x512x32xf32, #tpu.memory_space<hbm>>
    %dma_start3A_1120 = tpu.memref_squeeze %dma_start3A_1119 : memref<1x512x32xf32, #tpu.memory_space<hbm>> -> memref<512x32xf32, #tpu.memory_space<hbm>>
    tpu.enqueue_dma source(%arg7 : memref<512x32xf32, #tpu.memory_space<vmem>>) target(%dma_start3A_1120 : memref<512x32xf32, #tpu.memory_space<hbm>>) target_semaphore(%arg11 : memref<!tpu.dma_semaphore, #tpu.memory_space<semaphore_mem>>)
    %dma_wait3A_1121 = arith.constant 39 : i32
    %dma_wait3A_1122 = arith.constant 0 : i32
    %dma_wait3A_1123 = tpu.memref_slice %arg4[%dma_wait3A_1121, %mul3A_2, %dma_wait3A_1122] : memref<50x16384x32xf32, #tpu.memory_space<hbm>> -> memref<1x512x32xf32, #tpu.memory_space<hbm>>
    %dma_wait3A_1124 = tpu.memref_squeeze %dma_wait3A_1123 : memref<1x512x32xf32, #tpu.memory_space<hbm>> -> memref<512x32xf32, #tpu.memory_space<hbm>>
    %dma_wait3A_1125 = arith.constant 0 : i32
    %dma_wait3A_1126 = tpu.memref_slice %arg4[%dma_wait3A_1121, %mul3A_2, %dma_wait3A_1125] : memref<50x16384x32xf32, #tpu.memory_space<hbm>> -> memref<1x512x32xf32, #tpu.memory_space<hbm>>
    %dma_wait3A_1127 = tpu.memref_squeeze %dma_wait3A_1126 : memref<1x512x32xf32, #tpu.memory_space<hbm>> -> memref<512x32xf32, #tpu.memory_space<hbm>>
    tpu.wait_dma2 semaphore(%arg11 : memref<!tpu.dma_semaphore, #tpu.memory_space<semaphore_mem>>) src(%arg7 : memref<512x32xf32, #tpu.memory_space<vmem>>) dst(%dma_wait3A_1127 : memref<512x32xf32, #tpu.memory_space<hbm>>)
    %dma_start3A_1128 = arith.constant 41 : i32
    %dma_start3A_1129 = arith.constant 0 : i32
    %dma_start3A_1130 = tpu.memref_slice %arg5[%dma_start3A_1128, %dma_start3A_1129] : memref<50x512xi32, #tpu.memory_space<vmem>> -> memref<1x512xi32, #tpu.memory_space<vmem>>
    %dma_start3A_1131 = tpu.memref_squeeze %dma_start3A_1130 : memref<1x512xi32, #tpu.memory_space<vmem>> -> memref<512xi32, #tpu.memory_space<vmem>>
    %dma_start3A_1132 = arith.constant 0 : i32
    %dma_start3A_1133 = arith.constant 0 : i32
    %dma_start3A_1134 = tpu.memref_slice %arg2[%dma_start3A_1132, %dma_start3A_1133] : memref<1000000x32xf32, #tpu.memory_space<hbm>> -> memref<1000000x32xf32, #tpu.memory_space<hbm>>
    tpu.enqueue_indirect_dma source(%dma_start3A_1134 : memref<1000000x32xf32, #tpu.memory_space<hbm>>) target(%arg7 : memref<512x32xf32, #tpu.memory_space<vmem>>) offsets(%dma_start3A_1131 : memref<512xi32, #tpu.memory_space<vmem>>) semaphore(%arg9 : memref<!tpu.dma_semaphore, #tpu.memory_space<semaphore_mem>>)
    %dma_wait3A_1135 = arith.constant 40 : i32
    %dma_wait3A_1136 = arith.constant 0 : i32
    %dma_wait3A_1137 = tpu.memref_slice %arg5[%dma_wait3A_1135, %dma_wait3A_1136] : memref<50x512xi32, #tpu.memory_space<vmem>> -> memref<1x512xi32, #tpu.memory_space<vmem>>
    %dma_wait3A_1138 = tpu.memref_squeeze %dma_wait3A_1137 : memref<1x512xi32, #tpu.memory_space<vmem>> -> memref<512xi32, #tpu.memory_space<vmem>>
    %dma_wait3A_1139 = arith.constant 0 : i32
    %dma_wait3A_1140 = arith.constant 0 : i32
    %dma_wait3A_1141 = tpu.memref_slice %arg2[%dma_wait3A_1139, %dma_wait3A_1140] : memref<1000000x32xf32, #tpu.memory_space<hbm>> -> memref<1000000x32xf32, #tpu.memory_space<hbm>>
    tpu.wait_indirect_dma semaphore(%arg8 : memref<!tpu.dma_semaphore, #tpu.memory_space<semaphore_mem>>) src(%dma_wait3A_1141 : memref<1000000x32xf32, #tpu.memory_space<hbm>>) dst(%arg6 : memref<512x32xf32, #tpu.memory_space<vmem>>)
    %dma_start3A_1142 = arith.constant 40 : i32
    %dma_start3A_1143 = arith.constant 0 : i32
    %dma_start3A_1144 = tpu.memref_slice %arg4[%dma_start3A_1142, %mul3A_2, %dma_start3A_1143] : memref<50x16384x32xf32, #tpu.memory_space<hbm>> -> memref<1x512x32xf32, #tpu.memory_space<hbm>>
    %dma_start3A_1145 = tpu.memref_squeeze %dma_start3A_1144 : memref<1x512x32xf32, #tpu.memory_space<hbm>> -> memref<512x32xf32, #tpu.memory_space<hbm>>
    %dma_start3A_1146 = arith.constant 0 : i32
    %dma_start3A_1147 = tpu.memref_slice %arg4[%dma_start3A_1142, %mul3A_2, %dma_start3A_1146] : memref<50x16384x32xf32, #tpu.memory_space<hbm>> -> memref<1x512x32xf32, #tpu.memory_space<hbm>>
    %dma_start3A_1148 = tpu.memref_squeeze %dma_start3A_1147 : memref<1x512x32xf32, #tpu.memory_space<hbm>> -> memref<512x32xf32, #tpu.memory_space<hbm>>
    tpu.enqueue_dma source(%arg6 : memref<512x32xf32, #tpu.memory_space<vmem>>) target(%dma_start3A_1148 : memref<512x32xf32, #tpu.memory_space<hbm>>) target_semaphore(%arg10 : memref<!tpu.dma_semaphore, #tpu.memory_space<semaphore_mem>>)
    %dma_wait3A_1149 = arith.constant 40 : i32
    %dma_wait3A_1150 = arith.constant 0 : i32
    %dma_wait3A_1151 = tpu.memref_slice %arg4[%dma_wait3A_1149, %mul3A_2, %dma_wait3A_1150] : memref<50x16384x32xf32, #tpu.memory_space<hbm>> -> memref<1x512x32xf32, #tpu.memory_space<hbm>>
    %dma_wait3A_1152 = tpu.memref_squeeze %dma_wait3A_1151 : memref<1x512x32xf32, #tpu.memory_space<hbm>> -> memref<512x32xf32, #tpu.memory_space<hbm>>
    %dma_wait3A_1153 = arith.constant 0 : i32
    %dma_wait3A_1154 = tpu.memref_slice %arg4[%dma_wait3A_1149, %mul3A_2, %dma_wait3A_1153] : memref<50x16384x32xf32, #tpu.memory_space<hbm>> -> memref<1x512x32xf32, #tpu.memory_space<hbm>>
    %dma_wait3A_1155 = tpu.memref_squeeze %dma_wait3A_1154 : memref<1x512x32xf32, #tpu.memory_space<hbm>> -> memref<512x32xf32, #tpu.memory_space<hbm>>
    tpu.wait_dma2 semaphore(%arg10 : memref<!tpu.dma_semaphore, #tpu.memory_space<semaphore_mem>>) src(%arg6 : memref<512x32xf32, #tpu.memory_space<vmem>>) dst(%dma_wait3A_1155 : memref<512x32xf32, #tpu.memory_space<hbm>>)
    %dma_start3A_1156 = arith.constant 42 : i32
    %dma_start3A_1157 = arith.constant 0 : i32
    %dma_start3A_1158 = tpu.memref_slice %arg5[%dma_start3A_1156, %dma_start3A_1157] : memref<50x512xi32, #tpu.memory_space<vmem>> -> memref<1x512xi32, #tpu.memory_space<vmem>>
    %dma_start3A_1159 = tpu.memref_squeeze %dma_start3A_1158 : memref<1x512xi32, #tpu.memory_space<vmem>> -> memref<512xi32, #tpu.memory_space<vmem>>
    %dma_start3A_1160 = arith.constant 0 : i32
    %dma_start3A_1161 = arith.constant 0 : i32
    %dma_start3A_1162 = tpu.memref_slice %arg2[%dma_start3A_1160, %dma_start3A_1161] : memref<1000000x32xf32, #tpu.memory_space<hbm>> -> memref<1000000x32xf32, #tpu.memory_space<hbm>>
    tpu.enqueue_indirect_dma source(%dma_start3A_1162 : memref<1000000x32xf32, #tpu.memory_space<hbm>>) target(%arg6 : memref<512x32xf32, #tpu.memory_space<vmem>>) offsets(%dma_start3A_1159 : memref<512xi32, #tpu.memory_space<vmem>>) semaphore(%arg8 : memref<!tpu.dma_semaphore, #tpu.memory_space<semaphore_mem>>)
    %dma_wait3A_1163 = arith.constant 41 : i32
    %dma_wait3A_1164 = arith.constant 0 : i32
    %dma_wait3A_1165 = tpu.memref_slice %arg5[%dma_wait3A_1163, %dma_wait3A_1164] : memref<50x512xi32, #tpu.memory_space<vmem>> -> memref<1x512xi32, #tpu.memory_space<vmem>>
    %dma_wait3A_1166 = tpu.memref_squeeze %dma_wait3A_1165 : memref<1x512xi32, #tpu.memory_space<vmem>> -> memref<512xi32, #tpu.memory_space<vmem>>
    %dma_wait3A_1167 = arith.constant 0 : i32
    %dma_wait3A_1168 = arith.constant 0 : i32
    %dma_wait3A_1169 = tpu.memref_slice %arg2[%dma_wait3A_1167, %dma_wait3A_1168] : memref<1000000x32xf32, #tpu.memory_space<hbm>> -> memref<1000000x32xf32, #tpu.memory_space<hbm>>
    tpu.wait_indirect_dma semaphore(%arg9 : memref<!tpu.dma_semaphore, #tpu.memory_space<semaphore_mem>>) src(%dma_wait3A_1169 : memref<1000000x32xf32, #tpu.memory_space<hbm>>) dst(%arg7 : memref<512x32xf32, #tpu.memory_space<vmem>>)
    %dma_start3A_1170 = arith.constant 41 : i32
    %dma_start3A_1171 = arith.constant 0 : i32
    %dma_start3A_1172 = tpu.memref_slice %arg4[%dma_start3A_1170, %mul3A_2, %dma_start3A_1171] : memref<50x16384x32xf32, #tpu.memory_space<hbm>> -> memref<1x512x32xf32, #tpu.memory_space<hbm>>
    %dma_start3A_1173 = tpu.memref_squeeze %dma_start3A_1172 : memref<1x512x32xf32, #tpu.memory_space<hbm>> -> memref<512x32xf32, #tpu.memory_space<hbm>>
    %dma_start3A_1174 = arith.constant 0 : i32
    %dma_start3A_1175 = tpu.memref_slice %arg4[%dma_start3A_1170, %mul3A_2, %dma_start3A_1174] : memref<50x16384x32xf32, #tpu.memory_space<hbm>> -> memref<1x512x32xf32, #tpu.memory_space<hbm>>
    %dma_start3A_1176 = tpu.memref_squeeze %dma_start3A_1175 : memref<1x512x32xf32, #tpu.memory_space<hbm>> -> memref<512x32xf32, #tpu.memory_space<hbm>>
    tpu.enqueue_dma source(%arg7 : memref<512x32xf32, #tpu.memory_space<vmem>>) target(%dma_start3A_1176 : memref<512x32xf32, #tpu.memory_space<hbm>>) target_semaphore(%arg11 : memref<!tpu.dma_semaphore, #tpu.memory_space<semaphore_mem>>)
    %dma_wait3A_1177 = arith.constant 41 : i32
    %dma_wait3A_1178 = arith.constant 0 : i32
    %dma_wait3A_1179 = tpu.memref_slice %arg4[%dma_wait3A_1177, %mul3A_2, %dma_wait3A_1178] : memref<50x16384x32xf32, #tpu.memory_space<hbm>> -> memref<1x512x32xf32, #tpu.memory_space<hbm>>
    %dma_wait3A_1180 = tpu.memref_squeeze %dma_wait3A_1179 : memref<1x512x32xf32, #tpu.memory_space<hbm>> -> memref<512x32xf32, #tpu.memory_space<hbm>>
    %dma_wait3A_1181 = arith.constant 0 : i32
    %dma_wait3A_1182 = tpu.memref_slice %arg4[%dma_wait3A_1177, %mul3A_2, %dma_wait3A_1181] : memref<50x16384x32xf32, #tpu.memory_space<hbm>> -> memref<1x512x32xf32, #tpu.memory_space<hbm>>
    %dma_wait3A_1183 = tpu.memref_squeeze %dma_wait3A_1182 : memref<1x512x32xf32, #tpu.memory_space<hbm>> -> memref<512x32xf32, #tpu.memory_space<hbm>>
    tpu.wait_dma2 semaphore(%arg11 : memref<!tpu.dma_semaphore, #tpu.memory_space<semaphore_mem>>) src(%arg7 : memref<512x32xf32, #tpu.memory_space<vmem>>) dst(%dma_wait3A_1183 : memref<512x32xf32, #tpu.memory_space<hbm>>)
    %dma_start3A_1184 = arith.constant 43 : i32
    %dma_start3A_1185 = arith.constant 0 : i32
    %dma_start3A_1186 = tpu.memref_slice %arg5[%dma_start3A_1184, %dma_start3A_1185] : memref<50x512xi32, #tpu.memory_space<vmem>> -> memref<1x512xi32, #tpu.memory_space<vmem>>
    %dma_start3A_1187 = tpu.memref_squeeze %dma_start3A_1186 : memref<1x512xi32, #tpu.memory_space<vmem>> -> memref<512xi32, #tpu.memory_space<vmem>>
    %dma_start3A_1188 = arith.constant 0 : i32
    %dma_start3A_1189 = arith.constant 0 : i32
    %dma_start3A_1190 = tpu.memref_slice %arg2[%dma_start3A_1188, %dma_start3A_1189] : memref<1000000x32xf32, #tpu.memory_space<hbm>> -> memref<1000000x32xf32, #tpu.memory_space<hbm>>
    tpu.enqueue_indirect_dma source(%dma_start3A_1190 : memref<1000000x32xf32, #tpu.memory_space<hbm>>) target(%arg7 : memref<512x32xf32, #tpu.memory_space<vmem>>) offsets(%dma_start3A_1187 : memref<512xi32, #tpu.memory_space<vmem>>) semaphore(%arg9 : memref<!tpu.dma_semaphore, #tpu.memory_space<semaphore_mem>>)
    %dma_wait3A_1191 = arith.constant 42 : i32
    %dma_wait3A_1192 = arith.constant 0 : i32
    %dma_wait3A_1193 = tpu.memref_slice %arg5[%dma_wait3A_1191, %dma_wait3A_1192] : memref<50x512xi32, #tpu.memory_space<vmem>> -> memref<1x512xi32, #tpu.memory_space<vmem>>
    %dma_wait3A_1194 = tpu.memref_squeeze %dma_wait3A_1193 : memref<1x512xi32, #tpu.memory_space<vmem>> -> memref<512xi32, #tpu.memory_space<vmem>>
    %dma_wait3A_1195 = arith.constant 0 : i32
    %dma_wait3A_1196 = arith.constant 0 : i32
    %dma_wait3A_1197 = tpu.memref_slice %arg2[%dma_wait3A_1195, %dma_wait3A_1196] : memref<1000000x32xf32, #tpu.memory_space<hbm>> -> memref<1000000x32xf32, #tpu.memory_space<hbm>>
    tpu.wait_indirect_dma semaphore(%arg8 : memref<!tpu.dma_semaphore, #tpu.memory_space<semaphore_mem>>) src(%dma_wait3A_1197 : memref<1000000x32xf32, #tpu.memory_space<hbm>>) dst(%arg6 : memref<512x32xf32, #tpu.memory_space<vmem>>)
    %dma_start3A_1198 = arith.constant 42 : i32
    %dma_start3A_1199 = arith.constant 0 : i32
    %dma_start3A_1200 = tpu.memref_slice %arg4[%dma_start3A_1198, %mul3A_2, %dma_start3A_1199] : memref<50x16384x32xf32, #tpu.memory_space<hbm>> -> memref<1x512x32xf32, #tpu.memory_space<hbm>>
    %dma_start3A_1201 = tpu.memref_squeeze %dma_start3A_1200 : memref<1x512x32xf32, #tpu.memory_space<hbm>> -> memref<512x32xf32, #tpu.memory_space<hbm>>
    %dma_start3A_1202 = arith.constant 0 : i32
    %dma_start3A_1203 = tpu.memref_slice %arg4[%dma_start3A_1198, %mul3A_2, %dma_start3A_1202] : memref<50x16384x32xf32, #tpu.memory_space<hbm>> -> memref<1x512x32xf32, #tpu.memory_space<hbm>>
    %dma_start3A_1204 = tpu.memref_squeeze %dma_start3A_1203 : memref<1x512x32xf32, #tpu.memory_space<hbm>> -> memref<512x32xf32, #tpu.memory_space<hbm>>
    tpu.enqueue_dma source(%arg6 : memref<512x32xf32, #tpu.memory_space<vmem>>) target(%dma_start3A_1204 : memref<512x32xf32, #tpu.memory_space<hbm>>) target_semaphore(%arg10 : memref<!tpu.dma_semaphore, #tpu.memory_space<semaphore_mem>>)
    %dma_wait3A_1205 = arith.constant 42 : i32
    %dma_wait3A_1206 = arith.constant 0 : i32
    %dma_wait3A_1207 = tpu.memref_slice %arg4[%dma_wait3A_1205, %mul3A_2, %dma_wait3A_1206] : memref<50x16384x32xf32, #tpu.memory_space<hbm>> -> memref<1x512x32xf32, #tpu.memory_space<hbm>>
    %dma_wait3A_1208 = tpu.memref_squeeze %dma_wait3A_1207 : memref<1x512x32xf32, #tpu.memory_space<hbm>> -> memref<512x32xf32, #tpu.memory_space<hbm>>
    %dma_wait3A_1209 = arith.constant 0 : i32
    %dma_wait3A_1210 = tpu.memref_slice %arg4[%dma_wait3A_1205, %mul3A_2, %dma_wait3A_1209] : memref<50x16384x32xf32, #tpu.memory_space<hbm>> -> memref<1x512x32xf32, #tpu.memory_space<hbm>>
    %dma_wait3A_1211 = tpu.memref_squeeze %dma_wait3A_1210 : memref<1x512x32xf32, #tpu.memory_space<hbm>> -> memref<512x32xf32, #tpu.memory_space<hbm>>
    tpu.wait_dma2 semaphore(%arg10 : memref<!tpu.dma_semaphore, #tpu.memory_space<semaphore_mem>>) src(%arg6 : memref<512x32xf32, #tpu.memory_space<vmem>>) dst(%dma_wait3A_1211 : memref<512x32xf32, #tpu.memory_space<hbm>>)
    %dma_start3A_1212 = arith.constant 44 : i32
    %dma_start3A_1213 = arith.constant 0 : i32
    %dma_start3A_1214 = tpu.memref_slice %arg5[%dma_start3A_1212, %dma_start3A_1213] : memref<50x512xi32, #tpu.memory_space<vmem>> -> memref<1x512xi32, #tpu.memory_space<vmem>>
    %dma_start3A_1215 = tpu.memref_squeeze %dma_start3A_1214 : memref<1x512xi32, #tpu.memory_space<vmem>> -> memref<512xi32, #tpu.memory_space<vmem>>
    %dma_start3A_1216 = arith.constant 0 : i32
    %dma_start3A_1217 = arith.constant 0 : i32
    %dma_start3A_1218 = tpu.memref_slice %arg2[%dma_start3A_1216, %dma_start3A_1217] : memref<1000000x32xf32, #tpu.memory_space<hbm>> -> memref<1000000x32xf32, #tpu.memory_space<hbm>>
    tpu.enqueue_indirect_dma source(%dma_start3A_1218 : memref<1000000x32xf32, #tpu.memory_space<hbm>>) target(%arg6 : memref<512x32xf32, #tpu.memory_space<vmem>>) offsets(%dma_start3A_1215 : memref<512xi32, #tpu.memory_space<vmem>>) semaphore(%arg8 : memref<!tpu.dma_semaphore, #tpu.memory_space<semaphore_mem>>)
    %dma_wait3A_1219 = arith.constant 43 : i32
    %dma_wait3A_1220 = arith.constant 0 : i32
    %dma_wait3A_1221 = tpu.memref_slice %arg5[%dma_wait3A_1219, %dma_wait3A_1220] : memref<50x512xi32, #tpu.memory_space<vmem>> -> memref<1x512xi32, #tpu.memory_space<vmem>>
    %dma_wait3A_1222 = tpu.memref_squeeze %dma_wait3A_1221 : memref<1x512xi32, #tpu.memory_space<vmem>> -> memref<512xi32, #tpu.memory_space<vmem>>
    %dma_wait3A_1223 = arith.constant 0 : i32
    %dma_wait3A_1224 = arith.constant 0 : i32
    %dma_wait3A_1225 = tpu.memref_slice %arg2[%dma_wait3A_1223, %dma_wait3A_1224] : memref<1000000x32xf32, #tpu.memory_space<hbm>> -> memref<1000000x32xf32, #tpu.memory_space<hbm>>
    tpu.wait_indirect_dma semaphore(%arg9 : memref<!tpu.dma_semaphore, #tpu.memory_space<semaphore_mem>>) src(%dma_wait3A_1225 : memref<1000000x32xf32, #tpu.memory_space<hbm>>) dst(%arg7 : memref<512x32xf32, #tpu.memory_space<vmem>>)
    %dma_start3A_1226 = arith.constant 43 : i32
    %dma_start3A_1227 = arith.constant 0 : i32
    %dma_start3A_1228 = tpu.memref_slice %arg4[%dma_start3A_1226, %mul3A_2, %dma_start3A_1227] : memref<50x16384x32xf32, #tpu.memory_space<hbm>> -> memref<1x512x32xf32, #tpu.memory_space<hbm>>
    %dma_start3A_1229 = tpu.memref_squeeze %dma_start3A_1228 : memref<1x512x32xf32, #tpu.memory_space<hbm>> -> memref<512x32xf32, #tpu.memory_space<hbm>>
    %dma_start3A_1230 = arith.constant 0 : i32
    %dma_start3A_1231 = tpu.memref_slice %arg4[%dma_start3A_1226, %mul3A_2, %dma_start3A_1230] : memref<50x16384x32xf32, #tpu.memory_space<hbm>> -> memref<1x512x32xf32, #tpu.memory_space<hbm>>
    %dma_start3A_1232 = tpu.memref_squeeze %dma_start3A_1231 : memref<1x512x32xf32, #tpu.memory_space<hbm>> -> memref<512x32xf32, #tpu.memory_space<hbm>>
    tpu.enqueue_dma source(%arg7 : memref<512x32xf32, #tpu.memory_space<vmem>>) target(%dma_start3A_1232 : memref<512x32xf32, #tpu.memory_space<hbm>>) target_semaphore(%arg11 : memref<!tpu.dma_semaphore, #tpu.memory_space<semaphore_mem>>)
    %dma_wait3A_1233 = arith.constant 43 : i32
    %dma_wait3A_1234 = arith.constant 0 : i32
    %dma_wait3A_1235 = tpu.memref_slice %arg4[%dma_wait3A_1233, %mul3A_2, %dma_wait3A_1234] : memref<50x16384x32xf32, #tpu.memory_space<hbm>> -> memref<1x512x32xf32, #tpu.memory_space<hbm>>
    %dma_wait3A_1236 = tpu.memref_squeeze %dma_wait3A_1235 : memref<1x512x32xf32, #tpu.memory_space<hbm>> -> memref<512x32xf32, #tpu.memory_space<hbm>>
    %dma_wait3A_1237 = arith.constant 0 : i32
    %dma_wait3A_1238 = tpu.memref_slice %arg4[%dma_wait3A_1233, %mul3A_2, %dma_wait3A_1237] : memref<50x16384x32xf32, #tpu.memory_space<hbm>> -> memref<1x512x32xf32, #tpu.memory_space<hbm>>
    %dma_wait3A_1239 = tpu.memref_squeeze %dma_wait3A_1238 : memref<1x512x32xf32, #tpu.memory_space<hbm>> -> memref<512x32xf32, #tpu.memory_space<hbm>>
    tpu.wait_dma2 semaphore(%arg11 : memref<!tpu.dma_semaphore, #tpu.memory_space<semaphore_mem>>) src(%arg7 : memref<512x32xf32, #tpu.memory_space<vmem>>) dst(%dma_wait3A_1239 : memref<512x32xf32, #tpu.memory_space<hbm>>)
    %dma_start3A_1240 = arith.constant 45 : i32
    %dma_start3A_1241 = arith.constant 0 : i32
    %dma_start3A_1242 = tpu.memref_slice %arg5[%dma_start3A_1240, %dma_start3A_1241] : memref<50x512xi32, #tpu.memory_space<vmem>> -> memref<1x512xi32, #tpu.memory_space<vmem>>
    %dma_start3A_1243 = tpu.memref_squeeze %dma_start3A_1242 : memref<1x512xi32, #tpu.memory_space<vmem>> -> memref<512xi32, #tpu.memory_space<vmem>>
    %dma_start3A_1244 = arith.constant 0 : i32
    %dma_start3A_1245 = arith.constant 0 : i32
    %dma_start3A_1246 = tpu.memref_slice %arg2[%dma_start3A_1244, %dma_start3A_1245] : memref<1000000x32xf32, #tpu.memory_space<hbm>> -> memref<1000000x32xf32, #tpu.memory_space<hbm>>
    tpu.enqueue_indirect_dma source(%dma_start3A_1246 : memref<1000000x32xf32, #tpu.memory_space<hbm>>) target(%arg7 : memref<512x32xf32, #tpu.memory_space<vmem>>) offsets(%dma_start3A_1243 : memref<512xi32, #tpu.memory_space<vmem>>) semaphore(%arg9 : memref<!tpu.dma_semaphore, #tpu.memory_space<semaphore_mem>>)
    %dma_wait3A_1247 = arith.constant 44 : i32
    %dma_wait3A_1248 = arith.constant 0 : i32
    %dma_wait3A_1249 = tpu.memref_slice %arg5[%dma_wait3A_1247, %dma_wait3A_1248] : memref<50x512xi32, #tpu.memory_space<vmem>> -> memref<1x512xi32, #tpu.memory_space<vmem>>
    %dma_wait3A_1250 = tpu.memref_squeeze %dma_wait3A_1249 : memref<1x512xi32, #tpu.memory_space<vmem>> -> memref<512xi32, #tpu.memory_space<vmem>>
    %dma_wait3A_1251 = arith.constant 0 : i32
    %dma_wait3A_1252 = arith.constant 0 : i32
    %dma_wait3A_1253 = tpu.memref_slice %arg2[%dma_wait3A_1251, %dma_wait3A_1252] : memref<1000000x32xf32, #tpu.memory_space<hbm>> -> memref<1000000x32xf32, #tpu.memory_space<hbm>>
    tpu.wait_indirect_dma semaphore(%arg8 : memref<!tpu.dma_semaphore, #tpu.memory_space<semaphore_mem>>) src(%dma_wait3A_1253 : memref<1000000x32xf32, #tpu.memory_space<hbm>>) dst(%arg6 : memref<512x32xf32, #tpu.memory_space<vmem>>)
    %dma_start3A_1254 = arith.constant 44 : i32
    %dma_start3A_1255 = arith.constant 0 : i32
    %dma_start3A_1256 = tpu.memref_slice %arg4[%dma_start3A_1254, %mul3A_2, %dma_start3A_1255] : memref<50x16384x32xf32, #tpu.memory_space<hbm>> -> memref<1x512x32xf32, #tpu.memory_space<hbm>>
    %dma_start3A_1257 = tpu.memref_squeeze %dma_start3A_1256 : memref<1x512x32xf32, #tpu.memory_space<hbm>> -> memref<512x32xf32, #tpu.memory_space<hbm>>
    %dma_start3A_1258 = arith.constant 0 : i32
    %dma_start3A_1259 = tpu.memref_slice %arg4[%dma_start3A_1254, %mul3A_2, %dma_start3A_1258] : memref<50x16384x32xf32, #tpu.memory_space<hbm>> -> memref<1x512x32xf32, #tpu.memory_space<hbm>>
    %dma_start3A_1260 = tpu.memref_squeeze %dma_start3A_1259 : memref<1x512x32xf32, #tpu.memory_space<hbm>> -> memref<512x32xf32, #tpu.memory_space<hbm>>
    tpu.enqueue_dma source(%arg6 : memref<512x32xf32, #tpu.memory_space<vmem>>) target(%dma_start3A_1260 : memref<512x32xf32, #tpu.memory_space<hbm>>) target_semaphore(%arg10 : memref<!tpu.dma_semaphore, #tpu.memory_space<semaphore_mem>>)
    %dma_wait3A_1261 = arith.constant 44 : i32
    %dma_wait3A_1262 = arith.constant 0 : i32
    %dma_wait3A_1263 = tpu.memref_slice %arg4[%dma_wait3A_1261, %mul3A_2, %dma_wait3A_1262] : memref<50x16384x32xf32, #tpu.memory_space<hbm>> -> memref<1x512x32xf32, #tpu.memory_space<hbm>>
    %dma_wait3A_1264 = tpu.memref_squeeze %dma_wait3A_1263 : memref<1x512x32xf32, #tpu.memory_space<hbm>> -> memref<512x32xf32, #tpu.memory_space<hbm>>
    %dma_wait3A_1265 = arith.constant 0 : i32
    %dma_wait3A_1266 = tpu.memref_slice %arg4[%dma_wait3A_1261, %mul3A_2, %dma_wait3A_1265] : memref<50x16384x32xf32, #tpu.memory_space<hbm>> -> memref<1x512x32xf32, #tpu.memory_space<hbm>>
    %dma_wait3A_1267 = tpu.memref_squeeze %dma_wait3A_1266 : memref<1x512x32xf32, #tpu.memory_space<hbm>> -> memref<512x32xf32, #tpu.memory_space<hbm>>
    tpu.wait_dma2 semaphore(%arg10 : memref<!tpu.dma_semaphore, #tpu.memory_space<semaphore_mem>>) src(%arg6 : memref<512x32xf32, #tpu.memory_space<vmem>>) dst(%dma_wait3A_1267 : memref<512x32xf32, #tpu.memory_space<hbm>>)
    %dma_start3A_1268 = arith.constant 46 : i32
    %dma_start3A_1269 = arith.constant 0 : i32
    %dma_start3A_1270 = tpu.memref_slice %arg5[%dma_start3A_1268, %dma_start3A_1269] : memref<50x512xi32, #tpu.memory_space<vmem>> -> memref<1x512xi32, #tpu.memory_space<vmem>>
    %dma_start3A_1271 = tpu.memref_squeeze %dma_start3A_1270 : memref<1x512xi32, #tpu.memory_space<vmem>> -> memref<512xi32, #tpu.memory_space<vmem>>
    %dma_start3A_1272 = arith.constant 0 : i32
    %dma_start3A_1273 = arith.constant 0 : i32
    %dma_start3A_1274 = tpu.memref_slice %arg2[%dma_start3A_1272, %dma_start3A_1273] : memref<1000000x32xf32, #tpu.memory_space<hbm>> -> memref<1000000x32xf32, #tpu.memory_space<hbm>>
    tpu.enqueue_indirect_dma source(%dma_start3A_1274 : memref<1000000x32xf32, #tpu.memory_space<hbm>>) target(%arg6 : memref<512x32xf32, #tpu.memory_space<vmem>>) offsets(%dma_start3A_1271 : memref<512xi32, #tpu.memory_space<vmem>>) semaphore(%arg8 : memref<!tpu.dma_semaphore, #tpu.memory_space<semaphore_mem>>)
    %dma_wait3A_1275 = arith.constant 45 : i32
    %dma_wait3A_1276 = arith.constant 0 : i32
    %dma_wait3A_1277 = tpu.memref_slice %arg5[%dma_wait3A_1275, %dma_wait3A_1276] : memref<50x512xi32, #tpu.memory_space<vmem>> -> memref<1x512xi32, #tpu.memory_space<vmem>>
    %dma_wait3A_1278 = tpu.memref_squeeze %dma_wait3A_1277 : memref<1x512xi32, #tpu.memory_space<vmem>> -> memref<512xi32, #tpu.memory_space<vmem>>
    %dma_wait3A_1279 = arith.constant 0 : i32
    %dma_wait3A_1280 = arith.constant 0 : i32
    %dma_wait3A_1281 = tpu.memref_slice %arg2[%dma_wait3A_1279, %dma_wait3A_1280] : memref<1000000x32xf32, #tpu.memory_space<hbm>> -> memref<1000000x32xf32, #tpu.memory_space<hbm>>
    tpu.wait_indirect_dma semaphore(%arg9 : memref<!tpu.dma_semaphore, #tpu.memory_space<semaphore_mem>>) src(%dma_wait3A_1281 : memref<1000000x32xf32, #tpu.memory_space<hbm>>) dst(%arg7 : memref<512x32xf32, #tpu.memory_space<vmem>>)
    %dma_start3A_1282 = arith.constant 45 : i32
    %dma_start3A_1283 = arith.constant 0 : i32
    %dma_start3A_1284 = tpu.memref_slice %arg4[%dma_start3A_1282, %mul3A_2, %dma_start3A_1283] : memref<50x16384x32xf32, #tpu.memory_space<hbm>> -> memref<1x512x32xf32, #tpu.memory_space<hbm>>
    %dma_start3A_1285 = tpu.memref_squeeze %dma_start3A_1284 : memref<1x512x32xf32, #tpu.memory_space<hbm>> -> memref<512x32xf32, #tpu.memory_space<hbm>>
    %dma_start3A_1286 = arith.constant 0 : i32
    %dma_start3A_1287 = tpu.memref_slice %arg4[%dma_start3A_1282, %mul3A_2, %dma_start3A_1286] : memref<50x16384x32xf32, #tpu.memory_space<hbm>> -> memref<1x512x32xf32, #tpu.memory_space<hbm>>
    %dma_start3A_1288 = tpu.memref_squeeze %dma_start3A_1287 : memref<1x512x32xf32, #tpu.memory_space<hbm>> -> memref<512x32xf32, #tpu.memory_space<hbm>>
    tpu.enqueue_dma source(%arg7 : memref<512x32xf32, #tpu.memory_space<vmem>>) target(%dma_start3A_1288 : memref<512x32xf32, #tpu.memory_space<hbm>>) target_semaphore(%arg11 : memref<!tpu.dma_semaphore, #tpu.memory_space<semaphore_mem>>)
    %dma_wait3A_1289 = arith.constant 45 : i32
    %dma_wait3A_1290 = arith.constant 0 : i32
    %dma_wait3A_1291 = tpu.memref_slice %arg4[%dma_wait3A_1289, %mul3A_2, %dma_wait3A_1290] : memref<50x16384x32xf32, #tpu.memory_space<hbm>> -> memref<1x512x32xf32, #tpu.memory_space<hbm>>
    %dma_wait3A_1292 = tpu.memref_squeeze %dma_wait3A_1291 : memref<1x512x32xf32, #tpu.memory_space<hbm>> -> memref<512x32xf32, #tpu.memory_space<hbm>>
    %dma_wait3A_1293 = arith.constant 0 : i32
    %dma_wait3A_1294 = tpu.memref_slice %arg4[%dma_wait3A_1289, %mul3A_2, %dma_wait3A_1293] : memref<50x16384x32xf32, #tpu.memory_space<hbm>> -> memref<1x512x32xf32, #tpu.memory_space<hbm>>
    %dma_wait3A_1295 = tpu.memref_squeeze %dma_wait3A_1294 : memref<1x512x32xf32, #tpu.memory_space<hbm>> -> memref<512x32xf32, #tpu.memory_space<hbm>>
    tpu.wait_dma2 semaphore(%arg11 : memref<!tpu.dma_semaphore, #tpu.memory_space<semaphore_mem>>) src(%arg7 : memref<512x32xf32, #tpu.memory_space<vmem>>) dst(%dma_wait3A_1295 : memref<512x32xf32, #tpu.memory_space<hbm>>)
    %dma_start3A_1296 = arith.constant 47 : i32
    %dma_start3A_1297 = arith.constant 0 : i32
    %dma_start3A_1298 = tpu.memref_slice %arg5[%dma_start3A_1296, %dma_start3A_1297] : memref<50x512xi32, #tpu.memory_space<vmem>> -> memref<1x512xi32, #tpu.memory_space<vmem>>
    %dma_start3A_1299 = tpu.memref_squeeze %dma_start3A_1298 : memref<1x512xi32, #tpu.memory_space<vmem>> -> memref<512xi32, #tpu.memory_space<vmem>>
    %dma_start3A_1300 = arith.constant 0 : i32
    %dma_start3A_1301 = arith.constant 0 : i32
    %dma_start3A_1302 = tpu.memref_slice %arg2[%dma_start3A_1300, %dma_start3A_1301] : memref<1000000x32xf32, #tpu.memory_space<hbm>> -> memref<1000000x32xf32, #tpu.memory_space<hbm>>
    tpu.enqueue_indirect_dma source(%dma_start3A_1302 : memref<1000000x32xf32, #tpu.memory_space<hbm>>) target(%arg7 : memref<512x32xf32, #tpu.memory_space<vmem>>) offsets(%dma_start3A_1299 : memref<512xi32, #tpu.memory_space<vmem>>) semaphore(%arg9 : memref<!tpu.dma_semaphore, #tpu.memory_space<semaphore_mem>>)
    %dma_wait3A_1303 = arith.constant 46 : i32
    %dma_wait3A_1304 = arith.constant 0 : i32
    %dma_wait3A_1305 = tpu.memref_slice %arg5[%dma_wait3A_1303, %dma_wait3A_1304] : memref<50x512xi32, #tpu.memory_space<vmem>> -> memref<1x512xi32, #tpu.memory_space<vmem>>
    %dma_wait3A_1306 = tpu.memref_squeeze %dma_wait3A_1305 : memref<1x512xi32, #tpu.memory_space<vmem>> -> memref<512xi32, #tpu.memory_space<vmem>>
    %dma_wait3A_1307 = arith.constant 0 : i32
    %dma_wait3A_1308 = arith.constant 0 : i32
    %dma_wait3A_1309 = tpu.memref_slice %arg2[%dma_wait3A_1307, %dma_wait3A_1308] : memref<1000000x32xf32, #tpu.memory_space<hbm>> -> memref<1000000x32xf32, #tpu.memory_space<hbm>>
    tpu.wait_indirect_dma semaphore(%arg8 : memref<!tpu.dma_semaphore, #tpu.memory_space<semaphore_mem>>) src(%dma_wait3A_1309 : memref<1000000x32xf32, #tpu.memory_space<hbm>>) dst(%arg6 : memref<512x32xf32, #tpu.memory_space<vmem>>)
    %dma_start3A_1310 = arith.constant 46 : i32
    %dma_start3A_1311 = arith.constant 0 : i32
    %dma_start3A_1312 = tpu.memref_slice %arg4[%dma_start3A_1310, %mul3A_2, %dma_start3A_1311] : memref<50x16384x32xf32, #tpu.memory_space<hbm>> -> memref<1x512x32xf32, #tpu.memory_space<hbm>>
    %dma_start3A_1313 = tpu.memref_squeeze %dma_start3A_1312 : memref<1x512x32xf32, #tpu.memory_space<hbm>> -> memref<512x32xf32, #tpu.memory_space<hbm>>
    %dma_start3A_1314 = arith.constant 0 : i32
    %dma_start3A_1315 = tpu.memref_slice %arg4[%dma_start3A_1310, %mul3A_2, %dma_start3A_1314] : memref<50x16384x32xf32, #tpu.memory_space<hbm>> -> memref<1x512x32xf32, #tpu.memory_space<hbm>>
    %dma_start3A_1316 = tpu.memref_squeeze %dma_start3A_1315 : memref<1x512x32xf32, #tpu.memory_space<hbm>> -> memref<512x32xf32, #tpu.memory_space<hbm>>
    tpu.enqueue_dma source(%arg6 : memref<512x32xf32, #tpu.memory_space<vmem>>) target(%dma_start3A_1316 : memref<512x32xf32, #tpu.memory_space<hbm>>) target_semaphore(%arg10 : memref<!tpu.dma_semaphore, #tpu.memory_space<semaphore_mem>>)
    %dma_wait3A_1317 = arith.constant 46 : i32
    %dma_wait3A_1318 = arith.constant 0 : i32
    %dma_wait3A_1319 = tpu.memref_slice %arg4[%dma_wait3A_1317, %mul3A_2, %dma_wait3A_1318] : memref<50x16384x32xf32, #tpu.memory_space<hbm>> -> memref<1x512x32xf32, #tpu.memory_space<hbm>>
    %dma_wait3A_1320 = tpu.memref_squeeze %dma_wait3A_1319 : memref<1x512x32xf32, #tpu.memory_space<hbm>> -> memref<512x32xf32, #tpu.memory_space<hbm>>
    %dma_wait3A_1321 = arith.constant 0 : i32
    %dma_wait3A_1322 = tpu.memref_slice %arg4[%dma_wait3A_1317, %mul3A_2, %dma_wait3A_1321] : memref<50x16384x32xf32, #tpu.memory_space<hbm>> -> memref<1x512x32xf32, #tpu.memory_space<hbm>>
    %dma_wait3A_1323 = tpu.memref_squeeze %dma_wait3A_1322 : memref<1x512x32xf32, #tpu.memory_space<hbm>> -> memref<512x32xf32, #tpu.memory_space<hbm>>
    tpu.wait_dma2 semaphore(%arg10 : memref<!tpu.dma_semaphore, #tpu.memory_space<semaphore_mem>>) src(%arg6 : memref<512x32xf32, #tpu.memory_space<vmem>>) dst(%dma_wait3A_1323 : memref<512x32xf32, #tpu.memory_space<hbm>>)
    %dma_start3A_1324 = arith.constant 48 : i32
    %dma_start3A_1325 = arith.constant 0 : i32
    %dma_start3A_1326 = tpu.memref_slice %arg5[%dma_start3A_1324, %dma_start3A_1325] : memref<50x512xi32, #tpu.memory_space<vmem>> -> memref<1x512xi32, #tpu.memory_space<vmem>>
    %dma_start3A_1327 = tpu.memref_squeeze %dma_start3A_1326 : memref<1x512xi32, #tpu.memory_space<vmem>> -> memref<512xi32, #tpu.memory_space<vmem>>
    %dma_start3A_1328 = arith.constant 0 : i32
    %dma_start3A_1329 = arith.constant 0 : i32
    %dma_start3A_1330 = tpu.memref_slice %arg2[%dma_start3A_1328, %dma_start3A_1329] : memref<1000000x32xf32, #tpu.memory_space<hbm>> -> memref<1000000x32xf32, #tpu.memory_space<hbm>>
    tpu.enqueue_indirect_dma source(%dma_start3A_1330 : memref<1000000x32xf32, #tpu.memory_space<hbm>>) target(%arg6 : memref<512x32xf32, #tpu.memory_space<vmem>>) offsets(%dma_start3A_1327 : memref<512xi32, #tpu.memory_space<vmem>>) semaphore(%arg8 : memref<!tpu.dma_semaphore, #tpu.memory_space<semaphore_mem>>)
    %dma_wait3A_1331 = arith.constant 47 : i32
    %dma_wait3A_1332 = arith.constant 0 : i32
    %dma_wait3A_1333 = tpu.memref_slice %arg5[%dma_wait3A_1331, %dma_wait3A_1332] : memref<50x512xi32, #tpu.memory_space<vmem>> -> memref<1x512xi32, #tpu.memory_space<vmem>>
    %dma_wait3A_1334 = tpu.memref_squeeze %dma_wait3A_1333 : memref<1x512xi32, #tpu.memory_space<vmem>> -> memref<512xi32, #tpu.memory_space<vmem>>
    %dma_wait3A_1335 = arith.constant 0 : i32
    %dma_wait3A_1336 = arith.constant 0 : i32
    %dma_wait3A_1337 = tpu.memref_slice %arg2[%dma_wait3A_1335, %dma_wait3A_1336] : memref<1000000x32xf32, #tpu.memory_space<hbm>> -> memref<1000000x32xf32, #tpu.memory_space<hbm>>
    tpu.wait_indirect_dma semaphore(%arg9 : memref<!tpu.dma_semaphore, #tpu.memory_space<semaphore_mem>>) src(%dma_wait3A_1337 : memref<1000000x32xf32, #tpu.memory_space<hbm>>) dst(%arg7 : memref<512x32xf32, #tpu.memory_space<vmem>>)
    %dma_start3A_1338 = arith.constant 47 : i32
    %dma_start3A_1339 = arith.constant 0 : i32
    %dma_start3A_1340 = tpu.memref_slice %arg4[%dma_start3A_1338, %mul3A_2, %dma_start3A_1339] : memref<50x16384x32xf32, #tpu.memory_space<hbm>> -> memref<1x512x32xf32, #tpu.memory_space<hbm>>
    %dma_start3A_1341 = tpu.memref_squeeze %dma_start3A_1340 : memref<1x512x32xf32, #tpu.memory_space<hbm>> -> memref<512x32xf32, #tpu.memory_space<hbm>>
    %dma_start3A_1342 = arith.constant 0 : i32
    %dma_start3A_1343 = tpu.memref_slice %arg4[%dma_start3A_1338, %mul3A_2, %dma_start3A_1342] : memref<50x16384x32xf32, #tpu.memory_space<hbm>> -> memref<1x512x32xf32, #tpu.memory_space<hbm>>
    %dma_start3A_1344 = tpu.memref_squeeze %dma_start3A_1343 : memref<1x512x32xf32, #tpu.memory_space<hbm>> -> memref<512x32xf32, #tpu.memory_space<hbm>>
    tpu.enqueue_dma source(%arg7 : memref<512x32xf32, #tpu.memory_space<vmem>>) target(%dma_start3A_1344 : memref<512x32xf32, #tpu.memory_space<hbm>>) target_semaphore(%arg11 : memref<!tpu.dma_semaphore, #tpu.memory_space<semaphore_mem>>)
    %dma_wait3A_1345 = arith.constant 47 : i32
    %dma_wait3A_1346 = arith.constant 0 : i32
    %dma_wait3A_1347 = tpu.memref_slice %arg4[%dma_wait3A_1345, %mul3A_2, %dma_wait3A_1346] : memref<50x16384x32xf32, #tpu.memory_space<hbm>> -> memref<1x512x32xf32, #tpu.memory_space<hbm>>
    %dma_wait3A_1348 = tpu.memref_squeeze %dma_wait3A_1347 : memref<1x512x32xf32, #tpu.memory_space<hbm>> -> memref<512x32xf32, #tpu.memory_space<hbm>>
    %dma_wait3A_1349 = arith.constant 0 : i32
    %dma_wait3A_1350 = tpu.memref_slice %arg4[%dma_wait3A_1345, %mul3A_2, %dma_wait3A_1349] : memref<50x16384x32xf32, #tpu.memory_space<hbm>> -> memref<1x512x32xf32, #tpu.memory_space<hbm>>
    %dma_wait3A_1351 = tpu.memref_squeeze %dma_wait3A_1350 : memref<1x512x32xf32, #tpu.memory_space<hbm>> -> memref<512x32xf32, #tpu.memory_space<hbm>>
    tpu.wait_dma2 semaphore(%arg11 : memref<!tpu.dma_semaphore, #tpu.memory_space<semaphore_mem>>) src(%arg7 : memref<512x32xf32, #tpu.memory_space<vmem>>) dst(%dma_wait3A_1351 : memref<512x32xf32, #tpu.memory_space<hbm>>)
    %dma_start3A_1352 = arith.constant 49 : i32
    %dma_start3A_1353 = arith.constant 0 : i32
    %dma_start3A_1354 = tpu.memref_slice %arg5[%dma_start3A_1352, %dma_start3A_1353] : memref<50x512xi32, #tpu.memory_space<vmem>> -> memref<1x512xi32, #tpu.memory_space<vmem>>
    %dma_start3A_1355 = tpu.memref_squeeze %dma_start3A_1354 : memref<1x512xi32, #tpu.memory_space<vmem>> -> memref<512xi32, #tpu.memory_space<vmem>>
    %dma_start3A_1356 = arith.constant 0 : i32
    %dma_start3A_1357 = arith.constant 0 : i32
    %dma_start3A_1358 = tpu.memref_slice %arg2[%dma_start3A_1356, %dma_start3A_1357] : memref<1000000x32xf32, #tpu.memory_space<hbm>> -> memref<1000000x32xf32, #tpu.memory_space<hbm>>
    tpu.enqueue_indirect_dma source(%dma_start3A_1358 : memref<1000000x32xf32, #tpu.memory_space<hbm>>) target(%arg7 : memref<512x32xf32, #tpu.memory_space<vmem>>) offsets(%dma_start3A_1355 : memref<512xi32, #tpu.memory_space<vmem>>) semaphore(%arg9 : memref<!tpu.dma_semaphore, #tpu.memory_space<semaphore_mem>>)
    %dma_wait3A_1359 = arith.constant 48 : i32
    %dma_wait3A_1360 = arith.constant 0 : i32
    %dma_wait3A_1361 = tpu.memref_slice %arg5[%dma_wait3A_1359, %dma_wait3A_1360] : memref<50x512xi32, #tpu.memory_space<vmem>> -> memref<1x512xi32, #tpu.memory_space<vmem>>
    %dma_wait3A_1362 = tpu.memref_squeeze %dma_wait3A_1361 : memref<1x512xi32, #tpu.memory_space<vmem>> -> memref<512xi32, #tpu.memory_space<vmem>>
    %dma_wait3A_1363 = arith.constant 0 : i32
    %dma_wait3A_1364 = arith.constant 0 : i32
    %dma_wait3A_1365 = tpu.memref_slice %arg2[%dma_wait3A_1363, %dma_wait3A_1364] : memref<1000000x32xf32, #tpu.memory_space<hbm>> -> memref<1000000x32xf32, #tpu.memory_space<hbm>>
    tpu.wait_indirect_dma semaphore(%arg8 : memref<!tpu.dma_semaphore, #tpu.memory_space<semaphore_mem>>) src(%dma_wait3A_1365 : memref<1000000x32xf32, #tpu.memory_space<hbm>>) dst(%arg6 : memref<512x32xf32, #tpu.memory_space<vmem>>)
    %dma_start3A_1366 = arith.constant 48 : i32
    %dma_start3A_1367 = arith.constant 0 : i32
    %dma_start3A_1368 = tpu.memref_slice %arg4[%dma_start3A_1366, %mul3A_2, %dma_start3A_1367] : memref<50x16384x32xf32, #tpu.memory_space<hbm>> -> memref<1x512x32xf32, #tpu.memory_space<hbm>>
    %dma_start3A_1369 = tpu.memref_squeeze %dma_start3A_1368 : memref<1x512x32xf32, #tpu.memory_space<hbm>> -> memref<512x32xf32, #tpu.memory_space<hbm>>
    %dma_start3A_1370 = arith.constant 0 : i32
    %dma_start3A_1371 = tpu.memref_slice %arg4[%dma_start3A_1366, %mul3A_2, %dma_start3A_1370] : memref<50x16384x32xf32, #tpu.memory_space<hbm>> -> memref<1x512x32xf32, #tpu.memory_space<hbm>>
    %dma_start3A_1372 = tpu.memref_squeeze %dma_start3A_1371 : memref<1x512x32xf32, #tpu.memory_space<hbm>> -> memref<512x32xf32, #tpu.memory_space<hbm>>
    tpu.enqueue_dma source(%arg6 : memref<512x32xf32, #tpu.memory_space<vmem>>) target(%dma_start3A_1372 : memref<512x32xf32, #tpu.memory_space<hbm>>) target_semaphore(%arg10 : memref<!tpu.dma_semaphore, #tpu.memory_space<semaphore_mem>>)
    %dma_wait3A_1373 = arith.constant 48 : i32
    %dma_wait3A_1374 = arith.constant 0 : i32
    %dma_wait3A_1375 = tpu.memref_slice %arg4[%dma_wait3A_1373, %mul3A_2, %dma_wait3A_1374] : memref<50x16384x32xf32, #tpu.memory_space<hbm>> -> memref<1x512x32xf32, #tpu.memory_space<hbm>>
    %dma_wait3A_1376 = tpu.memref_squeeze %dma_wait3A_1375 : memref<1x512x32xf32, #tpu.memory_space<hbm>> -> memref<512x32xf32, #tpu.memory_space<hbm>>
    %dma_wait3A_1377 = arith.constant 0 : i32
    %dma_wait3A_1378 = tpu.memref_slice %arg4[%dma_wait3A_1373, %mul3A_2, %dma_wait3A_1377] : memref<50x16384x32xf32, #tpu.memory_space<hbm>> -> memref<1x512x32xf32, #tpu.memory_space<hbm>>
    %dma_wait3A_1379 = tpu.memref_squeeze %dma_wait3A_1378 : memref<1x512x32xf32, #tpu.memory_space<hbm>> -> memref<512x32xf32, #tpu.memory_space<hbm>>
    tpu.wait_dma2 semaphore(%arg10 : memref<!tpu.dma_semaphore, #tpu.memory_space<semaphore_mem>>) src(%arg6 : memref<512x32xf32, #tpu.memory_space<vmem>>) dst(%dma_wait3A_1379 : memref<512x32xf32, #tpu.memory_space<hbm>>)
    %dma_wait3A_1380 = arith.constant 49 : i32
    %dma_wait3A_1381 = arith.constant 0 : i32
    %dma_wait3A_1382 = tpu.memref_slice %arg5[%dma_wait3A_1380, %dma_wait3A_1381] : memref<50x512xi32, #tpu.memory_space<vmem>> -> memref<1x512xi32, #tpu.memory_space<vmem>>
    %dma_wait3A_1383 = tpu.memref_squeeze %dma_wait3A_1382 : memref<1x512xi32, #tpu.memory_space<vmem>> -> memref<512xi32, #tpu.memory_space<vmem>>
    %dma_wait3A_1384 = arith.constant 0 : i32
    %dma_wait3A_1385 = arith.constant 0 : i32
    %dma_wait3A_1386 = tpu.memref_slice %arg2[%dma_wait3A_1384, %dma_wait3A_1385] : memref<1000000x32xf32, #tpu.memory_space<hbm>> -> memref<1000000x32xf32, #tpu.memory_space<hbm>>
    tpu.wait_indirect_dma semaphore(%arg9 : memref<!tpu.dma_semaphore, #tpu.memory_space<semaphore_mem>>) src(%dma_wait3A_1386 : memref<1000000x32xf32, #tpu.memory_space<hbm>>) dst(%arg7 : memref<512x32xf32, #tpu.memory_space<vmem>>)
    %dma_start3A_1387 = arith.constant 49 : i32
    %dma_start3A_1388 = arith.constant 0 : i32
    %dma_start3A_1389 = tpu.memref_slice %arg4[%dma_start3A_1387, %mul3A_2, %dma_start3A_1388] : memref<50x16384x32xf32, #tpu.memory_space<hbm>> -> memref<1x512x32xf32, #tpu.memory_space<hbm>>
    %dma_start3A_1390 = tpu.memref_squeeze %dma_start3A_1389 : memref<1x512x32xf32, #tpu.memory_space<hbm>> -> memref<512x32xf32, #tpu.memory_space<hbm>>
    %dma_start3A_1391 = arith.constant 0 : i32
    %dma_start3A_1392 = tpu.memref_slice %arg4[%dma_start3A_1387, %mul3A_2, %dma_start3A_1391] : memref<50x16384x32xf32, #tpu.memory_space<hbm>> -> memref<1x512x32xf32, #tpu.memory_space<hbm>>
    %dma_start3A_1393 = tpu.memref_squeeze %dma_start3A_1392 : memref<1x512x32xf32, #tpu.memory_space<hbm>> -> memref<512x32xf32, #tpu.memory_space<hbm>>
    tpu.enqueue_dma source(%arg7 : memref<512x32xf32, #tpu.memory_space<vmem>>) target(%dma_start3A_1393 : memref<512x32xf32, #tpu.memory_space<hbm>>) target_semaphore(%arg11 : memref<!tpu.dma_semaphore, #tpu.memory_space<semaphore_mem>>)
    %dma_wait3A_1394 = arith.constant 49 : i32
    %dma_wait3A_1395 = arith.constant 0 : i32
    %dma_wait3A_1396 = tpu.memref_slice %arg4[%dma_wait3A_1394, %mul3A_2, %dma_wait3A_1395] : memref<50x16384x32xf32, #tpu.memory_space<hbm>> -> memref<1x512x32xf32, #tpu.memory_space<hbm>>
    %dma_wait3A_1397 = tpu.memref_squeeze %dma_wait3A_1396 : memref<1x512x32xf32, #tpu.memory_space<hbm>> -> memref<512x32xf32, #tpu.memory_space<hbm>>
    %dma_wait3A_1398 = arith.constant 0 : i32
    %dma_wait3A_1399 = tpu.memref_slice %arg4[%dma_wait3A_1394, %mul3A_2, %dma_wait3A_1398] : memref<50x16384x32xf32, #tpu.memory_space<hbm>> -> memref<1x512x32xf32, #tpu.memory_space<hbm>>
    %dma_wait3A_1400 = tpu.memref_squeeze %dma_wait3A_1399 : memref<1x512x32xf32, #tpu.memory_space<hbm>> -> memref<512x32xf32, #tpu.memory_space<hbm>>
    tpu.wait_dma2 semaphore(%arg11 : memref<!tpu.dma_semaphore, #tpu.memory_space<semaphore_mem>>) src(%arg7 : memref<512x32xf32, #tpu.memory_space<vmem>>) dst(%dma_wait3A_1400 : memref<512x32xf32, #tpu.memory_space<hbm>>)
    return
  }
}

</mosaic_0001>

<sc_bundles>
// kernel: _emb.3.cloned.1.call-start
scs
__scs_entry_jumppad:
0x0: {  	(pc) =	sbr.rel $0x88, $3  }
0x1: {  	(tag) =	ssettag $0x0;
	lr =	simm.s32 $0x1  }
0x2: {  	[smem:$0x3F9F] =	sst lr;
	_ =	strace $0xD0000000  }
0x3: {  	_ = 	snop  }
0x4: {  	_ = 	snop  }
0x5: {  	_ = 	snop  }
0x6: {  	_ = 	snop  }
0x7: {  	_ = 	snop  }
__scs_overlays_trampoline_lowered:
0x8: {  	[smem:$0x3FAE] =	sst s0  }
0x9: {  	[smem:$0x3FAF] =	sst s1  }
0xa: {  	[smem:$0x3FB0] =	sst s2  }
0xb: {  	[smem:$0x3FB1] =	sst s3  }
0xc: {  	[smem:$0x3FB2] =	sst s4  }
0xd: {  	[smem:$0x3FB3] =	sst s5  }
0xe: {  	[smem:$0x3FB4] =	sst s6  }
0xf: {  	[smem:$0x3FB5] =	sst s7  }
0x10: {  	[smem:$0x3FB6] =	sst s8  }
0x11: {  	[smem:$0x3FB7] =	sst s9;
	s0 =	simm.s32 @!p0 $0x0  }
0x12: {  	s1 =	sld [smem:$0x3F9D];
	s0 =	simm.s32 @p0 $0x1  }
0x13: {  	[smem:$0x3FB8] =	sst s0;
	s0 =	simm.s32 @!p1 $0x0  }
0x14: {  	s2 =	sld [smem:$0x3F9C];
	s0 =	simm.s32 @p1 $0x1  }
0x15: {  	[smem:$0x3FB9] =	sst s0;
	s0 =	simm.s32 @!p2 $0x0  }
0x16: {  	s3 =	sld [smem:$0x3FDB];
	s0 =	simm.s32 @p2 $0x1  }
0x17: {  	s4 =	simm.s32 $0x1BF5;
	[smem:$0x3FBB] =	sst s0  }
0x18: {  	s0 =	sld [smem:$0x3F9E];
	_ =	swait.ge [sflag:s4], $0x0  }
0x19: {  	s7 =	sld [smem:$0x3F9F]  }
0x1a: {  	s8 =	sadd.s32 $0xFFFFE003, lr  }
0x1b: {  	s9 =	sadd.s32 $0xFFFFFEF7, lr;
	s5 =	simm.s32 $0xFFFFFFFF;
	p2 =	slt.u32 s8, $0xFFFFF086  }
0x1c: {  	p1 =	slt.u32 s9, $0xF7A;
	s5 =	simm.s32 @!p2 $0x0  }
0x1d: {  	s5 =	simm.s32 @p1 $0x1;
	p0 =	seq.s32 s7, s2  }
0x1e: {  	s7 =	smul.u32 @!p0 $0xF7A, s2;
	p2 =	seq.s32 @!p0 s5, $0x0  }
0x1f: {  	s9 =	smul.u32 $0xF7A, s1;
	s8 =	simm.s32 @!p0 $0x1BF5;
	p2 =	por !p2, p0  }
0x20: {  	[sflag:s8] =	ssyncset.s32 @!p0 $0xFFFFF086;
	s6 =	sadd.s32 @!p0 s3, s7;
	s7 =	simm.s32 @!p0 $0x108  }
0x21: {  	s3 =	sadd.s32 s3, s9;
	s6 =	sadd.s32 @!p0 $0x88, s6;
	s7 =	simm.s32 @p2 $0x1082  }
0x22: {  	[simem:s7], [sflag:s8] =	dma.local @!p0 [hbm:s6], $0xF7A  }
0x23: {  	s9 =	sor.u32 $0xD0000000, s2;
	s6 =	simm.s32 $0x108;
	_ =	swait.ge @!p0 [sflag:s8], $0x0  }
0x24: {  	s3 =	sadd.s32 $0x88, s3;
	s6 =	simm.s32 @!p1 $0x1082;
	[sflag:s4] =	ssyncset.s32 $0xFFFFF086  }
0x25: {  	[simem:s6], [sflag:s4] =	dma.local [hbm:s3], $0xF7A  }
0x26: {  	[smem:$0x3F9F] =	sst s1;
	(tag) =	ssettag s2;
	_ =	strace s9  }
0x27: {  	s1 =	sld [smem:$0x3FAF]  }
0x28: {  	s2 =	sld [smem:$0x3FB0]  }
0x29: {  	s4 =	sld [smem:$0x3FB2]  }
0x2a: {  	p0 =	seq.s32 s5, $0x0;
	s5 =	sld [smem:$0x3FB3]  }
0x2b: {  	s6 =	sld [smem:$0x3FB4]  }
0x2c: {  	s7 =	sld [smem:$0x3FB5]  }
0x2d: {  	s3 =	simm.s32 $0x108;
	s8 =	sld [smem:$0x3FB6]  }
0x2e: {  	s3 =	simm.s32 @!p0 $0x1082;
	s9 =	sld [smem:$0x3FB7]  }
0x2f: {  	lr =	sadd.s32 s0, s3;
	s0 =	sld [smem:$0x3FAE]  }
0x30: {  	s3 =	sld [smem:$0x3FB1]  }
0x31: {  	[smem:$0x3FBA] =	sst s10  }
0x32: {  	s10 =	sld [smem:$0x3FB8];
	_ =	sdelay $0x3  }
0x33: {  	p0 =	seq.s32 s10, $0x1;
	s10 =	sld [smem:$0x3FBA];
	_ =	sdelay $0x3  }
0x34: {  	[smem:$0x3FBA] =	sst s10  }
0x35: {  	s10 =	sld [smem:$0x3FB9];
	_ =	sdelay $0x3  }
0x36: {  	p1 =	seq.s32 s10, $0x1;
	s10 =	sld [smem:$0x3FBA];
	_ =	sdelay $0x3  }
0x37: {  	[smem:$0x3FBA] =	sst s10  }
0x38: {  	s10 =	sld [smem:$0x3FBB]  }
0x39: {  	_ = 	snop;
	(pc) =	sbr.ind lr, $3  }
0x3a: {  	_ = 	snop  }
0x3b: {  	_ = 	snop  }
0x3c: {  	p2 =	seq.s32 s10, $0x1;
	s10 =	sld [smem:$0x3FBA]  }
0x3d: {  	_ =	shalt  }
0x3e: {  	_ =	shalt  }
0x3f: {  	_ =	shalt  }
0x40: {  	_ =	shalt  }
0x41: {  	_ =	shalt  }
0x42: {  	_ =	shalt  }
0x43: {  	_ =	shalt  }
0x44: {  	_ =	shalt  }
0x45: {  	_ =	shalt  }
0x46: {  	_ =	shalt  }
0x47: {  	_ =	shalt  }
0x48: {  	_ =	shalt  }
0x49: {  	_ =	shalt  }
0x4a: {  	_ =	shalt  }
0x4b: {  	_ =	shalt  }
0x4c: {  	_ =	shalt  }
0x4d: {  	_ =	shalt  }
0x4e: {  	_ =	shalt  }
0x4f: {  	_ =	shalt  }
0x50: {  	_ =	shalt  }
0x51: {  	_ =	shalt  }
0x52: {  	_ =	shalt  }
0x53: {  	_ =	shalt  }
0x54: {  	_ =	shalt  }
0x55: {  	_ =	shalt  }
0x56: {  	_ =	shalt  }
0x57: {  	_ =	shalt  }
0x58: {  	_ =	shalt  }
0x59: {  	_ =	shalt  }
0x5a: {  	_ =	shalt  }
0x5b: {  	_ =	shalt  }
0x5c: {  	_ =	shalt  }
0x5d: {  	_ =	shalt  }
0x5e: {  	_ =	shalt  }
0x5f: {  	_ =	shalt  }
0x60: {  	_ =	shalt  }
0x61: {  	_ =	shalt  }
0x62: {  	_ =	shalt  }
0x63: {  	_ =	shalt  }
0x64: {  	_ =	shalt  }
0x65: {  	_ =	shalt  }
0x66: {  	_ =	shalt  }
0x67: {  	_ =	shalt  }
0x68: {  	_ =	shalt  }
0x69: {  	_ =	shalt  }
0x6a: {  	_ =	shalt  }
0x6b: {  	_ =	shalt  }
0x6c: {  	_ =	shalt  }
0x6d: {  	_ =	shalt  }
0x6e: {  	_ =	shalt  }
0x6f: {  	_ =	shalt  }
0x70: {  	_ =	shalt  }
0x71: {  	_ =	shalt  }
0x72: {  	_ =	shalt  }
0x73: {  	_ =	shalt  }
0x74: {  	_ =	shalt  }
0x75: {  	_ =	shalt  }
0x76: {  	_ =	shalt  }
0x77: {  	_ =	shalt  }
0x78: {  	_ =	shalt  }
0x79: {  	_ =	shalt  }
0x7a: {  	_ =	shalt  }
0x7b: {  	_ =	shalt  }
0x7c: {  	_ =	shalt  }
0x7d: {  	_ =	shalt  }
0x7e: {  	_ =	shalt  }
0x7f: {  	_ =	shalt  }
0x80: {  	_ =	shalt  }
0x81: {  	_ =	shalt  }
0x82: {  	_ =	shalt  }
0x83: {  	_ =	shalt  }
0x84: {  	_ =	shalt  }
0x85: {  	_ =	shalt  }
0x86: {  	_ =	shalt  }
0x87: {  	_ =	shalt  }
.Lfunc_end0:
.L_simem_size_0:
called_computation.1_lowered:
.L_overlay_start_0:
0x88: {  	s2 =	sld [smem:$0x3FD9]  }
0x89: {  	s3 =	sld [smem:$0x3FFE];
	_ =	sdelay $0x1  }
0x8a: {  	s1 =	srdreg.scid  }
0x8b: {  	s0 =	sand.u32 $0x1, s1  }
0x8c: {  	s17 =	sshll.u32 s0, $0xA;
	s2 =	sadd.s32 s3, s2  }
0x8d: {  	s2 =	sadd.s32 s2, s17  }
0x8e: {  	[smem:$0x3FC6] =	sst s2  }
0x8f: {  	_ = 	snop  }
0x90: {  	s2 =	sld [smem:$0x3FD0];
	(tm) =	ssettm $0x1  }
0x91: {  	s18 =	sld [smem:$0x3FFB];
	_ =	sdelay $0x3  }
0x92: {  	_ =	strace s18  }
0x93: {  	s3 =	sld [smem:$0x3FFC];
	_ =	sdelay $0x3  }
0x94: {  	_ =	strace s3  }
0x95: {  	s3 =	sld [smem:$0x3FFD];
	_ =	sdelay $0x3  }
0x96: {  	_ =	strace s3  }
0x97: {  	_ =	strace $0x8FFFFFFF  }
0x98: {  	s19 =	sld [smem:$0x3FDB];
	_ =	sdelay $0x1  }
0x99: {  	s4 =	simm.s32 $_scs_section_size  }
0x9a: {  	s5 =	simm.s32 $_size__tile_overlayer_lowered;
	s6 =	simm.s32 $_tile_overlayer_lowered  }
0x9b: {  	s22 =	simm.s32 $0x1BFF;
	s21 =	sshll.u32 s6, $0x1;
	s3 =	sadd.s32 s4, s19  }
0x9c: {  	s7 =	simm.s32 $0x0;
	s20 =	sshll.u32 s5, $0x1;
	s5 =	sadd.s32 s21, s3  }
0x9d: {  	[timem:s7], [sflag:s22] =	dma.local [hbm:s5], s20  }
0x9e: {  	_ =	swait.ge [sflag:s22], s20  }
0x9f: {  	s4 =	ssub.s32 $0x0, s20;
	[sflag:s22] =	ssyncset.done $0x0  }
0xa0: {  	[sflag:s22] =	ssyncadd.s32 s4;
	_ =	sdelay $0x1  }
0xa1: {  	s23 =	simm.s32 $0x1B8B  }
0xa2: {  	_ =	swait.ge [sflag:s23], $0x1  }
0xa3: {  	[sflag:s23] =	ssyncset.done $0x0  }
0xa4: {  	s25 =	simm.s32 $0x1B8E;
	s24 =	sld [smem:$0x3FFE];
	[sflag:s23] =	ssyncadd.s32 $0xFFFFFFFF  }
0xa5: {  	s26 =	simm.s32 $execute0_lowered;
	[smem:$0x3FD2] =	sst s25  }
0xa6: {  	s5 =	sshll.u32 s26, $0x1;
	_ =	strace $0x80000046;
	[dreg:$0x1] =	wrdreg $0xFFFFFFFF  }
0xa7: {  	s28 =	simm.s32 $_size_execute0_lowered;
	s3 =	sadd.s32 s3, s5;
	[dreg:$0x0] =	wrdreg $0x0  }
0xa8: {  	s5 =	sshll.u32 s28, $0x1;
	[dreg:$0x2] =	wrdreg s3  }
0xa9: {  	[dreg:$0x3] =	wrdreg s5  }
0xaa: {  	[dreg:$0x4] =	wrdreg $0xC0  }
0xab: {  	_ =	task [dreg:s7], $0x5FFFF  }
0xac: {  	[dreg:$0x1] =	wrdreg $0xFFFFFFFF  }
0xad: {  	[dreg:$0x0] =	wrdreg $0x60  }
0xae: {  	[dreg:$0x2] =	wrdreg s24  }
0xaf: {  	[dreg:$0x3] =	wrdreg s2  }
0xb0: {  	[dreg:$0x4] =	wrdreg $0x9  }
0xb1: {  	_ =	task.clear_ibuf [dreg:s7], $0x5FFFF;
	_ =	strace $0x90000046  }
0xb2: {  	s29 =	simm.s32 $0x9;
	_ =	strace $0x80000048  }
0xb3: {  	_ =	swait.ge [sflag:s29], $0x1  }
0xb4: {  	[sflag:s29] =	ssyncadd.s32 $0xFFFFFFFF  }
0xb5: {  	_ =	strace $0x90000048  }
0xb6: {  	_ =	sfence  }
0xb7: {  	s30 =	sld [smem:$0x0];
	_ =	sdelay $0x2  }
0xb8: {  	s31 =	sshll.u32 s1, $0xD;
	s1 =	sshrl.u32 s1, $0x2  }
0xb9: {  	s3 =	sand.u32 $0x4000, s31;
	s1 =	sadd.s32 s1, s30  }
0xba: {  	s0 =	sor.u32 s3, s0;
	s1 =	sshll.u32 s1, $0x11  }
0xbb: {  	s0 =	sor.u32 s1, s0  }
0xbc: {  	s0 =	sadd.s32 $0x8F2B, s0  }
0xbd: {  	[sflag:s0] =	ssyncadd.remote.s32 $0x1  }
0xbe: {  	_ =	sfence.sel $0xFFFF  }
0xbf: {  	[dreg:$0x0] =	wrdreg $0xFFFFFFFF;
	(pc) =	sbr.abs _section_cstart, $3  }
0xc0: {  	[dreg:$0x1] =	wrdreg $0xFFFFFFFF  }
0xc1: {  	_ =	task.clear_ibuf [dreg:s7], $0x2FFFF;
	_ =	strace $0x9FFFFFFF  }
0xc2: {  	(tm) =	ssettm $0x7FFFFFFF  }
0xc3: {  	_ =	shalt  }
tec
execute0_lowered:
.L_overlay_start_1:
0x0: {  	(tag) =	ssettag $0x1  }
0x1: {  	s0 =	srdreg.scid  }
0x2: {  	s2 =	stileid.u32;
	s1 =	sand.u32 $0x1, s0  }
0x3: {  	s14 =	sshll.u32 s2, $0xA;
	s15 =	sshll.u32 s1, $0x9  }
0x4: {  	s3 =	rddreg [dreg:$0x0];
	s0 =	sor.u32 s15, s14  }
0x5: {  	s4 =	rddreg [dreg:$0x1];
	s5 =	sshrl.u32 s0, $0x3  }
0x6: {  	s2 =	simm.s32 $0x0;
	s0 =	sshll.u32 s0, $0x2;
	s5 =	sadd.s32 s5, s3  }
0x7: {  	[smem:$0x7FF] =	sst s2;
	s30 =	sadd.s32 s4, s0;
	s5 =	sadd.s32 $0xA00, s5  }
0x8: {  	_ =	strace $0x80000047;
	s0 =	sadd.s32 $0x10000, s30;
	[dreg:$0x3] =	wrdreg s5  }
0x9: {  	s16 =	sadd.s32 $0x20000, s30;
	[dreg:$0x4] =	wrdreg s0  }
0xa: {  	s17 =	sadd.s32 $0x30000, s30;
	[dreg:$0x5] =	wrdreg s16  }
0xb: {  	s18 =	sadd.s32 $0x40000, s30;
	[dreg:$0x6] =	wrdreg s17  }
0xc: {  	s19 =	sadd.s32 $0x50000, s30;
	[dreg:$0x7] =	wrdreg s18  }
0xd: {  	s20 =	sadd.s32 $0x60000, s30;
	[dreg:$0x8] =	wrdreg s19  }
0xe: {  	s21 =	sadd.s32 $0x70000, s30;
	[dreg:$0x9] =	wrdreg s20  }
0xf: {  	s22 =	sadd.s32 $0x80000, s30;
	[dreg:$0xa] =	wrdreg s21  }
0x10: {  	s23 =	sadd.s32 $0x90000, s30;
	[dreg:$0xb] =	wrdreg s22  }
0x11: {  	s24 =	sadd.s32 $0xA0000, s30;
	[dreg:$0xc] =	wrdreg s23  }
0x12: {  	s25 =	sadd.s32 $0xB0000, s30;
	[dreg:$0xd] =	wrdreg s24  }
0x13: {  	s26 =	sadd.s32 $0xC0000, s30;
	[dreg:$0xe] =	wrdreg s25  }
0x14: {  	s4 =	sadd.s32 $0xD0000, s30;
	[dreg:$0xf] =	wrdreg s26  }
0x15: {  	s6 =	sadd.s32 $0xF0000, s30;
	[dreg:$0x10] =	wrdreg s4  }
0x16: {  	s7 =	sadd.s32 $0x100000, s30;
	[dreg:$0x12] =	wrdreg s6  }
0x17: {  	s8 =	sadd.s32 $0x110000, s30;
	[dreg:$0x13] =	wrdreg s7  }
0x18: {  	s9 =	sadd.s32 $0x120000, s30;
	[dreg:$0x14] =	wrdreg s8  }
0x19: {  	s10 =	sadd.s32 $0x130000, s30;
	[dreg:$0x15] =	wrdreg s9  }
0x1a: {  	s11 =	sadd.s32 $0x140000, s30;
	[dreg:$0x16] =	wrdreg s10  }
0x1b: {  	s12 =	sadd.s32 $0x150000, s30;
	[dreg:$0x17] =	wrdreg s11  }
0x1c: {  	s13 =	sadd.s32 $0x160000, s30;
	[dreg:$0x18] =	wrdreg s12  }
0x1d: {  	s14 =	sadd.s32 $0x170000, s30;
	[dreg:$0x19] =	wrdreg s13  }
0x1e: {  	s15 =	sadd.s32 $0x180000, s30;
	[dreg:$0x1a] =	wrdreg s14  }
0x1f: {  	s5 =	sadd.s32 $0xE0000, s30;
	[dreg:$0x1b] =	wrdreg s15  }
0x20: {  	s16 =	sadd.s32 $0x190000, s30;
	[dreg:$0x11] =	wrdreg s5  }
0x21: {  	s17 =	sadd.s32 $0x1A0000, s30;
	[dreg:$0x1c] =	wrdreg s16  }
0x22: {  	s18 =	sadd.s32 $0x1B0000, s30;
	[dreg:$0x1d] =	wrdreg s17  }
0x23: {  	s19 =	sadd.s32 $0x1C0000, s30;
	[dreg:$0x1e] =	wrdreg s18  }
0x24: {  	s20 =	sadd.s32 $0x1D0000, s30;
	[dreg:$0x1f] =	wrdreg s19  }
0x25: {  	s21 =	sadd.s32 $0x1E0000, s30;
	[smem:$0x7CB] =	sst s20  }
0x26: {  	s22 =	sadd.s32 $0x1F0000, s30;
	[smem:$0x7CC] =	sst s21  }
0x27: {  	s23 =	sadd.s32 $0x200000, s30;
	[smem:$0x7CD] =	sst s22  }
0x28: {  	s24 =	sadd.s32 $0x210000, s30;
	[smem:$0x7CE] =	sst s23  }
0x29: {  	s25 =	sadd.s32 $0x220000, s30;
	[smem:$0x7CF] =	sst s24  }
0x2a: {  	s26 =	sadd.s32 $0x230000, s30;
	[smem:$0x7D0] =	sst s25  }
0x2b: {  	s4 =	sadd.s32 $0x240000, s30;
	[smem:$0x7D1] =	sst s26  }
0x2c: {  	s6 =	sadd.s32 $0x260000, s30;
	[smem:$0x7D2] =	sst s4  }
0x2d: {  	s7 =	sadd.s32 $0x270000, s30;
	[smem:$0x7D4] =	sst s6  }
0x2e: {  	s8 =	sadd.s32 $0x280000, s30;
	[smem:$0x7D5] =	sst s7  }
0x2f: {  	s9 =	sadd.s32 $0x290000, s30;
	[smem:$0x7D6] =	sst s8  }
0x30: {  	s10 =	sadd.s32 $0x2A0000, s30;
	[smem:$0x7D7] =	sst s9  }
0x31: {  	s11 =	sadd.s32 $0x2B0000, s30;
	[smem:$0x7D8] =	sst s10  }
0x32: {  	s12 =	sadd.s32 $0x2C0000, s30;
	[smem:$0x7D9] =	sst s11  }
0x33: {  	s13 =	sadd.s32 $0x2D0000, s30;
	[smem:$0x7DA] =	sst s12  }
0x34: {  	s14 =	sadd.s32 $0x2E0000, s30;
	[smem:$0x7DB] =	sst s13  }
0x35: {  	s15 =	sadd.s32 $0x2F0000, s30;
	[smem:$0x7DC] =	sst s14  }
0x36: {  	[smem:$0x7DD] =	sst s15  }
0x37: {  	s5 =	sadd.s32 $0x250000, s30;
	s0 =	rddreg [dreg:$0x3]  }
0x38: {  	s16 =	sadd.s32 $0x300000, s30;
	[smem:$0x7D3] =	sst s5  }
0x39: {  	s17 =	sadd.s32 $0x310000, s30;
	[smem:$0x7DE] =	sst s16  }
0x3a: {  	s18 =	simm.s32 $0x400;
	[smem:$0x7DF] =	sst s17  }
0x3b: {  	s19 =	simm.s32 $0x600;
	[smem:$0x7E0] =	sst s18  }
0x3c: {  	s20 =	simm.s32 $0x800;
	[smem:$0x7E1] =	sst s19  }
0x3d: {  	s21 =	simm.s32 $0xA00;
	[smem:$0x7E2] =	sst s20  }
0x3e: {  	s22 =	simm.s32 $0xC00;
	[smem:$0x7E3] =	sst s21  }
0x3f: {  	s23 =	simm.s32 $0xE00;
	[smem:$0x7E4] =	sst s22  }
0x40: {  	s24 =	simm.s32 $0x1000;
	[smem:$0x7E5] =	sst s23  }
0x41: {  	s25 =	simm.s32 $0x1200;
	[smem:$0x7E6] =	sst s24  }
0x42: {  	s26 =	simm.s32 $0x1400;
	[smem:$0x7E7] =	sst s25  }
0x43: {  	s4 =	simm.s32 $0x1600;
	[smem:$0x7E8] =	sst s26  }
0x44: {  	s6 =	simm.s32 $0x1A00;
	[smem:$0x7E9] =	sst s4  }
0x45: {  	s7 =	simm.s32 $0x1C00;
	[smem:$0x7EB] =	sst s6  }
0x46: {  	s31 =	simm.s32 $0x5;
	s8 =	simm.s32 $0x1E00;
	[smem:$0x7EC] =	sst s7  }
0x47: {  	s29 =	simm.s32 $0x4200;
	s9 =	simm.s32 $0x2000;
	[smem:$0x7ED] =	sst s8  }
0x48: {  	s28 =	simm.s32 $0x4400;
	s10 =	simm.s32 $0x2200;
	[smem:$0x7EE] =	sst s9  }
0x49: {  	p0 =	por $0x0, $0x0;
	s11 =	simm.s32 $0x2400;
	[smem:$0x7EF] =	sst s10  }
0x4a: {  	s1 =	ssub.s32 $0x2, s1;
	s12 =	simm.s32 $0x2600;
	[smem:$0x7F0] =	sst s11  }
0x4b: {  	s3 =	sadd.s32 $0xF42E00, s3;
	s13 =	simm.s32 $0x2800;
	[smem:$0x7F1] =	sst s12  }
0x4c: {  	s14 =	simm.s32 $0x2A00;
	s15 =	sshrl.u32 s1, $0x1;
	[smem:$0x7F2] =	sst s13  }
0x4d: {  	s5 =	simm.s32 $0x1800;
	[smem:$0x7F3] =	sst s14;
	s16 =	simm.s32 $0x2C00  }
0x4e: {  	s1 =	ssub.s32 s1, s15;
	s17 =	simm.s32 $0x2E00;
	s18 =	simm.s32 $0x3000  }
0x4f: {  	s19 =	simm.s32 $0x3200;
	s26 =	simm.s32 $0x4000;
	s20 =	simm.s32 $0x3400  }
0x50: {  	s21 =	simm.s32 $0x3600;
	s6 =	simm.s32 $0x6400;
	[smem:$0x7EA] =	sst s5  }
0x51: {  	s22 =	simm.s32 $0x3800;
	s4 =	simm.s32 $0xA400;
	[smem:$0x7F4] =	sst s16  }
0x52: {  	s23 =	simm.s32 $0x3A00;
	s10 =	simm.s32 $0x1;
	[smem:$0x7F5] =	sst s17  }
0x53: {  	s24 =	simm.s32 $0x3C00;
	s9 =	simm.s32 $0x3;
	[smem:$0x7F6] =	sst s18  }
0x54: {  	s25 =	simm.s32 $0x3E00;
	s8 =	simm.s32 $0x2;
	[smem:$0x7F7] =	sst s19  }
0x55: {  	s7 =	simm.s32 $0x4;
	s15 =	simm.s32 $0x5A00;
	[smem:$0x7F8] =	sst s20  }
0x56: {  	s14 =	simm.s32 $0x5C00;
	s13 =	simm.s32 $0x5E00;
	[smem:$0x7F9] =	sst s21  }
0x57: {  	s12 =	simm.s32 $0x6000;
	s1 =	smax.u32 s1, $0x1;
	[smem:$0x7FA] =	sst s22  }
0x58: {  	s11 =	simm.s32 $0x6200;
	[smem:$0x7FB] =	sst s23;
	p1 =	sne.s32 s1, $0x1  }
.Ltmp0:
0x59: {  	s5 =	simm.s32 $0x200;
	[smem:$0x7FC] =	sst s24;
	(pc) =	sbr.rel @!p1 .LBB2_3-.Ltmp0, $4  }
0x5a: {  	[smem:$0x7FD] =	sst s25;
	s25 =	simm.s32 $0x4600;
	s24 =	simm.s32 $0x4800  }
0x5b: {  	s23 =	simm.s32 $0x4A00;
	s22 =	simm.s32 $0x4C00;
	s21 =	simm.s32 $0x4E00  }
0x5c: {  	s20 =	simm.s32 $0x5000;
	s19 =	simm.s32 $0x5200;
	s18 =	simm.s32 $0x5400  }
0x5d: {  	s17 =	simm.s32 $0x5600;
	s16 =	simm.s32 $0x5800;
	s1 =	sadd.s32 $0xFFFFFFFF, s1  }
0x5e: {  	[tilespmem:s2], [sflag:$0x5] =	stream.strided.gather [hbm4b:s0+s5], $0x6400, s26, s5, $0x38;
	[tilespmem:$0xE400] =	vst v63  }
0x5f: {  	_ =	swait.ge [sflag:s31], $0x6400  }
0x60: {  	[sflag:s31] =	ssyncset.done $0x0  }
0x61: {  	[sflag:s31] =	ssyncadd.s32 $0xFFFF9C00  }
0x62: {  	[tilespmem:s6], [sflag:$0x1] =	stream.indirect.gather [hbm4b:s3+s5], $0x20, s2, s5, $0xb8;
	[tilespmem:$0xE400] =	vst v63  }
0x63: {  	_ = 	snop  }
0x64: {  	[tilespmem:s4], [sflag:$0x2] =	stream.indirect.gather [hbm4b:s3+s5], $0x20, s5, s5, $0xb8;
	[tilespmem:$0xE400] =	vst v63  }
0x65: {  	_ =	swait.ge [sflag:s10], $0x4000  }
0x66: {  	[sflag:s10] =	ssyncset.done $0x0  }
0x67: {  	[sflag:s10] =	ssyncadd.s32 $0xFFFFC000  }
0x68: {  	[hbm4b:s30+s2] =	stream.linear.scatter [tilespmem:s6], [sflag:$0x3], $0x4000, $0x38;
	[tilespmem:$0xE400] =	vst v63  }
0x69: {  	_ =	swait.ge [sflag:s9], $0x4000  }
0x6a: {  	s0 =	sld [smem:$0x7E0]  }
0x6b: {  	[sflag:s9] =	ssyncset.done $0x0  }
0x6c: {  	[sflag:s9] =	ssyncadd.s32 $0xFFFFC000  }
0x6d: {  	[tilespmem:s6], [sflag:$0x1] =	stream.indirect.gather [hbm4b:s3+s5], $0x20, s0, s5, $0xb8;
	[tilespmem:$0xE400] =	vst v63  }
0x6e: {  	_ =	swait.ge [sflag:s8], $0x4000  }
0x6f: {  	[sflag:s8] =	ssyncset.done $0x0  }
0x70: {  	s0 =	rddreg [dreg:$0x4];
	[sflag:s8] =	ssyncadd.s32 $0xFFFFC000  }
0x71: {  	[hbm4b:s0+s2] =	stream.linear.scatter [tilespmem:s4], [sflag:$0x4], $0x4000, $0x38;
	[tilespmem:$0xE400] =	vst v63  }
0x72: {  	_ =	swait.ge [sflag:s7], $0x4000  }
0x73: {  	s0 =	sld [smem:$0x7E1]  }
0x74: {  	[sflag:s7] =	ssyncset.done $0x0  }
0x75: {  	[sflag:s7] =	ssyncadd.s32 $0xFFFFC000  }
0x76: {  	[tilespmem:s4], [sflag:$0x2] =	stream.indirect.gather [hbm4b:s3+s5], $0x20, s0, s5, $0xb8;
	[tilespmem:$0xE400] =	vst v63  }
0x77: {  	_ =	swait.ge [sflag:s10], $0x4000  }
0x78: {  	[sflag:s10] =	ssyncset.done $0x0  }
0x79: {  	s0 =	rddreg [dreg:$0x5];
	[sflag:s10] =	ssyncadd.s32 $0xFFFFC000  }
0x7a: {  	[hbm4b:s0+s2] =	stream.linear.scatter [tilespmem:s6], [sflag:$0x3], $0x4000, $0x38;
	[tilespmem:$0xE400] =	vst v63  }
0x7b: {  	_ =	swait.ge [sflag:s9], $0x4000  }
0x7c: {  	s0 =	sld [smem:$0x7E2]  }
0x7d: {  	[sflag:s9] =	ssyncset.done $0x0  }
0x7e: {  	[sflag:s9] =	ssyncadd.s32 $0xFFFFC000  }
0x7f: {  	[tilespmem:s6], [sflag:$0x1] =	stream.indirect.gather [hbm4b:s3+s5], $0x20, s0, s5, $0xb8;
	[tilespmem:$0xE400] =	vst v63  }
0x80: {  	_ =	swait.ge [sflag:s8], $0x4000  }
0x81: {  	[sflag:s8] =	ssyncset.done $0x0  }
0x82: {  	s0 =	rddreg [dreg:$0x6];
	[sflag:s8] =	ssyncadd.s32 $0xFFFFC000  }
0x83: {  	[hbm4b:s0+s2] =	stream.linear.scatter [tilespmem:s4], [sflag:$0x4], $0x4000, $0x38;
	[tilespmem:$0xE400] =	vst v63  }
0x84: {  	_ =	swait.ge [sflag:s7], $0x4000  }
0x85: {  	s0 =	sld [smem:$0x7E3]  }
0x86: {  	[sflag:s7] =	ssyncset.done $0x0  }
0x87: {  	[sflag:s7] =	ssyncadd.s32 $0xFFFFC000  }
0x88: {  	[tilespmem:s4], [sflag:$0x2] =	stream.indirect.gather [hbm4b:s3+s5], $0x20, s0, s5, $0xb8;
	[tilespmem:$0xE400] =	vst v63  }
0x89: {  	_ =	swait.ge [sflag:s10], $0x4000  }
0x8a: {  	[sflag:s10] =	ssyncset.done $0x0  }
0x8b: {  	s0 =	rddreg [dreg:$0x7];
	[sflag:s10] =	ssyncadd.s32 $0xFFFFC000  }
0x8c: {  	[hbm4b:s0+s2] =	stream.linear.scatter [tilespmem:s6], [sflag:$0x3], $0x4000, $0x38;
	[tilespmem:$0xE400] =	vst v63  }
0x8d: {  	_ =	swait.ge [sflag:s9], $0x4000  }
0x8e: {  	s0 =	sld [smem:$0x7E4]  }
0x8f: {  	[sflag:s9] =	ssyncset.done $0x0  }
0x90: {  	[sflag:s9] =	ssyncadd.s32 $0xFFFFC000  }
0x91: {  	[tilespmem:s6], [sflag:$0x1] =	stream.indirect.gather [hbm4b:s3+s5], $0x20, s0, s5, $0xb8;
	[tilespmem:$0xE400] =	vst v63  }
0x92: {  	_ =	swait.ge [sflag:s8], $0x4000  }
0x93: {  	[sflag:s8] =	ssyncset.done $0x0  }
0x94: {  	s0 =	rddreg [dreg:$0x8];
	[sflag:s8] =	ssyncadd.s32 $0xFFFFC000  }
0x95: {  	[hbm4b:s0+s2] =	stream.linear.scatter [tilespmem:s4], [sflag:$0x4], $0x4000, $0x38;
	[tilespmem:$0xE400] =	vst v63  }
0x96: {  	_ =	swait.ge [sflag:s7], $0x4000  }
0x97: {  	s0 =	sld [smem:$0x7E5]  }
0x98: {  	[sflag:s7] =	ssyncset.done $0x0  }
0x99: {  	[sflag:s7] =	ssyncadd.s32 $0xFFFFC000  }
0x9a: {  	[tilespmem:s4], [sflag:$0x2] =	stream.indirect.gather [hbm4b:s3+s5], $0x20, s0, s5, $0xb8;
	[tilespmem:$0xE400] =	vst v63  }
0x9b: {  	_ =	swait.ge [sflag:s10], $0x4000  }
0x9c: {  	[sflag:s10] =	ssyncset.done $0x0  }
0x9d: {  	s0 =	rddreg [dreg:$0x9];
	[sflag:s10] =	ssyncadd.s32 $0xFFFFC000  }
0x9e: {  	[hbm4b:s0+s2] =	stream.linear.scatter [tilespmem:s6], [sflag:$0x3], $0x4000, $0x38;
	[tilespmem:$0xE400] =	vst v63  }
0x9f: {  	_ =	swait.ge [sflag:s9], $0x4000  }
0xa0: {  	s0 =	sld [smem:$0x7E6]  }
0xa1: {  	[sflag:s9] =	ssyncset.done $0x0  }
0xa2: {  	[sflag:s9] =	ssyncadd.s32 $0xFFFFC000  }
0xa3: {  	[tilespmem:s6], [sflag:$0x1] =	stream.indirect.gather [hbm4b:s3+s5], $0x20, s0, s5, $0xb8;
	[tilespmem:$0xE400] =	vst v63  }
0xa4: {  	_ =	swait.ge [sflag:s8], $0x4000  }
0xa5: {  	[sflag:s8] =	ssyncset.done $0x0  }
0xa6: {  	s0 =	rddreg [dreg:$0xa];
	[sflag:s8] =	ssyncadd.s32 $0xFFFFC000  }
0xa7: {  	[hbm4b:s0+s2] =	stream.linear.scatter [tilespmem:s4], [sflag:$0x4], $0x4000, $0x38;
	[tilespmem:$0xE400] =	vst v63  }
0xa8: {  	_ =	swait.ge [sflag:s7], $0x4000  }
0xa9: {  	s0 =	sld [smem:$0x7E7]  }
0xaa: {  	[sflag:s7] =	ssyncset.done $0x0  }
0xab: {  	[sflag:s7] =	ssyncadd.s32 $0xFFFFC000  }
0xac: {  	[tilespmem:s4], [sflag:$0x2] =	stream.indirect.gather [hbm4b:s3+s5], $0x20, s0, s5, $0xb8;
	[tilespmem:$0xE400] =	vst v63  }
0xad: {  	_ =	swait.ge [sflag:s10], $0x4000  }
0xae: {  	[sflag:s10] =	ssyncset.done $0x0  }
0xaf: {  	s0 =	rddreg [dreg:$0xb];
	[sflag:s10] =	ssyncadd.s32 $0xFFFFC000  }
0xb0: {  	[hbm4b:s0+s2] =	stream.linear.scatter [tilespmem:s6], [sflag:$0x3], $0x4000, $0x38;
	[tilespmem:$0xE400] =	vst v63  }
0xb1: {  	_ =	swait.ge [sflag:s9], $0x4000  }
0xb2: {  	s0 =	sld [smem:$0x7E8]  }
0xb3: {  	[sflag:s9] =	ssyncset.done $0x0  }
0xb4: {  	[sflag:s9] =	ssyncadd.s32 $0xFFFFC000  }
0xb5: {  	[tilespmem:s6], [sflag:$0x1] =	stream.indirect.gather [hbm4b:s3+s5], $0x20, s0, s5, $0xb8;
	[tilespmem:$0xE400] =	vst v63  }
0xb6: {  	_ =	swait.ge [sflag:s8], $0x4000  }
0xb7: {  	[sflag:s8] =	ssyncset.done $0x0  }
0xb8: {  	s0 =	rddreg [dreg:$0xc];
	[sflag:s8] =	ssyncadd.s32 $0xFFFFC000  }
0xb9: {  	[hbm4b:s0+s2] =	stream.linear.scatter [tilespmem:s4], [sflag:$0x4], $0x4000, $0x38;
	[tilespmem:$0xE400] =	vst v63  }
0xba: {  	_ =	swait.ge [sflag:s7], $0x4000  }
0xbb: {  	s0 =	sld [smem:$0x7E9]  }
0xbc: {  	[sflag:s7] =	ssyncset.done $0x0  }
0xbd: {  	[sflag:s7] =	ssyncadd.s32 $0xFFFFC000  }
0xbe: {  	[tilespmem:s4], [sflag:$0x2] =	stream.indirect.gather [hbm4b:s3+s5], $0x20, s0, s5, $0xb8;
	[tilespmem:$0xE400] =	vst v63  }
0xbf: {  	_ =	swait.ge [sflag:s10], $0x4000  }
0xc0: {  	[sflag:s10] =	ssyncset.done $0x0  }
0xc1: {  	s0 =	rddreg [dreg:$0xd];
	[sflag:s10] =	ssyncadd.s32 $0xFFFFC000  }
0xc2: {  	[hbm4b:s0+s2] =	stream.linear.scatter [tilespmem:s6], [sflag:$0x3], $0x4000, $0x38;
	[tilespmem:$0xE400] =	vst v63  }
0xc3: {  	_ =	swait.ge [sflag:s9], $0x4000  }
0xc4: {  	s0 =	sld [smem:$0x7EA]  }
0xc5: {  	[sflag:s9] =	ssyncset.done $0x0  }
0xc6: {  	[sflag:s9] =	ssyncadd.s32 $0xFFFFC000  }
0xc7: {  	[tilespmem:s6], [sflag:$0x1] =	stream.indirect.gather [hbm4b:s3+s5], $0x20, s0, s5, $0xb8;
	[tilespmem:$0xE400] =	vst v63  }
0xc8: {  	_ =	swait.ge [sflag:s8], $0x4000  }
0xc9: {  	[sflag:s8] =	ssyncset.done $0x0  }
0xca: {  	s0 =	rddreg [dreg:$0xe];
	[sflag:s8] =	ssyncadd.s32 $0xFFFFC000  }
0xcb: {  	[hbm4b:s0+s2] =	stream.linear.scatter [tilespmem:s4], [sflag:$0x4], $0x4000, $0x38;
	[tilespmem:$0xE400] =	vst v63  }
0xcc: {  	_ =	swait.ge [sflag:s7], $0x4000  }
0xcd: {  	s0 =	sld [smem:$0x7EB]  }
0xce: {  	[sflag:s7] =	ssyncset.done $0x0  }
0xcf: {  	[sflag:s7] =	ssyncadd.s32 $0xFFFFC000  }
0xd0: {  	[tilespmem:s4], [sflag:$0x2] =	stream.indirect.gather [hbm4b:s3+s5], $0x20, s0, s5, $0xb8;
	[tilespmem:$0xE400] =	vst v63  }
0xd1: {  	_ =	swait.ge [sflag:s10], $0x4000  }
0xd2: {  	[sflag:s10] =	ssyncset.done $0x0  }
0xd3: {  	s0 =	rddreg [dreg:$0xf];
	[sflag:s10] =	ssyncadd.s32 $0xFFFFC000  }
0xd4: {  	[hbm4b:s0+s2] =	stream.linear.scatter [tilespmem:s6], [sflag:$0x3], $0x4000, $0x38;
	[tilespmem:$0xE400] =	vst v63  }
0xd5: {  	_ =	swait.ge [sflag:s9], $0x4000  }
0xd6: {  	s0 =	sld [smem:$0x7EC]  }
0xd7: {  	[sflag:s9] =	ssyncset.done $0x0  }
0xd8: {  	[sflag:s9] =	ssyncadd.s32 $0xFFFFC000  }
0xd9: {  	[tilespmem:s6], [sflag:$0x1] =	stream.indirect.gather [hbm4b:s3+s5], $0x20, s0, s5, $0xb8;
	[tilespmem:$0xE400] =	vst v63  }
0xda: {  	_ =	swait.ge [sflag:s8], $0x4000  }
0xdb: {  	[sflag:s8] =	ssyncset.done $0x0  }
0xdc: {  	s0 =	rddreg [dreg:$0x10];
	[sflag:s8] =	ssyncadd.s32 $0xFFFFC000  }
0xdd: {  	[hbm4b:s0+s2] =	stream.linear.scatter [tilespmem:s4], [sflag:$0x4], $0x4000, $0x38;
	[tilespmem:$0xE400] =	vst v63  }
0xde: {  	_ =	swait.ge [sflag:s7], $0x4000  }
0xdf: {  	s0 =	sld [smem:$0x7ED]  }
0xe0: {  	[sflag:s7] =	ssyncset.done $0x0  }
0xe1: {  	[sflag:s7] =	ssyncadd.s32 $0xFFFFC000  }
0xe2: {  	[tilespmem:s4], [sflag:$0x2] =	stream.indirect.gather [hbm4b:s3+s5], $0x20, s0, s5, $0xb8;
	[tilespmem:$0xE400] =	vst v63  }
0xe3: {  	_ =	swait.ge [sflag:s10], $0x4000  }
0xe4: {  	[sflag:s10] =	ssyncset.done $0x0  }
0xe5: {  	s0 =	rddreg [dreg:$0x11];
	[sflag:s10] =	ssyncadd.s32 $0xFFFFC000  }
0xe6: {  	[hbm4b:s0+s2] =	stream.linear.scatter [tilespmem:s6], [sflag:$0x3], $0x4000, $0x38;
	[tilespmem:$0xE400] =	vst v63  }
0xe7: {  	_ =	swait.ge [sflag:s9], $0x4000  }
0xe8: {  	s0 =	sld [smem:$0x7EE]  }
0xe9: {  	[sflag:s9] =	ssyncset.done $0x0  }
0xea: {  	[sflag:s9] =	ssyncadd.s32 $0xFFFFC000  }
0xeb: {  	[tilespmem:s6], [sflag:$0x1] =	stream.indirect.gather [hbm4b:s3+s5], $0x20, s0, s5, $0xb8;
	[tilespmem:$0xE400] =	vst v63  }
0xec: {  	_ =	swait.ge [sflag:s8], $0x4000  }
0xed: {  	[sflag:s8] =	ssyncset.done $0x0  }
0xee: {  	s0 =	rddreg [dreg:$0x12];
	[sflag:s8] =	ssyncadd.s32 $0xFFFFC000  }
0xef: {  	[hbm4b:s0+s2] =	stream.linear.scatter [tilespmem:s4], [sflag:$0x4], $0x4000, $0x38;
	[tilespmem:$0xE400] =	vst v63  }
0xf0: {  	_ =	swait.ge [sflag:s7], $0x4000  }
0xf1: {  	s0 =	sld [smem:$0x7EF]  }
0xf2: {  	[sflag:s7] =	ssyncset.done $0x0  }
0xf3: {  	[sflag:s7] =	ssyncadd.s32 $0xFFFFC000  }
0xf4: {  	[tilespmem:s4], [sflag:$0x2] =	stream.indirect.gather [hbm4b:s3+s5], $0x20, s0, s5, $0xb8;
	[tilespmem:$0xE400] =	vst v63  }
0xf5: {  	_ =	swait.ge [sflag:s10], $0x4000  }
0xf6: {  	[sflag:s10] =	ssyncset.done $0x0  }
0xf7: {  	s0 =	rddreg [dreg:$0x13];
	[sflag:s10] =	ssyncadd.s32 $0xFFFFC000  }
0xf8: {  	[hbm4b:s0+s2] =	stream.linear.scatter [tilespmem:s6], [sflag:$0x3], $0x4000, $0x38;
	[tilespmem:$0xE400] =	vst v63  }
0xf9: {  	_ =	swait.ge [sflag:s9], $0x4000  }
0xfa: {  	s0 =	sld [smem:$0x7F0]  }
0xfb: {  	[sflag:s9] =	ssyncset.done $0x0  }
0xfc: {  	[sflag:s9] =	ssyncadd.s32 $0xFFFFC000  }
0xfd: {  	[tilespmem:s6], [sflag:$0x1] =	stream.indirect.gather [hbm4b:s3+s5], $0x20, s0, s5, $0xb8;
	[tilespmem:$0xE400] =	vst v63  }
0xfe: {  	_ =	swait.ge [sflag:s8], $0x4000  }
0xff: {  	[sflag:s8] =	ssyncset.done $0x0  }
0x100: {  	s0 =	rddreg [dreg:$0x14];
	[sflag:s8] =	ssyncadd.s32 $0xFFFFC000  }
0x101: {  	[hbm4b:s0+s2] =	stream.linear.scatter [tilespmem:s4], [sflag:$0x4], $0x4000, $0x38;
	[tilespmem:$0xE400] =	vst v63  }
0x102: {  	_ =	swait.ge [sflag:s7], $0x4000  }
0x103: {  	s0 =	sld [smem:$0x7F1]  }
0x104: {  	[sflag:s7] =	ssyncset.done $0x0  }
0x105: {  	[sflag:s7] =	ssyncadd.s32 $0xFFFFC000  }
0x106: {  	[tilespmem:s4], [sflag:$0x2] =	stream.indirect.gather [hbm4b:s3+s5], $0x20, s0, s5, $0xb8;
	[tilespmem:$0xE400] =	vst v63  }
0x107: {  	_ =	swait.ge [sflag:s10], $0x4000  }
0x108: {  	[sflag:s10] =	ssyncset.done $0x0  }
0x109: {  	s0 =	rddreg [dreg:$0x15];
	[sflag:s10] =	ssyncadd.s32 $0xFFFFC000  }
0x10a: {  	[hbm4b:s0+s2] =	stream.linear.scatter [tilespmem:s6], [sflag:$0x3], $0x4000, $0x38;
	[tilespmem:$0xE400] =	vst v63  }
0x10b: {  	_ =	swait.ge [sflag:s9], $0x4000  }
0x10c: {  	s0 =	sld [smem:$0x7F2]  }
0x10d: {  	[sflag:s9] =	ssyncset.done $0x0  }
0x10e: {  	[sflag:s9] =	ssyncadd.s32 $0xFFFFC000  }
0x10f: {  	[tilespmem:s6], [sflag:$0x1] =	stream.indirect.gather [hbm4b:s3+s5], $0x20, s0, s5, $0xb8;
	[tilespmem:$0xE400] =	vst v63  }
0x110: {  	_ =	swait.ge [sflag:s8], $0x4000  }
0x111: {  	[sflag:s8] =	ssyncset.done $0x0  }
0x112: {  	s0 =	rddreg [dreg:$0x16];
	[sflag:s8] =	ssyncadd.s32 $0xFFFFC000  }
0x113: {  	[hbm4b:s0+s2] =	stream.linear.scatter [tilespmem:s4], [sflag:$0x4], $0x4000, $0x38;
	[tilespmem:$0xE400] =	vst v63  }
0x114: {  	_ =	swait.ge [sflag:s7], $0x4000  }
0x115: {  	s0 =	sld [smem:$0x7F3]  }
0x116: {  	[sflag:s7] =	ssyncset.done $0x0  }
0x117: {  	[sflag:s7] =	ssyncadd.s32 $0xFFFFC000  }
0x118: {  	[tilespmem:s4], [sflag:$0x2] =	stream.indirect.gather [hbm4b:s3+s5], $0x20, s0, s5, $0xb8;
	[tilespmem:$0xE400] =	vst v63  }
0x119: {  	_ =	swait.ge [sflag:s10], $0x4000  }
0x11a: {  	[sflag:s10] =	ssyncset.done $0x0  }
0x11b: {  	s0 =	rddreg [dreg:$0x17];
	[sflag:s10] =	ssyncadd.s32 $0xFFFFC000  }
0x11c: {  	[hbm4b:s0+s2] =	stream.linear.scatter [tilespmem:s6], [sflag:$0x3], $0x4000, $0x38;
	[tilespmem:$0xE400] =	vst v63  }
0x11d: {  	_ =	swait.ge [sflag:s9], $0x4000  }
0x11e: {  	s0 =	sld [smem:$0x7F4]  }
0x11f: {  	[sflag:s9] =	ssyncset.done $0x0  }
0x120: {  	[sflag:s9] =	ssyncadd.s32 $0xFFFFC000  }
0x121: {  	[tilespmem:s6], [sflag:$0x1] =	stream.indirect.gather [hbm4b:s3+s5], $0x20, s0, s5, $0xb8;
	[tilespmem:$0xE400] =	vst v63  }
0x122: {  	_ =	swait.ge [sflag:s8], $0x4000  }
0x123: {  	[sflag:s8] =	ssyncset.done $0x0  }
0x124: {  	s0 =	rddreg [dreg:$0x18];
	[sflag:s8] =	ssyncadd.s32 $0xFFFFC000  }
0x125: {  	[hbm4b:s0+s2] =	stream.linear.scatter [tilespmem:s4], [sflag:$0x4], $0x4000, $0x38;
	[tilespmem:$0xE400] =	vst v63  }
0x126: {  	_ =	swait.ge [sflag:s7], $0x4000  }
0x127: {  	s0 =	sld [smem:$0x7F5]  }
0x128: {  	[sflag:s7] =	ssyncset.done $0x0  }
0x129: {  	[sflag:s7] =	ssyncadd.s32 $0xFFFFC000  }
0x12a: {  	[tilespmem:s4], [sflag:$0x2] =	stream.indirect.gather [hbm4b:s3+s5], $0x20, s0, s5, $0xb8;
	[tilespmem:$0xE400] =	vst v63  }
0x12b: {  	_ =	swait.ge [sflag:s10], $0x4000  }
0x12c: {  	[sflag:s10] =	ssyncset.done $0x0  }
0x12d: {  	s0 =	rddreg [dreg:$0x19];
	[sflag:s10] =	ssyncadd.s32 $0xFFFFC000  }
0x12e: {  	[hbm4b:s0+s2] =	stream.linear.scatter [tilespmem:s6], [sflag:$0x3], $0x4000, $0x38;
	[tilespmem:$0xE400] =	vst v63  }
0x12f: {  	_ =	swait.ge [sflag:s9], $0x4000  }
0x130: {  	s0 =	sld [smem:$0x7F6]  }
0x131: {  	[sflag:s9] =	ssyncset.done $0x0  }
0x132: {  	[sflag:s9] =	ssyncadd.s32 $0xFFFFC000  }
0x133: {  	[tilespmem:s6], [sflag:$0x1] =	stream.indirect.gather [hbm4b:s3+s5], $0x20, s0, s5, $0xb8;
	[tilespmem:$0xE400] =	vst v63  }
0x134: {  	_ =	swait.ge [sflag:s8], $0x4000  }
0x135: {  	[sflag:s8] =	ssyncset.done $0x0  }
0x136: {  	s0 =	rddreg [dreg:$0x1a];
	[sflag:s8] =	ssyncadd.s32 $0xFFFFC000  }
0x137: {  	[hbm4b:s0+s2] =	stream.linear.scatter [tilespmem:s4], [sflag:$0x4], $0x4000, $0x38;
	[tilespmem:$0xE400] =	vst v63  }
0x138: {  	_ =	swait.ge [sflag:s7], $0x4000  }
0x139: {  	s0 =	sld [smem:$0x7F7]  }
0x13a: {  	[sflag:s7] =	ssyncset.done $0x0  }
0x13b: {  	[sflag:s7] =	ssyncadd.s32 $0xFFFFC000  }
0x13c: {  	[tilespmem:s4], [sflag:$0x2] =	stream.indirect.gather [hbm4b:s3+s5], $0x20, s0, s5, $0xb8;
	[tilespmem:$0xE400] =	vst v63  }
0x13d: {  	_ =	swait.ge [sflag:s10], $0x4000  }
0x13e: {  	[sflag:s10] =	ssyncset.done $0x0  }
0x13f: {  	s0 =	rddreg [dreg:$0x1b];
	[sflag:s10] =	ssyncadd.s32 $0xFFFFC000  }
0x140: {  	[hbm4b:s0+s2] =	stream.linear.scatter [tilespmem:s6], [sflag:$0x3], $0x4000, $0x38;
	[tilespmem:$0xE400] =	vst v63  }
0x141: {  	_ =	swait.ge [sflag:s9], $0x4000  }
0x142: {  	s0 =	sld [smem:$0x7F8]  }
0x143: {  	[sflag:s9] =	ssyncset.done $0x0  }
0x144: {  	[sflag:s9] =	ssyncadd.s32 $0xFFFFC000  }
0x145: {  	[tilespmem:s6], [sflag:$0x1] =	stream.indirect.gather [hbm4b:s3+s5], $0x20, s0, s5, $0xb8;
	[tilespmem:$0xE400] =	vst v63  }
0x146: {  	_ =	swait.ge [sflag:s8], $0x4000  }
0x147: {  	[sflag:s8] =	ssyncset.done $0x0  }
0x148: {  	s0 =	rddreg [dreg:$0x1c];
	[sflag:s8] =	ssyncadd.s32 $0xFFFFC000  }
0x149: {  	[hbm4b:s0+s2] =	stream.linear.scatter [tilespmem:s4], [sflag:$0x4], $0x4000, $0x38;
	[tilespmem:$0xE400] =	vst v63  }
0x14a: {  	_ =	swait.ge [sflag:s7], $0x4000  }
0x14b: {  	s0 =	sld [smem:$0x7F9]  }
0x14c: {  	[sflag:s7] =	ssyncset.done $0x0  }
0x14d: {  	[sflag:s7] =	ssyncadd.s32 $0xFFFFC000  }
0x14e: {  	[tilespmem:s4], [sflag:$0x2] =	stream.indirect.gather [hbm4b:s3+s5], $0x20, s0, s5, $0xb8;
	[tilespmem:$0xE400] =	vst v63  }
0x14f: {  	_ =	swait.ge [sflag:s10], $0x4000  }
0x150: {  	[sflag:s10] =	ssyncset.done $0x0  }
0x151: {  	s0 =	rddreg [dreg:$0x1d];
	[sflag:s10] =	ssyncadd.s32 $0xFFFFC000  }
0x152: {  	[hbm4b:s0+s2] =	stream.linear.scatter [tilespmem:s6], [sflag:$0x3], $0x4000, $0x38;
	[tilespmem:$0xE400] =	vst v63  }
0x153: {  	_ =	swait.ge [sflag:s9], $0x4000  }
0x154: {  	s0 =	sld [smem:$0x7FA]  }
0x155: {  	[sflag:s9] =	ssyncset.done $0x0  }
0x156: {  	[sflag:s9] =	ssyncadd.s32 $0xFFFFC000  }
0x157: {  	[tilespmem:s6], [sflag:$0x1] =	stream.indirect.gather [hbm4b:s3+s5], $0x20, s0, s5, $0xb8;
	[tilespmem:$0xE400] =	vst v63  }
0x158: {  	_ =	swait.ge [sflag:s8], $0x4000  }
0x159: {  	[sflag:s8] =	ssyncset.done $0x0  }
0x15a: {  	s0 =	rddreg [dreg:$0x1e];
	[sflag:s8] =	ssyncadd.s32 $0xFFFFC000  }
0x15b: {  	[hbm4b:s0+s2] =	stream.linear.scatter [tilespmem:s4], [sflag:$0x4], $0x4000, $0x38;
	[tilespmem:$0xE400] =	vst v63  }
0x15c: {  	_ =	swait.ge [sflag:s7], $0x4000  }
0x15d: {  	s0 =	sld [smem:$0x7FB]  }
0x15e: {  	[sflag:s7] =	ssyncset.done $0x0  }
0x15f: {  	[sflag:s7] =	ssyncadd.s32 $0xFFFFC000  }
0x160: {  	[tilespmem:s4], [sflag:$0x2] =	stream.indirect.gather [hbm4b:s3+s5], $0x20, s0, s5, $0xb8;
	[tilespmem:$0xE400] =	vst v63  }
0x161: {  	_ =	swait.ge [sflag:s10], $0x4000  }
0x162: {  	[sflag:s10] =	ssyncset.done $0x0  }
0x163: {  	s0 =	rddreg [dreg:$0x1f];
	[sflag:s10] =	ssyncadd.s32 $0xFFFFC000  }
0x164: {  	[hbm4b:s0+s2] =	stream.linear.scatter [tilespmem:s6], [sflag:$0x3], $0x4000, $0x38;
	[tilespmem:$0xE400] =	vst v63  }
0x165: {  	_ =	swait.ge [sflag:s9], $0x4000  }
0x166: {  	s0 =	sld [smem:$0x7FC]  }
0x167: {  	[sflag:s9] =	ssyncset.done $0x0  }
0x168: {  	[sflag:s9] =	ssyncadd.s32 $0xFFFFC000  }
0x169: {  	[tilespmem:s6], [sflag:$0x1] =	stream.indirect.gather [hbm4b:s3+s5], $0x20, s0, s5, $0xb8;
	[tilespmem:$0xE400] =	vst v63  }
0x16a: {  	_ =	swait.ge [sflag:s8], $0x4000  }
0x16b: {  	s0 =	sld [smem:$0x7CB]  }
0x16c: {  	[sflag:s8] =	ssyncset.done $0x0  }
0x16d: {  	[sflag:s8] =	ssyncadd.s32 $0xFFFFC000  }
0x16e: {  	[hbm4b:s0+s2] =	stream.linear.scatter [tilespmem:s4], [sflag:$0x4], $0x4000, $0x38;
	[tilespmem:$0xE400] =	vst v63  }
0x16f: {  	_ =	swait.ge [sflag:s7], $0x4000  }
0x170: {  	s0 =	sld [smem:$0x7FD]  }
0x171: {  	[sflag:s7] =	ssyncset.done $0x0  }
0x172: {  	[sflag:s7] =	ssyncadd.s32 $0xFFFFC000  }
0x173: {  	[tilespmem:s4], [sflag:$0x2] =	stream.indirect.gather [hbm4b:s3+s5], $0x20, s0, s5, $0xb8;
	[tilespmem:$0xE400] =	vst v63  }
0x174: {  	_ =	swait.ge [sflag:s10], $0x4000  }
0x175: {  	s0 =	sld [smem:$0x7CC]  }
0x176: {  	[sflag:s10] =	ssyncset.done $0x0  }
0x177: {  	[sflag:s10] =	ssyncadd.s32 $0xFFFFC000  }
0x178: {  	[hbm4b:s0+s2] =	stream.linear.scatter [tilespmem:s6], [sflag:$0x3], $0x4000, $0x38;
	[tilespmem:$0xE400] =	vst v63  }
0x179: {  	_ =	swait.ge [sflag:s9], $0x4000  }
0x17a: {  	[sflag:s9] =	ssyncset.done $0x0  }
0x17b: {  	[sflag:s9] =	ssyncadd.s32 $0xFFFFC000  }
0x17c: {  	[tilespmem:s6], [sflag:$0x1] =	stream.indirect.gather [hbm4b:s3+s5], $0x20, s26, s5, $0xb8;
	[tilespmem:$0xE400] =	vst v63  }
0x17d: {  	_ =	swait.ge [sflag:s8], $0x4000  }
0x17e: {  	s0 =	sld [smem:$0x7CD]  }
0x17f: {  	[sflag:s8] =	ssyncset.done $0x0  }
0x180: {  	[sflag:s8] =	ssyncadd.s32 $0xFFFFC000  }
0x181: {  	[hbm4b:s0+s2] =	stream.linear.scatter [tilespmem:s4], [sflag:$0x4], $0x4000, $0x38;
	[tilespmem:$0xE400] =	vst v63  }
0x182: {  	_ =	swait.ge [sflag:s7], $0x4000  }
0x183: {  	[sflag:s7] =	ssyncset.done $0x0  }
0x184: {  	[sflag:s7] =	ssyncadd.s32 $0xFFFFC000  }
0x185: {  	[tilespmem:s4], [sflag:$0x2] =	stream.indirect.gather [hbm4b:s3+s5], $0x20, s29, s5, $0xb8;
	[tilespmem:$0xE400] =	vst v63  }
0x186: {  	_ =	swait.ge [sflag:s10], $0x4000  }
0x187: {  	s0 =	sld [smem:$0x7CE]  }
0x188: {  	[sflag:s10] =	ssyncset.done $0x0  }
0x189: {  	[sflag:s10] =	ssyncadd.s32 $0xFFFFC000  }
0x18a: {  	[hbm4b:s0+s2] =	stream.linear.scatter [tilespmem:s6], [sflag:$0x3], $0x4000, $0x38;
	[tilespmem:$0xE400] =	vst v63  }
0x18b: {  	_ =	swait.ge [sflag:s9], $0x4000  }
0x18c: {  	[sflag:s9] =	ssyncset.done $0x0  }
0x18d: {  	[sflag:s9] =	ssyncadd.s32 $0xFFFFC000  }
0x18e: {  	[tilespmem:s6], [sflag:$0x1] =	stream.indirect.gather [hbm4b:s3+s5], $0x20, s28, s5, $0xb8;
	[tilespmem:$0xE400] =	vst v63  }
0x18f: {  	_ =	swait.ge [sflag:s8], $0x4000  }
0x190: {  	s0 =	sld [smem:$0x7CF]  }
0x191: {  	[sflag:s8] =	ssyncset.done $0x0  }
0x192: {  	[sflag:s8] =	ssyncadd.s32 $0xFFFFC000  }
0x193: {  	[hbm4b:s0+s2] =	stream.linear.scatter [tilespmem:s4], [sflag:$0x4], $0x4000, $0x38;
	[tilespmem:$0xE400] =	vst v63  }
0x194: {  	_ =	swait.ge [sflag:s7], $0x4000  }
0x195: {  	[sflag:s7] =	ssyncset.done $0x0  }
0x196: {  	[sflag:s7] =	ssyncadd.s32 $0xFFFFC000  }
0x197: {  	[tilespmem:s4], [sflag:$0x2] =	stream.indirect.gather [hbm4b:s3+s5], $0x20, s25, s5, $0xb8;
	[tilespmem:$0xE400] =	vst v63  }
0x198: {  	_ =	swait.ge [sflag:s10], $0x4000  }
0x199: {  	s0 =	sld [smem:$0x7D0]  }
0x19a: {  	[sflag:s10] =	ssyncset.done $0x0  }
0x19b: {  	[sflag:s10] =	ssyncadd.s32 $0xFFFFC000  }
0x19c: {  	[hbm4b:s0+s2] =	stream.linear.scatter [tilespmem:s6], [sflag:$0x3], $0x4000, $0x38;
	[tilespmem:$0xE400] =	vst v63  }
0x19d: {  	_ =	swait.ge [sflag:s9], $0x4000  }
0x19e: {  	[sflag:s9] =	ssyncset.done $0x0  }
0x19f: {  	[sflag:s9] =	ssyncadd.s32 $0xFFFFC000  }
0x1a0: {  	[tilespmem:s6], [sflag:$0x1] =	stream.indirect.gather [hbm4b:s3+s5], $0x20, s24, s5, $0xb8;
	[tilespmem:$0xE400] =	vst v63  }
0x1a1: {  	_ =	swait.ge [sflag:s8], $0x4000  }
0x1a2: {  	s0 =	sld [smem:$0x7D1]  }
0x1a3: {  	[sflag:s8] =	ssyncset.done $0x0  }
0x1a4: {  	[sflag:s8] =	ssyncadd.s32 $0xFFFFC000  }
0x1a5: {  	[hbm4b:s0+s2] =	stream.linear.scatter [tilespmem:s4], [sflag:$0x4], $0x4000, $0x38;
	[tilespmem:$0xE400] =	vst v63  }
0x1a6: {  	_ =	swait.ge [sflag:s7], $0x4000  }
0x1a7: {  	[sflag:s7] =	ssyncset.done $0x0  }
0x1a8: {  	[sflag:s7] =	ssyncadd.s32 $0xFFFFC000  }
0x1a9: {  	[tilespmem:s4], [sflag:$0x2] =	stream.indirect.gather [hbm4b:s3+s5], $0x20, s23, s5, $0xb8;
	[tilespmem:$0xE400] =	vst v63  }
0x1aa: {  	_ =	swait.ge [sflag:s10], $0x4000  }
0x1ab: {  	s0 =	sld [smem:$0x7D2]  }
0x1ac: {  	[sflag:s10] =	ssyncset.done $0x0  }
0x1ad: {  	[sflag:s10] =	ssyncadd.s32 $0xFFFFC000  }
0x1ae: {  	[hbm4b:s0+s2] =	stream.linear.scatter [tilespmem:s6], [sflag:$0x3], $0x4000, $0x38;
	[tilespmem:$0xE400] =	vst v63  }
0x1af: {  	_ =	swait.ge [sflag:s9], $0x4000  }
0x1b0: {  	[sflag:s9] =	ssyncset.done $0x0  }
0x1b1: {  	[sflag:s9] =	ssyncadd.s32 $0xFFFFC000  }
0x1b2: {  	[tilespmem:s6], [sflag:$0x1] =	stream.indirect.gather [hbm4b:s3+s5], $0x20, s22, s5, $0xb8;
	[tilespmem:$0xE400] =	vst v63  }
0x1b3: {  	_ =	swait.ge [sflag:s8], $0x4000  }
0x1b4: {  	s0 =	sld [smem:$0x7D3]  }
0x1b5: {  	[sflag:s8] =	ssyncset.done $0x0  }
0x1b6: {  	[sflag:s8] =	ssyncadd.s32 $0xFFFFC000  }
0x1b7: {  	[hbm4b:s0+s2] =	stream.linear.scatter [tilespmem:s4], [sflag:$0x4], $0x4000, $0x38;
	[tilespmem:$0xE400] =	vst v63  }
0x1b8: {  	_ =	swait.ge [sflag:s7], $0x4000  }
0x1b9: {  	[sflag:s7] =	ssyncset.done $0x0  }
0x1ba: {  	[sflag:s7] =	ssyncadd.s32 $0xFFFFC000  }
0x1bb: {  	[tilespmem:s4], [sflag:$0x2] =	stream.indirect.gather [hbm4b:s3+s5], $0x20, s21, s5, $0xb8;
	[tilespmem:$0xE400] =	vst v63  }
0x1bc: {  	_ =	swait.ge [sflag:s10], $0x4000  }
0x1bd: {  	s0 =	sld [smem:$0x7D4]  }
0x1be: {  	[sflag:s10] =	ssyncset.done $0x0  }
0x1bf: {  	[sflag:s10] =	ssyncadd.s32 $0xFFFFC000  }
0x1c0: {  	[hbm4b:s0+s2] =	stream.linear.scatter [tilespmem:s6], [sflag:$0x3], $0x4000, $0x38;
	[tilespmem:$0xE400] =	vst v63  }
0x1c1: {  	_ =	swait.ge [sflag:s9], $0x4000  }
0x1c2: {  	[sflag:s9] =	ssyncset.done $0x0  }
0x1c3: {  	[sflag:s9] =	ssyncadd.s32 $0xFFFFC000  }
0x1c4: {  	[tilespmem:s6], [sflag:$0x1] =	stream.indirect.gather [hbm4b:s3+s5], $0x20, s20, s5, $0xb8;
	[tilespmem:$0xE400] =	vst v63  }
0x1c5: {  	_ =	swait.ge [sflag:s8], $0x4000  }
0x1c6: {  	s0 =	sld [smem:$0x7D5]  }
0x1c7: {  	[sflag:s8] =	ssyncset.done $0x0  }
0x1c8: {  	[sflag:s8] =	ssyncadd.s32 $0xFFFFC000  }
0x1c9: {  	[hbm4b:s0+s2] =	stream.linear.scatter [tilespmem:s4], [sflag:$0x4], $0x4000, $0x38;
	[tilespmem:$0xE400] =	vst v63  }
0x1ca: {  	_ =	swait.ge [sflag:s7], $0x4000  }
0x1cb: {  	[sflag:s7] =	ssyncset.done $0x0  }
0x1cc: {  	[sflag:s7] =	ssyncadd.s32 $0xFFFFC000  }
0x1cd: {  	[tilespmem:s4], [sflag:$0x2] =	stream.indirect.gather [hbm4b:s3+s5], $0x20, s19, s5, $0xb8;
	[tilespmem:$0xE400] =	vst v63  }
0x1ce: {  	_ =	swait.ge [sflag:s10], $0x4000  }
0x1cf: {  	s0 =	sld [smem:$0x7D6]  }
0x1d0: {  	[sflag:s10] =	ssyncset.done $0x0  }
0x1d1: {  	[sflag:s10] =	ssyncadd.s32 $0xFFFFC000  }
0x1d2: {  	[hbm4b:s0+s2] =	stream.linear.scatter [tilespmem:s6], [sflag:$0x3], $0x4000, $0x38;
	[tilespmem:$0xE400] =	vst v63  }
0x1d3: {  	_ =	swait.ge [sflag:s9], $0x4000  }
0x1d4: {  	[sflag:s9] =	ssyncset.done $0x0  }
0x1d5: {  	[sflag:s9] =	ssyncadd.s32 $0xFFFFC000  }
0x1d6: {  	[tilespmem:s6], [sflag:$0x1] =	stream.indirect.gather [hbm4b:s3+s5], $0x20, s18, s5, $0xb8;
	[tilespmem:$0xE400] =	vst v63  }
0x1d7: {  	_ =	swait.ge [sflag:s8], $0x4000  }
0x1d8: {  	s0 =	sld [smem:$0x7D7]  }
0x1d9: {  	[sflag:s8] =	ssyncset.done $0x0  }
0x1da: {  	[sflag:s8] =	ssyncadd.s32 $0xFFFFC000  }
0x1db: {  	[hbm4b:s0+s2] =	stream.linear.scatter [tilespmem:s4], [sflag:$0x4], $0x4000, $0x38;
	[tilespmem:$0xE400] =	vst v63  }
0x1dc: {  	_ =	swait.ge [sflag:s7], $0x4000  }
0x1dd: {  	[sflag:s7] =	ssyncset.done $0x0  }
0x1de: {  	[sflag:s7] =	ssyncadd.s32 $0xFFFFC000  }
0x1df: {  	[tilespmem:s4], [sflag:$0x2] =	stream.indirect.gather [hbm4b:s3+s5], $0x20, s17, s5, $0xb8;
	[tilespmem:$0xE400] =	vst v63  }
0x1e0: {  	_ =	swait.ge [sflag:s10], $0x4000  }
0x1e1: {  	s0 =	sld [smem:$0x7D8]  }
0x1e2: {  	[sflag:s10] =	ssyncset.done $0x0  }
0x1e3: {  	[sflag:s10] =	ssyncadd.s32 $0xFFFFC000  }
0x1e4: {  	[hbm4b:s0+s2] =	stream.linear.scatter [tilespmem:s6], [sflag:$0x3], $0x4000, $0x38;
	[tilespmem:$0xE400] =	vst v63  }
0x1e5: {  	_ =	swait.ge [sflag:s9], $0x4000  }
0x1e6: {  	[sflag:s9] =	ssyncset.done $0x0  }
0x1e7: {  	[sflag:s9] =	ssyncadd.s32 $0xFFFFC000  }
0x1e8: {  	[tilespmem:s6], [sflag:$0x1] =	stream.indirect.gather [hbm4b:s3+s5], $0x20, s16, s5, $0xb8;
	[tilespmem:$0xE400] =	vst v63  }
0x1e9: {  	_ =	swait.ge [sflag:s8], $0x4000  }
0x1ea: {  	s0 =	sld [smem:$0x7D9]  }
0x1eb: {  	[sflag:s8] =	ssyncset.done $0x0  }
0x1ec: {  	[sflag:s8] =	ssyncadd.s32 $0xFFFFC000  }
0x1ed: {  	[hbm4b:s0+s2] =	stream.linear.scatter [tilespmem:s4], [sflag:$0x4], $0x4000, $0x38;
	[tilespmem:$0xE400] =	vst v63  }
0x1ee: {  	_ =	swait.ge [sflag:s7], $0x4000  }
0x1ef: {  	[sflag:s7] =	ssyncset.done $0x0  }
0x1f0: {  	[sflag:s7] =	ssyncadd.s32 $0xFFFFC000  }
0x1f1: {  	[tilespmem:s4], [sflag:$0x2] =	stream.indirect.gather [hbm4b:s3+s5], $0x20, s15, s5, $0xb8;
	[tilespmem:$0xE400] =	vst v63  }
0x1f2: {  	_ =	swait.ge [sflag:s10], $0x4000  }
0x1f3: {  	s0 =	sld [smem:$0x7DA]  }
0x1f4: {  	[sflag:s10] =	ssyncset.done $0x0  }
0x1f5: {  	[sflag:s10] =	ssyncadd.s32 $0xFFFFC000  }
0x1f6: {  	[hbm4b:s0+s2] =	stream.linear.scatter [tilespmem:s6], [sflag:$0x3], $0x4000, $0x38;
	[tilespmem:$0xE400] =	vst v63  }
0x1f7: {  	_ =	swait.ge [sflag:s9], $0x4000  }
0x1f8: {  	[sflag:s9] =	ssyncset.done $0x0  }
0x1f9: {  	[sflag:s9] =	ssyncadd.s32 $0xFFFFC000  }
0x1fa: {  	[tilespmem:s6], [sflag:$0x1] =	stream.indirect.gather [hbm4b:s3+s5], $0x20, s14, s5, $0xb8;
	[tilespmem:$0xE400] =	vst v63  }
0x1fb: {  	_ =	swait.ge [sflag:s8], $0x4000  }
0x1fc: {  	s0 =	sld [smem:$0x7DB]  }
0x1fd: {  	[sflag:s8] =	ssyncset.done $0x0  }
0x1fe: {  	[sflag:s8] =	ssyncadd.s32 $0xFFFFC000  }
0x1ff: {  	[hbm4b:s0+s2] =	stream.linear.scatter [tilespmem:s4], [sflag:$0x4], $0x4000, $0x38;
	[tilespmem:$0xE400] =	vst v63  }
0x200: {  	_ =	swait.ge [sflag:s7], $0x4000  }
0x201: {  	[sflag:s7] =	ssyncset.done $0x0  }
0x202: {  	[sflag:s7] =	ssyncadd.s32 $0xFFFFC000  }
0x203: {  	[tilespmem:s4], [sflag:$0x2] =	stream.indirect.gather [hbm4b:s3+s5], $0x20, s13, s5, $0xb8;
	[tilespmem:$0xE400] =	vst v63  }
0x204: {  	_ =	swait.ge [sflag:s10], $0x4000  }
0x205: {  	s0 =	sld [smem:$0x7DC]  }
0x206: {  	[sflag:s10] =	ssyncset.done $0x0  }
0x207: {  	[sflag:s10] =	ssyncadd.s32 $0xFFFFC000  }
0x208: {  	[hbm4b:s0+s2] =	stream.linear.scatter [tilespmem:s6], [sflag:$0x3], $0x4000, $0x38;
	[tilespmem:$0xE400] =	vst v63  }
0x209: {  	_ =	swait.ge [sflag:s9], $0x4000  }
0x20a: {  	[sflag:s9] =	ssyncset.done $0x0  }
0x20b: {  	[sflag:s9] =	ssyncadd.s32 $0xFFFFC000  }
0x20c: {  	[tilespmem:s6], [sflag:$0x1] =	stream.indirect.gather [hbm4b:s3+s5], $0x20, s12, s5, $0xb8;
	[tilespmem:$0xE400] =	vst v63  }
0x20d: {  	_ =	swait.ge [sflag:s8], $0x4000  }
0x20e: {  	s0 =	sld [smem:$0x7DD]  }
0x20f: {  	[sflag:s8] =	ssyncset.done $0x0  }
0x210: {  	[sflag:s8] =	ssyncadd.s32 $0xFFFFC000  }
0x211: {  	[hbm4b:s0+s2] =	stream.linear.scatter [tilespmem:s4], [sflag:$0x4], $0x4000, $0x38;
	[tilespmem:$0xE400] =	vst v63  }
0x212: {  	_ =	swait.ge [sflag:s7], $0x4000  }
0x213: {  	[sflag:s7] =	ssyncset.done $0x0  }
0x214: {  	[sflag:s7] =	ssyncadd.s32 $0xFFFFC000  }
0x215: {  	[tilespmem:s4], [sflag:$0x2] =	stream.indirect.gather [hbm4b:s3+s5], $0x20, s11, s5, $0xb8;
	[tilespmem:$0xE400] =	vst v63  }
0x216: {  	_ =	swait.ge [sflag:s10], $0x4000  }
0x217: {  	s0 =	sld [smem:$0x7DE]  }
0x218: {  	[sflag:s10] =	ssyncset.done $0x0  }
0x219: {  	[sflag:s10] =	ssyncadd.s32 $0xFFFFC000  }
0x21a: {  	[hbm4b:s0+s2] =	stream.linear.scatter [tilespmem:s6], [sflag:$0x3], $0x4000, $0x38;
	[tilespmem:$0xE400] =	vst v63  }
0x21b: {  	_ =	swait.ge [sflag:s9], $0x4000  }
0x21c: {  	[sflag:s9] =	ssyncset.done $0x0  }
0x21d: {  	[sflag:s9] =	ssyncadd.s32 $0xFFFFC000  }
0x21e: {  	_ =	swait.ge [sflag:s8], $0x4000  }
0x21f: {  	p1 =	sne.s32 s1, $0x1;
	s0 =	sld [smem:$0x7DF]  }
.Ltmp1:
0x220: {  	[sflag:s8] =	ssyncset.done $0x0;
	(pc) =	sbr.rel @!p1 .LBB2_3-.Ltmp1, $4  }
0x221: {  	[sflag:s8] =	ssyncadd.s32 $0xFFFFC000  }
0x222: {  	[hbm4b:s0+s2] =	stream.linear.scatter [tilespmem:s4], [sflag:$0x4], $0x4000, $0x38;
	[tilespmem:$0xE400] =	vst v63  }
0x223: {  	s1 =	sadd.s32 $0xFFFFFFFF, s1;
	_ =	swait.ge [sflag:s7], $0x4000  }
0x224: {  	p0 =	por $0x1, $0x1;
	s0 =	rddreg [dreg:$0x3];
	[sflag:s7] =	ssyncset.done $0x0  }
.LBB2_2:
0x225: {  	[sflag:s7] =	ssyncadd.s32 $0xFFFFC000  }
0x226: {  	[tilespmem:s2], [sflag:$0x5] =	stream.strided.gather [hbm4b:s0+s5], $0x6400, s26, s5, $0x38;
	[tilespmem:$0xE400] =	vst v63  }
0x227: {  	_ =	swait.ge [sflag:s31], $0x6400  }
0x228: {  	[sflag:s31] =	ssyncset.done $0x0  }
0x229: {  	[sflag:s31] =	ssyncadd.s32 $0xFFFF9C00  }
0x22a: {  	[tilespmem:s6], [sflag:$0x1] =	stream.indirect.gather [hbm4b:s3+s5], $0x20, s2, s5, $0xb8;
	[tilespmem:$0xE400] =	vst v63  }
0x22b: {  	_ = 	snop  }
0x22c: {  	[tilespmem:s4], [sflag:$0x2] =	stream.indirect.gather [hbm4b:s3+s5], $0x20, s5, s5, $0xb8;
	[tilespmem:$0xE400] =	vst v63  }
0x22d: {  	_ =	swait.ge [sflag:s10], $0x4000  }
0x22e: {  	[sflag:s10] =	ssyncset.done $0x0  }
0x22f: {  	[sflag:s10] =	ssyncadd.s32 $0xFFFFC000  }
0x230: {  	[hbm4b:s30+s2] =	stream.linear.scatter [tilespmem:s6], [sflag:$0x3], $0x4000, $0x38;
	[tilespmem:$0xE400] =	vst v63  }
0x231: {  	_ =	swait.ge [sflag:s9], $0x4000  }
0x232: {  	s0 =	sld [smem:$0x7E0]  }
0x233: {  	[sflag:s9] =	ssyncset.done $0x0  }
0x234: {  	[sflag:s9] =	ssyncadd.s32 $0xFFFFC000  }
0x235: {  	[tilespmem:s6], [sflag:$0x1] =	stream.indirect.gather [hbm4b:s3+s5], $0x20, s0, s5, $0xb8;
	[tilespmem:$0xE400] =	vst v63  }
0x236: {  	_ =	swait.ge [sflag:s8], $0x4000  }
0x237: {  	[sflag:s8] =	ssyncset.done $0x0  }
0x238: {  	s0 =	rddreg [dreg:$0x4];
	[sflag:s8] =	ssyncadd.s32 $0xFFFFC000  }
0x239: {  	[hbm4b:s0+s2] =	stream.linear.scatter [tilespmem:s4], [sflag:$0x4], $0x4000, $0x38;
	[tilespmem:$0xE400] =	vst v63  }
0x23a: {  	_ =	swait.ge [sflag:s7], $0x4000  }
0x23b: {  	s0 =	sld [smem:$0x7E1]  }
0x23c: {  	[sflag:s7] =	ssyncset.done $0x0  }
0x23d: {  	[sflag:s7] =	ssyncadd.s32 $0xFFFFC000  }
0x23e: {  	[tilespmem:s4], [sflag:$0x2] =	stream.indirect.gather [hbm4b:s3+s5], $0x20, s0, s5, $0xb8;
	[tilespmem:$0xE400] =	vst v63  }
0x23f: {  	_ =	swait.ge [sflag:s10], $0x4000  }
0x240: {  	[sflag:s10] =	ssyncset.done $0x0  }
0x241: {  	s0 =	rddreg [dreg:$0x5];
	[sflag:s10] =	ssyncadd.s32 $0xFFFFC000  }
0x242: {  	[hbm4b:s0+s2] =	stream.linear.scatter [tilespmem:s6], [sflag:$0x3], $0x4000, $0x38;
	[tilespmem:$0xE400] =	vst v63  }
0x243: {  	_ =	swait.ge [sflag:s9], $0x4000  }
0x244: {  	s0 =	sld [smem:$0x7E2]  }
0x245: {  	[sflag:s9] =	ssyncset.done $0x0  }
0x246: {  	[sflag:s9] =	ssyncadd.s32 $0xFFFFC000  }
0x247: {  	[tilespmem:s6], [sflag:$0x1] =	stream.indirect.gather [hbm4b:s3+s5], $0x20, s0, s5, $0xb8;
	[tilespmem:$0xE400] =	vst v63  }
0x248: {  	_ =	swait.ge [sflag:s8], $0x4000  }
0x249: {  	[sflag:s8] =	ssyncset.done $0x0  }
0x24a: {  	s0 =	rddreg [dreg:$0x6];
	[sflag:s8] =	ssyncadd.s32 $0xFFFFC000  }
0x24b: {  	[hbm4b:s0+s2] =	stream.linear.scatter [tilespmem:s4], [sflag:$0x4], $0x4000, $0x38;
	[tilespmem:$0xE400] =	vst v63  }
0x24c: {  	_ =	swait.ge [sflag:s7], $0x4000  }
0x24d: {  	s0 =	sld [smem:$0x7E3]  }
0x24e: {  	[sflag:s7] =	ssyncset.done $0x0  }
0x24f: {  	[sflag:s7] =	ssyncadd.s32 $0xFFFFC000  }
0x250: {  	[tilespmem:s4], [sflag:$0x2] =	stream.indirect.gather [hbm4b:s3+s5], $0x20, s0, s5, $0xb8;
	[tilespmem:$0xE400] =	vst v63  }
0x251: {  	_ =	swait.ge [sflag:s10], $0x4000  }
0x252: {  	[sflag:s10] =	ssyncset.done $0x0  }
0x253: {  	s0 =	rddreg [dreg:$0x7];
	[sflag:s10] =	ssyncadd.s32 $0xFFFFC000  }
0x254: {  	[hbm4b:s0+s2] =	stream.linear.scatter [tilespmem:s6], [sflag:$0x3], $0x4000, $0x38;
	[tilespmem:$0xE400] =	vst v63  }
0x255: {  	_ =	swait.ge [sflag:s9], $0x4000  }
0x256: {  	s0 =	sld [smem:$0x7E4]  }
0x257: {  	[sflag:s9] =	ssyncset.done $0x0  }
0x258: {  	[sflag:s9] =	ssyncadd.s32 $0xFFFFC000  }
0x259: {  	[tilespmem:s6], [sflag:$0x1] =	stream.indirect.gather [hbm4b:s3+s5], $0x20, s0, s5, $0xb8;
	[tilespmem:$0xE400] =	vst v63  }
0x25a: {  	_ =	swait.ge [sflag:s8], $0x4000  }
0x25b: {  	[sflag:s8] =	ssyncset.done $0x0  }
0x25c: {  	s0 =	rddreg [dreg:$0x8];
	[sflag:s8] =	ssyncadd.s32 $0xFFFFC000  }
0x25d: {  	[hbm4b:s0+s2] =	stream.linear.scatter [tilespmem:s4], [sflag:$0x4], $0x4000, $0x38;
	[tilespmem:$0xE400] =	vst v63  }
0x25e: {  	_ =	swait.ge [sflag:s7], $0x4000  }
0x25f: {  	s0 =	sld [smem:$0x7E5]  }
0x260: {  	[sflag:s7] =	ssyncset.done $0x0  }
0x261: {  	[sflag:s7] =	ssyncadd.s32 $0xFFFFC000  }
0x262: {  	[tilespmem:s4], [sflag:$0x2] =	stream.indirect.gather [hbm4b:s3+s5], $0x20, s0, s5, $0xb8;
	[tilespmem:$0xE400] =	vst v63  }
0x263: {  	_ =	swait.ge [sflag:s10], $0x4000  }
0x264: {  	[sflag:s10] =	ssyncset.done $0x0  }
0x265: {  	s0 =	rddreg [dreg:$0x9];
	[sflag:s10] =	ssyncadd.s32 $0xFFFFC000  }
0x266: {  	[hbm4b:s0+s2] =	stream.linear.scatter [tilespmem:s6], [sflag:$0x3], $0x4000, $0x38;
	[tilespmem:$0xE400] =	vst v63  }
0x267: {  	_ =	swait.ge [sflag:s9], $0x4000  }
0x268: {  	s0 =	sld [smem:$0x7E6]  }
0x269: {  	[sflag:s9] =	ssyncset.done $0x0  }
0x26a: {  	[sflag:s9] =	ssyncadd.s32 $0xFFFFC000  }
0x26b: {  	[tilespmem:s6], [sflag:$0x1] =	stream.indirect.gather [hbm4b:s3+s5], $0x20, s0, s5, $0xb8;
	[tilespmem:$0xE400] =	vst v63  }
0x26c: {  	_ =	swait.ge [sflag:s8], $0x4000  }
0x26d: {  	[sflag:s8] =	ssyncset.done $0x0  }
0x26e: {  	s0 =	rddreg [dreg:$0xa];
	[sflag:s8] =	ssyncadd.s32 $0xFFFFC000  }
0x26f: {  	[hbm4b:s0+s2] =	stream.linear.scatter [tilespmem:s4], [sflag:$0x4], $0x4000, $0x38;
	[tilespmem:$0xE400] =	vst v63  }
0x270: {  	_ =	swait.ge [sflag:s7], $0x4000  }
0x271: {  	s0 =	sld [smem:$0x7E7]  }
0x272: {  	[sflag:s7] =	ssyncset.done $0x0  }
0x273: {  	[sflag:s7] =	ssyncadd.s32 $0xFFFFC000  }
0x274: {  	[tilespmem:s4], [sflag:$0x2] =	stream.indirect.gather [hbm4b:s3+s5], $0x20, s0, s5, $0xb8;
	[tilespmem:$0xE400] =	vst v63  }
0x275: {  	_ =	swait.ge [sflag:s10], $0x4000  }
0x276: {  	[sflag:s10] =	ssyncset.done $0x0  }
0x277: {  	s0 =	rddreg [dreg:$0xb];
	[sflag:s10] =	ssyncadd.s32 $0xFFFFC000  }
0x278: {  	[hbm4b:s0+s2] =	stream.linear.scatter [tilespmem:s6], [sflag:$0x3], $0x4000, $0x38;
	[tilespmem:$0xE400] =	vst v63  }
0x279: {  	_ =	swait.ge [sflag:s9], $0x4000  }
0x27a: {  	s0 =	sld [smem:$0x7E8]  }
0x27b: {  	[sflag:s9] =	ssyncset.done $0x0  }
0x27c: {  	[sflag:s9] =	ssyncadd.s32 $0xFFFFC000  }
0x27d: {  	[tilespmem:s6], [sflag:$0x1] =	stream.indirect.gather [hbm4b:s3+s5], $0x20, s0, s5, $0xb8;
	[tilespmem:$0xE400] =	vst v63  }
0x27e: {  	_ =	swait.ge [sflag:s8], $0x4000  }
0x27f: {  	[sflag:s8] =	ssyncset.done $0x0  }
0x280: {  	s0 =	rddreg [dreg:$0xc];
	[sflag:s8] =	ssyncadd.s32 $0xFFFFC000  }
0x281: {  	[hbm4b:s0+s2] =	stream.linear.scatter [tilespmem:s4], [sflag:$0x4], $0x4000, $0x38;
	[tilespmem:$0xE400] =	vst v63  }
0x282: {  	_ =	swait.ge [sflag:s7], $0x4000  }
0x283: {  	s0 =	sld [smem:$0x7E9]  }
0x284: {  	[sflag:s7] =	ssyncset.done $0x0  }
0x285: {  	[sflag:s7] =	ssyncadd.s32 $0xFFFFC000  }
0x286: {  	[tilespmem:s4], [sflag:$0x2] =	stream.indirect.gather [hbm4b:s3+s5], $0x20, s0, s5, $0xb8;
	[tilespmem:$0xE400] =	vst v63  }
0x287: {  	_ =	swait.ge [sflag:s10], $0x4000  }
0x288: {  	[sflag:s10] =	ssyncset.done $0x0  }
0x289: {  	s0 =	rddreg [dreg:$0xd];
	[sflag:s10] =	ssyncadd.s32 $0xFFFFC000  }
0x28a: {  	[hbm4b:s0+s2] =	stream.linear.scatter [tilespmem:s6], [sflag:$0x3], $0x4000, $0x38;
	[tilespmem:$0xE400] =	vst v63  }
0x28b: {  	_ =	swait.ge [sflag:s9], $0x4000  }
0x28c: {  	s0 =	sld [smem:$0x7EA]  }
0x28d: {  	[sflag:s9] =	ssyncset.done $0x0  }
0x28e: {  	[sflag:s9] =	ssyncadd.s32 $0xFFFFC000  }
0x28f: {  	[tilespmem:s6], [sflag:$0x1] =	stream.indirect.gather [hbm4b:s3+s5], $0x20, s0, s5, $0xb8;
	[tilespmem:$0xE400] =	vst v63  }
0x290: {  	_ =	swait.ge [sflag:s8], $0x4000  }
0x291: {  	[sflag:s8] =	ssyncset.done $0x0  }
0x292: {  	s0 =	rddreg [dreg:$0xe];
	[sflag:s8] =	ssyncadd.s32 $0xFFFFC000  }
0x293: {  	[hbm4b:s0+s2] =	stream.linear.scatter [tilespmem:s4], [sflag:$0x4], $0x4000, $0x38;
	[tilespmem:$0xE400] =	vst v63  }
0x294: {  	_ =	swait.ge [sflag:s7], $0x4000  }
0x295: {  	s0 =	sld [smem:$0x7EB]  }
0x296: {  	[sflag:s7] =	ssyncset.done $0x0  }
0x297: {  	[sflag:s7] =	ssyncadd.s32 $0xFFFFC000  }
0x298: {  	[tilespmem:s4], [sflag:$0x2] =	stream.indirect.gather [hbm4b:s3+s5], $0x20, s0, s5, $0xb8;
	[tilespmem:$0xE400] =	vst v63  }
0x299: {  	_ =	swait.ge [sflag:s10], $0x4000  }
0x29a: {  	[sflag:s10] =	ssyncset.done $0x0  }
0x29b: {  	s0 =	rddreg [dreg:$0xf];
	[sflag:s10] =	ssyncadd.s32 $0xFFFFC000  }
0x29c: {  	[hbm4b:s0+s2] =	stream.linear.scatter [tilespmem:s6], [sflag:$0x3], $0x4000, $0x38;
	[tilespmem:$0xE400] =	vst v63  }
0x29d: {  	_ =	swait.ge [sflag:s9], $0x4000  }
0x29e: {  	s0 =	sld [smem:$0x7EC]  }
0x29f: {  	[sflag:s9] =	ssyncset.done $0x0  }
0x2a0: {  	[sflag:s9] =	ssyncadd.s32 $0xFFFFC000  }
0x2a1: {  	[tilespmem:s6], [sflag:$0x1] =	stream.indirect.gather [hbm4b:s3+s5], $0x20, s0, s5, $0xb8;
	[tilespmem:$0xE400] =	vst v63  }
0x2a2: {  	_ =	swait.ge [sflag:s8], $0x4000  }
0x2a3: {  	[sflag:s8] =	ssyncset.done $0x0  }
0x2a4: {  	s0 =	rddreg [dreg:$0x10];
	[sflag:s8] =	ssyncadd.s32 $0xFFFFC000  }
0x2a5: {  	[hbm4b:s0+s2] =	stream.linear.scatter [tilespmem:s4], [sflag:$0x4], $0x4000, $0x38;
	[tilespmem:$0xE400] =	vst v63  }
0x2a6: {  	_ =	swait.ge [sflag:s7], $0x4000  }
0x2a7: {  	s0 =	sld [smem:$0x7ED]  }
0x2a8: {  	[sflag:s7] =	ssyncset.done $0x0  }
0x2a9: {  	[sflag:s7] =	ssyncadd.s32 $0xFFFFC000  }
0x2aa: {  	[tilespmem:s4], [sflag:$0x2] =	stream.indirect.gather [hbm4b:s3+s5], $0x20, s0, s5, $0xb8;
	[tilespmem:$0xE400] =	vst v63  }
0x2ab: {  	_ =	swait.ge [sflag:s10], $0x4000  }
0x2ac: {  	[sflag:s10] =	ssyncset.done $0x0  }
0x2ad: {  	s0 =	rddreg [dreg:$0x11];
	[sflag:s10] =	ssyncadd.s32 $0xFFFFC000  }
0x2ae: {  	[hbm4b:s0+s2] =	stream.linear.scatter [tilespmem:s6], [sflag:$0x3], $0x4000, $0x38;
	[tilespmem:$0xE400] =	vst v63  }
0x2af: {  	_ =	swait.ge [sflag:s9], $0x4000  }
0x2b0: {  	s0 =	sld [smem:$0x7EE]  }
0x2b1: {  	[sflag:s9] =	ssyncset.done $0x0  }
0x2b2: {  	[sflag:s9] =	ssyncadd.s32 $0xFFFFC000  }
0x2b3: {  	[tilespmem:s6], [sflag:$0x1] =	stream.indirect.gather [hbm4b:s3+s5], $0x20, s0, s5, $0xb8;
	[tilespmem:$0xE400] =	vst v63  }
0x2b4: {  	_ =	swait.ge [sflag:s8], $0x4000  }
0x2b5: {  	[sflag:s8] =	ssyncset.done $0x0  }
0x2b6: {  	s0 =	rddreg [dreg:$0x12];
	[sflag:s8] =	ssyncadd.s32 $0xFFFFC000  }
0x2b7: {  	[hbm4b:s0+s2] =	stream.linear.scatter [tilespmem:s4], [sflag:$0x4], $0x4000, $0x38;
	[tilespmem:$0xE400] =	vst v63  }
0x2b8: {  	_ =	swait.ge [sflag:s7], $0x4000  }
0x2b9: {  	s0 =	sld [smem:$0x7EF]  }
0x2ba: {  	[sflag:s7] =	ssyncset.done $0x0  }
0x2bb: {  	[sflag:s7] =	ssyncadd.s32 $0xFFFFC000  }
0x2bc: {  	[tilespmem:s4], [sflag:$0x2] =	stream.indirect.gather [hbm4b:s3+s5], $0x20, s0, s5, $0xb8;
	[tilespmem:$0xE400] =	vst v63  }
0x2bd: {  	_ =	swait.ge [sflag:s10], $0x4000  }
0x2be: {  	[sflag:s10] =	ssyncset.done $0x0  }
0x2bf: {  	s0 =	rddreg [dreg:$0x13];
	[sflag:s10] =	ssyncadd.s32 $0xFFFFC000  }
0x2c0: {  	[hbm4b:s0+s2] =	stream.linear.scatter [tilespmem:s6], [sflag:$0x3], $0x4000, $0x38;
	[tilespmem:$0xE400] =	vst v63  }
0x2c1: {  	_ =	swait.ge [sflag:s9], $0x4000  }
0x2c2: {  	s0 =	sld [smem:$0x7F0]  }
0x2c3: {  	[sflag:s9] =	ssyncset.done $0x0  }
0x2c4: {  	[sflag:s9] =	ssyncadd.s32 $0xFFFFC000  }
0x2c5: {  	[tilespmem:s6], [sflag:$0x1] =	stream.indirect.gather [hbm4b:s3+s5], $0x20, s0, s5, $0xb8;
	[tilespmem:$0xE400] =	vst v63  }
0x2c6: {  	_ =	swait.ge [sflag:s8], $0x4000  }
0x2c7: {  	[sflag:s8] =	ssyncset.done $0x0  }
0x2c8: {  	s0 =	rddreg [dreg:$0x14];
	[sflag:s8] =	ssyncadd.s32 $0xFFFFC000  }
0x2c9: {  	[hbm4b:s0+s2] =	stream.linear.scatter [tilespmem:s4], [sflag:$0x4], $0x4000, $0x38;
	[tilespmem:$0xE400] =	vst v63  }
0x2ca: {  	_ =	swait.ge [sflag:s7], $0x4000  }
0x2cb: {  	s0 =	sld [smem:$0x7F1]  }
0x2cc: {  	[sflag:s7] =	ssyncset.done $0x0  }
0x2cd: {  	[sflag:s7] =	ssyncadd.s32 $0xFFFFC000  }
0x2ce: {  	[tilespmem:s4], [sflag:$0x2] =	stream.indirect.gather [hbm4b:s3+s5], $0x20, s0, s5, $0xb8;
	[tilespmem:$0xE400] =	vst v63  }
0x2cf: {  	_ =	swait.ge [sflag:s10], $0x4000  }
0x2d0: {  	[sflag:s10] =	ssyncset.done $0x0  }
0x2d1: {  	s0 =	rddreg [dreg:$0x15];
	[sflag:s10] =	ssyncadd.s32 $0xFFFFC000  }
0x2d2: {  	[hbm4b:s0+s2] =	stream.linear.scatter [tilespmem:s6], [sflag:$0x3], $0x4000, $0x38;
	[tilespmem:$0xE400] =	vst v63  }
0x2d3: {  	_ =	swait.ge [sflag:s9], $0x4000  }
0x2d4: {  	s0 =	sld [smem:$0x7F2]  }
0x2d5: {  	[sflag:s9] =	ssyncset.done $0x0  }
0x2d6: {  	[sflag:s9] =	ssyncadd.s32 $0xFFFFC000  }
0x2d7: {  	[tilespmem:s6], [sflag:$0x1] =	stream.indirect.gather [hbm4b:s3+s5], $0x20, s0, s5, $0xb8;
	[tilespmem:$0xE400] =	vst v63  }
0x2d8: {  	_ =	swait.ge [sflag:s8], $0x4000  }
0x2d9: {  	[sflag:s8] =	ssyncset.done $0x0  }
0x2da: {  	s0 =	rddreg [dreg:$0x16];
	[sflag:s8] =	ssyncadd.s32 $0xFFFFC000  }
0x2db: {  	[hbm4b:s0+s2] =	stream.linear.scatter [tilespmem:s4], [sflag:$0x4], $0x4000, $0x38;
	[tilespmem:$0xE400] =	vst v63  }
0x2dc: {  	_ =	swait.ge [sflag:s7], $0x4000  }
0x2dd: {  	s0 =	sld [smem:$0x7F3]  }
0x2de: {  	[sflag:s7] =	ssyncset.done $0x0  }
0x2df: {  	[sflag:s7] =	ssyncadd.s32 $0xFFFFC000  }
0x2e0: {  	[tilespmem:s4], [sflag:$0x2] =	stream.indirect.gather [hbm4b:s3+s5], $0x20, s0, s5, $0xb8;
	[tilespmem:$0xE400] =	vst v63  }
0x2e1: {  	_ =	swait.ge [sflag:s10], $0x4000  }
0x2e2: {  	[sflag:s10] =	ssyncset.done $0x0  }
0x2e3: {  	s0 =	rddreg [dreg:$0x17];
	[sflag:s10] =	ssyncadd.s32 $0xFFFFC000  }
0x2e4: {  	[hbm4b:s0+s2] =	stream.linear.scatter [tilespmem:s6], [sflag:$0x3], $0x4000, $0x38;
	[tilespmem:$0xE400] =	vst v63  }
0x2e5: {  	_ =	swait.ge [sflag:s9], $0x4000  }
0x2e6: {  	s0 =	sld [smem:$0x7F4]  }
0x2e7: {  	[sflag:s9] =	ssyncset.done $0x0  }
0x2e8: {  	[sflag:s9] =	ssyncadd.s32 $0xFFFFC000  }
0x2e9: {  	[tilespmem:s6], [sflag:$0x1] =	stream.indirect.gather [hbm4b:s3+s5], $0x20, s0, s5, $0xb8;
	[tilespmem:$0xE400] =	vst v63  }
0x2ea: {  	_ =	swait.ge [sflag:s8], $0x4000  }
0x2eb: {  	[sflag:s8] =	ssyncset.done $0x0  }
0x2ec: {  	s0 =	rddreg [dreg:$0x18];
	[sflag:s8] =	ssyncadd.s32 $0xFFFFC000  }
0x2ed: {  	[hbm4b:s0+s2] =	stream.linear.scatter [tilespmem:s4], [sflag:$0x4], $0x4000, $0x38;
	[tilespmem:$0xE400] =	vst v63  }
0x2ee: {  	_ =	swait.ge [sflag:s7], $0x4000  }
0x2ef: {  	s0 =	sld [smem:$0x7F5]  }
0x2f0: {  	[sflag:s7] =	ssyncset.done $0x0  }
0x2f1: {  	[sflag:s7] =	ssyncadd.s32 $0xFFFFC000  }
0x2f2: {  	[tilespmem:s4], [sflag:$0x2] =	stream.indirect.gather [hbm4b:s3+s5], $0x20, s0, s5, $0xb8;
	[tilespmem:$0xE400] =	vst v63  }
0x2f3: {  	_ =	swait.ge [sflag:s10], $0x4000  }
0x2f4: {  	[sflag:s10] =	ssyncset.done $0x0  }
0x2f5: {  	s0 =	rddreg [dreg:$0x19];
	[sflag:s10] =	ssyncadd.s32 $0xFFFFC000  }
0x2f6: {  	[hbm4b:s0+s2] =	stream.linear.scatter [tilespmem:s6], [sflag:$0x3], $0x4000, $0x38;
	[tilespmem:$0xE400] =	vst v63  }
0x2f7: {  	_ =	swait.ge [sflag:s9], $0x4000  }
0x2f8: {  	s0 =	sld [smem:$0x7F6]  }
0x2f9: {  	[sflag:s9] =	ssyncset.done $0x0  }
0x2fa: {  	[sflag:s9] =	ssyncadd.s32 $0xFFFFC000  }
0x2fb: {  	[tilespmem:s6], [sflag:$0x1] =	stream.indirect.gather [hbm4b:s3+s5], $0x20, s0, s5, $0xb8;
	[tilespmem:$0xE400] =	vst v63  }
0x2fc: {  	_ =	swait.ge [sflag:s8], $0x4000  }
0x2fd: {  	[sflag:s8] =	ssyncset.done $0x0  }
0x2fe: {  	s0 =	rddreg [dreg:$0x1a];
	[sflag:s8] =	ssyncadd.s32 $0xFFFFC000  }
0x2ff: {  	[hbm4b:s0+s2] =	stream.linear.scatter [tilespmem:s4], [sflag:$0x4], $0x4000, $0x38;
	[tilespmem:$0xE400] =	vst v63  }
0x300: {  	_ =	swait.ge [sflag:s7], $0x4000  }
0x301: {  	s0 =	sld [smem:$0x7F7]  }
0x302: {  	[sflag:s7] =	ssyncset.done $0x0  }
0x303: {  	[sflag:s7] =	ssyncadd.s32 $0xFFFFC000  }
0x304: {  	[tilespmem:s4], [sflag:$0x2] =	stream.indirect.gather [hbm4b:s3+s5], $0x20, s0, s5, $0xb8;
	[tilespmem:$0xE400] =	vst v63  }
0x305: {  	_ =	swait.ge [sflag:s10], $0x4000  }
0x306: {  	[sflag:s10] =	ssyncset.done $0x0  }
0x307: {  	s0 =	rddreg [dreg:$0x1b];
	[sflag:s10] =	ssyncadd.s32 $0xFFFFC000  }
0x308: {  	[hbm4b:s0+s2] =	stream.linear.scatter [tilespmem:s6], [sflag:$0x3], $0x4000, $0x38;
	[tilespmem:$0xE400] =	vst v63  }
0x309: {  	_ =	swait.ge [sflag:s9], $0x4000  }
0x30a: {  	s0 =	sld [smem:$0x7F8]  }
0x30b: {  	[sflag:s9] =	ssyncset.done $0x0  }
0x30c: {  	[sflag:s9] =	ssyncadd.s32 $0xFFFFC000  }
0x30d: {  	[tilespmem:s6], [sflag:$0x1] =	stream.indirect.gather [hbm4b:s3+s5], $0x20, s0, s5, $0xb8;
	[tilespmem:$0xE400] =	vst v63  }
0x30e: {  	_ =	swait.ge [sflag:s8], $0x4000  }
0x30f: {  	[sflag:s8] =	ssyncset.done $0x0  }
0x310: {  	s0 =	rddreg [dreg:$0x1c];
	[sflag:s8] =	ssyncadd.s32 $0xFFFFC000  }
0x311: {  	[hbm4b:s0+s2] =	stream.linear.scatter [tilespmem:s4], [sflag:$0x4], $0x4000, $0x38;
	[tilespmem:$0xE400] =	vst v63  }
0x312: {  	_ =	swait.ge [sflag:s7], $0x4000  }
0x313: {  	s0 =	sld [smem:$0x7F9]  }
0x314: {  	[sflag:s7] =	ssyncset.done $0x0  }
0x315: {  	[sflag:s7] =	ssyncadd.s32 $0xFFFFC000  }
0x316: {  	[tilespmem:s4], [sflag:$0x2] =	stream.indirect.gather [hbm4b:s3+s5], $0x20, s0, s5, $0xb8;
	[tilespmem:$0xE400] =	vst v63  }
0x317: {  	_ =	swait.ge [sflag:s10], $0x4000  }
0x318: {  	[sflag:s10] =	ssyncset.done $0x0  }
0x319: {  	s0 =	rddreg [dreg:$0x1d];
	[sflag:s10] =	ssyncadd.s32 $0xFFFFC000  }
0x31a: {  	[hbm4b:s0+s2] =	stream.linear.scatter [tilespmem:s6], [sflag:$0x3], $0x4000, $0x38;
	[tilespmem:$0xE400] =	vst v63  }
0x31b: {  	_ =	swait.ge [sflag:s9], $0x4000  }
0x31c: {  	s0 =	sld [smem:$0x7FA]  }
0x31d: {  	[sflag:s9] =	ssyncset.done $0x0  }
0x31e: {  	[sflag:s9] =	ssyncadd.s32 $0xFFFFC000  }
0x31f: {  	[tilespmem:s6], [sflag:$0x1] =	stream.indirect.gather [hbm4b:s3+s5], $0x20, s0, s5, $0xb8;
	[tilespmem:$0xE400] =	vst v63  }
0x320: {  	_ =	swait.ge [sflag:s8], $0x4000  }
0x321: {  	[sflag:s8] =	ssyncset.done $0x0  }
0x322: {  	s0 =	rddreg [dreg:$0x1e];
	[sflag:s8] =	ssyncadd.s32 $0xFFFFC000  }
0x323: {  	[hbm4b:s0+s2] =	stream.linear.scatter [tilespmem:s4], [sflag:$0x4], $0x4000, $0x38;
	[tilespmem:$0xE400] =	vst v63  }
0x324: {  	_ =	swait.ge [sflag:s7], $0x4000  }
0x325: {  	s0 =	sld [smem:$0x7FB]  }
0x326: {  	[sflag:s7] =	ssyncset.done $0x0  }
0x327: {  	[sflag:s7] =	ssyncadd.s32 $0xFFFFC000  }
0x328: {  	[tilespmem:s4], [sflag:$0x2] =	stream.indirect.gather [hbm4b:s3+s5], $0x20, s0, s5, $0xb8;
	[tilespmem:$0xE400] =	vst v63  }
0x329: {  	_ =	swait.ge [sflag:s10], $0x4000  }
0x32a: {  	[sflag:s10] =	ssyncset.done $0x0  }
0x32b: {  	s0 =	rddreg [dreg:$0x1f];
	[sflag:s10] =	ssyncadd.s32 $0xFFFFC000  }
0x32c: {  	[hbm4b:s0+s2] =	stream.linear.scatter [tilespmem:s6], [sflag:$0x3], $0x4000, $0x38;
	[tilespmem:$0xE400] =	vst v63  }
0x32d: {  	_ =	swait.ge [sflag:s9], $0x4000  }
0x32e: {  	s0 =	sld [smem:$0x7FC]  }
0x32f: {  	[sflag:s9] =	ssyncset.done $0x0  }
0x330: {  	[sflag:s9] =	ssyncadd.s32 $0xFFFFC000  }
0x331: {  	[tilespmem:s6], [sflag:$0x1] =	stream.indirect.gather [hbm4b:s3+s5], $0x20, s0, s5, $0xb8;
	[tilespmem:$0xE400] =	vst v63  }
0x332: {  	_ =	swait.ge [sflag:s8], $0x4000  }
0x333: {  	s0 =	sld [smem:$0x7CB]  }
0x334: {  	[sflag:s8] =	ssyncset.done $0x0  }
0x335: {  	[sflag:s8] =	ssyncadd.s32 $0xFFFFC000  }
0x336: {  	[hbm4b:s0+s2] =	stream.linear.scatter [tilespmem:s4], [sflag:$0x4], $0x4000, $0x38;
	[tilespmem:$0xE400] =	vst v63  }
0x337: {  	_ =	swait.ge [sflag:s7], $0x4000  }
0x338: {  	s0 =	sld [smem:$0x7FD]  }
0x339: {  	[sflag:s7] =	ssyncset.done $0x0  }
0x33a: {  	[sflag:s7] =	ssyncadd.s32 $0xFFFFC000  }
0x33b: {  	[tilespmem:s4], [sflag:$0x2] =	stream.indirect.gather [hbm4b:s3+s5], $0x20, s0, s5, $0xb8;
	[tilespmem:$0xE400] =	vst v63  }
0x33c: {  	_ =	swait.ge [sflag:s10], $0x4000  }
0x33d: {  	s0 =	sld [smem:$0x7CC]  }
0x33e: {  	[sflag:s10] =	ssyncset.done $0x0  }
0x33f: {  	[sflag:s10] =	ssyncadd.s32 $0xFFFFC000  }
0x340: {  	[hbm4b:s0+s2] =	stream.linear.scatter [tilespmem:s6], [sflag:$0x3], $0x4000, $0x38;
	[tilespmem:$0xE400] =	vst v63  }
0x341: {  	_ =	swait.ge [sflag:s9], $0x4000  }
0x342: {  	[sflag:s9] =	ssyncset.done $0x0  }
0x343: {  	[sflag:s9] =	ssyncadd.s32 $0xFFFFC000  }
0x344: {  	[tilespmem:s6], [sflag:$0x1] =	stream.indirect.gather [hbm4b:s3+s5], $0x20, s26, s5, $0xb8;
	[tilespmem:$0xE400] =	vst v63  }
0x345: {  	_ =	swait.ge [sflag:s8], $0x4000  }
0x346: {  	s0 =	sld [smem:$0x7CD]  }
0x347: {  	[sflag:s8] =	ssyncset.done $0x0  }
0x348: {  	[sflag:s8] =	ssyncadd.s32 $0xFFFFC000  }
0x349: {  	[hbm4b:s0+s2] =	stream.linear.scatter [tilespmem:s4], [sflag:$0x4], $0x4000, $0x38;
	[tilespmem:$0xE400] =	vst v63  }
0x34a: {  	_ =	swait.ge [sflag:s7], $0x4000  }
0x34b: {  	[sflag:s7] =	ssyncset.done $0x0  }
0x34c: {  	[sflag:s7] =	ssyncadd.s32 $0xFFFFC000  }
0x34d: {  	[tilespmem:s4], [sflag:$0x2] =	stream.indirect.gather [hbm4b:s3+s5], $0x20, s29, s5, $0xb8;
	[tilespmem:$0xE400] =	vst v63  }
0x34e: {  	_ =	swait.ge [sflag:s10], $0x4000  }
0x34f: {  	s0 =	sld [smem:$0x7CE]  }
0x350: {  	[sflag:s10] =	ssyncset.done $0x0  }
0x351: {  	[sflag:s10] =	ssyncadd.s32 $0xFFFFC000  }
0x352: {  	[hbm4b:s0+s2] =	stream.linear.scatter [tilespmem:s6], [sflag:$0x3], $0x4000, $0x38;
	[tilespmem:$0xE400] =	vst v63  }
0x353: {  	_ =	swait.ge [sflag:s9], $0x4000  }
0x354: {  	[sflag:s9] =	ssyncset.done $0x0  }
0x355: {  	[sflag:s9] =	ssyncadd.s32 $0xFFFFC000  }
0x356: {  	[tilespmem:s6], [sflag:$0x1] =	stream.indirect.gather [hbm4b:s3+s5], $0x20, s28, s5, $0xb8;
	[tilespmem:$0xE400] =	vst v63  }
0x357: {  	_ =	swait.ge [sflag:s8], $0x4000  }
0x358: {  	s0 =	sld [smem:$0x7CF]  }
0x359: {  	[sflag:s8] =	ssyncset.done $0x0  }
0x35a: {  	[sflag:s8] =	ssyncadd.s32 $0xFFFFC000  }
0x35b: {  	[hbm4b:s0+s2] =	stream.linear.scatter [tilespmem:s4], [sflag:$0x4], $0x4000, $0x38;
	[tilespmem:$0xE400] =	vst v63  }
0x35c: {  	_ =	swait.ge [sflag:s7], $0x4000  }
0x35d: {  	[sflag:s7] =	ssyncset.done $0x0  }
0x35e: {  	[sflag:s7] =	ssyncadd.s32 $0xFFFFC000  }
0x35f: {  	[tilespmem:s4], [sflag:$0x2] =	stream.indirect.gather [hbm4b:s3+s5], $0x20, s25, s5, $0xb8;
	[tilespmem:$0xE400] =	vst v63  }
0x360: {  	_ =	swait.ge [sflag:s10], $0x4000  }
0x361: {  	s0 =	sld [smem:$0x7D0]  }
0x362: {  	[sflag:s10] =	ssyncset.done $0x0  }
0x363: {  	[sflag:s10] =	ssyncadd.s32 $0xFFFFC000  }
0x364: {  	[hbm4b:s0+s2] =	stream.linear.scatter [tilespmem:s6], [sflag:$0x3], $0x4000, $0x38;
	[tilespmem:$0xE400] =	vst v63  }
0x365: {  	_ =	swait.ge [sflag:s9], $0x4000  }
0x366: {  	[sflag:s9] =	ssyncset.done $0x0  }
0x367: {  	[sflag:s9] =	ssyncadd.s32 $0xFFFFC000  }
0x368: {  	[tilespmem:s6], [sflag:$0x1] =	stream.indirect.gather [hbm4b:s3+s5], $0x20, s24, s5, $0xb8;
	[tilespmem:$0xE400] =	vst v63  }
0x369: {  	_ =	swait.ge [sflag:s8], $0x4000  }
0x36a: {  	s0 =	sld [smem:$0x7D1]  }
0x36b: {  	[sflag:s8] =	ssyncset.done $0x0  }
0x36c: {  	[sflag:s8] =	ssyncadd.s32 $0xFFFFC000  }
0x36d: {  	[hbm4b:s0+s2] =	stream.linear.scatter [tilespmem:s4], [sflag:$0x4], $0x4000, $0x38;
	[tilespmem:$0xE400] =	vst v63  }
0x36e: {  	_ =	swait.ge [sflag:s7], $0x4000  }
0x36f: {  	[sflag:s7] =	ssyncset.done $0x0  }
0x370: {  	[sflag:s7] =	ssyncadd.s32 $0xFFFFC000  }
0x371: {  	[tilespmem:s4], [sflag:$0x2] =	stream.indirect.gather [hbm4b:s3+s5], $0x20, s23, s5, $0xb8;
	[tilespmem:$0xE400] =	vst v63  }
0x372: {  	_ =	swait.ge [sflag:s10], $0x4000  }
0x373: {  	s0 =	sld [smem:$0x7D2]  }
0x374: {  	[sflag:s10] =	ssyncset.done $0x0  }
0x375: {  	[sflag:s10] =	ssyncadd.s32 $0xFFFFC000  }
0x376: {  	[hbm4b:s0+s2] =	stream.linear.scatter [tilespmem:s6], [sflag:$0x3], $0x4000, $0x38;
	[tilespmem:$0xE400] =	vst v63  }
0x377: {  	_ =	swait.ge [sflag:s9], $0x4000  }
0x378: {  	[sflag:s9] =	ssyncset.done $0x0  }
0x379: {  	[sflag:s9] =	ssyncadd.s32 $0xFFFFC000  }
0x37a: {  	[tilespmem:s6], [sflag:$0x1] =	stream.indirect.gather [hbm4b:s3+s5], $0x20, s22, s5, $0xb8;
	[tilespmem:$0xE400] =	vst v63  }
0x37b: {  	_ =	swait.ge [sflag:s8], $0x4000  }
0x37c: {  	s0 =	sld [smem:$0x7D3]  }
0x37d: {  	[sflag:s8] =	ssyncset.done $0x0  }
0x37e: {  	[sflag:s8] =	ssyncadd.s32 $0xFFFFC000  }
0x37f: {  	[hbm4b:s0+s2] =	stream.linear.scatter [tilespmem:s4], [sflag:$0x4], $0x4000, $0x38;
	[tilespmem:$0xE400] =	vst v63  }
0x380: {  	_ =	swait.ge [sflag:s7], $0x4000  }
0x381: {  	[sflag:s7] =	ssyncset.done $0x0  }
0x382: {  	[sflag:s7] =	ssyncadd.s32 $0xFFFFC000  }
0x383: {  	[tilespmem:s4], [sflag:$0x2] =	stream.indirect.gather [hbm4b:s3+s5], $0x20, s21, s5, $0xb8;
	[tilespmem:$0xE400] =	vst v63  }
0x384: {  	_ =	swait.ge [sflag:s10], $0x4000  }
0x385: {  	s0 =	sld [smem:$0x7D4]  }
0x386: {  	[sflag:s10] =	ssyncset.done $0x0  }
0x387: {  	[sflag:s10] =	ssyncadd.s32 $0xFFFFC000  }
0x388: {  	[hbm4b:s0+s2] =	stream.linear.scatter [tilespmem:s6], [sflag:$0x3], $0x4000, $0x38;
	[tilespmem:$0xE400] =	vst v63  }
0x389: {  	_ =	swait.ge [sflag:s9], $0x4000  }
0x38a: {  	[sflag:s9] =	ssyncset.done $0x0  }
0x38b: {  	[sflag:s9] =	ssyncadd.s32 $0xFFFFC000  }
0x38c: {  	[tilespmem:s6], [sflag:$0x1] =	stream.indirect.gather [hbm4b:s3+s5], $0x20, s20, s5, $0xb8;
	[tilespmem:$0xE400] =	vst v63  }
0x38d: {  	_ =	swait.ge [sflag:s8], $0x4000  }
0x38e: {  	s0 =	sld [smem:$0x7D5]  }
0x38f: {  	[sflag:s8] =	ssyncset.done $0x0  }
0x390: {  	[sflag:s8] =	ssyncadd.s32 $0xFFFFC000  }
0x391: {  	[hbm4b:s0+s2] =	stream.linear.scatter [tilespmem:s4], [sflag:$0x4], $0x4000, $0x38;
	[tilespmem:$0xE400] =	vst v63  }
0x392: {  	_ =	swait.ge [sflag:s7], $0x4000  }
0x393: {  	[sflag:s7] =	ssyncset.done $0x0  }
0x394: {  	[sflag:s7] =	ssyncadd.s32 $0xFFFFC000  }
0x395: {  	[tilespmem:s4], [sflag:$0x2] =	stream.indirect.gather [hbm4b:s3+s5], $0x20, s19, s5, $0xb8;
	[tilespmem:$0xE400] =	vst v63  }
0x396: {  	_ =	swait.ge [sflag:s10], $0x4000  }
0x397: {  	s0 =	sld [smem:$0x7D6]  }
0x398: {  	[sflag:s10] =	ssyncset.done $0x0  }
0x399: {  	[sflag:s10] =	ssyncadd.s32 $0xFFFFC000  }
0x39a: {  	[hbm4b:s0+s2] =	stream.linear.scatter [tilespmem:s6], [sflag:$0x3], $0x4000, $0x38;
	[tilespmem:$0xE400] =	vst v63  }
0x39b: {  	_ =	swait.ge [sflag:s9], $0x4000  }
0x39c: {  	[sflag:s9] =	ssyncset.done $0x0  }
0x39d: {  	[sflag:s9] =	ssyncadd.s32 $0xFFFFC000  }
0x39e: {  	[tilespmem:s6], [sflag:$0x1] =	stream.indirect.gather [hbm4b:s3+s5], $0x20, s18, s5, $0xb8;
	[tilespmem:$0xE400] =	vst v63  }
0x39f: {  	_ =	swait.ge [sflag:s8], $0x4000  }
0x3a0: {  	s0 =	sld [smem:$0x7D7]  }
0x3a1: {  	[sflag:s8] =	ssyncset.done $0x0  }
0x3a2: {  	[sflag:s8] =	ssyncadd.s32 $0xFFFFC000  }
0x3a3: {  	[hbm4b:s0+s2] =	stream.linear.scatter [tilespmem:s4], [sflag:$0x4], $0x4000, $0x38;
	[tilespmem:$0xE400] =	vst v63  }
0x3a4: {  	_ =	swait.ge [sflag:s7], $0x4000  }
0x3a5: {  	[sflag:s7] =	ssyncset.done $0x0  }
0x3a6: {  	[sflag:s7] =	ssyncadd.s32 $0xFFFFC000  }
0x3a7: {  	[tilespmem:s4], [sflag:$0x2] =	stream.indirect.gather [hbm4b:s3+s5], $0x20, s17, s5, $0xb8;
	[tilespmem:$0xE400] =	vst v63  }
0x3a8: {  	_ =	swait.ge [sflag:s10], $0x4000  }
0x3a9: {  	s0 =	sld [smem:$0x7D8]  }
0x3aa: {  	[sflag:s10] =	ssyncset.done $0x0  }
0x3ab: {  	[sflag:s10] =	ssyncadd.s32 $0xFFFFC000  }
0x3ac: {  	[hbm4b:s0+s2] =	stream.linear.scatter [tilespmem:s6], [sflag:$0x3], $0x4000, $0x38;
	[tilespmem:$0xE400] =	vst v63  }
0x3ad: {  	_ =	swait.ge [sflag:s9], $0x4000  }
0x3ae: {  	[sflag:s9] =	ssyncset.done $0x0  }
0x3af: {  	[sflag:s9] =	ssyncadd.s32 $0xFFFFC000  }
0x3b0: {  	[tilespmem:s6], [sflag:$0x1] =	stream.indirect.gather [hbm4b:s3+s5], $0x20, s16, s5, $0xb8;
	[tilespmem:$0xE400] =	vst v63  }
0x3b1: {  	_ =	swait.ge [sflag:s8], $0x4000  }
0x3b2: {  	s0 =	sld [smem:$0x7D9]  }
0x3b3: {  	[sflag:s8] =	ssyncset.done $0x0  }
0x3b4: {  	[sflag:s8] =	ssyncadd.s32 $0xFFFFC000  }
0x3b5: {  	[hbm4b:s0+s2] =	stream.linear.scatter [tilespmem:s4], [sflag:$0x4], $0x4000, $0x38;
	[tilespmem:$0xE400] =	vst v63  }
0x3b6: {  	_ =	swait.ge [sflag:s7], $0x4000  }
0x3b7: {  	[sflag:s7] =	ssyncset.done $0x0  }
0x3b8: {  	[sflag:s7] =	ssyncadd.s32 $0xFFFFC000  }
0x3b9: {  	[tilespmem:s4], [sflag:$0x2] =	stream.indirect.gather [hbm4b:s3+s5], $0x20, s15, s5, $0xb8;
	[tilespmem:$0xE400] =	vst v63  }
0x3ba: {  	_ =	swait.ge [sflag:s10], $0x4000  }
0x3bb: {  	s0 =	sld [smem:$0x7DA]  }
0x3bc: {  	[sflag:s10] =	ssyncset.done $0x0  }
0x3bd: {  	[sflag:s10] =	ssyncadd.s32 $0xFFFFC000  }
0x3be: {  	[hbm4b:s0+s2] =	stream.linear.scatter [tilespmem:s6], [sflag:$0x3], $0x4000, $0x38;
	[tilespmem:$0xE400] =	vst v63  }
0x3bf: {  	_ =	swait.ge [sflag:s9], $0x4000  }
0x3c0: {  	[sflag:s9] =	ssyncset.done $0x0  }
0x3c1: {  	[sflag:s9] =	ssyncadd.s32 $0xFFFFC000  }
0x3c2: {  	[tilespmem:s6], [sflag:$0x1] =	stream.indirect.gather [hbm4b:s3+s5], $0x20, s14, s5, $0xb8;
	[tilespmem:$0xE400] =	vst v63  }
0x3c3: {  	_ =	swait.ge [sflag:s8], $0x4000  }
0x3c4: {  	s0 =	sld [smem:$0x7DB]  }
0x3c5: {  	[sflag:s8] =	ssyncset.done $0x0  }
0x3c6: {  	[sflag:s8] =	ssyncadd.s32 $0xFFFFC000  }
0x3c7: {  	[hbm4b:s0+s2] =	stream.linear.scatter [tilespmem:s4], [sflag:$0x4], $0x4000, $0x38;
	[tilespmem:$0xE400] =	vst v63  }
0x3c8: {  	_ =	swait.ge [sflag:s7], $0x4000  }
0x3c9: {  	[sflag:s7] =	ssyncset.done $0x0  }
0x3ca: {  	[sflag:s7] =	ssyncadd.s32 $0xFFFFC000  }
0x3cb: {  	[tilespmem:s4], [sflag:$0x2] =	stream.indirect.gather [hbm4b:s3+s5], $0x20, s13, s5, $0xb8;
	[tilespmem:$0xE400] =	vst v63  }
0x3cc: {  	_ =	swait.ge [sflag:s10], $0x4000  }
0x3cd: {  	s0 =	sld [smem:$0x7DC]  }
0x3ce: {  	[sflag:s10] =	ssyncset.done $0x0  }
0x3cf: {  	[sflag:s10] =	ssyncadd.s32 $0xFFFFC000  }
0x3d0: {  	[hbm4b:s0+s2] =	stream.linear.scatter [tilespmem:s6], [sflag:$0x3], $0x4000, $0x38;
	[tilespmem:$0xE400] =	vst v63  }
0x3d1: {  	_ =	swait.ge [sflag:s9], $0x4000  }
0x3d2: {  	[sflag:s9] =	ssyncset.done $0x0  }
0x3d3: {  	[sflag:s9] =	ssyncadd.s32 $0xFFFFC000  }
0x3d4: {  	[tilespmem:s6], [sflag:$0x1] =	stream.indirect.gather [hbm4b:s3+s5], $0x20, s12, s5, $0xb8;
	[tilespmem:$0xE400] =	vst v63  }
0x3d5: {  	_ =	swait.ge [sflag:s8], $0x4000  }
0x3d6: {  	s0 =	sld [smem:$0x7DD]  }
0x3d7: {  	[sflag:s8] =	ssyncset.done $0x0  }
0x3d8: {  	[sflag:s8] =	ssyncadd.s32 $0xFFFFC000  }
0x3d9: {  	[hbm4b:s0+s2] =	stream.linear.scatter [tilespmem:s4], [sflag:$0x4], $0x4000, $0x38;
	[tilespmem:$0xE400] =	vst v63  }
0x3da: {  	_ =	swait.ge [sflag:s7], $0x4000  }
0x3db: {  	[sflag:s7] =	ssyncset.done $0x0  }
0x3dc: {  	[sflag:s7] =	ssyncadd.s32 $0xFFFFC000  }
0x3dd: {  	[tilespmem:s4], [sflag:$0x2] =	stream.indirect.gather [hbm4b:s3+s5], $0x20, s11, s5, $0xb8;
	[tilespmem:$0xE400] =	vst v63  }
0x3de: {  	_ =	swait.ge [sflag:s10], $0x4000  }
0x3df: {  	s0 =	sld [smem:$0x7DE]  }
0x3e0: {  	[sflag:s10] =	ssyncset.done $0x0  }
0x3e1: {  	[sflag:s10] =	ssyncadd.s32 $0xFFFFC000  }
0x3e2: {  	[hbm4b:s0+s2] =	stream.linear.scatter [tilespmem:s6], [sflag:$0x3], $0x4000, $0x38;
	[tilespmem:$0xE400] =	vst v63  }
0x3e3: {  	_ =	swait.ge [sflag:s9], $0x4000  }
0x3e4: {  	[sflag:s9] =	ssyncset.done $0x0  }
0x3e5: {  	[sflag:s9] =	ssyncadd.s32 $0xFFFFC000  }
0x3e6: {  	_ =	swait.ge [sflag:s8], $0x4000  }
0x3e7: {  	p1 =	sne.s32 s1, $0x1;
	s0 =	sld [smem:$0x7DF]  }
.Ltmp2:
0x3e8: {  	[sflag:s8] =	ssyncset.done $0x0;
	(pc) =	sbr.rel @p1 .LBB2_2-.Ltmp2, $4  }
0x3e9: {  	[sflag:s8] =	ssyncadd.s32 $0xFFFFC000  }
0x3ea: {  	[hbm4b:s0+s2] =	stream.linear.scatter [tilespmem:s4], [sflag:$0x4], $0x4000, $0x38;
	[tilespmem:$0xE400] =	vst v63  }
0x3eb: {  	_ =	swait.ge [sflag:s7], $0x4000  }
0x3ec: {  	s1 =	sadd.s32 $0xFFFFFFFF, s1;
	s0 =	rddreg [dreg:$0x3];
	[sflag:s7] =	ssyncset.done $0x0  }
.LBB2_3:
0x3ed: {  	[sflag:s7] =	ssyncadd.s32 @p0 $0xFFFFC000  }
0x3ee: {  	[tilespmem:s2], [sflag:$0x5] =	stream.strided.gather [hbm4b:s0+s5], $0x6400, s26, s5, $0x38;
	[tilespmem:$0xE400] =	vst v63  }
0x3ef: {  	_ =	swait.ge [sflag:s31], $0x6400  }
0x3f0: {  	[sflag:s31] =	ssyncset.done $0x0  }
0x3f1: {  	[sflag:s31] =	ssyncadd.s32 $0xFFFF9C00  }
0x3f2: {  	[tilespmem:s6], [sflag:$0x1] =	stream.indirect.gather [hbm4b:s3+s5], $0x20, s2, s5, $0xb8;
	[tilespmem:$0xE400] =	vst v63  }
0x3f3: {  	_ = 	snop  }
0x3f4: {  	[tilespmem:s4], [sflag:$0x2] =	stream.indirect.gather [hbm4b:s3+s5], $0x20, s5, s5, $0xb8;
	[tilespmem:$0xE400] =	vst v63  }
0x3f5: {  	_ =	swait.ge [sflag:s10], $0x4000  }
0x3f6: {  	[sflag:s10] =	ssyncset.done $0x0  }
0x3f7: {  	[sflag:s10] =	ssyncadd.s32 $0xFFFFC000  }
0x3f8: {  	[hbm4b:s30+s2] =	stream.linear.scatter [tilespmem:s6], [sflag:$0x3], $0x4000, $0x38;
	[tilespmem:$0xE400] =	vst v63  }
0x3f9: {  	_ =	swait.ge [sflag:s9], $0x4000  }
0x3fa: {  	s30 =	sld [smem:$0x7E0]  }
0x3fb: {  	[sflag:s9] =	ssyncset.done $0x0  }
0x3fc: {  	[sflag:s9] =	ssyncadd.s32 $0xFFFFC000  }
0x3fd: {  	[tilespmem:s6], [sflag:$0x1] =	stream.indirect.gather [hbm4b:s3+s5], $0x20, s30, s5, $0xb8;
	[tilespmem:$0xE400] =	vst v63  }
0x3fe: {  	_ =	swait.ge [sflag:s8], $0x4000  }
0x3ff: {  	[sflag:s8] =	ssyncset.done $0x0  }
0x400: {  	s31 =	rddreg [dreg:$0x4];
	[sflag:s8] =	ssyncadd.s32 $0xFFFFC000  }
0x401: {  	[hbm4b:s31+s2] =	stream.linear.scatter [tilespmem:s4], [sflag:$0x4], $0x4000, $0x38;
	[tilespmem:$0xE400] =	vst v63  }
0x402: {  	_ =	swait.ge [sflag:s7], $0x4000  }
0x403: {  	s1 =	sld [smem:$0x7E1]  }
0x404: {  	[sflag:s7] =	ssyncset.done $0x0  }
0x405: {  	[sflag:s7] =	ssyncadd.s32 $0xFFFFC000  }
0x406: {  	[tilespmem:s4], [sflag:$0x2] =	stream.indirect.gather [hbm4b:s3+s5], $0x20, s1, s5, $0xb8;
	[tilespmem:$0xE400] =	vst v63  }
0x407: {  	_ =	swait.ge [sflag:s10], $0x4000  }
0x408: {  	[sflag:s10] =	ssyncset.done $0x0  }
0x409: {  	s30 =	rddreg [dreg:$0x5];
	[sflag:s10] =	ssyncadd.s32 $0xFFFFC000  }
0x40a: {  	[hbm4b:s30+s2] =	stream.linear.scatter [tilespmem:s6], [sflag:$0x3], $0x4000, $0x38;
	[tilespmem:$0xE400] =	vst v63  }
0x40b: {  	_ =	swait.ge [sflag:s9], $0x4000  }
0x40c: {  	s31 =	sld [smem:$0x7E2]  }
0x40d: {  	[sflag:s9] =	ssyncset.done $0x0  }
0x40e: {  	[sflag:s9] =	ssyncadd.s32 $0xFFFFC000  }
0x40f: {  	[tilespmem:s6], [sflag:$0x1] =	stream.indirect.gather [hbm4b:s3+s5], $0x20, s31, s5, $0xb8;
	[tilespmem:$0xE400] =	vst v63  }
0x410: {  	_ =	swait.ge [sflag:s8], $0x4000  }
0x411: {  	[sflag:s8] =	ssyncset.done $0x0  }
0x412: {  	s1 =	rddreg [dreg:$0x6];
	[sflag:s8] =	ssyncadd.s32 $0xFFFFC000  }
0x413: {  	[hbm4b:s1+s2] =	stream.linear.scatter [tilespmem:s4], [sflag:$0x4], $0x4000, $0x38;
	[tilespmem:$0xE400] =	vst v63  }
0x414: {  	_ =	swait.ge [sflag:s7], $0x4000  }
0x415: {  	s30 =	sld [smem:$0x7E3]  }
0x416: {  	[sflag:s7] =	ssyncset.done $0x0  }
0x417: {  	[sflag:s7] =	ssyncadd.s32 $0xFFFFC000  }
0x418: {  	[tilespmem:s4], [sflag:$0x2] =	stream.indirect.gather [hbm4b:s3+s5], $0x20, s30, s5, $0xb8;
	[tilespmem:$0xE400] =	vst v63  }
0x419: {  	_ =	swait.ge [sflag:s10], $0x4000  }
0x41a: {  	[sflag:s10] =	ssyncset.done $0x0  }
0x41b: {  	s31 =	rddreg [dreg:$0x7];
	[sflag:s10] =	ssyncadd.s32 $0xFFFFC000  }
0x41c: {  	[hbm4b:s31+s2] =	stream.linear.scatter [tilespmem:s6], [sflag:$0x3], $0x4000, $0x38;
	[tilespmem:$0xE400] =	vst v63  }
0x41d: {  	_ =	swait.ge [sflag:s9], $0x4000  }
0x41e: {  	s1 =	sld [smem:$0x7E4]  }
0x41f: {  	[sflag:s9] =	ssyncset.done $0x0  }
0x420: {  	[sflag:s9] =	ssyncadd.s32 $0xFFFFC000  }
0x421: {  	[tilespmem:s6], [sflag:$0x1] =	stream.indirect.gather [hbm4b:s3+s5], $0x20, s1, s5, $0xb8;
	[tilespmem:$0xE400] =	vst v63  }
0x422: {  	_ =	swait.ge [sflag:s8], $0x4000  }
0x423: {  	[sflag:s8] =	ssyncset.done $0x0  }
0x424: {  	s30 =	rddreg [dreg:$0x8];
	[sflag:s8] =	ssyncadd.s32 $0xFFFFC000  }
0x425: {  	[hbm4b:s30+s2] =	stream.linear.scatter [tilespmem:s4], [sflag:$0x4], $0x4000, $0x38;
	[tilespmem:$0xE400] =	vst v63  }
0x426: {  	_ =	swait.ge [sflag:s7], $0x4000  }
0x427: {  	s31 =	sld [smem:$0x7E5]  }
0x428: {  	[sflag:s7] =	ssyncset.done $0x0  }
0x429: {  	[sflag:s7] =	ssyncadd.s32 $0xFFFFC000  }
0x42a: {  	[tilespmem:s4], [sflag:$0x2] =	stream.indirect.gather [hbm4b:s3+s5], $0x20, s31, s5, $0xb8;
	[tilespmem:$0xE400] =	vst v63  }
0x42b: {  	_ =	swait.ge [sflag:s10], $0x4000  }
0x42c: {  	[sflag:s10] =	ssyncset.done $0x0  }
0x42d: {  	s1 =	rddreg [dreg:$0x9];
	[sflag:s10] =	ssyncadd.s32 $0xFFFFC000  }
0x42e: {  	[hbm4b:s1+s2] =	stream.linear.scatter [tilespmem:s6], [sflag:$0x3], $0x4000, $0x38;
	[tilespmem:$0xE400] =	vst v63  }
0x42f: {  	_ =	swait.ge [sflag:s9], $0x4000  }
0x430: {  	s30 =	sld [smem:$0x7E6]  }
0x431: {  	[sflag:s9] =	ssyncset.done $0x0  }
0x432: {  	[sflag:s9] =	ssyncadd.s32 $0xFFFFC000  }
0x433: {  	[tilespmem:s6], [sflag:$0x1] =	stream.indirect.gather [hbm4b:s3+s5], $0x20, s30, s5, $0xb8;
	[tilespmem:$0xE400] =	vst v63  }
0x434: {  	_ =	swait.ge [sflag:s8], $0x4000  }
0x435: {  	[sflag:s8] =	ssyncset.done $0x0  }
0x436: {  	s31 =	rddreg [dreg:$0xa];
	[sflag:s8] =	ssyncadd.s32 $0xFFFFC000  }
0x437: {  	[hbm4b:s31+s2] =	stream.linear.scatter [tilespmem:s4], [sflag:$0x4], $0x4000, $0x38;
	[tilespmem:$0xE400] =	vst v63  }
0x438: {  	_ =	swait.ge [sflag:s7], $0x4000  }
0x439: {  	s1 =	sld [smem:$0x7E7]  }
0x43a: {  	[sflag:s7] =	ssyncset.done $0x0  }
0x43b: {  	[sflag:s7] =	ssyncadd.s32 $0xFFFFC000  }
0x43c: {  	[tilespmem:s4], [sflag:$0x2] =	stream.indirect.gather [hbm4b:s3+s5], $0x20, s1, s5, $0xb8;
	[tilespmem:$0xE400] =	vst v63  }
0x43d: {  	_ =	swait.ge [sflag:s10], $0x4000  }
0x43e: {  	[sflag:s10] =	ssyncset.done $0x0  }
0x43f: {  	s30 =	rddreg [dreg:$0xb];
	[sflag:s10] =	ssyncadd.s32 $0xFFFFC000  }
0x440: {  	[hbm4b:s30+s2] =	stream.linear.scatter [tilespmem:s6], [sflag:$0x3], $0x4000, $0x38;
	[tilespmem:$0xE400] =	vst v63  }
0x441: {  	_ =	swait.ge [sflag:s9], $0x4000  }
0x442: {  	s31 =	sld [smem:$0x7E8]  }
0x443: {  	[sflag:s9] =	ssyncset.done $0x0  }
0x444: {  	[sflag:s9] =	ssyncadd.s32 $0xFFFFC000  }
0x445: {  	[tilespmem:s6], [sflag:$0x1] =	stream.indirect.gather [hbm4b:s3+s5], $0x20, s31, s5, $0xb8;
	[tilespmem:$0xE400] =	vst v63  }
0x446: {  	_ =	swait.ge [sflag:s8], $0x4000  }
0x447: {  	[sflag:s8] =	ssyncset.done $0x0  }
0x448: {  	s1 =	rddreg [dreg:$0xc];
	[sflag:s8] =	ssyncadd.s32 $0xFFFFC000  }
0x449: {  	[hbm4b:s1+s2] =	stream.linear.scatter [tilespmem:s4], [sflag:$0x4], $0x4000, $0x38;
	[tilespmem:$0xE400] =	vst v63  }
0x44a: {  	_ =	swait.ge [sflag:s7], $0x4000  }
0x44b: {  	s30 =	sld [smem:$0x7E9]  }
0x44c: {  	[sflag:s7] =	ssyncset.done $0x0  }
0x44d: {  	[sflag:s7] =	ssyncadd.s32 $0xFFFFC000  }
0x44e: {  	[tilespmem:s4], [sflag:$0x2] =	stream.indirect.gather [hbm4b:s3+s5], $0x20, s30, s5, $0xb8;
	[tilespmem:$0xE400] =	vst v63  }
0x44f: {  	_ =	swait.ge [sflag:s10], $0x4000  }
0x450: {  	[sflag:s10] =	ssyncset.done $0x0  }
0x451: {  	s31 =	rddreg [dreg:$0xd];
	[sflag:s10] =	ssyncadd.s32 $0xFFFFC000  }
0x452: {  	[hbm4b:s31+s2] =	stream.linear.scatter [tilespmem:s6], [sflag:$0x3], $0x4000, $0x38;
	[tilespmem:$0xE400] =	vst v63  }
0x453: {  	_ =	swait.ge [sflag:s9], $0x4000  }
0x454: {  	s1 =	sld [smem:$0x7EA]  }
0x455: {  	[sflag:s9] =	ssyncset.done $0x0  }
0x456: {  	[sflag:s9] =	ssyncadd.s32 $0xFFFFC000  }
0x457: {  	[tilespmem:s6], [sflag:$0x1] =	stream.indirect.gather [hbm4b:s3+s5], $0x20, s1, s5, $0xb8;
	[tilespmem:$0xE400] =	vst v63  }
0x458: {  	_ =	swait.ge [sflag:s8], $0x4000  }
0x459: {  	[sflag:s8] =	ssyncset.done $0x0  }
0x45a: {  	s30 =	rddreg [dreg:$0xe];
	[sflag:s8] =	ssyncadd.s32 $0xFFFFC000  }
0x45b: {  	[hbm4b:s30+s2] =	stream.linear.scatter [tilespmem:s4], [sflag:$0x4], $0x4000, $0x38;
	[tilespmem:$0xE400] =	vst v63  }
0x45c: {  	_ =	swait.ge [sflag:s7], $0x4000  }
0x45d: {  	s31 =	sld [smem:$0x7EB]  }
0x45e: {  	[sflag:s7] =	ssyncset.done $0x0  }
0x45f: {  	[sflag:s7] =	ssyncadd.s32 $0xFFFFC000  }
0x460: {  	[tilespmem:s4], [sflag:$0x2] =	stream.indirect.gather [hbm4b:s3+s5], $0x20, s31, s5, $0xb8;
	[tilespmem:$0xE400] =	vst v63  }
0x461: {  	_ =	swait.ge [sflag:s10], $0x4000  }
0x462: {  	[sflag:s10] =	ssyncset.done $0x0  }
0x463: {  	s1 =	rddreg [dreg:$0xf];
	[sflag:s10] =	ssyncadd.s32 $0xFFFFC000  }
0x464: {  	[hbm4b:s1+s2] =	stream.linear.scatter [tilespmem:s6], [sflag:$0x3], $0x4000, $0x38;
	[tilespmem:$0xE400] =	vst v63  }
0x465: {  	_ =	swait.ge [sflag:s9], $0x4000  }
0x466: {  	s30 =	sld [smem:$0x7EC]  }
0x467: {  	[sflag:s9] =	ssyncset.done $0x0  }
0x468: {  	[sflag:s9] =	ssyncadd.s32 $0xFFFFC000  }
0x469: {  	[tilespmem:s6], [sflag:$0x1] =	stream.indirect.gather [hbm4b:s3+s5], $0x20, s30, s5, $0xb8;
	[tilespmem:$0xE400] =	vst v63  }
0x46a: {  	_ =	swait.ge [sflag:s8], $0x4000  }
0x46b: {  	[sflag:s8] =	ssyncset.done $0x0  }
0x46c: {  	s31 =	rddreg [dreg:$0x10];
	[sflag:s8] =	ssyncadd.s32 $0xFFFFC000  }
0x46d: {  	[hbm4b:s31+s2] =	stream.linear.scatter [tilespmem:s4], [sflag:$0x4], $0x4000, $0x38;
	[tilespmem:$0xE400] =	vst v63  }
0x46e: {  	_ =	swait.ge [sflag:s7], $0x4000  }
0x46f: {  	s1 =	sld [smem:$0x7ED]  }
0x470: {  	[sflag:s7] =	ssyncset.done $0x0  }
0x471: {  	[sflag:s7] =	ssyncadd.s32 $0xFFFFC000  }
0x472: {  	[tilespmem:s4], [sflag:$0x2] =	stream.indirect.gather [hbm4b:s3+s5], $0x20, s1, s5, $0xb8;
	[tilespmem:$0xE400] =	vst v63  }
0x473: {  	_ =	swait.ge [sflag:s10], $0x4000  }
0x474: {  	[sflag:s10] =	ssyncset.done $0x0  }
0x475: {  	s30 =	rddreg [dreg:$0x11];
	[sflag:s10] =	ssyncadd.s32 $0xFFFFC000  }
0x476: {  	[hbm4b:s30+s2] =	stream.linear.scatter [tilespmem:s6], [sflag:$0x3], $0x4000, $0x38;
	[tilespmem:$0xE400] =	vst v63  }
0x477: {  	_ =	swait.ge [sflag:s9], $0x4000  }
0x478: {  	s31 =	sld [smem:$0x7EE]  }
0x479: {  	[sflag:s9] =	ssyncset.done $0x0  }
0x47a: {  	[sflag:s9] =	ssyncadd.s32 $0xFFFFC000  }
0x47b: {  	[tilespmem:s6], [sflag:$0x1] =	stream.indirect.gather [hbm4b:s3+s5], $0x20, s31, s5, $0xb8;
	[tilespmem:$0xE400] =	vst v63  }
0x47c: {  	_ =	swait.ge [sflag:s8], $0x4000  }
0x47d: {  	[sflag:s8] =	ssyncset.done $0x0  }
0x47e: {  	s1 =	rddreg [dreg:$0x12];
	[sflag:s8] =	ssyncadd.s32 $0xFFFFC000  }
0x47f: {  	[hbm4b:s1+s2] =	stream.linear.scatter [tilespmem:s4], [sflag:$0x4], $0x4000, $0x38;
	[tilespmem:$0xE400] =	vst v63  }
0x480: {  	_ =	swait.ge [sflag:s7], $0x4000  }
0x481: {  	s30 =	sld [smem:$0x7EF]  }
0x482: {  	[sflag:s7] =	ssyncset.done $0x0  }
0x483: {  	[sflag:s7] =	ssyncadd.s32 $0xFFFFC000  }
0x484: {  	[tilespmem:s4], [sflag:$0x2] =	stream.indirect.gather [hbm4b:s3+s5], $0x20, s30, s5, $0xb8;
	[tilespmem:$0xE400] =	vst v63  }
0x485: {  	_ =	swait.ge [sflag:s10], $0x4000  }
0x486: {  	[sflag:s10] =	ssyncset.done $0x0  }
0x487: {  	s31 =	rddreg [dreg:$0x13];
	[sflag:s10] =	ssyncadd.s32 $0xFFFFC000  }
0x488: {  	[hbm4b:s31+s2] =	stream.linear.scatter [tilespmem:s6], [sflag:$0x3], $0x4000, $0x38;
	[tilespmem:$0xE400] =	vst v63  }
0x489: {  	_ =	swait.ge [sflag:s9], $0x4000  }
0x48a: {  	s1 =	sld [smem:$0x7F0]  }
0x48b: {  	[sflag:s9] =	ssyncset.done $0x0  }
0x48c: {  	[sflag:s9] =	ssyncadd.s32 $0xFFFFC000  }
0x48d: {  	[tilespmem:s6], [sflag:$0x1] =	stream.indirect.gather [hbm4b:s3+s5], $0x20, s1, s5, $0xb8;
	[tilespmem:$0xE400] =	vst v63  }
0x48e: {  	_ =	swait.ge [sflag:s8], $0x4000  }
0x48f: {  	[sflag:s8] =	ssyncset.done $0x0  }
0x490: {  	s30 =	rddreg [dreg:$0x14];
	[sflag:s8] =	ssyncadd.s32 $0xFFFFC000  }
0x491: {  	[hbm4b:s30+s2] =	stream.linear.scatter [tilespmem:s4], [sflag:$0x4], $0x4000, $0x38;
	[tilespmem:$0xE400] =	vst v63  }
0x492: {  	_ =	swait.ge [sflag:s7], $0x4000  }
0x493: {  	s31 =	sld [smem:$0x7F1]  }
0x494: {  	[sflag:s7] =	ssyncset.done $0x0  }
0x495: {  	[sflag:s7] =	ssyncadd.s32 $0xFFFFC000  }
0x496: {  	[tilespmem:s4], [sflag:$0x2] =	stream.indirect.gather [hbm4b:s3+s5], $0x20, s31, s5, $0xb8;
	[tilespmem:$0xE400] =	vst v63  }
0x497: {  	_ =	swait.ge [sflag:s10], $0x4000  }
0x498: {  	[sflag:s10] =	ssyncset.done $0x0  }
0x499: {  	s1 =	rddreg [dreg:$0x15];
	[sflag:s10] =	ssyncadd.s32 $0xFFFFC000  }
0x49a: {  	[hbm4b:s1+s2] =	stream.linear.scatter [tilespmem:s6], [sflag:$0x3], $0x4000, $0x38;
	[tilespmem:$0xE400] =	vst v63  }
0x49b: {  	_ =	swait.ge [sflag:s9], $0x4000  }
0x49c: {  	s30 =	sld [smem:$0x7F2]  }
0x49d: {  	[sflag:s9] =	ssyncset.done $0x0  }
0x49e: {  	[sflag:s9] =	ssyncadd.s32 $0xFFFFC000  }
0x49f: {  	[tilespmem:s6], [sflag:$0x1] =	stream.indirect.gather [hbm4b:s3+s5], $0x20, s30, s5, $0xb8;
	[tilespmem:$0xE400] =	vst v63  }
0x4a0: {  	_ =	swait.ge [sflag:s8], $0x4000  }
0x4a1: {  	[sflag:s8] =	ssyncset.done $0x0  }
0x4a2: {  	s31 =	rddreg [dreg:$0x16];
	[sflag:s8] =	ssyncadd.s32 $0xFFFFC000  }
0x4a3: {  	[hbm4b:s31+s2] =	stream.linear.scatter [tilespmem:s4], [sflag:$0x4], $0x4000, $0x38;
	[tilespmem:$0xE400] =	vst v63  }
0x4a4: {  	_ =	swait.ge [sflag:s7], $0x4000  }
0x4a5: {  	s1 =	sld [smem:$0x7F3]  }
0x4a6: {  	[sflag:s7] =	ssyncset.done $0x0  }
0x4a7: {  	[sflag:s7] =	ssyncadd.s32 $0xFFFFC000  }
0x4a8: {  	[tilespmem:s4], [sflag:$0x2] =	stream.indirect.gather [hbm4b:s3+s5], $0x20, s1, s5, $0xb8;
	[tilespmem:$0xE400] =	vst v63  }
0x4a9: {  	_ =	swait.ge [sflag:s10], $0x4000  }
0x4aa: {  	[sflag:s10] =	ssyncset.done $0x0  }
0x4ab: {  	s30 =	rddreg [dreg:$0x17];
	[sflag:s10] =	ssyncadd.s32 $0xFFFFC000  }
0x4ac: {  	[hbm4b:s30+s2] =	stream.linear.scatter [tilespmem:s6], [sflag:$0x3], $0x4000, $0x38;
	[tilespmem:$0xE400] =	vst v63  }
0x4ad: {  	_ =	swait.ge [sflag:s9], $0x4000  }
0x4ae: {  	s31 =	sld [smem:$0x7F4]  }
0x4af: {  	[sflag:s9] =	ssyncset.done $0x0  }
0x4b0: {  	[sflag:s9] =	ssyncadd.s32 $0xFFFFC000  }
0x4b1: {  	[tilespmem:s6], [sflag:$0x1] =	stream.indirect.gather [hbm4b:s3+s5], $0x20, s31, s5, $0xb8;
	[tilespmem:$0xE400] =	vst v63  }
0x4b2: {  	_ =	swait.ge [sflag:s8], $0x4000  }
0x4b3: {  	[sflag:s8] =	ssyncset.done $0x0  }
0x4b4: {  	s1 =	rddreg [dreg:$0x18];
	[sflag:s8] =	ssyncadd.s32 $0xFFFFC000  }
0x4b5: {  	[hbm4b:s1+s2] =	stream.linear.scatter [tilespmem:s4], [sflag:$0x4], $0x4000, $0x38;
	[tilespmem:$0xE400] =	vst v63  }
0x4b6: {  	_ =	swait.ge [sflag:s7], $0x4000  }
0x4b7: {  	s30 =	sld [smem:$0x7F5]  }
0x4b8: {  	[sflag:s7] =	ssyncset.done $0x0  }
0x4b9: {  	[sflag:s7] =	ssyncadd.s32 $0xFFFFC000  }
0x4ba: {  	[tilespmem:s4], [sflag:$0x2] =	stream.indirect.gather [hbm4b:s3+s5], $0x20, s30, s5, $0xb8;
	[tilespmem:$0xE400] =	vst v63  }
0x4bb: {  	_ =	swait.ge [sflag:s10], $0x4000  }
0x4bc: {  	[sflag:s10] =	ssyncset.done $0x0  }
0x4bd: {  	s31 =	rddreg [dreg:$0x19];
	[sflag:s10] =	ssyncadd.s32 $0xFFFFC000  }
0x4be: {  	[hbm4b:s31+s2] =	stream.linear.scatter [tilespmem:s6], [sflag:$0x3], $0x4000, $0x38;
	[tilespmem:$0xE400] =	vst v63  }
0x4bf: {  	_ =	swait.ge [sflag:s9], $0x4000  }
0x4c0: {  	s1 =	sld [smem:$0x7F6]  }
0x4c1: {  	[sflag:s9] =	ssyncset.done $0x0  }
0x4c2: {  	[sflag:s9] =	ssyncadd.s32 $0xFFFFC000  }
0x4c3: {  	[tilespmem:s6], [sflag:$0x1] =	stream.indirect.gather [hbm4b:s3+s5], $0x20, s1, s5, $0xb8;
	[tilespmem:$0xE400] =	vst v63  }
0x4c4: {  	_ =	swait.ge [sflag:s8], $0x4000  }
0x4c5: {  	[sflag:s8] =	ssyncset.done $0x0  }
0x4c6: {  	s30 =	rddreg [dreg:$0x1a];
	[sflag:s8] =	ssyncadd.s32 $0xFFFFC000  }
0x4c7: {  	[hbm4b:s30+s2] =	stream.linear.scatter [tilespmem:s4], [sflag:$0x4], $0x4000, $0x38;
	[tilespmem:$0xE400] =	vst v63  }
0x4c8: {  	_ =	swait.ge [sflag:s7], $0x4000  }
0x4c9: {  	s31 =	sld [smem:$0x7F7]  }
0x4ca: {  	[sflag:s7] =	ssyncset.done $0x0  }
0x4cb: {  	[sflag:s7] =	ssyncadd.s32 $0xFFFFC000  }
0x4cc: {  	[tilespmem:s4], [sflag:$0x2] =	stream.indirect.gather [hbm4b:s3+s5], $0x20, s31, s5, $0xb8;
	[tilespmem:$0xE400] =	vst v63  }
0x4cd: {  	_ =	swait.ge [sflag:s10], $0x4000  }
0x4ce: {  	[sflag:s10] =	ssyncset.done $0x0  }
0x4cf: {  	s1 =	rddreg [dreg:$0x1b];
	[sflag:s10] =	ssyncadd.s32 $0xFFFFC000  }
0x4d0: {  	[hbm4b:s1+s2] =	stream.linear.scatter [tilespmem:s6], [sflag:$0x3], $0x4000, $0x38;
	[tilespmem:$0xE400] =	vst v63  }
0x4d1: {  	_ =	swait.ge [sflag:s9], $0x4000  }
0x4d2: {  	s30 =	sld [smem:$0x7F8]  }
0x4d3: {  	[sflag:s9] =	ssyncset.done $0x0  }
0x4d4: {  	[sflag:s9] =	ssyncadd.s32 $0xFFFFC000  }
0x4d5: {  	[tilespmem:s6], [sflag:$0x1] =	stream.indirect.gather [hbm4b:s3+s5], $0x20, s30, s5, $0xb8;
	[tilespmem:$0xE400] =	vst v63  }
0x4d6: {  	_ =	swait.ge [sflag:s8], $0x4000  }
0x4d7: {  	[sflag:s8] =	ssyncset.done $0x0  }
0x4d8: {  	s31 =	rddreg [dreg:$0x1c];
	[sflag:s8] =	ssyncadd.s32 $0xFFFFC000  }
0x4d9: {  	[hbm4b:s31+s2] =	stream.linear.scatter [tilespmem:s4], [sflag:$0x4], $0x4000, $0x38;
	[tilespmem:$0xE400] =	vst v63  }
0x4da: {  	_ =	swait.ge [sflag:s7], $0x4000  }
0x4db: {  	s1 =	sld [smem:$0x7F9]  }
0x4dc: {  	[sflag:s7] =	ssyncset.done $0x0  }
0x4dd: {  	[sflag:s7] =	ssyncadd.s32 $0xFFFFC000  }
0x4de: {  	[tilespmem:s4], [sflag:$0x2] =	stream.indirect.gather [hbm4b:s3+s5], $0x20, s1, s5, $0xb8;
	[tilespmem:$0xE400] =	vst v63  }
0x4df: {  	_ =	swait.ge [sflag:s10], $0x4000  }
0x4e0: {  	[sflag:s10] =	ssyncset.done $0x0  }
0x4e1: {  	s30 =	rddreg [dreg:$0x1d];
	[sflag:s10] =	ssyncadd.s32 $0xFFFFC000  }
0x4e2: {  	[hbm4b:s30+s2] =	stream.linear.scatter [tilespmem:s6], [sflag:$0x3], $0x4000, $0x38;
	[tilespmem:$0xE400] =	vst v63  }
0x4e3: {  	_ =	swait.ge [sflag:s9], $0x4000  }
0x4e4: {  	s31 =	sld [smem:$0x7FA]  }
0x4e5: {  	[sflag:s9] =	ssyncset.done $0x0  }
0x4e6: {  	[sflag:s9] =	ssyncadd.s32 $0xFFFFC000  }
0x4e7: {  	[tilespmem:s6], [sflag:$0x1] =	stream.indirect.gather [hbm4b:s3+s5], $0x20, s31, s5, $0xb8;
	[tilespmem:$0xE400] =	vst v63  }
0x4e8: {  	_ =	swait.ge [sflag:s8], $0x4000  }
0x4e9: {  	[sflag:s8] =	ssyncset.done $0x0  }
0x4ea: {  	s1 =	rddreg [dreg:$0x1e];
	[sflag:s8] =	ssyncadd.s32 $0xFFFFC000  }
0x4eb: {  	[hbm4b:s1+s2] =	stream.linear.scatter [tilespmem:s4], [sflag:$0x4], $0x4000, $0x38;
	[tilespmem:$0xE400] =	vst v63  }
0x4ec: {  	_ =	swait.ge [sflag:s7], $0x4000  }
0x4ed: {  	s30 =	sld [smem:$0x7FB]  }
0x4ee: {  	[sflag:s7] =	ssyncset.done $0x0  }
0x4ef: {  	[sflag:s7] =	ssyncadd.s32 $0xFFFFC000  }
0x4f0: {  	[tilespmem:s4], [sflag:$0x2] =	stream.indirect.gather [hbm4b:s3+s5], $0x20, s30, s5, $0xb8;
	[tilespmem:$0xE400] =	vst v63  }
0x4f1: {  	_ =	swait.ge [sflag:s10], $0x4000  }
0x4f2: {  	[sflag:s10] =	ssyncset.done $0x0  }
0x4f3: {  	s31 =	rddreg [dreg:$0x1f];
	[sflag:s10] =	ssyncadd.s32 $0xFFFFC000  }
0x4f4: {  	[hbm4b:s31+s2] =	stream.linear.scatter [tilespmem:s6], [sflag:$0x3], $0x4000, $0x38;
	[tilespmem:$0xE400] =	vst v63  }
0x4f5: {  	_ =	swait.ge [sflag:s9], $0x4000  }
0x4f6: {  	s1 =	sld [smem:$0x7FC]  }
0x4f7: {  	[sflag:s9] =	ssyncset.done $0x0  }
0x4f8: {  	[sflag:s9] =	ssyncadd.s32 $0xFFFFC000  }
0x4f9: {  	[tilespmem:s6], [sflag:$0x1] =	stream.indirect.gather [hbm4b:s3+s5], $0x20, s1, s5, $0xb8;
	[tilespmem:$0xE400] =	vst v63  }
0x4fa: {  	_ =	swait.ge [sflag:s8], $0x4000  }
0x4fb: {  	s30 =	sld [smem:$0x7CB]  }
0x4fc: {  	[sflag:s8] =	ssyncset.done $0x0  }
0x4fd: {  	[sflag:s8] =	ssyncadd.s32 $0xFFFFC000  }
0x4fe: {  	[hbm4b:s30+s2] =	stream.linear.scatter [tilespmem:s4], [sflag:$0x4], $0x4000, $0x38;
	[tilespmem:$0xE400] =	vst v63  }
0x4ff: {  	_ =	swait.ge [sflag:s7], $0x4000  }
0x500: {  	s31 =	sld [smem:$0x7FD]  }
0x501: {  	[sflag:s7] =	ssyncset.done $0x0  }
0x502: {  	[sflag:s7] =	ssyncadd.s32 $0xFFFFC000  }
0x503: {  	[tilespmem:s4], [sflag:$0x2] =	stream.indirect.gather [hbm4b:s3+s5], $0x20, s31, s5, $0xb8;
	[tilespmem:$0xE400] =	vst v63  }
0x504: {  	_ =	swait.ge [sflag:s10], $0x4000  }
0x505: {  	s1 =	sld [smem:$0x7CC]  }
0x506: {  	[sflag:s10] =	ssyncset.done $0x0  }
0x507: {  	[sflag:s10] =	ssyncadd.s32 $0xFFFFC000  }
0x508: {  	[hbm4b:s1+s2] =	stream.linear.scatter [tilespmem:s6], [sflag:$0x3], $0x4000, $0x38;
	[tilespmem:$0xE400] =	vst v63  }
0x509: {  	_ =	swait.ge [sflag:s9], $0x4000  }
0x50a: {  	[sflag:s9] =	ssyncset.done $0x0  }
0x50b: {  	[sflag:s9] =	ssyncadd.s32 $0xFFFFC000  }
0x50c: {  	[tilespmem:s6], [sflag:$0x1] =	stream.indirect.gather [hbm4b:s3+s5], $0x20, s26, s5, $0xb8;
	[tilespmem:$0xE400] =	vst v63  }
0x50d: {  	_ =	swait.ge [sflag:s8], $0x4000  }
0x50e: {  	s30 =	sld [smem:$0x7CD]  }
0x50f: {  	[sflag:s8] =	ssyncset.done $0x0  }
0x510: {  	[sflag:s8] =	ssyncadd.s32 $0xFFFFC000  }
0x511: {  	[hbm4b:s30+s2] =	stream.linear.scatter [tilespmem:s4], [sflag:$0x4], $0x4000, $0x38;
	[tilespmem:$0xE400] =	vst v63  }
0x512: {  	_ =	swait.ge [sflag:s7], $0x4000  }
0x513: {  	[sflag:s7] =	ssyncset.done $0x0  }
0x514: {  	[sflag:s7] =	ssyncadd.s32 $0xFFFFC000  }
0x515: {  	[tilespmem:s4], [sflag:$0x2] =	stream.indirect.gather [hbm4b:s3+s5], $0x20, s29, s5, $0xb8;
	[tilespmem:$0xE400] =	vst v63  }
0x516: {  	_ =	swait.ge [sflag:s10], $0x4000  }
0x517: {  	s31 =	sld [smem:$0x7CE]  }
0x518: {  	[sflag:s10] =	ssyncset.done $0x0  }
0x519: {  	[sflag:s10] =	ssyncadd.s32 $0xFFFFC000  }
0x51a: {  	[hbm4b:s31+s2] =	stream.linear.scatter [tilespmem:s6], [sflag:$0x3], $0x4000, $0x38;
	[tilespmem:$0xE400] =	vst v63  }
0x51b: {  	_ =	swait.ge [sflag:s9], $0x4000  }
0x51c: {  	[sflag:s9] =	ssyncset.done $0x0  }
0x51d: {  	[sflag:s9] =	ssyncadd.s32 $0xFFFFC000  }
0x51e: {  	[tilespmem:s6], [sflag:$0x1] =	stream.indirect.gather [hbm4b:s3+s5], $0x20, s28, s5, $0xb8;
	[tilespmem:$0xE400] =	vst v63  }
0x51f: {  	_ =	swait.ge [sflag:s8], $0x4000  }
0x520: {  	s1 =	sld [smem:$0x7CF]  }
0x521: {  	[sflag:s8] =	ssyncset.done $0x0  }
0x522: {  	[sflag:s8] =	ssyncadd.s32 $0xFFFFC000  }
0x523: {  	[hbm4b:s1+s2] =	stream.linear.scatter [tilespmem:s4], [sflag:$0x4], $0x4000, $0x38;
	[tilespmem:$0xE400] =	vst v63  }
0x524: {  	_ =	swait.ge [sflag:s7], $0x4000  }
0x525: {  	[sflag:s7] =	ssyncset.done $0x0  }
0x526: {  	[sflag:s7] =	ssyncadd.s32 $0xFFFFC000  }
0x527: {  	[tilespmem:s4], [sflag:$0x2] =	stream.indirect.gather [hbm4b:s3+s5], $0x20, s25, s5, $0xb8;
	[tilespmem:$0xE400] =	vst v63  }
0x528: {  	_ =	swait.ge [sflag:s10], $0x4000  }
0x529: {  	s26 =	sld [smem:$0x7D0]  }
0x52a: {  	[sflag:s10] =	ssyncset.done $0x0  }
0x52b: {  	[sflag:s10] =	ssyncadd.s32 $0xFFFFC000  }
0x52c: {  	[hbm4b:s26+s2] =	stream.linear.scatter [tilespmem:s6], [sflag:$0x3], $0x4000, $0x38;
	[tilespmem:$0xE400] =	vst v63  }
0x52d: {  	_ =	swait.ge [sflag:s9], $0x4000  }
0x52e: {  	[sflag:s9] =	ssyncset.done $0x0  }
0x52f: {  	[sflag:s9] =	ssyncadd.s32 $0xFFFFC000  }
0x530: {  	[tilespmem:s6], [sflag:$0x1] =	stream.indirect.gather [hbm4b:s3+s5], $0x20, s24, s5, $0xb8;
	[tilespmem:$0xE400] =	vst v63  }
0x531: {  	_ =	swait.ge [sflag:s8], $0x4000  }
0x532: {  	s28 =	sld [smem:$0x7D1]  }
0x533: {  	[sflag:s8] =	ssyncset.done $0x0  }
0x534: {  	[sflag:s8] =	ssyncadd.s32 $0xFFFFC000  }
0x535: {  	[hbm4b:s28+s2] =	stream.linear.scatter [tilespmem:s4], [sflag:$0x4], $0x4000, $0x38;
	[tilespmem:$0xE400] =	vst v63  }
0x536: {  	_ =	swait.ge [sflag:s7], $0x4000  }
0x537: {  	[sflag:s7] =	ssyncset.done $0x0  }
0x538: {  	[sflag:s7] =	ssyncadd.s32 $0xFFFFC000  }
0x539: {  	[tilespmem:s4], [sflag:$0x2] =	stream.indirect.gather [hbm4b:s3+s5], $0x20, s23, s5, $0xb8;
	[tilespmem:$0xE400] =	vst v63  }
0x53a: {  	_ =	swait.ge [sflag:s10], $0x4000  }
0x53b: {  	s29 =	sld [smem:$0x7D2]  }
0x53c: {  	[sflag:s10] =	ssyncset.done $0x0  }
0x53d: {  	[sflag:s10] =	ssyncadd.s32 $0xFFFFC000  }
0x53e: {  	[hbm4b:s29+s2] =	stream.linear.scatter [tilespmem:s6], [sflag:$0x3], $0x4000, $0x38;
	[tilespmem:$0xE400] =	vst v63  }
0x53f: {  	_ =	swait.ge [sflag:s9], $0x4000  }
0x540: {  	[sflag:s9] =	ssyncset.done $0x0  }
0x541: {  	[sflag:s9] =	ssyncadd.s32 $0xFFFFC000  }
0x542: {  	[tilespmem:s6], [sflag:$0x1] =	stream.indirect.gather [hbm4b:s3+s5], $0x20, s22, s5, $0xb8;
	[tilespmem:$0xE400] =	vst v63  }
0x543: {  	_ =	swait.ge [sflag:s8], $0x4000  }
0x544: {  	s30 =	sld [smem:$0x7D3]  }
0x545: {  	[sflag:s8] =	ssyncset.done $0x0  }
0x546: {  	[sflag:s8] =	ssyncadd.s32 $0xFFFFC000  }
0x547: {  	[hbm4b:s30+s2] =	stream.linear.scatter [tilespmem:s4], [sflag:$0x4], $0x4000, $0x38;
	[tilespmem:$0xE400] =	vst v63  }
0x548: {  	_ =	swait.ge [sflag:s7], $0x4000  }
0x549: {  	[sflag:s7] =	ssyncset.done $0x0  }
0x54a: {  	[sflag:s7] =	ssyncadd.s32 $0xFFFFC000  }
0x54b: {  	[tilespmem:s4], [sflag:$0x2] =	stream.indirect.gather [hbm4b:s3+s5], $0x20, s21, s5, $0xb8;
	[tilespmem:$0xE400] =	vst v63  }
0x54c: {  	_ =	swait.ge [sflag:s10], $0x4000  }
0x54d: {  	s31 =	sld [smem:$0x7D4]  }
0x54e: {  	[sflag:s10] =	ssyncset.done $0x0  }
0x54f: {  	[sflag:s10] =	ssyncadd.s32 $0xFFFFC000  }
0x550: {  	[hbm4b:s31+s2] =	stream.linear.scatter [tilespmem:s6], [sflag:$0x3], $0x4000, $0x38;
	[tilespmem:$0xE400] =	vst v63  }
0x551: {  	_ =	swait.ge [sflag:s9], $0x4000  }
0x552: {  	[sflag:s9] =	ssyncset.done $0x0  }
0x553: {  	[sflag:s9] =	ssyncadd.s32 $0xFFFFC000  }
0x554: {  	[tilespmem:s6], [sflag:$0x1] =	stream.indirect.gather [hbm4b:s3+s5], $0x20, s20, s5, $0xb8;
	[tilespmem:$0xE400] =	vst v63  }
0x555: {  	_ =	swait.ge [sflag:s8], $0x4000  }
0x556: {  	s1 =	sld [smem:$0x7D5]  }
0x557: {  	[sflag:s8] =	ssyncset.done $0x0  }
0x558: {  	[sflag:s8] =	ssyncadd.s32 $0xFFFFC000  }
0x559: {  	[hbm4b:s1+s2] =	stream.linear.scatter [tilespmem:s4], [sflag:$0x4], $0x4000, $0x38;
	[tilespmem:$0xE400] =	vst v63  }
0x55a: {  	_ =	swait.ge [sflag:s7], $0x4000  }
0x55b: {  	[sflag:s7] =	ssyncset.done $0x0  }
0x55c: {  	[sflag:s7] =	ssyncadd.s32 $0xFFFFC000  }
0x55d: {  	[tilespmem:s4], [sflag:$0x2] =	stream.indirect.gather [hbm4b:s3+s5], $0x20, s19, s5, $0xb8;
	[tilespmem:$0xE400] =	vst v63  }
0x55e: {  	_ =	swait.ge [sflag:s10], $0x4000  }
0x55f: {  	s20 =	sld [smem:$0x7D6]  }
0x560: {  	[sflag:s10] =	ssyncset.done $0x0  }
0x561: {  	[sflag:s10] =	ssyncadd.s32 $0xFFFFC000  }
0x562: {  	[hbm4b:s20+s2] =	stream.linear.scatter [tilespmem:s6], [sflag:$0x3], $0x4000, $0x38;
	[tilespmem:$0xE400] =	vst v63  }
0x563: {  	_ =	swait.ge [sflag:s9], $0x4000  }
0x564: {  	[sflag:s9] =	ssyncset.done $0x0  }
0x565: {  	[sflag:s9] =	ssyncadd.s32 $0xFFFFC000  }
0x566: {  	[tilespmem:s6], [sflag:$0x1] =	stream.indirect.gather [hbm4b:s3+s5], $0x20, s18, s5, $0xb8;
	[tilespmem:$0xE400] =	vst v63  }
0x567: {  	_ =	swait.ge [sflag:s8], $0x4000  }
0x568: {  	s21 =	sld [smem:$0x7D7]  }
0x569: {  	[sflag:s8] =	ssyncset.done $0x0  }
0x56a: {  	[sflag:s8] =	ssyncadd.s32 $0xFFFFC000  }
0x56b: {  	[hbm4b:s21+s2] =	stream.linear.scatter [tilespmem:s4], [sflag:$0x4], $0x4000, $0x38;
	[tilespmem:$0xE400] =	vst v63  }
0x56c: {  	_ =	swait.ge [sflag:s7], $0x4000  }
0x56d: {  	[sflag:s7] =	ssyncset.done $0x0  }
0x56e: {  	[sflag:s7] =	ssyncadd.s32 $0xFFFFC000  }
0x56f: {  	[tilespmem:s4], [sflag:$0x2] =	stream.indirect.gather [hbm4b:s3+s5], $0x20, s17, s5, $0xb8;
	[tilespmem:$0xE400] =	vst v63  }
0x570: {  	_ =	swait.ge [sflag:s10], $0x4000  }
0x571: {  	s22 =	sld [smem:$0x7D8]  }
0x572: {  	[sflag:s10] =	ssyncset.done $0x0  }
0x573: {  	[sflag:s10] =	ssyncadd.s32 $0xFFFFC000  }
0x574: {  	[hbm4b:s22+s2] =	stream.linear.scatter [tilespmem:s6], [sflag:$0x3], $0x4000, $0x38;
	[tilespmem:$0xE400] =	vst v63  }
0x575: {  	_ =	swait.ge [sflag:s9], $0x4000  }
0x576: {  	[sflag:s9] =	ssyncset.done $0x0  }
0x577: {  	[sflag:s9] =	ssyncadd.s32 $0xFFFFC000  }
0x578: {  	[tilespmem:s6], [sflag:$0x1] =	stream.indirect.gather [hbm4b:s3+s5], $0x20, s16, s5, $0xb8;
	[tilespmem:$0xE400] =	vst v63  }
0x579: {  	_ =	swait.ge [sflag:s8], $0x4000  }
0x57a: {  	s23 =	sld [smem:$0x7D9]  }
0x57b: {  	[sflag:s8] =	ssyncset.done $0x0  }
0x57c: {  	[sflag:s8] =	ssyncadd.s32 $0xFFFFC000  }
0x57d: {  	[hbm4b:s23+s2] =	stream.linear.scatter [tilespmem:s4], [sflag:$0x4], $0x4000, $0x38;
	[tilespmem:$0xE400] =	vst v63  }
0x57e: {  	_ =	swait.ge [sflag:s7], $0x4000  }
0x57f: {  	[sflag:s7] =	ssyncset.done $0x0  }
0x580: {  	[sflag:s7] =	ssyncadd.s32 $0xFFFFC000  }
0x581: {  	[tilespmem:s4], [sflag:$0x2] =	stream.indirect.gather [hbm4b:s3+s5], $0x20, s15, s5, $0xb8;
	[tilespmem:$0xE400] =	vst v63  }
0x582: {  	_ =	swait.ge [sflag:s10], $0x4000  }
0x583: {  	s24 =	sld [smem:$0x7DA]  }
0x584: {  	[sflag:s10] =	ssyncset.done $0x0  }
0x585: {  	[sflag:s10] =	ssyncadd.s32 $0xFFFFC000  }
0x586: {  	[hbm4b:s24+s2] =	stream.linear.scatter [tilespmem:s6], [sflag:$0x3], $0x4000, $0x38;
	[tilespmem:$0xE400] =	vst v63  }
0x587: {  	_ =	swait.ge [sflag:s9], $0x4000  }
0x588: {  	[sflag:s9] =	ssyncset.done $0x0  }
0x589: {  	[sflag:s9] =	ssyncadd.s32 $0xFFFFC000  }
0x58a: {  	[tilespmem:s6], [sflag:$0x1] =	stream.indirect.gather [hbm4b:s3+s5], $0x20, s14, s5, $0xb8;
	[tilespmem:$0xE400] =	vst v63  }
0x58b: {  	_ =	swait.ge [sflag:s8], $0x4000  }
0x58c: {  	s25 =	sld [smem:$0x7DB]  }
0x58d: {  	[sflag:s8] =	ssyncset.done $0x0  }
0x58e: {  	[sflag:s8] =	ssyncadd.s32 $0xFFFFC000  }
0x58f: {  	[hbm4b:s25+s2] =	stream.linear.scatter [tilespmem:s4], [sflag:$0x4], $0x4000, $0x38;
	[tilespmem:$0xE400] =	vst v63  }
0x590: {  	_ =	swait.ge [sflag:s7], $0x4000  }
0x591: {  	[sflag:s7] =	ssyncset.done $0x0  }
0x592: {  	[sflag:s7] =	ssyncadd.s32 $0xFFFFC000  }
0x593: {  	[tilespmem:s4], [sflag:$0x2] =	stream.indirect.gather [hbm4b:s3+s5], $0x20, s13, s5, $0xb8;
	[tilespmem:$0xE400] =	vst v63  }
0x594: {  	_ =	swait.ge [sflag:s10], $0x4000  }
0x595: {  	s26 =	sld [smem:$0x7DC]  }
0x596: {  	[sflag:s10] =	ssyncset.done $0x0  }
0x597: {  	[sflag:s10] =	ssyncadd.s32 $0xFFFFC000  }
0x598: {  	[hbm4b:s26+s2] =	stream.linear.scatter [tilespmem:s6], [sflag:$0x3], $0x4000, $0x38;
	[tilespmem:$0xE400] =	vst v63  }
0x599: {  	_ =	swait.ge [sflag:s9], $0x4000  }
0x59a: {  	[sflag:s9] =	ssyncset.done $0x0  }
0x59b: {  	[sflag:s9] =	ssyncadd.s32 $0xFFFFC000  }
0x59c: {  	[tilespmem:s6], [sflag:$0x1] =	stream.indirect.gather [hbm4b:s3+s5], $0x20, s12, s5, $0xb8;
	[tilespmem:$0xE400] =	vst v63  }
0x59d: {  	_ =	swait.ge [sflag:s8], $0x4000  }
0x59e: {  	s28 =	sld [smem:$0x7DD]  }
0x59f: {  	[sflag:s8] =	ssyncset.done $0x0  }
0x5a0: {  	[sflag:s8] =	ssyncadd.s32 $0xFFFFC000  }
0x5a1: {  	[hbm4b:s28+s2] =	stream.linear.scatter [tilespmem:s4], [sflag:$0x4], $0x4000, $0x38;
	[tilespmem:$0xE400] =	vst v63  }
0x5a2: {  	_ =	swait.ge [sflag:s7], $0x4000  }
0x5a3: {  	[sflag:s7] =	ssyncset.done $0x0  }
0x5a4: {  	[sflag:s7] =	ssyncadd.s32 $0xFFFFC000  }
0x5a5: {  	[tilespmem:s4], [sflag:$0x2] =	stream.indirect.gather [hbm4b:s3+s5], $0x20, s11, s5, $0xb8;
	[tilespmem:$0xE400] =	vst v63  }
0x5a6: {  	_ =	swait.ge [sflag:s10], $0x4000  }
0x5a7: {  	s29 =	sld [smem:$0x7DE]  }
0x5a8: {  	[sflag:s10] =	ssyncset.done $0x0  }
0x5a9: {  	[sflag:s10] =	ssyncadd.s32 $0xFFFFC000  }
0x5aa: {  	[hbm4b:s29+s2] =	stream.linear.scatter [tilespmem:s6], [sflag:$0x3], $0x4000, $0x38;
	[tilespmem:$0xE400] =	vst v63  }
0x5ab: {  	_ =	swait.ge [sflag:s9], $0x4000  }
0x5ac: {  	[sflag:s9] =	ssyncset.done $0x0  }
0x5ad: {  	[sflag:s9] =	ssyncadd.s32 $0xFFFFC000  }
0x5ae: {  	_ =	swait.ge [sflag:s8], $0x4000  }
0x5af: {  	s30 =	sld [smem:$0x7DF]  }
0x5b0: {  	[sflag:s8] =	ssyncset.done $0x0  }
0x5b1: {  	[sflag:s8] =	ssyncadd.s32 $0xFFFFC000  }
0x5b2: {  	[hbm4b:s30+s2] =	stream.linear.scatter [tilespmem:s4], [sflag:$0x4], $0x4000, $0x38;
	[tilespmem:$0xE400] =	vst v63  }
0x5b3: {  	_ =	swait.ge [sflag:s7], $0x4000  }
0x5b4: {  	[sflag:s7] =	ssyncset.done $0x0  }
0x5b5: {  	[sflag:s7] =	ssyncadd.s32 $0xFFFFC000  }
0x5b6: {  	_ =	sfence.sel $0x180000  }
0x5b7: {  	[bflag:$0x0] =	sbarrier.arrive $0xFFFF  }
0x5b8: {  	_ =	strace $0x90000047  }
0x5b9: {  	s31 =	stileid.u32;
	[bflag:$0x2] =	sbarrier.arrive $0xFFFF  }
0x5ba: {  	p0 =	sne.s32 s31, $0x0;
	s0 =	rddreg [dreg:$0x2]  }
0x5bb: {  	s0 =	sadd.s32 @!p0 $0x100000, s0  }
0x5bc: {  	[sflag:s0] =	ssyncadd.tile.s32 @!p0 $0x1;
	_ =	shalt  }
.Lfunc_end2:
_tile_overlayer_lowered:
.L_overlay_start_2:
0x5bd: {  	(tag) =	ssettag $0x2  }
0x5be: {  	s0 =	rddreg [dreg:$0x0];
	s2 =	stileid.u32  }
0x5bf: {  	s1 =	rddreg [dreg:$0x1];
	p0 =	sne.s32 s2, $0x0  }
0x5c0: {  	s3 =	rddreg [dreg:$0x2];
	[bflag:$0x3] =	sbarrier.arrive $0xFFFF;
	s2 =	simm.s32 @!p0 $0x1C05  }
0x5c1: {  	[timem:s3], [sflag:s2] =	dma.local @!p0 [hbm:s0], s1  }
0x5c2: {  	s0 =	simm.s32 @!p0 $0x5  }
0x5c3: {  	_ =	swait.ge @!p0 [sflag:s0], s1  }
0x5c4: {  	s1 =	ssub.s32 @!p0 $0x0, s1;
	[sflag:s0] =	ssyncset.done @!p0 $0x0  }
0x5c5: {  	[sflag:s0] =	ssyncadd.s32 @!p0 s1  }
0x5c6: {  	[bflag:$0x3] =	sbarrier.arrive $0xFFFF  }
0x5c7: {  	_ =	shalt  }

// kernel: sparse-core-data-format-call.cloned.1.call-start
scs
called_computation_lowered:
.L_overlay_start_0:
0x0: {  	s2 =	sld [smem:$0x3FD9]  }
0x1: {  	s3 =	sld [smem:$0x3FFE];
	_ =	sdelay $0x1  }
0x2: {  	s1 =	srdreg.scid  }
0x3: {  	s0 =	sand.u32 $0x1, s1  }
0x4: {  	s18 =	sshll.u32 s0, $0xA;
	s2 =	sadd.s32 s3, s2  }
0x5: {  	s2 =	sadd.s32 s2, s18  }
0x6: {  	[smem:$0x3FC6] =	sst s2  }
0x7: {  	_ = 	snop  }
0x8: {  	s2 =	sld [smem:$0x3FD0];
	(tm) =	ssettm $0x1  }
0x9: {  	s19 =	sld [smem:$0x3FFB];
	_ =	sdelay $0x3  }
0xa: {  	_ =	strace s19  }
0xb: {  	s3 =	sld [smem:$0x3FFC];
	_ =	sdelay $0x3  }
0xc: {  	_ =	strace s3  }
0xd: {  	s3 =	sld [smem:$0x3FFD];
	_ =	sdelay $0x3  }
0xe: {  	_ =	strace s3  }
0xf: {  	_ =	strace $0x8FFFFFFF  }
0x10: {  	s20 =	sld [smem:$0x3FDB];
	_ =	sdelay $0x1  }
0x11: {  	s4 =	simm.s32 $_scs_section_size  }
0x12: {  	s5 =	simm.s32 $_size__tile_overlayer_lowered;
	s6 =	simm.s32 $_tile_overlayer_lowered  }
0x13: {  	s23 =	simm.s32 $0x1BFF;
	s22 =	sshll.u32 s6, $0x1;
	s3 =	sadd.s32 s4, s20  }
0x14: {  	s7 =	simm.s32 $0x0;
	s21 =	sshll.u32 s5, $0x1;
	s5 =	sadd.s32 s22, s3  }
0x15: {  	[timem:s7], [sflag:s23] =	dma.local [hbm:s5], s21  }
0x16: {  	_ =	swait.ge [sflag:s23], s21  }
0x17: {  	s4 =	ssub.s32 $0x0, s21;
	[sflag:s23] =	ssyncset.done $0x0  }
0x18: {  	[sflag:s23] =	ssyncadd.s32 s4;
	_ =	sdelay $0x1  }
0x19: {  	s24 =	simm.s32 $0x1B8B  }
0x1a: {  	_ =	swait.ge [sflag:s24], $0x1  }
0x1b: {  	[sflag:s24] =	ssyncset.done $0x0  }
0x1c: {  	s26 =	simm.s32 $0x1B8E;
	s25 =	sld [smem:$0x3FFE];
	[sflag:s24] =	ssyncadd.s32 $0xFFFFFFFF  }
0x1d: {  	s27 =	simm.s32 $execute0_lowered;
	[smem:$0x3FD2] =	sst s26  }
0x1e: {  	s5 =	sshll.u32 s27, $0x1;
	_ =	strace $0x80000049;
	[dreg:$0x1] =	wrdreg $0xFFFFFFFF  }
0x1f: {  	s28 =	simm.s32 $_size_execute0_lowered;
	s3 =	sadd.s32 s3, s5;
	[dreg:$0x0] =	wrdreg $0x0  }
0x20: {  	s5 =	sshll.u32 s28, $0x1;
	[dreg:$0x2] =	wrdreg s3  }
0x21: {  	[dreg:$0x3] =	wrdreg s5  }
0x22: {  	[dreg:$0x4] =	wrdreg $0xC0  }
0x23: {  	_ =	task [dreg:s7], $0x5FFFF  }
0x24: {  	[dreg:$0x1] =	wrdreg $0xFFFFFFFF  }
0x25: {  	[dreg:$0x0] =	wrdreg $0x60  }
0x26: {  	[dreg:$0x2] =	wrdreg s25  }
0x27: {  	[dreg:$0x3] =	wrdreg s2  }
0x28: {  	[dreg:$0x4] =	wrdreg $0x9  }
0x29: {  	_ =	task.clear_ibuf [dreg:s7], $0x5FFFF;
	_ =	strace $0x90000049  }
0x2a: {  	s29 =	simm.s32 $0x9;
	_ =	strace $0x8000004B  }
0x2b: {  	_ =	swait.ge [sflag:s29], $0x1  }
0x2c: {  	[sflag:s29] =	ssyncadd.s32 $0xFFFFFFFF  }
0x2d: {  	_ =	strace $0x9000004B  }
0x2e: {  	_ =	sfence  }
0x2f: {  	s30 =	sld [smem:$0x0];
	_ =	sdelay $0x2  }
0x30: {  	s31 =	sshll.u32 s1, $0xD;
	s1 =	sshrl.u32 s1, $0x2  }
0x31: {  	s3 =	sand.u32 $0x4000, s31;
	s1 =	sadd.s32 s1, s30  }
0x32: {  	s0 =	sor.u32 s3, s0;
	s1 =	sshll.u32 s1, $0x11  }
0x33: {  	s0 =	sor.u32 s1, s0  }
0x34: {  	s0 =	sadd.s32 $0x8F2B, s0  }
0x35: {  	[sflag:s0] =	ssyncadd.remote.s32 $0x1  }
0x36: {  	_ =	sfence.sel $0xFFFF  }
0x37: {  	[dreg:$0x0] =	wrdreg $0xFFFFFFFF;
	(pc) =	sbr.abs _section_cstart, $3  }
0x38: {  	[dreg:$0x1] =	wrdreg $0xFFFFFFFF  }
0x39: {  	_ =	task.clear_ibuf [dreg:s7], $0x2FFFF;
	_ =	strace $0x9FFFFFFF  }
0x3a: {  	(tm) =	ssettm $0x7FFFFFFF  }
0x3b: {  	_ =	shalt  }
tec
execute0_lowered:
.L_overlay_start_1:
0x0: {  	(tag) =	ssettag $0x1  }
0x1: {  	s0 =	srdreg.scid  }
0x2: {  	s1 =	sshll.u32 s0, $0x4  }
0x3: {  	s0 =	stileid.u32;
	s1 =	sand.u32 $0x10, s1  }
0x4: {  	s7 =	rddreg [dreg:$0x0];
	s1 =	sor.u32 s0, s1  }
0x5: {  	s4 =	simm.s32 $0x1;
	s8 =	simm.s32 $0x2;
	s2 =	sshll.u32 s1, $0x7  }
0x6: {  	s13 =	simm.s32 $0x0;
	s9 =	simm.s32 $0x20000;
	s1 =	ssub.s32 $0x4000, s2  }
0x7: {  	s14 =	simm.s32 $0x0;
	s11 =	simm.s32 $0x0;
	s3 =	sand.u32 $0xF80, s1  }
0x8: {  	s12 =	simm.s32 $0x0;
	s5 =	sshrl.u32 s1, $0xC;
	p0 =	sne.s32 s3, $0x0  }
.Ltmp0:
0x9: {  	s1 =	rddreg [dreg:$0x2];
	s4 =	simm.s32 @!p0 $0x0;
	(pc) =	sbr.rel .LBB1_1-.Ltmp0, $4  }
0xa: {  	s6 =	sadd.s32 $0xA00, s7;
	s3 =	rddreg [dreg:$0x1];
	s5 =	sadd.s32 s4, s5  }
0xb: {  	_ =	strace $0x8000004A;
	s4 =	simm.s32 $0x1;
	s5 =	smul.u32 $0x19, s5  }
0xc: {  	s7 =	sadd.s32 $0x40A00, s7;
	s10 =	smov.u32 s2;
	[sflag:s4] =	ssyncpa.u1 $0x0  }
0xd: {  	p0 =	por $0x0, $0x0;
	[sflag:s8] =	ssyncpa.u1 $0x0;
	s8 =	sadd.s32 $0x1, s5  }
.LBB1_7:
0xe: {  	s15 =	sadd.s32 $0x1000, s10  }
0xf: {  	s13 =	sadd.s32 $0x2, s11;
	s17 =	smov.u32 s11;
	p2 =	sgt.s32 s15, $0x3FFF  }
0x10: {  	s17 =	smov.u32 @p2 s13  }
0x11: {  	s15 =	smov.u32 @p2 s2;
	p2 =	sgt.s32 s17, $0x31  }
0x12: {  	s17 =	simm.s32 @p2 $0x0;
	p2 =	sne.s32 s12, s8  }
.Ltmp1:
0x13: {  	p1 =	slt.u32 s12, $0x2;
	(pc) =	sbr.rel @!p2 .LBB1_8-.Ltmp1, $4  }
0x14: {  	s16 =	simm.s32 @!p1 $0x2  }
0x15: {  	s14 =	smov.u32 s11;
	p0 =	por !p0, !p0;
	_ =	swait.ge @!p1 [sflag:s16], $0x2000  }
0x16: {  	s13 =	smov.u32 s10;
	[sflag:s16] =	ssyncset.done @!p1 $0x0;
	s10 =	smov.u32 s15  }
0x17: {  	s12 =	sadd.s32 $0x1, s12;
	[sflag:s16] =	ssyncadd.s32 @!p1 $0xFFFFE000;
	s11 =	smov.u32 s17  }
.LBB1_1:
0x18: {  	p1 =	sge.u32 s12, s5  }
0x19: {  	s15 =	sxor.u32 @!p1 $0xFFFFFFFF, s12;
	s16 =	sshll.u32 @!p1 s11, $0x12  }
0x1a: {  	s17 =	sshll.u32 @!p1 s10, $0x4;
	s19 =	simm.s32 @!p1 $0x20;
	s20 =	simm.s32 @!p1 $0x80  }
0x1b: {  	s15 =	sshll.u32 @!p1 s15, $0xD;
	s17 =	sand.u32 @!p1 $0x3FFF0, s17;
	s18 =	sadd.s32 @!p1 s6, s16  }
0x1c: {  	s16 =	sadd.s32 @!p1 s16, s7;
	s15 =	sand.u32 @!p1 $0x2000, s15;
	s18 =	sadd.s32 @!p1 s17, s18  }
0x1d: {  	[tilespmem:s15], [sflag:$0x1] =	stream.strided.gather @!p1 [hbm4b:s18+s19], $0x1000, s20, s19, $0x38;
	[tilespmem:$0x8080] =	vst v63  }
0x1e: {  	s31 =	sadd.s32 $0xFFFFFFFF, s12;
	s16 =	sadd.s32 @!p1 s17, s16;
	s15 =	sor.u32 @!p1 $0x1000, s15  }
0x1f: {  	[tilespmem:s15], [sflag:$0x1] =	stream.strided.gather @!p1 [hbm4b:s16+s19], $0x1000, s20, s19, $0x38;
	[tilespmem:$0x8080] =	vst v63  }
0x20: {  	p1 =	sge.u32 s31, s5  }
.Ltmp2:
0x21: {  	_ = 	snop;
	(pc) =	sbr.rel @p1 .LBB1_7-.Ltmp2, $1  }
0x22: {  	_ =	sdelay $0x3  }
0x23: {  	s15 =	simm.s32 $0x1;
	s17 =	sand.u32 $0x1, s12  }
0x24: {  	_ =	swait.ge [sflag:s4], $0x2000;
	s15 =	simm.s32 @!p0 $0x0;
	s17 =	smul.u32 $0x8100, s17  }
0x25: {  	p2 =	por $0x1, $0x1;
	[sflag:s4] =	ssyncset.done $0x0;
	s16 =	smul.u32 $0x8100, s15  }
0x26: {  	s18 =	sshll.u32 s15, $0xF;
	[sflag:s4] =	ssyncadd.s32 $0xFFFFE000;
	s30 =	sshrl.u32 s17, $0x2  }
0x27: {  	s31 =	sshrl.u32 s18, $0x2;
	s18 =	simm.s32 $0x0;
	s16 =	sshrl.u32 s16, $0x2  }
0x28: {  	s15 =	sor.u32 $0x4000, s30;
	s17 =	sadd.s32 $0x10, s31;
	s16 =	sor.u32 $0x4000, s16  }
.LBB1_3:
0x29: {  	s19 =	sshll.u32 s18, $0xC  }
0x2a: {  	s19 =	sand.u32 $0x3FFFF000, s19  }
0x2b: {  	s20 =	sadd.s32 s19, s17  }
0x2c: {  	s31 =	smul.u32 $0x4080, s18;
	v1 =	vld [tilespmem:s20+$0x0]  }
0x2d: {  	v0 =	vld [tilespmem:s20+$0xFFFFFFF0]  }
0x2e: {  	s18 =	sshra.s32 s31, $0x2  }
0x2f: {  	s18 =	sadd.s32 s18, s16  }
0x30: {  	s21 =	sadd.s32 $0x0, s18  }
0x31: {  	p1 =	por p2, p2;
	s19 =	simm.s32 $0x4;
	s20 =	sadd.s32 $0x20, s20;
	[tilespmem:s21+$0x810 ss:$0x81] =	vst.msk $0xffff, v1  }
.LBB1_4:
0x32: {  	v1 =	vld [tilespmem:s20+$0x0];
	p2 =	sne.s32 s19, $0x1FC;
	[tilespmem:s21+$0x0 ss:$0x81] =	vst.msk $0xffff, v0;
	s21 =	smov.u32 s19;
	s19 =	sadd.s32 $0x4, s19  }
.Ltmp3:
0x33: {  	v0 =	vld [tilespmem:s20+$0xFFFFFFF0];
	(pc) =	sbr.rel @p2 .LBB1_4-.Ltmp3, $4  }
0x34: {  	_ = 	snop  }
0x35: {  	s21 =	sshra.s32 s21, $0x2  }
0x36: {  	s21 =	sadd.s32 s21, s18  }
0x37: {  	s20 =	sadd.s32 $0x20, s20;
	[tilespmem:s21+$0x810 ss:$0x81] =	vst.msk $0xffff, v1  }
.Ltmp4:
0x38: {  	(pc) =	sbr.rel @p1 .LBB1_3-.Ltmp4, $2  }
0x39: {  	_ =	sdelay $0x2  }
0x3a: {  	[tilespmem:s21+$0x0 ss:$0x81] =	vst.msk $0xffff, v0;
	s18 =	simm.s32 $0x1;
	p2 =	por $0x0, $0x0  }
0x3b: {  	s16 =	sshll.u32 s13, $0x3;
	s17 =	sand.u32 $0x78, s13;
	s14 =	sshll.u32 s14, $0x10  }
.Ltmp5:
0x3c: {  	s30 =	sand.u32 $0xF800, s13;
	s16 =	sand.u32 $0x3C00, s16;
	(pc) =	sbr.rel .LBB1_7-.Ltmp5, $4  }
0x3d: {  	s31 =	sand.u32 $0x7, s13;
	s14 =	sadd.s32 s3, s14;
	s16 =	sor.u32 s17, s16  }
0x3e: {  	s13 =	sshll.u32 s31, $0x12;
	s14 =	sadd.s32 s30, s14;
	s16 =	sshrl.u32 s16, $0x3  }
0x3f: {  	s13 =	sor.u32 $0x400, s13;
	s14 =	sadd.s32 s16, s14  }
0x40: {  	[hbm4b:s14+s13] =	stream.strided.scatter [tilespmem:s15], [sflag:$0x2], $0x2000, s9, s13, $0x20;
	[tilespmem:$0x8080] =	vst v63  }
.LBB1_8:
0x41: {  	_ =	sfence.sel $0x180000  }
0x42: {  	s2 =	simm.s32 $0x1;
	[bflag:$0x0] =	sbarrier.arrive $0xFFFF  }
0x43: {  	s31 =	simm.s32 $0x2;
	[sflag:s2] =	ssyncpa.u1 $0x1  }
0x44: {  	[sflag:s31] =	ssyncpa.u1 $0x1  }
0x45: {  	p0 =	sne.s32 s0, $0x0;
	_ =	strace $0x9000004A  }
0x46: {  	s0 =	sadd.s32 @!p0 $0x100000, s1;
	[bflag:$0x2] =	sbarrier.arrive $0xFFFF  }
0x47: {  	[sflag:s0] =	ssyncadd.tile.s32 @!p0 $0x1;
	_ =	shalt  }
.Lfunc_end1:
_tile_overlayer_lowered:
.L_overlay_start_2:
0x48: {  	(tag) =	ssettag $0x2  }
0x49: {  	s0 =	rddreg [dreg:$0x0];
	s2 =	stileid.u32  }
0x4a: {  	s1 =	rddreg [dreg:$0x1];
	p0 =	sne.s32 s2, $0x0  }
0x4b: {  	s3 =	rddreg [dreg:$0x2];
	[bflag:$0x3] =	sbarrier.arrive $0xFFFF;
	s2 =	simm.s32 @!p0 $0x1C01  }
0x4c: {  	[timem:s3], [sflag:s2] =	dma.local @!p0 [hbm:s0], s1  }
0x4d: {  	s0 =	simm.s32 @!p0 $0x1  }
0x4e: {  	_ =	swait.ge @!p0 [sflag:s0], s1  }
0x4f: {  	s1 =	ssub.s32 @!p0 $0x0, s1;
	[sflag:s0] =	ssyncset.done @!p0 $0x0  }
0x50: {  	[sflag:s0] =	ssyncadd.s32 @!p0 s1  }
0x51: {  	[bflag:$0x3] =	sbarrier.arrive $0xFFFF  }
0x52: {  	_ =	shalt  }

</sc_bundles>
